<compile_context>
chip_gen: v7x
topology: tpu7x:2x2x1
jax: 0.10.2.dev20260603
libtpu: 0.0.44.dev20260713+nightly
codegen_flags: <defaults>
</compile_context>

<pallas_src>
import functools

import jax
import jax.numpy as jnp
from jax import lax
from jax.experimental import pallas as pl
from jax.experimental.pallas import tpu as pltpu
from jax.experimental.pallas import tpu_sc as plsc

N = 10000
E = 320000
D = 128
HD = D // 2
G = 64

NC = 2
NS = 16
NW = NC * NS

CHR = 200
ROWS = E // CHR
RPT = N // NS

DEG_CPT = ROWS // NW
DEG_NB = 5
DEG_NGRP = DEG_CPT // DEG_NB

EDG_CPT = ROWS // NS
EDG_NPH = 2
EDG_PCH = EDG_CPT // EDG_NPH
EDG_NB = 5
EDG_NGRP = EDG_PCH // EDG_NB
CO_K = 5
CO_R = RPT // CO_K

BN = 1000
NBLK = N // BN

_mesh = plsc.VectorSubcoreMesh(core_axis_name="c", subcore_axis_name="s")
_sc_params = pltpu.CompilerParams(use_tc_tiling_on_sc=False)



@functools.partial(
    pl.kernel,
    out_type=jax.ShapeDtypeStruct((NC, N, 16), jnp.float32),
    mesh=_mesh,
    scratch_types=[
        pltpu.VMEM((DEG_CPT, CHR), jnp.int32),
        pltpu.VMEM((CHR, 16), jnp.float32),
        pltpu.VMEM_SHARED((N, 16), jnp.float32),
        pltpu.SemaphoreType.DMA,
        pltpu.SemaphoreType.DMA,
        pltpu.SemaphoreType.DMA,
        pltpu.SemaphoreType.DMA,
        pltpu.SemaphoreType.DMA,
    ],
    compiler_params=_sc_params,
)
def _sc_degree(dst_hbm, ones_hbm, zeros_hbm, out_hbm,
               idxd_v, ones_v, acc_sh, s0, s1, s2, s3, s4):
    ssem = (s0, s1, s2, s3, s4)
    cid = lax.axis_index("c")
    sid = lax.axis_index("s")
    wid = sid * NC + cid
    rbase = sid * RPT
    pltpu.sync_copy(zeros_hbm.at[pl.ds(rbase, RPT)],
                    acc_sh.at[pl.ds(rbase, RPT)])
    pltpu.sync_copy(ones_hbm, ones_v)
    pltpu.sync_copy(dst_hbm.at[pl.ds(wid * DEG_CPT, DEG_CPT)], idxd_v)
    plsc.subcore_barrier()

    def scat(c, b):
        pltpu.async_copy(ones_v, acc_sh.at[idxd_v.at[c]], ssem[b], add=True)

    def swait(c, b):
        pltpu.make_async_copy(ones_v, acc_sh.at[idxd_v.at[c]], ssem[b]).wait()

    def group(j0, carry):
        j = j0 * DEG_NB
        for b in range(DEG_NB):
            scat(j + b, b)
        for b in range(DEG_NB):
            swait(j + b, b)
        return carry

    lax.fori_loop(0, DEG_NGRP, group, 0)

    plsc.subcore_barrier()
    pltpu.sync_copy(acc_sh.at[pl.ds(rbase, RPT)],
                    out_hbm.at[cid, pl.ds(rbase, RPT)])


@functools.partial(
    pl.kernel,
    out_type=jax.ShapeDtypeStruct((2 * N, HD), jnp.float32),
    mesh=_mesh,
    scratch_types=[
        pltpu.VMEM((EDG_PCH, CHR), jnp.int32),
        pltpu.VMEM((EDG_PCH, CHR), jnp.int32),
        pltpu.VMEM((EDG_NB, CHR, HD), jnp.float32),
        pltpu.VMEM((CO_K, CO_R), jnp.int32),
        pltpu.VMEM_SHARED((N, HD), jnp.float32),
    ] + [pltpu.SemaphoreType.DMA] * (2 * EDG_NB),
    compiler_params=_sc_params,
)
def _sc_edge_sum(y2n_hbm, src2_hbm, dst_hbm, coidx_hbm, zeros_hbm, out_hbm,
                 idxs_v, idxd_v, rows_v, coidx_v, acc_sh,
                 *sems):
    gsem = sems[:EDG_NB]
    ssem = sems[EDG_NB:]
    cid = lax.axis_index("c")
    sid = lax.axis_index("s")
    rbase = sid * RPT
    pltpu.async_copy(zeros_hbm.at[pl.ds(rbase, RPT)],
                     acc_sh.at[pl.ds(rbase, RPT)], sems[EDG_NB])
    pltpu.sync_copy(coidx_hbm.at[cid, sid], coidx_v)
    cbase = sid * EDG_CPT

    def gath(c, b):
        pltpu.async_copy(y2n_hbm.at[idxs_v.at[c]], rows_v.at[b], gsem[b])

    def gwait(c, b):
        pltpu.make_async_copy(y2n_hbm.at[idxs_v.at[c]], rows_v.at[b],
                              gsem[b]).wait()

    def scat(c, b):
        pltpu.async_copy(rows_v.at[b], acc_sh.at[idxd_v.at[c]], ssem[b],
                         add=True)

    def swait(c, b):
        pltpu.make_async_copy(rows_v.at[b], acc_sh.at[idxd_v.at[c]],
                              ssem[b]).wait()

    for p in range(EDG_NPH):
        pbase = cbase + p * EDG_PCH
        pltpu.sync_copy(src2_hbm.at[cid, pl.ds(pbase, EDG_PCH)], idxs_v)
        pltpu.sync_copy(dst_hbm.at[pl.ds(pbase, EDG_PCH)], idxd_v)

        for b in range(EDG_NB):
            gath(b, b)

        if p == 0:
            pltpu.make_async_copy(zeros_hbm.at[pl.ds(rbase, RPT)],
                                  acc_sh.at[pl.ds(rbase, RPT)],
                                  sems[EDG_NB]).wait()
            plsc.subcore_barrier()

        def group(j0, carry):
            j = j0 * EDG_NB
            for b in range(EDG_NB):
                gwait(j + b, b)
                scat(j + b, b)
            for b in range(EDG_NB):
                swait(j + b, b)
                gath(j + EDG_NB + b, b)
            return carry

        lax.fori_loop(0, EDG_NGRP - 1, group, 0)
        j = (EDG_NGRP - 1) * EDG_NB
        for b in range(EDG_NB):
            gwait(j + b, b)
            scat(j + b, b)
        for b in range(EDG_NB):
            swait(j + b, b)

    plsc.subcore_barrier()
    for k in range(CO_K):
        pltpu.async_copy(acc_sh.at[pl.ds(rbase + k * CO_R, CO_R)],
                         rows_v.at[k].at[pl.ds(0, CO_R)], gsem[k])
    for k in range(CO_K):
        stage = rows_v.at[k].at[pl.ds(0, CO_R)]
        pltpu.make_async_copy(acc_sh.at[pl.ds(rbase + k * CO_R, CO_R)],
                              stage, gsem[k]).wait()
        pltpu.async_copy(stage, out_hbm.at[coidx_v.at[k]], ssem[k])
    for k in range(CO_K):
        pltpu.make_async_copy(rows_v.at[k].at[pl.ds(0, CO_R)],
                              out_hbm.at[coidx_v.at[k]], ssem[k]).wait()



def _dvec(degp_ref):
    deg = 1.0 + degp_ref[0, :, :1] + degp_ref[1, :, :1]
    return lax.rsqrt(deg)


def _tc1_body(degp_ref, x_ref, w1_ref, y1_ref):
    d = _dvec(degp_ref)
    xw = jnp.dot(x_ref[...], w1_ref[...],
                 preferred_element_type=jnp.float32,
                 precision=lax.Precision.HIGHEST)
    y1_ref[...] = xw * d


def _tc2_body(degp_ref, s_ref, y1_ref, w2_ref, b1_ref, y2_ref):
    d = _dvec(degp_ref)
    s = s_ref[...] + y1_ref[...]
    h = jnp.maximum(d * s + b1_ref[...], 0.0)
    hw = jnp.dot(h, w2_ref[...],
                 preferred_element_type=jnp.float32,
                 precision=lax.Precision.HIGHEST)
    y2_ref[...] = hw * d


def _tc3_body(degp_ref, s_ref, y2_ref, b2_ref, batch_ref, out_ref, acc, cnt):
    i = pl.program_id(0)

    @pl.when(i == 0)
    def _init():
        acc[...] = jnp.zeros_like(acc)
        cnt[...] = jnp.zeros_like(cnt)

    d = _dvec(degp_ref)
    o = d * (s_ref[...] + y2_ref[...]) + b2_ref[...]
    seg = batch_ref[0, 0, :]
    oh = (lax.broadcasted_iota(jnp.int32, (G, BN), 0)
          == seg[None, :]).astype(jnp.float32)
    acc[...] += jnp.dot(oh, o, preferred_element_type=jnp.float32,
                        precision=lax.Precision.HIGHEST)
    cnt[...] += jnp.sum(oh, axis=1, keepdims=True)

    @pl.when(i == NBLK - 1)
    def _fin():
        out_ref[...] = acc[...] / jnp.maximum(cnt[...], 1.0)


_row = lambda i: (i, 0)
_fix2 = lambda i: (0, 0)
_split3 = lambda i: (0, i, 0)

_tc1 = pl.pallas_call(
    _tc1_body,
    grid=(NBLK,),
    in_specs=[
        pl.BlockSpec((NC, BN, 16), _split3),
        pl.BlockSpec((BN, D), _row),
        pl.BlockSpec((D, D), _fix2),
    ],
    out_specs=pl.BlockSpec((BN, D), _row),
    out_shape=jax.ShapeDtypeStruct((N, D), jnp.float32),
)

_tc2 = pl.pallas_call(
    _tc2_body,
    grid=(NBLK,),
    in_specs=[
        pl.BlockSpec((NC, BN, 16), _split3),
        pl.BlockSpec((BN, D), _row),
        pl.BlockSpec((BN, D), _row),
        pl.BlockSpec((D, D), _fix2),
        pl.BlockSpec((1, D), _fix2),
    ],
    out_specs=pl.BlockSpec((BN, D), _row),
    out_shape=jax.ShapeDtypeStruct((N, D), jnp.float32),
)

_tc3 = pl.pallas_call(
    _tc3_body,
    grid=(NBLK,),
    in_specs=[
        pl.BlockSpec((NC, BN, 16), _split3),
        pl.BlockSpec((BN, D), _row),
        pl.BlockSpec((BN, D), _row),
        pl.BlockSpec((1, D), _fix2),
        pl.BlockSpec((1, 1, BN), lambda i: (i, 0, 0)),
    ],
    out_specs=pl.BlockSpec((G, D), _fix2),
    out_shape=jax.ShapeDtypeStruct((G, D), jnp.float32),
    scratch_shapes=[
        pltpu.VMEM((G, D), jnp.float32),
        pltpu.VMEM((G, 1), jnp.float32),
    ],
)


def kernel(x, edge_index, batch, W1, b1, W2, b2):
    x = x.astype(jnp.float32)
    src2d = edge_index[0].reshape(ROWS, CHR)
    dst2d = edge_index[1].reshape(ROWS, CHR)
    src2 = jnp.stack([src2d * 2, src2d * 2 + 1])
    co = 2 * jnp.arange(N, dtype=jnp.int32).reshape(NS, CO_K, CO_R)
    coidx = jnp.stack([co, co + 1])
    ones16 = jnp.ones((CHR, 16), jnp.float32)
    zeros16 = jnp.zeros((N, 16), jnp.float32)
    zerosH = jnp.zeros((N, HD), jnp.float32)
    b1r = b1.reshape(1, D)
    b2r = b2.reshape(1, D)
    batch3 = batch.reshape(NBLK, 1, BN)

    degp = _sc_degree(dst2d, ones16, zeros16)
    y1 = _tc1(degp, x, W1)
    s1 = _sc_edge_sum(y1.reshape(2 * N, HD), src2, dst2d, coidx,
                      zerosH).reshape(N, D)
    y2 = _tc2(degp, s1, y1, W2, b1r)
    s2 = _sc_edge_sum(y2.reshape(2 * N, HD), src2, dst2d, coidx,
                      zerosH).reshape(N, D)
    out = _tc3(degp, s2, y2, b2r, batch3)
    return out

# --- scband reference (transcript-rebuilt; emitter-appended) ---
"""Pipeline reference for scband-gcn-22093311771169 (READ-ONLY COPY).

The authoritative reference and input builder live on the scoring server;
editing this copy changes nothing except your own understanding.
"""

import jax, jax.numpy as jnp
import numpy as np

N = 10000
E = 320000
D_IN = 128
D_HID = 128
D_OUT = 128
G = 64


def setup_inputs(seed: int = 0) -> dict:
    key = jax.random.key(seed)
    ks = jax.random.split(key, 8)
    x = jax.random.normal(ks[0], (N, D_IN), dtype=jnp.float32)
    edge_index = jax.random.randint(ks[1], (2, E), 0, N, dtype=jnp.int32)
    batch = jnp.sort(jax.random.randint(ks[2], (N,), 0, G, dtype=jnp.int32))
    W1 = jax.random.normal(ks[3], (D_IN, D_HID), dtype=jnp.float32) / np.sqrt(D_IN)
    b1 = jnp.zeros((D_HID,), dtype=jnp.float32)
    W2 = jax.random.normal(ks[4], (D_HID, D_OUT), dtype=jnp.float32) / np.sqrt(D_HID)
    b2 = jnp.zeros((D_OUT,), dtype=jnp.float32)
    return {"x": x, "edge_index": edge_index, "batch": batch, "W1": W1, "b1": b1, "W2": W2, "b2": b2}


def gcn_conv(x, edge_index, W, b):
    # Faithful PyG GCNConv: x' = D^{-1/2} (A + I) D^{-1/2} X W + b
    n = x.shape[0]
    xw = x @ W
    loop = jnp.arange(n, dtype=edge_index.dtype)
    src = jnp.concatenate([edge_index[0], loop])
    dst = jnp.concatenate([edge_index[1], loop])
    deg = jnp.zeros((n,), dtype=xw.dtype).at[dst].add(1.0)
    deg_inv_sqrt = jnp.where(deg > 0, jax.lax.rsqrt(jnp.maximum(deg, 1e-12)), 0.0)
    norm = deg_inv_sqrt[src] * deg_inv_sqrt[dst]
    msg = xw[src] * norm[:, None]
    out = jnp.zeros_like(xw).at[dst].add(msg)
    return out + b


def global_mean_pool(x, batch, num_segments):
    s = jax.ops.segment_sum(x, batch, num_segments=num_segments)
    cnt = jax.ops.segment_sum(jnp.ones((x.shape[0],), dtype=x.dtype), batch, num_segments=num_segments)
    return s / jnp.maximum(cnt, 1.0)[:, None]


def reference(x, edge_index, batch, W1, b1, W2, b2):
    x = x.astype(jnp.float32)
    h = gcn_conv(x, edge_index, W1, b1)
    h = jax.nn.relu(h)
    h = gcn_conv(h, edge_index, W2, b2)
    out = global_mean_pool(h, batch, G)
    return out

if __name__ == "__main__":
    import jax
    _d = setup_inputs()
    print(jax.jit(kernel)(*tuple(_d.values())))

</pallas_src>

<mosaic_0001>
#map = affine_map<(d0, d1) -> (0, 0)>
#map1 = affine_map<(d0, d1) -> (0, 0, 0)>
#map2 = affine_map<(d0, d1) -> (0, 0, 0, 0)>
module attributes {stable_mosaic.version = 14 : i64} {
  func.func @_sc_edge_sum(%arg0: i32, %arg1: i32, %arg2: memref<20000x64xf32, #tpu.memory_space<hbm>>, %arg3: memref<2x1600x200xi32, #tpu.memory_space<hbm>>, %arg4: memref<1600x200xi32, #tpu.memory_space<hbm>>, %arg5: memref<2x16x5x125xi32, #tpu.memory_space<hbm>>, %arg6: memref<10000x64xf32, #tpu.memory_space<hbm>>, %arg7: memref<20000x64xf32, #tpu.memory_space<hbm>>, %arg8: memref<50x200xi32, #tpu.memory_space<vmem>>, %arg9: memref<50x200xi32, #tpu.memory_space<vmem>>, %arg10: memref<5x200x64xf32, #tpu.memory_space<vmem>>, %arg11: memref<5x125xi32, #tpu.memory_space<vmem>>, %arg12: memref<10000x64xf32, #tpu.memory_space<vmem_shared>>, %arg13: memref<!tpu.dma_semaphore, #tpu.memory_space<semaphore_mem>>, %arg14: memref<!tpu.dma_semaphore, #tpu.memory_space<semaphore_mem>>, %arg15: memref<!tpu.dma_semaphore, #tpu.memory_space<semaphore_mem>>, %arg16: memref<!tpu.dma_semaphore, #tpu.memory_space<semaphore_mem>>, %arg17: memref<!tpu.dma_semaphore, #tpu.memory_space<semaphore_mem>>, %arg18: memref<!tpu.dma_semaphore, #tpu.memory_space<semaphore_mem>>, %arg19: memref<!tpu.dma_semaphore, #tpu.memory_space<semaphore_mem>>, %arg20: memref<!tpu.dma_semaphore, #tpu.memory_space<semaphore_mem>>, %arg21: memref<!tpu.dma_semaphore, #tpu.memory_space<semaphore_mem>>, %arg22: memref<!tpu.dma_semaphore, #tpu.memory_space<semaphore_mem>>) attributes {dimension_semantics = [#tpu.dimension_semantics<core_parallel>, #tpu.dimension_semantics<subcore_parallel>], iteration_bounds = array<i64: 2, 16>, scalar_prefetch = 0 : i64, scratch_operands = 15 : i64, tpu.core_type = #tpu.core_type<sc_vector_subcore>, window_params = [{transform_indices = #map}, {transform_indices = #map1}, {transform_indices = #map}, {transform_indices = #map2}, {transform_indices = #map}, {transform_indices = #map}]} {
    %mul3A = arith.constant 625 : i32
    %mul3A_0 = arith.muli %arg1, %mul3A : i32
    %dma_start3A = arith.constant 0 : i32
    %dma_start3A_1 = tpu.memref_slice %arg12[%mul3A_0, %dma_start3A] : memref<10000x64xf32, #tpu.memory_space<vmem_shared>> -> memref<625x64xf32, #tpu.memory_space<vmem_shared>>
    %dma_start3A_2 = arith.constant 0 : i32
    %dma_start3A_3 = tpu.memref_slice %arg6[%mul3A_0, %dma_start3A_2] : memref<10000x64xf32, #tpu.memory_space<hbm>> -> memref<625x64xf32, #tpu.memory_space<hbm>>
    tpu.enqueue_dma source(%dma_start3A_3 : memref<625x64xf32, #tpu.memory_space<hbm>>) target(%dma_start3A_1 : memref<625x64xf32, #tpu.memory_space<vmem_shared>>) target_semaphore(%arg18 : memref<!tpu.dma_semaphore, #tpu.memory_space<semaphore_mem>>)
    "tpu.region"() ({
      %run_scoped3A = tpu.sem_alloc : memref<!tpu.dma_semaphore, #tpu.memory_space<semaphore_mem>>
      %dma_start3A_864 = arith.constant 0 : i32
      %dma_start3A_865 = arith.constant 0 : i32
      %dma_start3A_866 = tpu.memref_slice %arg5[%arg0, %arg1, %dma_start3A_864, %dma_start3A_865] : memref<2x16x5x125xi32, #tpu.memory_space<hbm>> -> memref<1x1x5x125xi32, #tpu.memory_space<hbm>>
      %dma_start3A_867 = tpu.memref_squeeze %dma_start3A_866 : memref<1x1x5x125xi32, #tpu.memory_space<hbm>> -> memref<5x125xi32, #tpu.memory_space<hbm>>
      %dma_start3A_868 = arith.constant 0 : i32
      %dma_start3A_869 = arith.constant 0 : i32
      %dma_start3A_870 = tpu.memref_slice %arg5[%arg0, %arg1, %dma_start3A_868, %dma_start3A_869] : memref<2x16x5x125xi32, #tpu.memory_space<hbm>> -> memref<1x1x5x125xi32, #tpu.memory_space<hbm>>
      %dma_start3A_871 = tpu.memref_squeeze %dma_start3A_870 : memref<1x1x5x125xi32, #tpu.memory_space<hbm>> -> memref<5x125xi32, #tpu.memory_space<hbm>>
      tpu.enqueue_dma source(%dma_start3A_871 : memref<5x125xi32, #tpu.memory_space<hbm>>) target(%arg11 : memref<5x125xi32, #tpu.memory_space<vmem>>) target_semaphore(%run_scoped3A : memref<!tpu.dma_semaphore, #tpu.memory_space<semaphore_mem>>)
      %dma_wait3A_872 = arith.constant 0 : i32
      %dma_wait3A_873 = arith.constant 0 : i32
      %dma_wait3A_874 = tpu.memref_slice %arg5[%arg0, %arg1, %dma_wait3A_872, %dma_wait3A_873] : memref<2x16x5x125xi32, #tpu.memory_space<hbm>> -> memref<1x1x5x125xi32, #tpu.memory_space<hbm>>
      %dma_wait3A_875 = tpu.memref_squeeze %dma_wait3A_874 : memref<1x1x5x125xi32, #tpu.memory_space<hbm>> -> memref<5x125xi32, #tpu.memory_space<hbm>>
      %dma_wait3A_876 = arith.constant 0 : i32
      %dma_wait3A_877 = arith.constant 0 : i32
      %dma_wait3A_878 = tpu.memref_slice %arg5[%arg0, %arg1, %dma_wait3A_876, %dma_wait3A_877] : memref<2x16x5x125xi32, #tpu.memory_space<hbm>> -> memref<1x1x5x125xi32, #tpu.memory_space<hbm>>
      %dma_wait3A_879 = tpu.memref_squeeze %dma_wait3A_878 : memref<1x1x5x125xi32, #tpu.memory_space<hbm>> -> memref<5x125xi32, #tpu.memory_space<hbm>>
      tpu.wait_dma2 semaphore(%run_scoped3A : memref<!tpu.dma_semaphore, #tpu.memory_space<semaphore_mem>>) src(%dma_wait3A_879 : memref<5x125xi32, #tpu.memory_space<hbm>>) dst(%arg11 : memref<5x125xi32, #tpu.memory_space<vmem>>)
      tpu.yield
    }) : () -> ()
    %mul3A_4 = arith.constant 100 : i32
    %mul3A_5 = arith.muli %arg1, %mul3A_4 : i32
    %add3A = arith.constant 0 : i32
    %add3A_6 = arith.addi %mul3A_5, %add3A : i32
    "tpu.region"() ({
      %run_scoped3A = tpu.sem_alloc : memref<!tpu.dma_semaphore, #tpu.memory_space<semaphore_mem>>
      %dma_start3A_864 = arith.constant 0 : i32
      %dma_start3A_865 = tpu.memref_slice %arg3[%arg0, %add3A_6, %dma_start3A_864] : memref<2x1600x200xi32, #tpu.memory_space<hbm>> -> memref<1x50x200xi32, #tpu.memory_space<hbm>>
      %dma_start3A_866 = tpu.memref_squeeze %dma_start3A_865 : memref<1x50x200xi32, #tpu.memory_space<hbm>> -> memref<50x200xi32, #tpu.memory_space<hbm>>
      %dma_start3A_867 = arith.constant 0 : i32
      %dma_start3A_868 = tpu.memref_slice %arg3[%arg0, %add3A_6, %dma_start3A_867] : memref<2x1600x200xi32, #tpu.memory_space<hbm>> -> memref<1x50x200xi32, #tpu.memory_space<hbm>>
      %dma_start3A_869 = tpu.memref_squeeze %dma_start3A_868 : memref<1x50x200xi32, #tpu.memory_space<hbm>> -> memref<50x200xi32, #tpu.memory_space<hbm>>
      tpu.enqueue_dma source(%dma_start3A_869 : memref<50x200xi32, #tpu.memory_space<hbm>>) target(%arg8 : memref<50x200xi32, #tpu.memory_space<vmem>>) target_semaphore(%run_scoped3A : memref<!tpu.dma_semaphore, #tpu.memory_space<semaphore_mem>>)
      %dma_wait3A_870 = arith.constant 0 : i32
      %dma_wait3A_871 = tpu.memref_slice %arg3[%arg0, %add3A_6, %dma_wait3A_870] : memref<2x1600x200xi32, #tpu.memory_space<hbm>> -> memref<1x50x200xi32, #tpu.memory_space<hbm>>
      %dma_wait3A_872 = tpu.memref_squeeze %dma_wait3A_871 : memref<1x50x200xi32, #tpu.memory_space<hbm>> -> memref<50x200xi32, #tpu.memory_space<hbm>>
      %dma_wait3A_873 = arith.constant 0 : i32
      %dma_wait3A_874 = tpu.memref_slice %arg3[%arg0, %add3A_6, %dma_wait3A_873] : memref<2x1600x200xi32, #tpu.memory_space<hbm>> -> memref<1x50x200xi32, #tpu.memory_space<hbm>>
      %dma_wait3A_875 = tpu.memref_squeeze %dma_wait3A_874 : memref<1x50x200xi32, #tpu.memory_space<hbm>> -> memref<50x200xi32, #tpu.memory_space<hbm>>
      tpu.wait_dma2 semaphore(%run_scoped3A : memref<!tpu.dma_semaphore, #tpu.memory_space<semaphore_mem>>) src(%dma_wait3A_875 : memref<50x200xi32, #tpu.memory_space<hbm>>) dst(%arg8 : memref<50x200xi32, #tpu.memory_space<vmem>>)
      tpu.yield
    }) : () -> ()
    "tpu.region"() ({
      %run_scoped3A = tpu.sem_alloc : memref<!tpu.dma_semaphore, #tpu.memory_space<semaphore_mem>>
      %dma_start3A_864 = arith.constant 0 : i32
      %dma_start3A_865 = tpu.memref_slice %arg4[%add3A_6, %dma_start3A_864] : memref<1600x200xi32, #tpu.memory_space<hbm>> -> memref<50x200xi32, #tpu.memory_space<hbm>>
      %dma_start3A_866 = arith.constant 0 : i32
      %dma_start3A_867 = tpu.memref_slice %arg4[%add3A_6, %dma_start3A_866] : memref<1600x200xi32, #tpu.memory_space<hbm>> -> memref<50x200xi32, #tpu.memory_space<hbm>>
      tpu.enqueue_dma source(%dma_start3A_867 : memref<50x200xi32, #tpu.memory_space<hbm>>) target(%arg9 : memref<50x200xi32, #tpu.memory_space<vmem>>) target_semaphore(%run_scoped3A : memref<!tpu.dma_semaphore, #tpu.memory_space<semaphore_mem>>)
      %dma_wait3A_868 = arith.constant 0 : i32
      %dma_wait3A_869 = tpu.memref_slice %arg4[%add3A_6, %dma_wait3A_868] : memref<1600x200xi32, #tpu.memory_space<hbm>> -> memref<50x200xi32, #tpu.memory_space<hbm>>
      %dma_wait3A_870 = arith.constant 0 : i32
      %dma_wait3A_871 = tpu.memref_slice %arg4[%add3A_6, %dma_wait3A_870] : memref<1600x200xi32, #tpu.memory_space<hbm>> -> memref<50x200xi32, #tpu.memory_space<hbm>>
      tpu.wait_dma2 semaphore(%run_scoped3A : memref<!tpu.dma_semaphore, #tpu.memory_space<semaphore_mem>>) src(%dma_wait3A_871 : memref<50x200xi32, #tpu.memory_space<hbm>>) dst(%arg9 : memref<50x200xi32, #tpu.memory_space<vmem>>)
      tpu.yield
    }) : () -> ()
    %dma_start3A_7 = arith.constant 0 : i32
    %dma_start3A_8 = arith.constant 0 : i32
    %dma_start3A_9 = arith.constant 0 : i32
    %dma_start3A_10 = arith.constant 0 : i32
    %dma_start3A_11 = tpu.memref_slice %arg10[%dma_start3A_8, %dma_start3A_9, %dma_start3A_10] : memref<5x200x64xf32, #tpu.memory_space<vmem>> -> memref<1x200x64xf32, #tpu.memory_space<vmem>>
    %dma_start3A_12 = tpu.memref_squeeze %dma_start3A_11 : memref<1x200x64xf32, #tpu.memory_space<vmem>> -> memref<200x64xf32, #tpu.memory_space<vmem>>
    %dma_start3A_13 = arith.constant 0 : i32
    %dma_start3A_14 = tpu.memref_slice %arg8[%dma_start3A_7, %dma_start3A_13] : memref<50x200xi32, #tpu.memory_space<vmem>> -> memref<1x200xi32, #tpu.memory_space<vmem>>
    %dma_start3A_15 = tpu.memref_squeeze %dma_start3A_14 : memref<1x200xi32, #tpu.memory_space<vmem>> -> memref<200xi32, #tpu.memory_space<vmem>>
    %dma_start3A_16 = arith.constant 0 : i32
    %dma_start3A_17 = arith.constant 0 : i32
    %dma_start3A_18 = tpu.memref_slice %arg2[%dma_start3A_16, %dma_start3A_17] : memref<20000x64xf32, #tpu.memory_space<hbm>> -> memref<20000x64xf32, #tpu.memory_space<hbm>>
    tpu.enqueue_indirect_dma source(%dma_start3A_18 : memref<20000x64xf32, #tpu.memory_space<hbm>>) target(%dma_start3A_12 : memref<200x64xf32, #tpu.memory_space<vmem>>) offsets(%dma_start3A_15 : memref<200xi32, #tpu.memory_space<vmem>>) semaphore(%arg13 : memref<!tpu.dma_semaphore, #tpu.memory_space<semaphore_mem>>)
    %dma_start3A_19 = arith.constant 1 : i32
    %dma_start3A_20 = arith.constant 1 : i32
    %dma_start3A_21 = arith.constant 0 : i32
    %dma_start3A_22 = arith.constant 0 : i32
    %dma_start3A_23 = tpu.memref_slice %arg10[%dma_start3A_20, %dma_start3A_21, %dma_start3A_22] : memref<5x200x64xf32, #tpu.memory_space<vmem>> -> memref<1x200x64xf32, #tpu.memory_space<vmem>>
    %dma_start3A_24 = tpu.memref_squeeze %dma_start3A_23 : memref<1x200x64xf32, #tpu.memory_space<vmem>> -> memref<200x64xf32, #tpu.memory_space<vmem>>
    %dma_start3A_25 = arith.constant 0 : i32
    %dma_start3A_26 = tpu.memref_slice %arg8[%dma_start3A_19, %dma_start3A_25] : memref<50x200xi32, #tpu.memory_space<vmem>> -> memref<1x200xi32, #tpu.memory_space<vmem>>
    %dma_start3A_27 = tpu.memref_squeeze %dma_start3A_26 : memref<1x200xi32, #tpu.memory_space<vmem>> -> memref<200xi32, #tpu.memory_space<vmem>>
    %dma_start3A_28 = arith.constant 0 : i32
    %dma_start3A_29 = arith.constant 0 : i32
    %dma_start3A_30 = tpu.memref_slice %arg2[%dma_start3A_28, %dma_start3A_29] : memref<20000x64xf32, #tpu.memory_space<hbm>> -> memref<20000x64xf32, #tpu.memory_space<hbm>>
    tpu.enqueue_indirect_dma source(%dma_start3A_30 : memref<20000x64xf32, #tpu.memory_space<hbm>>) target(%dma_start3A_24 : memref<200x64xf32, #tpu.memory_space<vmem>>) offsets(%dma_start3A_27 : memref<200xi32, #tpu.memory_space<vmem>>) semaphore(%arg14 : memref<!tpu.dma_semaphore, #tpu.memory_space<semaphore_mem>>)
    %dma_start3A_31 = arith.constant 2 : i32
    %dma_start3A_32 = arith.constant 2 : i32
    %dma_start3A_33 = arith.constant 0 : i32
    %dma_start3A_34 = arith.constant 0 : i32
    %dma_start3A_35 = tpu.memref_slice %arg10[%dma_start3A_32, %dma_start3A_33, %dma_start3A_34] : memref<5x200x64xf32, #tpu.memory_space<vmem>> -> memref<1x200x64xf32, #tpu.memory_space<vmem>>
    %dma_start3A_36 = tpu.memref_squeeze %dma_start3A_35 : memref<1x200x64xf32, #tpu.memory_space<vmem>> -> memref<200x64xf32, #tpu.memory_space<vmem>>
    %dma_start3A_37 = arith.constant 0 : i32
    %dma_start3A_38 = tpu.memref_slice %arg8[%dma_start3A_31, %dma_start3A_37] : memref<50x200xi32, #tpu.memory_space<vmem>> -> memref<1x200xi32, #tpu.memory_space<vmem>>
    %dma_start3A_39 = tpu.memref_squeeze %dma_start3A_38 : memref<1x200xi32, #tpu.memory_space<vmem>> -> memref<200xi32, #tpu.memory_space<vmem>>
    %dma_start3A_40 = arith.constant 0 : i32
    %dma_start3A_41 = arith.constant 0 : i32
    %dma_start3A_42 = tpu.memref_slice %arg2[%dma_start3A_40, %dma_start3A_41] : memref<20000x64xf32, #tpu.memory_space<hbm>> -> memref<20000x64xf32, #tpu.memory_space<hbm>>
    tpu.enqueue_indirect_dma source(%dma_start3A_42 : memref<20000x64xf32, #tpu.memory_space<hbm>>) target(%dma_start3A_36 : memref<200x64xf32, #tpu.memory_space<vmem>>) offsets(%dma_start3A_39 : memref<200xi32, #tpu.memory_space<vmem>>) semaphore(%arg15 : memref<!tpu.dma_semaphore, #tpu.memory_space<semaphore_mem>>)
    %dma_start3A_43 = arith.constant 3 : i32
    %dma_start3A_44 = arith.constant 3 : i32
    %dma_start3A_45 = arith.constant 0 : i32
    %dma_start3A_46 = arith.constant 0 : i32
    %dma_start3A_47 = tpu.memref_slice %arg10[%dma_start3A_44, %dma_start3A_45, %dma_start3A_46] : memref<5x200x64xf32, #tpu.memory_space<vmem>> -> memref<1x200x64xf32, #tpu.memory_space<vmem>>
    %dma_start3A_48 = tpu.memref_squeeze %dma_start3A_47 : memref<1x200x64xf32, #tpu.memory_space<vmem>> -> memref<200x64xf32, #tpu.memory_space<vmem>>
    %dma_start3A_49 = arith.constant 0 : i32
    %dma_start3A_50 = tpu.memref_slice %arg8[%dma_start3A_43, %dma_start3A_49] : memref<50x200xi32, #tpu.memory_space<vmem>> -> memref<1x200xi32, #tpu.memory_space<vmem>>
    %dma_start3A_51 = tpu.memref_squeeze %dma_start3A_50 : memref<1x200xi32, #tpu.memory_space<vmem>> -> memref<200xi32, #tpu.memory_space<vmem>>
    %dma_start3A_52 = arith.constant 0 : i32
    %dma_start3A_53 = arith.constant 0 : i32
    %dma_start3A_54 = tpu.memref_slice %arg2[%dma_start3A_52, %dma_start3A_53] : memref<20000x64xf32, #tpu.memory_space<hbm>> -> memref<20000x64xf32, #tpu.memory_space<hbm>>
    tpu.enqueue_indirect_dma source(%dma_start3A_54 : memref<20000x64xf32, #tpu.memory_space<hbm>>) target(%dma_start3A_48 : memref<200x64xf32, #tpu.memory_space<vmem>>) offsets(%dma_start3A_51 : memref<200xi32, #tpu.memory_space<vmem>>) semaphore(%arg16 : memref<!tpu.dma_semaphore, #tpu.memory_space<semaphore_mem>>)
    %dma_start3A_55 = arith.constant 4 : i32
    %dma_start3A_56 = arith.constant 4 : i32
    %dma_start3A_57 = arith.constant 0 : i32
    %dma_start3A_58 = arith.constant 0 : i32
    %dma_start3A_59 = tpu.memref_slice %arg10[%dma_start3A_56, %dma_start3A_57, %dma_start3A_58] : memref<5x200x64xf32, #tpu.memory_space<vmem>> -> memref<1x200x64xf32, #tpu.memory_space<vmem>>
    %dma_start3A_60 = tpu.memref_squeeze %dma_start3A_59 : memref<1x200x64xf32, #tpu.memory_space<vmem>> -> memref<200x64xf32, #tpu.memory_space<vmem>>
    %dma_start3A_61 = arith.constant 0 : i32
    %dma_start3A_62 = tpu.memref_slice %arg8[%dma_start3A_55, %dma_start3A_61] : memref<50x200xi32, #tpu.memory_space<vmem>> -> memref<1x200xi32, #tpu.memory_space<vmem>>
    %dma_start3A_63 = tpu.memref_squeeze %dma_start3A_62 : memref<1x200xi32, #tpu.memory_space<vmem>> -> memref<200xi32, #tpu.memory_space<vmem>>
    %dma_start3A_64 = arith.constant 0 : i32
    %dma_start3A_65 = arith.constant 0 : i32
    %dma_start3A_66 = tpu.memref_slice %arg2[%dma_start3A_64, %dma_start3A_65] : memref<20000x64xf32, #tpu.memory_space<hbm>> -> memref<20000x64xf32, #tpu.memory_space<hbm>>
    tpu.enqueue_indirect_dma source(%dma_start3A_66 : memref<20000x64xf32, #tpu.memory_space<hbm>>) target(%dma_start3A_60 : memref<200x64xf32, #tpu.memory_space<vmem>>) offsets(%dma_start3A_63 : memref<200xi32, #tpu.memory_space<vmem>>) semaphore(%arg17 : memref<!tpu.dma_semaphore, #tpu.memory_space<semaphore_mem>>)
    %dma_wait3A = arith.constant 0 : i32
    %dma_wait3A_67 = tpu.memref_slice %arg12[%mul3A_0, %dma_wait3A] : memref<10000x64xf32, #tpu.memory_space<vmem_shared>> -> memref<625x64xf32, #tpu.memory_space<vmem_shared>>
    %dma_wait3A_68 = arith.constant 0 : i32
    %dma_wait3A_69 = tpu.memref_slice %arg6[%mul3A_0, %dma_wait3A_68] : memref<10000x64xf32, #tpu.memory_space<hbm>> -> memref<625x64xf32, #tpu.memory_space<hbm>>
    tpu.wait_dma2 semaphore(%arg18 : memref<!tpu.dma_semaphore, #tpu.memory_space<semaphore_mem>>) src(%dma_wait3A_69 : memref<625x64xf32, #tpu.memory_space<hbm>>) dst(%dma_wait3A_67 : memref<625x64xf32, #tpu.memory_space<vmem_shared>>)
    %barrier3A = arith.constant 0 : index
    tpu.barrier barrier_id(%barrier3A)
    %scan3A = arith.constant 0 : i32
    %scan3A_70 = arith.constant 0 : i32
    %scan3A_71 = arith.constant 9 : i32
    %scan3A_72 = arith.addi %scan3A_70, %scan3A_71 : i32
    %scan3A_73 = arith.constant 1 : i32
    scf.for %scan3A_864 = %scan3A_70 to %scan3A_72 step %scan3A_73  : i32 {
      %mul3A_865 = arith.constant 5 : i32
      %mul3A_866 = arith.muli %scan3A_864, %mul3A_865 : i32
      %add3A_867 = arith.constant 0 : i32
      %add3A_868 = arith.addi %mul3A_866, %add3A_867 : i32
      %dma_wait3A_869 = arith.constant 0 : i32
      %dma_wait3A_870 = arith.constant 0 : i32
      %dma_wait3A_871 = arith.constant 0 : i32
      %dma_wait3A_872 = tpu.memref_slice %arg10[%dma_wait3A_869, %dma_wait3A_870, %dma_wait3A_871] : memref<5x200x64xf32, #tpu.memory_space<vmem>> -> memref<1x200x64xf32, #tpu.memory_space<vmem>>
      %dma_wait3A_873 = tpu.memref_squeeze %dma_wait3A_872 : memref<1x200x64xf32, #tpu.memory_space<vmem>> -> memref<200x64xf32, #tpu.memory_space<vmem>>
      %dma_wait3A_874 = arith.constant 0 : i32
      %dma_wait3A_875 = tpu.memref_slice %arg8[%add3A_868, %dma_wait3A_874] : memref<50x200xi32, #tpu.memory_space<vmem>> -> memref<1x200xi32, #tpu.memory_space<vmem>>
      %dma_wait3A_876 = tpu.memref_squeeze %dma_wait3A_875 : memref<1x200xi32, #tpu.memory_space<vmem>> -> memref<200xi32, #tpu.memory_space<vmem>>
      %dma_wait3A_877 = arith.constant 0 : i32
      %dma_wait3A_878 = arith.constant 0 : i32
      %dma_wait3A_879 = tpu.memref_slice %arg2[%dma_wait3A_877, %dma_wait3A_878] : memref<20000x64xf32, #tpu.memory_space<hbm>> -> memref<20000x64xf32, #tpu.memory_space<hbm>>
      tpu.wait_indirect_dma semaphore(%arg13 : memref<!tpu.dma_semaphore, #tpu.memory_space<semaphore_mem>>) src(%dma_wait3A_879 : memref<20000x64xf32, #tpu.memory_space<hbm>>) dst(%dma_wait3A_873 : memref<200x64xf32, #tpu.memory_space<vmem>>)
      %add3A_880 = arith.constant 0 : i32
      %add3A_881 = arith.addi %mul3A_866, %add3A_880 : i32
      %dma_start3A_882 = arith.constant 0 : i32
      %dma_start3A_883 = arith.constant 0 : i32
      %dma_start3A_884 = arith.constant 0 : i32
      %dma_start3A_885 = tpu.memref_slice %arg10[%dma_start3A_882, %dma_start3A_883, %dma_start3A_884] : memref<5x200x64xf32, #tpu.memory_space<vmem>> -> memref<1x200x64xf32, #tpu.memory_space<vmem>>
      %dma_start3A_886 = tpu.memref_squeeze %dma_start3A_885 : memref<1x200x64xf32, #tpu.memory_space<vmem>> -> memref<200x64xf32, #tpu.memory_space<vmem>>
      %dma_start3A_887 = arith.constant 0 : i32
      %dma_start3A_888 = tpu.memref_slice %arg9[%add3A_881, %dma_start3A_887] : memref<50x200xi32, #tpu.memory_space<vmem>> -> memref<1x200xi32, #tpu.memory_space<vmem>>
      %dma_start3A_889 = tpu.memref_squeeze %dma_start3A_888 : memref<1x200xi32, #tpu.memory_space<vmem>> -> memref<200xi32, #tpu.memory_space<vmem>>
      %dma_start3A_890 = arith.constant 0 : i32
      %dma_start3A_891 = arith.constant 0 : i32
      %dma_start3A_892 = tpu.memref_slice %arg12[%dma_start3A_890, %dma_start3A_891] : memref<10000x64xf32, #tpu.memory_space<vmem_shared>> -> memref<10000x64xf32, #tpu.memory_space<vmem_shared>>
      tpu.enqueue_indirect_dma source(%dma_start3A_886 : memref<200x64xf32, #tpu.memory_space<vmem>>) target(%dma_start3A_892 : memref<10000x64xf32, #tpu.memory_space<vmem_shared>>) offsets(%dma_start3A_889 : memref<200xi32, #tpu.memory_space<vmem>>) semaphore(%arg18 : memref<!tpu.dma_semaphore, #tpu.memory_space<semaphore_mem>>) {add = true}
      %add3A_893 = arith.constant 1 : i32
      %add3A_894 = arith.addi %mul3A_866, %add3A_893 : i32
      %dma_wait3A_895 = arith.constant 1 : i32
      %dma_wait3A_896 = arith.constant 0 : i32
      %dma_wait3A_897 = arith.constant 0 : i32
      %dma_wait3A_898 = tpu.memref_slice %arg10[%dma_wait3A_895, %dma_wait3A_896, %dma_wait3A_897] : memref<5x200x64xf32, #tpu.memory_space<vmem>> -> memref<1x200x64xf32, #tpu.memory_space<vmem>>
      %dma_wait3A_899 = tpu.memref_squeeze %dma_wait3A_898 : memref<1x200x64xf32, #tpu.memory_space<vmem>> -> memref<200x64xf32, #tpu.memory_space<vmem>>
      %dma_wait3A_900 = arith.constant 0 : i32
      %dma_wait3A_901 = tpu.memref_slice %arg8[%add3A_894, %dma_wait3A_900] : memref<50x200xi32, #tpu.memory_space<vmem>> -> memref<1x200xi32, #tpu.memory_space<vmem>>
      %dma_wait3A_902 = tpu.memref_squeeze %dma_wait3A_901 : memref<1x200xi32, #tpu.memory_space<vmem>> -> memref<200xi32, #tpu.memory_space<vmem>>
      %dma_wait3A_903 = arith.constant 0 : i32
      %dma_wait3A_904 = arith.constant 0 : i32
      %dma_wait3A_905 = tpu.memref_slice %arg2[%dma_wait3A_903, %dma_wait3A_904] : memref<20000x64xf32, #tpu.memory_space<hbm>> -> memref<20000x64xf32, #tpu.memory_space<hbm>>
      tpu.wait_indirect_dma semaphore(%arg14 : memref<!tpu.dma_semaphore, #tpu.memory_space<semaphore_mem>>) src(%dma_wait3A_905 : memref<20000x64xf32, #tpu.memory_space<hbm>>) dst(%dma_wait3A_899 : memref<200x64xf32, #tpu.memory_space<vmem>>)
      %add3A_906 = arith.constant 1 : i32
      %add3A_907 = arith.addi %mul3A_866, %add3A_906 : i32
      %dma_start3A_908 = arith.constant 1 : i32
      %dma_start3A_909 = arith.constant 0 : i32
      %dma_start3A_910 = arith.constant 0 : i32
      %dma_start3A_911 = tpu.memref_slice %arg10[%dma_start3A_908, %dma_start3A_909, %dma_start3A_910] : memref<5x200x64xf32, #tpu.memory_space<vmem>> -> memref<1x200x64xf32, #tpu.memory_space<vmem>>
      %dma_start3A_912 = tpu.memref_squeeze %dma_start3A_911 : memref<1x200x64xf32, #tpu.memory_space<vmem>> -> memref<200x64xf32, #tpu.memory_space<vmem>>
      %dma_start3A_913 = arith.constant 0 : i32
      %dma_start3A_914 = tpu.memref_slice %arg9[%add3A_907, %dma_start3A_913] : memref<50x200xi32, #tpu.memory_space<vmem>> -> memref<1x200xi32, #tpu.memory_space<vmem>>
      %dma_start3A_915 = tpu.memref_squeeze %dma_start3A_914 : memref<1x200xi32, #tpu.memory_space<vmem>> -> memref<200xi32, #tpu.memory_space<vmem>>
      %dma_start3A_916 = arith.constant 0 : i32
      %dma_start3A_917 = arith.constant 0 : i32
      %dma_start3A_918 = tpu.memref_slice %arg12[%dma_start3A_916, %dma_start3A_917] : memref<10000x64xf32, #tpu.memory_space<vmem_shared>> -> memref<10000x64xf32, #tpu.memory_space<vmem_shared>>
      tpu.enqueue_indirect_dma source(%dma_start3A_912 : memref<200x64xf32, #tpu.memory_space<vmem>>) target(%dma_start3A_918 : memref<10000x64xf32, #tpu.memory_space<vmem_shared>>) offsets(%dma_start3A_915 : memref<200xi32, #tpu.memory_space<vmem>>) semaphore(%arg19 : memref<!tpu.dma_semaphore, #tpu.memory_space<semaphore_mem>>) {add = true}
      %add3A_919 = arith.constant 2 : i32
      %add3A_920 = arith.addi %mul3A_866, %add3A_919 : i32
      %dma_wait3A_921 = arith.constant 2 : i32
      %dma_wait3A_922 = arith.constant 0 : i32
      %dma_wait3A_923 = arith.constant 0 : i32
      %dma_wait3A_924 = tpu.memref_slice %arg10[%dma_wait3A_921, %dma_wait3A_922, %dma_wait3A_923] : memref<5x200x64xf32, #tpu.memory_space<vmem>> -> memref<1x200x64xf32, #tpu.memory_space<vmem>>
      %dma_wait3A_925 = tpu.memref_squeeze %dma_wait3A_924 : memref<1x200x64xf32, #tpu.memory_space<vmem>> -> memref<200x64xf32, #tpu.memory_space<vmem>>
      %dma_wait3A_926 = arith.constant 0 : i32
      %dma_wait3A_927 = tpu.memref_slice %arg8[%add3A_920, %dma_wait3A_926] : memref<50x200xi32, #tpu.memory_space<vmem>> -> memref<1x200xi32, #tpu.memory_space<vmem>>
      %dma_wait3A_928 = tpu.memref_squeeze %dma_wait3A_927 : memref<1x200xi32, #tpu.memory_space<vmem>> -> memref<200xi32, #tpu.memory_space<vmem>>
      %dma_wait3A_929 = arith.constant 0 : i32
      %dma_wait3A_930 = arith.constant 0 : i32
      %dma_wait3A_931 = tpu.memref_slice %arg2[%dma_wait3A_929, %dma_wait3A_930] : memref<20000x64xf32, #tpu.memory_space<hbm>> -> memref<20000x64xf32, #tpu.memory_space<hbm>>
      tpu.wait_indirect_dma semaphore(%arg15 : memref<!tpu.dma_semaphore, #tpu.memory_space<semaphore_mem>>) src(%dma_wait3A_931 : memref<20000x64xf32, #tpu.memory_space<hbm>>) dst(%dma_wait3A_925 : memref<200x64xf32, #tpu.memory_space<vmem>>)
      %add3A_932 = arith.constant 2 : i32
      %add3A_933 = arith.addi %mul3A_866, %add3A_932 : i32
      %dma_start3A_934 = arith.constant 2 : i32
      %dma_start3A_935 = arith.constant 0 : i32
      %dma_start3A_936 = arith.constant 0 : i32
      %dma_start3A_937 = tpu.memref_slice %arg10[%dma_start3A_934, %dma_start3A_935, %dma_start3A_936] : memref<5x200x64xf32, #tpu.memory_space<vmem>> -> memref<1x200x64xf32, #tpu.memory_space<vmem>>
      %dma_start3A_938 = tpu.memref_squeeze %dma_start3A_937 : memref<1x200x64xf32, #tpu.memory_space<vmem>> -> memref<200x64xf32, #tpu.memory_space<vmem>>
      %dma_start3A_939 = arith.constant 0 : i32
      %dma_start3A_940 = tpu.memref_slice %arg9[%add3A_933, %dma_start3A_939] : memref<50x200xi32, #tpu.memory_space<vmem>> -> memref<1x200xi32, #tpu.memory_space<vmem>>
      %dma_start3A_941 = tpu.memref_squeeze %dma_start3A_940 : memref<1x200xi32, #tpu.memory_space<vmem>> -> memref<200xi32, #tpu.memory_space<vmem>>
      %dma_start3A_942 = arith.constant 0 : i32
      %dma_start3A_943 = arith.constant 0 : i32
      %dma_start3A_944 = tpu.memref_slice %arg12[%dma_start3A_942, %dma_start3A_943] : memref<10000x64xf32, #tpu.memory_space<vmem_shared>> -> memref<10000x64xf32, #tpu.memory_space<vmem_shared>>
      tpu.enqueue_indirect_dma source(%dma_start3A_938 : memref<200x64xf32, #tpu.memory_space<vmem>>) target(%dma_start3A_944 : memref<10000x64xf32, #tpu.memory_space<vmem_shared>>) offsets(%dma_start3A_941 : memref<200xi32, #tpu.memory_space<vmem>>) semaphore(%arg20 : memref<!tpu.dma_semaphore, #tpu.memory_space<semaphore_mem>>) {add = true}
      %add3A_945 = arith.constant 3 : i32
      %add3A_946 = arith.addi %mul3A_866, %add3A_945 : i32
      %dma_wait3A_947 = arith.constant 3 : i32
      %dma_wait3A_948 = arith.constant 0 : i32
      %dma_wait3A_949 = arith.constant 0 : i32
      %dma_wait3A_950 = tpu.memref_slice %arg10[%dma_wait3A_947, %dma_wait3A_948, %dma_wait3A_949] : memref<5x200x64xf32, #tpu.memory_space<vmem>> -> memref<1x200x64xf32, #tpu.memory_space<vmem>>
      %dma_wait3A_951 = tpu.memref_squeeze %dma_wait3A_950 : memref<1x200x64xf32, #tpu.memory_space<vmem>> -> memref<200x64xf32, #tpu.memory_space<vmem>>
      %dma_wait3A_952 = arith.constant 0 : i32
      %dma_wait3A_953 = tpu.memref_slice %arg8[%add3A_946, %dma_wait3A_952] : memref<50x200xi32, #tpu.memory_space<vmem>> -> memref<1x200xi32, #tpu.memory_space<vmem>>
      %dma_wait3A_954 = tpu.memref_squeeze %dma_wait3A_953 : memref<1x200xi32, #tpu.memory_space<vmem>> -> memref<200xi32, #tpu.memory_space<vmem>>
      %dma_wait3A_955 = arith.constant 0 : i32
      %dma_wait3A_956 = arith.constant 0 : i32
      %dma_wait3A_957 = tpu.memref_slice %arg2[%dma_wait3A_955, %dma_wait3A_956] : memref<20000x64xf32, #tpu.memory_space<hbm>> -> memref<20000x64xf32, #tpu.memory_space<hbm>>
      tpu.wait_indirect_dma semaphore(%arg16 : memref<!tpu.dma_semaphore, #tpu.memory_space<semaphore_mem>>) src(%dma_wait3A_957 : memref<20000x64xf32, #tpu.memory_space<hbm>>) dst(%dma_wait3A_951 : memref<200x64xf32, #tpu.memory_space<vmem>>)
      %add3A_958 = arith.constant 3 : i32
      %add3A_959 = arith.addi %mul3A_866, %add3A_958 : i32
      %dma_start3A_960 = arith.constant 3 : i32
      %dma_start3A_961 = arith.constant 0 : i32
      %dma_start3A_962 = arith.constant 0 : i32
      %dma_start3A_963 = tpu.memref_slice %arg10[%dma_start3A_960, %dma_start3A_961, %dma_start3A_962] : memref<5x200x64xf32, #tpu.memory_space<vmem>> -> memref<1x200x64xf32, #tpu.memory_space<vmem>>
      %dma_start3A_964 = tpu.memref_squeeze %dma_start3A_963 : memref<1x200x64xf32, #tpu.memory_space<vmem>> -> memref<200x64xf32, #tpu.memory_space<vmem>>
      %dma_start3A_965 = arith.constant 0 : i32
      %dma_start3A_966 = tpu.memref_slice %arg9[%add3A_959, %dma_start3A_965] : memref<50x200xi32, #tpu.memory_space<vmem>> -> memref<1x200xi32, #tpu.memory_space<vmem>>
      %dma_start3A_967 = tpu.memref_squeeze %dma_start3A_966 : memref<1x200xi32, #tpu.memory_space<vmem>> -> memref<200xi32, #tpu.memory_space<vmem>>
      %dma_start3A_968 = arith.constant 0 : i32
      %dma_start3A_969 = arith.constant 0 : i32
      %dma_start3A_970 = tpu.memref_slice %arg12[%dma_start3A_968, %dma_start3A_969] : memref<10000x64xf32, #tpu.memory_space<vmem_shared>> -> memref<10000x64xf32, #tpu.memory_space<vmem_shared>>
      tpu.enqueue_indirect_dma source(%dma_start3A_964 : memref<200x64xf32, #tpu.memory_space<vmem>>) target(%dma_start3A_970 : memref<10000x64xf32, #tpu.memory_space<vmem_shared>>) offsets(%dma_start3A_967 : memref<200xi32, #tpu.memory_space<vmem>>) semaphore(%arg21 : memref<!tpu.dma_semaphore, #tpu.memory_space<semaphore_mem>>) {add = true}
      %add3A_971 = arith.constant 4 : i32
      %add3A_972 = arith.addi %mul3A_866, %add3A_971 : i32
      %dma_wait3A_973 = arith.constant 4 : i32
      %dma_wait3A_974 = arith.constant 0 : i32
      %dma_wait3A_975 = arith.constant 0 : i32
      %dma_wait3A_976 = tpu.memref_slice %arg10[%dma_wait3A_973, %dma_wait3A_974, %dma_wait3A_975] : memref<5x200x64xf32, #tpu.memory_space<vmem>> -> memref<1x200x64xf32, #tpu.memory_space<vmem>>
      %dma_wait3A_977 = tpu.memref_squeeze %dma_wait3A_976 : memref<1x200x64xf32, #tpu.memory_space<vmem>> -> memref<200x64xf32, #tpu.memory_space<vmem>>
      %dma_wait3A_978 = arith.constant 0 : i32
      %dma_wait3A_979 = tpu.memref_slice %arg8[%add3A_972, %dma_wait3A_978] : memref<50x200xi32, #tpu.memory_space<vmem>> -> memref<1x200xi32, #tpu.memory_space<vmem>>
      %dma_wait3A_980 = tpu.memref_squeeze %dma_wait3A_979 : memref<1x200xi32, #tpu.memory_space<vmem>> -> memref<200xi32, #tpu.memory_space<vmem>>
      %dma_wait3A_981 = arith.constant 0 : i32
      %dma_wait3A_982 = arith.constant 0 : i32
      %dma_wait3A_983 = tpu.memref_slice %arg2[%dma_wait3A_981, %dma_wait3A_982] : memref<20000x64xf32, #tpu.memory_space<hbm>> -> memref<20000x64xf32, #tpu.memory_space<hbm>>
      tpu.wait_indirect_dma semaphore(%arg17 : memref<!tpu.dma_semaphore, #tpu.memory_space<semaphore_mem>>) src(%dma_wait3A_983 : memref<20000x64xf32, #tpu.memory_space<hbm>>) dst(%dma_wait3A_977 : memref<200x64xf32, #tpu.memory_space<vmem>>)
      %add3A_984 = arith.constant 4 : i32
      %add3A_985 = arith.addi %mul3A_866, %add3A_984 : i32
      %dma_start3A_986 = arith.constant 4 : i32
      %dma_start3A_987 = arith.constant 0 : i32
      %dma_start3A_988 = arith.constant 0 : i32
      %dma_start3A_989 = tpu.memref_slice %arg10[%dma_start3A_986, %dma_start3A_987, %dma_start3A_988] : memref<5x200x64xf32, #tpu.memory_space<vmem>> -> memref<1x200x64xf32, #tpu.memory_space<vmem>>
      %dma_start3A_990 = tpu.memref_squeeze %dma_start3A_989 : memref<1x200x64xf32, #tpu.memory_space<vmem>> -> memref<200x64xf32, #tpu.memory_space<vmem>>
      %dma_start3A_991 = arith.constant 0 : i32
      %dma_start3A_992 = tpu.memref_slice %arg9[%add3A_985, %dma_start3A_991] : memref<50x200xi32, #tpu.memory_space<vmem>> -> memref<1x200xi32, #tpu.memory_space<vmem>>
      %dma_start3A_993 = tpu.memref_squeeze %dma_start3A_992 : memref<1x200xi32, #tpu.memory_space<vmem>> -> memref<200xi32, #tpu.memory_space<vmem>>
      %dma_start3A_994 = arith.constant 0 : i32
      %dma_start3A_995 = arith.constant 0 : i32
      %dma_start3A_996 = tpu.memref_slice %arg12[%dma_start3A_994, %dma_start3A_995] : memref<10000x64xf32, #tpu.memory_space<vmem_shared>> -> memref<10000x64xf32, #tpu.memory_space<vmem_shared>>
      tpu.enqueue_indirect_dma source(%dma_start3A_990 : memref<200x64xf32, #tpu.memory_space<vmem>>) target(%dma_start3A_996 : memref<10000x64xf32, #tpu.memory_space<vmem_shared>>) offsets(%dma_start3A_993 : memref<200xi32, #tpu.memory_space<vmem>>) semaphore(%arg22 : memref<!tpu.dma_semaphore, #tpu.memory_space<semaphore_mem>>) {add = true}
      %add3A_997 = arith.constant 0 : i32
      %add3A_998 = arith.addi %mul3A_866, %add3A_997 : i32
      %dma_wait3A_999 = arith.constant 0 : i32
      %dma_wait3A_1000 = arith.constant 0 : i32
      %dma_wait3A_1001 = arith.constant 0 : i32
      %dma_wait3A_1002 = tpu.memref_slice %arg10[%dma_wait3A_999, %dma_wait3A_1000, %dma_wait3A_1001] : memref<5x200x64xf32, #tpu.memory_space<vmem>> -> memref<1x200x64xf32, #tpu.memory_space<vmem>>
      %dma_wait3A_1003 = tpu.memref_squeeze %dma_wait3A_1002 : memref<1x200x64xf32, #tpu.memory_space<vmem>> -> memref<200x64xf32, #tpu.memory_space<vmem>>
      %dma_wait3A_1004 = arith.constant 0 : i32
      %dma_wait3A_1005 = tpu.memref_slice %arg9[%add3A_998, %dma_wait3A_1004] : memref<50x200xi32, #tpu.memory_space<vmem>> -> memref<1x200xi32, #tpu.memory_space<vmem>>
      %dma_wait3A_1006 = tpu.memref_squeeze %dma_wait3A_1005 : memref<1x200xi32, #tpu.memory_space<vmem>> -> memref<200xi32, #tpu.memory_space<vmem>>
      %dma_wait3A_1007 = arith.constant 0 : i32
      %dma_wait3A_1008 = arith.constant 0 : i32
      %dma_wait3A_1009 = tpu.memref_slice %arg12[%dma_wait3A_1007, %dma_wait3A_1008] : memref<10000x64xf32, #tpu.memory_space<vmem_shared>> -> memref<10000x64xf32, #tpu.memory_space<vmem_shared>>
      tpu.wait_indirect_dma semaphore(%arg18 : memref<!tpu.dma_semaphore, #tpu.memory_space<semaphore_mem>>) src(%dma_wait3A_1003 : memref<200x64xf32, #tpu.memory_space<vmem>>) dst(%dma_wait3A_1009 : memref<10000x64xf32, #tpu.memory_space<vmem_shared>>)
      %add3A_1010 = arith.constant 5 : i32
      %add3A_1011 = arith.addi %mul3A_866, %add3A_1010 : i32
      %add3A_1012 = arith.constant 0 : i32
      %add3A_1013 = arith.addi %add3A_1011, %add3A_1012 : i32
      %dma_start3A_1014 = arith.constant 0 : i32
      %dma_start3A_1015 = arith.constant 0 : i32
      %dma_start3A_1016 = arith.constant 0 : i32
      %dma_start3A_1017 = tpu.memref_slice %arg10[%dma_start3A_1014, %dma_start3A_1015, %dma_start3A_1016] : memref<5x200x64xf32, #tpu.memory_space<vmem>> -> memref<1x200x64xf32, #tpu.memory_space<vmem>>
      %dma_start3A_1018 = tpu.memref_squeeze %dma_start3A_1017 : memref<1x200x64xf32, #tpu.memory_space<vmem>> -> memref<200x64xf32, #tpu.memory_space<vmem>>
      %dma_start3A_1019 = arith.constant 0 : i32
      %dma_start3A_1020 = tpu.memref_slice %arg8[%add3A_1013, %dma_start3A_1019] : memref<50x200xi32, #tpu.memory_space<vmem>> -> memref<1x200xi32, #tpu.memory_space<vmem>>
      %dma_start3A_1021 = tpu.memref_squeeze %dma_start3A_1020 : memref<1x200xi32, #tpu.memory_space<vmem>> -> memref<200xi32, #tpu.memory_space<vmem>>
      %dma_start3A_1022 = arith.constant 0 : i32
      %dma_start3A_1023 = arith.constant 0 : i32
      %dma_start3A_1024 = tpu.memref_slice %arg2[%dma_start3A_1022, %dma_start3A_1023] : memref<20000x64xf32, #tpu.memory_space<hbm>> -> memref<20000x64xf32, #tpu.memory_space<hbm>>
      tpu.enqueue_indirect_dma source(%dma_start3A_1024 : memref<20000x64xf32, #tpu.memory_space<hbm>>) target(%dma_start3A_1018 : memref<200x64xf32, #tpu.memory_space<vmem>>) offsets(%dma_start3A_1021 : memref<200xi32, #tpu.memory_space<vmem>>) semaphore(%arg13 : memref<!tpu.dma_semaphore, #tpu.memory_space<semaphore_mem>>)
      %add3A_1025 = arith.constant 1 : i32
      %add3A_1026 = arith.addi %mul3A_866, %add3A_1025 : i32
      %dma_wait3A_1027 = arith.constant 1 : i32
      %dma_wait3A_1028 = arith.constant 0 : i32
      %dma_wait3A_1029 = arith.constant 0 : i32
      %dma_wait3A_1030 = tpu.memref_slice %arg10[%dma_wait3A_1027, %dma_wait3A_1028, %dma_wait3A_1029] : memref<5x200x64xf32, #tpu.memory_space<vmem>> -> memref<1x200x64xf32, #tpu.memory_space<vmem>>
      %dma_wait3A_1031 = tpu.memref_squeeze %dma_wait3A_1030 : memref<1x200x64xf32, #tpu.memory_space<vmem>> -> memref<200x64xf32, #tpu.memory_space<vmem>>
      %dma_wait3A_1032 = arith.constant 0 : i32
      %dma_wait3A_1033 = tpu.memref_slice %arg9[%add3A_1026, %dma_wait3A_1032] : memref<50x200xi32, #tpu.memory_space<vmem>> -> memref<1x200xi32, #tpu.memory_space<vmem>>
      %dma_wait3A_1034 = tpu.memref_squeeze %dma_wait3A_1033 : memref<1x200xi32, #tpu.memory_space<vmem>> -> memref<200xi32, #tpu.memory_space<vmem>>
      %dma_wait3A_1035 = arith.constant 0 : i32
      %dma_wait3A_1036 = arith.constant 0 : i32
      %dma_wait3A_1037 = tpu.memref_slice %arg12[%dma_wait3A_1035, %dma_wait3A_1036] : memref<10000x64xf32, #tpu.memory_space<vmem_shared>> -> memref<10000x64xf32, #tpu.memory_space<vmem_shared>>
      tpu.wait_indirect_dma semaphore(%arg19 : memref<!tpu.dma_semaphore, #tpu.memory_space<semaphore_mem>>) src(%dma_wait3A_1031 : memref<200x64xf32, #tpu.memory_space<vmem>>) dst(%dma_wait3A_1037 : memref<10000x64xf32, #tpu.memory_space<vmem_shared>>)
      %add3A_1038 = arith.constant 5 : i32
      %add3A_1039 = arith.addi %mul3A_866, %add3A_1038 : i32
      %add3A_1040 = arith.constant 1 : i32
      %add3A_1041 = arith.addi %add3A_1039, %add3A_1040 : i32
      %dma_start3A_1042 = arith.constant 1 : i32
      %dma_start3A_1043 = arith.constant 0 : i32
      %dma_start3A_1044 = arith.constant 0 : i32
      %dma_start3A_1045 = tpu.memref_slice %arg10[%dma_start3A_1042, %dma_start3A_1043, %dma_start3A_1044] : memref<5x200x64xf32, #tpu.memory_space<vmem>> -> memref<1x200x64xf32, #tpu.memory_space<vmem>>
      %dma_start3A_1046 = tpu.memref_squeeze %dma_start3A_1045 : memref<1x200x64xf32, #tpu.memory_space<vmem>> -> memref<200x64xf32, #tpu.memory_space<vmem>>
      %dma_start3A_1047 = arith.constant 0 : i32
      %dma_start3A_1048 = tpu.memref_slice %arg8[%add3A_1041, %dma_start3A_1047] : memref<50x200xi32, #tpu.memory_space<vmem>> -> memref<1x200xi32, #tpu.memory_space<vmem>>
      %dma_start3A_1049 = tpu.memref_squeeze %dma_start3A_1048 : memref<1x200xi32, #tpu.memory_space<vmem>> -> memref<200xi32, #tpu.memory_space<vmem>>
      %dma_start3A_1050 = arith.constant 0 : i32
      %dma_start3A_1051 = arith.constant 0 : i32
      %dma_start3A_1052 = tpu.memref_slice %arg2[%dma_start3A_1050, %dma_start3A_1051] : memref<20000x64xf32, #tpu.memory_space<hbm>> -> memref<20000x64xf32, #tpu.memory_space<hbm>>
      tpu.enqueue_indirect_dma source(%dma_start3A_1052 : memref<20000x64xf32, #tpu.memory_space<hbm>>) target(%dma_start3A_1046 : memref<200x64xf32, #tpu.memory_space<vmem>>) offsets(%dma_start3A_1049 : memref<200xi32, #tpu.memory_space<vmem>>) semaphore(%arg14 : memref<!tpu.dma_semaphore, #tpu.memory_space<semaphore_mem>>)
      %add3A_1053 = arith.constant 2 : i32
      %add3A_1054 = arith.addi %mul3A_866, %add3A_1053 : i32
      %dma_wait3A_1055 = arith.constant 2 : i32
      %dma_wait3A_1056 = arith.constant 0 : i32
      %dma_wait3A_1057 = arith.constant 0 : i32
      %dma_wait3A_1058 = tpu.memref_slice %arg10[%dma_wait3A_1055, %dma_wait3A_1056, %dma_wait3A_1057] : memref<5x200x64xf32, #tpu.memory_space<vmem>> -> memref<1x200x64xf32, #tpu.memory_space<vmem>>
      %dma_wait3A_1059 = tpu.memref_squeeze %dma_wait3A_1058 : memref<1x200x64xf32, #tpu.memory_space<vmem>> -> memref<200x64xf32, #tpu.memory_space<vmem>>
      %dma_wait3A_1060 = arith.constant 0 : i32
      %dma_wait3A_1061 = tpu.memref_slice %arg9[%add3A_1054, %dma_wait3A_1060] : memref<50x200xi32, #tpu.memory_space<vmem>> -> memref<1x200xi32, #tpu.memory_space<vmem>>
      %dma_wait3A_1062 = tpu.memref_squeeze %dma_wait3A_1061 : memref<1x200xi32, #tpu.memory_space<vmem>> -> memref<200xi32, #tpu.memory_space<vmem>>
      %dma_wait3A_1063 = arith.constant 0 : i32
      %dma_wait3A_1064 = arith.constant 0 : i32
      %dma_wait3A_1065 = tpu.memref_slice %arg12[%dma_wait3A_1063, %dma_wait3A_1064] : memref<10000x64xf32, #tpu.memory_space<vmem_shared>> -> memref<10000x64xf32, #tpu.memory_space<vmem_shared>>
      tpu.wait_indirect_dma semaphore(%arg20 : memref<!tpu.dma_semaphore, #tpu.memory_space<semaphore_mem>>) src(%dma_wait3A_1059 : memref<200x64xf32, #tpu.memory_space<vmem>>) dst(%dma_wait3A_1065 : memref<10000x64xf32, #tpu.memory_space<vmem_shared>>)
      %add3A_1066 = arith.constant 5 : i32
      %add3A_1067 = arith.addi %mul3A_866, %add3A_1066 : i32
      %add3A_1068 = arith.constant 2 : i32
      %add3A_1069 = arith.addi %add3A_1067, %add3A_1068 : i32
      %dma_start3A_1070 = arith.constant 2 : i32
      %dma_start3A_1071 = arith.constant 0 : i32
      %dma_start3A_1072 = arith.constant 0 : i32
      %dma_start3A_1073 = tpu.memref_slice %arg10[%dma_start3A_1070, %dma_start3A_1071, %dma_start3A_1072] : memref<5x200x64xf32, #tpu.memory_space<vmem>> -> memref<1x200x64xf32, #tpu.memory_space<vmem>>
      %dma_start3A_1074 = tpu.memref_squeeze %dma_start3A_1073 : memref<1x200x64xf32, #tpu.memory_space<vmem>> -> memref<200x64xf32, #tpu.memory_space<vmem>>
      %dma_start3A_1075 = arith.constant 0 : i32
      %dma_start3A_1076 = tpu.memref_slice %arg8[%add3A_1069, %dma_start3A_1075] : memref<50x200xi32, #tpu.memory_space<vmem>> -> memref<1x200xi32, #tpu.memory_space<vmem>>
      %dma_start3A_1077 = tpu.memref_squeeze %dma_start3A_1076 : memref<1x200xi32, #tpu.memory_space<vmem>> -> memref<200xi32, #tpu.memory_space<vmem>>
      %dma_start3A_1078 = arith.constant 0 : i32
      %dma_start3A_1079 = arith.constant 0 : i32
      %dma_start3A_1080 = tpu.memref_slice %arg2[%dma_start3A_1078, %dma_start3A_1079] : memref<20000x64xf32, #tpu.memory_space<hbm>> -> memref<20000x64xf32, #tpu.memory_space<hbm>>
      tpu.enqueue_indirect_dma source(%dma_start3A_1080 : memref<20000x64xf32, #tpu.memory_space<hbm>>) target(%dma_start3A_1074 : memref<200x64xf32, #tpu.memory_space<vmem>>) offsets(%dma_start3A_1077 : memref<200xi32, #tpu.memory_space<vmem>>) semaphore(%arg15 : memref<!tpu.dma_semaphore, #tpu.memory_space<semaphore_mem>>)
      %add3A_1081 = arith.constant 3 : i32
      %add3A_1082 = arith.addi %mul3A_866, %add3A_1081 : i32
      %dma_wait3A_1083 = arith.constant 3 : i32
      %dma_wait3A_1084 = arith.constant 0 : i32
      %dma_wait3A_1085 = arith.constant 0 : i32
      %dma_wait3A_1086 = tpu.memref_slice %arg10[%dma_wait3A_1083, %dma_wait3A_1084, %dma_wait3A_1085] : memref<5x200x64xf32, #tpu.memory_space<vmem>> -> memref<1x200x64xf32, #tpu.memory_space<vmem>>
      %dma_wait3A_1087 = tpu.memref_squeeze %dma_wait3A_1086 : memref<1x200x64xf32, #tpu.memory_space<vmem>> -> memref<200x64xf32, #tpu.memory_space<vmem>>
      %dma_wait3A_1088 = arith.constant 0 : i32
      %dma_wait3A_1089 = tpu.memref_slice %arg9[%add3A_1082, %dma_wait3A_1088] : memref<50x200xi32, #tpu.memory_space<vmem>> -> memref<1x200xi32, #tpu.memory_space<vmem>>
      %dma_wait3A_1090 = tpu.memref_squeeze %dma_wait3A_1089 : memref<1x200xi32, #tpu.memory_space<vmem>> -> memref<200xi32, #tpu.memory_space<vmem>>
      %dma_wait3A_1091 = arith.constant 0 : i32
      %dma_wait3A_1092 = arith.constant 0 : i32
      %dma_wait3A_1093 = tpu.memref_slice %arg12[%dma_wait3A_1091, %dma_wait3A_1092] : memref<10000x64xf32, #tpu.memory_space<vmem_shared>> -> memref<10000x64xf32, #tpu.memory_space<vmem_shared>>
      tpu.wait_indirect_dma semaphore(%arg21 : memref<!tpu.dma_semaphore, #tpu.memory_space<semaphore_mem>>) src(%dma_wait3A_1087 : memref<200x64xf32, #tpu.memory_space<vmem>>) dst(%dma_wait3A_1093 : memref<10000x64xf32, #tpu.memory_space<vmem_shared>>)
      %add3A_1094 = arith.constant 5 : i32
      %add3A_1095 = arith.addi %mul3A_866, %add3A_1094 : i32
      %add3A_1096 = arith.constant 3 : i32
      %add3A_1097 = arith.addi %add3A_1095, %add3A_1096 : i32
      %dma_start3A_1098 = arith.constant 3 : i32
      %dma_start3A_1099 = arith.constant 0 : i32
      %dma_start3A_1100 = arith.constant 0 : i32
      %dma_start3A_1101 = tpu.memref_slice %arg10[%dma_start3A_1098, %dma_start3A_1099, %dma_start3A_1100] : memref<5x200x64xf32, #tpu.memory_space<vmem>> -> memref<1x200x64xf32, #tpu.memory_space<vmem>>
      %dma_start3A_1102 = tpu.memref_squeeze %dma_start3A_1101 : memref<1x200x64xf32, #tpu.memory_space<vmem>> -> memref<200x64xf32, #tpu.memory_space<vmem>>
      %dma_start3A_1103 = arith.constant 0 : i32
      %dma_start3A_1104 = tpu.memref_slice %arg8[%add3A_1097, %dma_start3A_1103] : memref<50x200xi32, #tpu.memory_space<vmem>> -> memref<1x200xi32, #tpu.memory_space<vmem>>
      %dma_start3A_1105 = tpu.memref_squeeze %dma_start3A_1104 : memref<1x200xi32, #tpu.memory_space<vmem>> -> memref<200xi32, #tpu.memory_space<vmem>>
      %dma_start3A_1106 = arith.constant 0 : i32
      %dma_start3A_1107 = arith.constant 0 : i32
      %dma_start3A_1108 = tpu.memref_slice %arg2[%dma_start3A_1106, %dma_start3A_1107] : memref<20000x64xf32, #tpu.memory_space<hbm>> -> memref<20000x64xf32, #tpu.memory_space<hbm>>
      tpu.enqueue_indirect_dma source(%dma_start3A_1108 : memref<20000x64xf32, #tpu.memory_space<hbm>>) target(%dma_start3A_1102 : memref<200x64xf32, #tpu.memory_space<vmem>>) offsets(%dma_start3A_1105 : memref<200xi32, #tpu.memory_space<vmem>>) semaphore(%arg16 : memref<!tpu.dma_semaphore, #tpu.memory_space<semaphore_mem>>)
      %add3A_1109 = arith.constant 4 : i32
      %add3A_1110 = arith.addi %mul3A_866, %add3A_1109 : i32
      %dma_wait3A_1111 = arith.constant 4 : i32
      %dma_wait3A_1112 = arith.constant 0 : i32
      %dma_wait3A_1113 = arith.constant 0 : i32
      %dma_wait3A_1114 = tpu.memref_slice %arg10[%dma_wait3A_1111, %dma_wait3A_1112, %dma_wait3A_1113] : memref<5x200x64xf32, #tpu.memory_space<vmem>> -> memref<1x200x64xf32, #tpu.memory_space<vmem>>
      %dma_wait3A_1115 = tpu.memref_squeeze %dma_wait3A_1114 : memref<1x200x64xf32, #tpu.memory_space<vmem>> -> memref<200x64xf32, #tpu.memory_space<vmem>>
      %dma_wait3A_1116 = arith.constant 0 : i32
      %dma_wait3A_1117 = tpu.memref_slice %arg9[%add3A_1110, %dma_wait3A_1116] : memref<50x200xi32, #tpu.memory_space<vmem>> -> memref<1x200xi32, #tpu.memory_space<vmem>>
      %dma_wait3A_1118 = tpu.memref_squeeze %dma_wait3A_1117 : memref<1x200xi32, #tpu.memory_space<vmem>> -> memref<200xi32, #tpu.memory_space<vmem>>
      %dma_wait3A_1119 = arith.constant 0 : i32
      %dma_wait3A_1120 = arith.constant 0 : i32
      %dma_wait3A_1121 = tpu.memref_slice %arg12[%dma_wait3A_1119, %dma_wait3A_1120] : memref<10000x64xf32, #tpu.memory_space<vmem_shared>> -> memref<10000x64xf32, #tpu.memory_space<vmem_shared>>
      tpu.wait_indirect_dma semaphore(%arg22 : memref<!tpu.dma_semaphore, #tpu.memory_space<semaphore_mem>>) src(%dma_wait3A_1115 : memref<200x64xf32, #tpu.memory_space<vmem>>) dst(%dma_wait3A_1121 : memref<10000x64xf32, #tpu.memory_space<vmem_shared>>)
      %add3A_1122 = arith.constant 5 : i32
      %add3A_1123 = arith.addi %mul3A_866, %add3A_1122 : i32
      %add3A_1124 = arith.constant 4 : i32
      %add3A_1125 = arith.addi %add3A_1123, %add3A_1124 : i32
      %dma_start3A_1126 = arith.constant 4 : i32
      %dma_start3A_1127 = arith.constant 0 : i32
      %dma_start3A_1128 = arith.constant 0 : i32
      %dma_start3A_1129 = tpu.memref_slice %arg10[%dma_start3A_1126, %dma_start3A_1127, %dma_start3A_1128] : memref<5x200x64xf32, #tpu.memory_space<vmem>> -> memref<1x200x64xf32, #tpu.memory_space<vmem>>
      %dma_start3A_1130 = tpu.memref_squeeze %dma_start3A_1129 : memref<1x200x64xf32, #tpu.memory_space<vmem>> -> memref<200x64xf32, #tpu.memory_space<vmem>>
      %dma_start3A_1131 = arith.constant 0 : i32
      %dma_start3A_1132 = tpu.memref_slice %arg8[%add3A_1125, %dma_start3A_1131] : memref<50x200xi32, #tpu.memory_space<vmem>> -> memref<1x200xi32, #tpu.memory_space<vmem>>
      %dma_start3A_1133 = tpu.memref_squeeze %dma_start3A_1132 : memref<1x200xi32, #tpu.memory_space<vmem>> -> memref<200xi32, #tpu.memory_space<vmem>>
      %dma_start3A_1134 = arith.constant 0 : i32
      %dma_start3A_1135 = arith.constant 0 : i32
      %dma_start3A_1136 = tpu.memref_slice %arg2[%dma_start3A_1134, %dma_start3A_1135] : memref<20000x64xf32, #tpu.memory_space<hbm>> -> memref<20000x64xf32, #tpu.memory_space<hbm>>
      tpu.enqueue_indirect_dma source(%dma_start3A_1136 : memref<20000x64xf32, #tpu.memory_space<hbm>>) target(%dma_start3A_1130 : memref<200x64xf32, #tpu.memory_space<vmem>>) offsets(%dma_start3A_1133 : memref<200xi32, #tpu.memory_space<vmem>>) semaphore(%arg17 : memref<!tpu.dma_semaphore, #tpu.memory_space<semaphore_mem>>)
    }
    %scan3A_74 = arith.constant 9 : i32
    %dma_wait3A_75 = arith.constant 45 : i32
    %dma_wait3A_76 = arith.constant 0 : i32
    %dma_wait3A_77 = arith.constant 0 : i32
    %dma_wait3A_78 = arith.constant 0 : i32
    %dma_wait3A_79 = tpu.memref_slice %arg10[%dma_wait3A_76, %dma_wait3A_77, %dma_wait3A_78] : memref<5x200x64xf32, #tpu.memory_space<vmem>> -> memref<1x200x64xf32, #tpu.memory_space<vmem>>
    %dma_wait3A_80 = tpu.memref_squeeze %dma_wait3A_79 : memref<1x200x64xf32, #tpu.memory_space<vmem>> -> memref<200x64xf32, #tpu.memory_space<vmem>>
    %dma_wait3A_81 = arith.constant 0 : i32
    %dma_wait3A_82 = tpu.memref_slice %arg8[%dma_wait3A_75, %dma_wait3A_81] : memref<50x200xi32, #tpu.memory_space<vmem>> -> memref<1x200xi32, #tpu.memory_space<vmem>>
    %dma_wait3A_83 = tpu.memref_squeeze %dma_wait3A_82 : memref<1x200xi32, #tpu.memory_space<vmem>> -> memref<200xi32, #tpu.memory_space<vmem>>
    %dma_wait3A_84 = arith.constant 0 : i32
    %dma_wait3A_85 = arith.constant 0 : i32
    %dma_wait3A_86 = tpu.memref_slice %arg2[%dma_wait3A_84, %dma_wait3A_85] : memref<20000x64xf32, #tpu.memory_space<hbm>> -> memref<20000x64xf32, #tpu.memory_space<hbm>>
    tpu.wait_indirect_dma semaphore(%arg13 : memref<!tpu.dma_semaphore, #tpu.memory_space<semaphore_mem>>) src(%dma_wait3A_86 : memref<20000x64xf32, #tpu.memory_space<hbm>>) dst(%dma_wait3A_80 : memref<200x64xf32, #tpu.memory_space<vmem>>)
    %dma_start3A_87 = arith.constant 0 : i32
    %dma_start3A_88 = arith.constant 45 : i32
    %dma_start3A_89 = arith.constant 0 : i32
    %dma_start3A_90 = arith.constant 0 : i32
    %dma_start3A_91 = tpu.memref_slice %arg10[%dma_start3A_87, %dma_start3A_89, %dma_start3A_90] : memref<5x200x64xf32, #tpu.memory_space<vmem>> -> memref<1x200x64xf32, #tpu.memory_space<vmem>>
    %dma_start3A_92 = tpu.memref_squeeze %dma_start3A_91 : memref<1x200x64xf32, #tpu.memory_space<vmem>> -> memref<200x64xf32, #tpu.memory_space<vmem>>
    %dma_start3A_93 = arith.constant 0 : i32
    %dma_start3A_94 = tpu.memref_slice %arg9[%dma_start3A_88, %dma_start3A_93] : memref<50x200xi32, #tpu.memory_space<vmem>> -> memref<1x200xi32, #tpu.memory_space<vmem>>
    %dma_start3A_95 = tpu.memref_squeeze %dma_start3A_94 : memref<1x200xi32, #tpu.memory_space<vmem>> -> memref<200xi32, #tpu.memory_space<vmem>>
    %dma_start3A_96 = arith.constant 0 : i32
    %dma_start3A_97 = arith.constant 0 : i32
    %dma_start3A_98 = tpu.memref_slice %arg12[%dma_start3A_96, %dma_start3A_97] : memref<10000x64xf32, #tpu.memory_space<vmem_shared>> -> memref<10000x64xf32, #tpu.memory_space<vmem_shared>>
    tpu.enqueue_indirect_dma source(%dma_start3A_92 : memref<200x64xf32, #tpu.memory_space<vmem>>) target(%dma_start3A_98 : memref<10000x64xf32, #tpu.memory_space<vmem_shared>>) offsets(%dma_start3A_95 : memref<200xi32, #tpu.memory_space<vmem>>) semaphore(%arg18 : memref<!tpu.dma_semaphore, #tpu.memory_space<semaphore_mem>>) {add = true}
    %dma_wait3A_99 = arith.constant 46 : i32
    %dma_wait3A_100 = arith.constant 1 : i32
    %dma_wait3A_101 = arith.constant 0 : i32
    %dma_wait3A_102 = arith.constant 0 : i32
    %dma_wait3A_103 = tpu.memref_slice %arg10[%dma_wait3A_100, %dma_wait3A_101, %dma_wait3A_102] : memref<5x200x64xf32, #tpu.memory_space<vmem>> -> memref<1x200x64xf32, #tpu.memory_space<vmem>>
    %dma_wait3A_104 = tpu.memref_squeeze %dma_wait3A_103 : memref<1x200x64xf32, #tpu.memory_space<vmem>> -> memref<200x64xf32, #tpu.memory_space<vmem>>
    %dma_wait3A_105 = arith.constant 0 : i32
    %dma_wait3A_106 = tpu.memref_slice %arg8[%dma_wait3A_99, %dma_wait3A_105] : memref<50x200xi32, #tpu.memory_space<vmem>> -> memref<1x200xi32, #tpu.memory_space<vmem>>
    %dma_wait3A_107 = tpu.memref_squeeze %dma_wait3A_106 : memref<1x200xi32, #tpu.memory_space<vmem>> -> memref<200xi32, #tpu.memory_space<vmem>>
    %dma_wait3A_108 = arith.constant 0 : i32
    %dma_wait3A_109 = arith.constant 0 : i32
    %dma_wait3A_110 = tpu.memref_slice %arg2[%dma_wait3A_108, %dma_wait3A_109] : memref<20000x64xf32, #tpu.memory_space<hbm>> -> memref<20000x64xf32, #tpu.memory_space<hbm>>
    tpu.wait_indirect_dma semaphore(%arg14 : memref<!tpu.dma_semaphore, #tpu.memory_space<semaphore_mem>>) src(%dma_wait3A_110 : memref<20000x64xf32, #tpu.memory_space<hbm>>) dst(%dma_wait3A_104 : memref<200x64xf32, #tpu.memory_space<vmem>>)
    %dma_start3A_111 = arith.constant 1 : i32
    %dma_start3A_112 = arith.constant 46 : i32
    %dma_start3A_113 = arith.constant 0 : i32
    %dma_start3A_114 = arith.constant 0 : i32
    %dma_start3A_115 = tpu.memref_slice %arg10[%dma_start3A_111, %dma_start3A_113, %dma_start3A_114] : memref<5x200x64xf32, #tpu.memory_space<vmem>> -> memref<1x200x64xf32, #tpu.memory_space<vmem>>
    %dma_start3A_116 = tpu.memref_squeeze %dma_start3A_115 : memref<1x200x64xf32, #tpu.memory_space<vmem>> -> memref<200x64xf32, #tpu.memory_space<vmem>>
    %dma_start3A_117 = arith.constant 0 : i32
    %dma_start3A_118 = tpu.memref_slice %arg9[%dma_start3A_112, %dma_start3A_117] : memref<50x200xi32, #tpu.memory_space<vmem>> -> memref<1x200xi32, #tpu.memory_space<vmem>>
    %dma_start3A_119 = tpu.memref_squeeze %dma_start3A_118 : memref<1x200xi32, #tpu.memory_space<vmem>> -> memref<200xi32, #tpu.memory_space<vmem>>
    %dma_start3A_120 = arith.constant 0 : i32
    %dma_start3A_121 = arith.constant 0 : i32
    %dma_start3A_122 = tpu.memref_slice %arg12[%dma_start3A_120, %dma_start3A_121] : memref<10000x64xf32, #tpu.memory_space<vmem_shared>> -> memref<10000x64xf32, #tpu.memory_space<vmem_shared>>
    tpu.enqueue_indirect_dma source(%dma_start3A_116 : memref<200x64xf32, #tpu.memory_space<vmem>>) target(%dma_start3A_122 : memref<10000x64xf32, #tpu.memory_space<vmem_shared>>) offsets(%dma_start3A_119 : memref<200xi32, #tpu.memory_space<vmem>>) semaphore(%arg19 : memref<!tpu.dma_semaphore, #tpu.memory_space<semaphore_mem>>) {add = true}
    %dma_wait3A_123 = arith.constant 47 : i32
    %dma_wait3A_124 = arith.constant 2 : i32
    %dma_wait3A_125 = arith.constant 0 : i32
    %dma_wait3A_126 = arith.constant 0 : i32
    %dma_wait3A_127 = tpu.memref_slice %arg10[%dma_wait3A_124, %dma_wait3A_125, %dma_wait3A_126] : memref<5x200x64xf32, #tpu.memory_space<vmem>> -> memref<1x200x64xf32, #tpu.memory_space<vmem>>
    %dma_wait3A_128 = tpu.memref_squeeze %dma_wait3A_127 : memref<1x200x64xf32, #tpu.memory_space<vmem>> -> memref<200x64xf32, #tpu.memory_space<vmem>>
    %dma_wait3A_129 = arith.constant 0 : i32
    %dma_wait3A_130 = tpu.memref_slice %arg8[%dma_wait3A_123, %dma_wait3A_129] : memref<50x200xi32, #tpu.memory_space<vmem>> -> memref<1x200xi32, #tpu.memory_space<vmem>>
    %dma_wait3A_131 = tpu.memref_squeeze %dma_wait3A_130 : memref<1x200xi32, #tpu.memory_space<vmem>> -> memref<200xi32, #tpu.memory_space<vmem>>
    %dma_wait3A_132 = arith.constant 0 : i32
    %dma_wait3A_133 = arith.constant 0 : i32
    %dma_wait3A_134 = tpu.memref_slice %arg2[%dma_wait3A_132, %dma_wait3A_133] : memref<20000x64xf32, #tpu.memory_space<hbm>> -> memref<20000x64xf32, #tpu.memory_space<hbm>>
    tpu.wait_indirect_dma semaphore(%arg15 : memref<!tpu.dma_semaphore, #tpu.memory_space<semaphore_mem>>) src(%dma_wait3A_134 : memref<20000x64xf32, #tpu.memory_space<hbm>>) dst(%dma_wait3A_128 : memref<200x64xf32, #tpu.memory_space<vmem>>)
    %dma_start3A_135 = arith.constant 2 : i32
    %dma_start3A_136 = arith.constant 47 : i32
    %dma_start3A_137 = arith.constant 0 : i32
    %dma_start3A_138 = arith.constant 0 : i32
    %dma_start3A_139 = tpu.memref_slice %arg10[%dma_start3A_135, %dma_start3A_137, %dma_start3A_138] : memref<5x200x64xf32, #tpu.memory_space<vmem>> -> memref<1x200x64xf32, #tpu.memory_space<vmem>>
    %dma_start3A_140 = tpu.memref_squeeze %dma_start3A_139 : memref<1x200x64xf32, #tpu.memory_space<vmem>> -> memref<200x64xf32, #tpu.memory_space<vmem>>
    %dma_start3A_141 = arith.constant 0 : i32
    %dma_start3A_142 = tpu.memref_slice %arg9[%dma_start3A_136, %dma_start3A_141] : memref<50x200xi32, #tpu.memory_space<vmem>> -> memref<1x200xi32, #tpu.memory_space<vmem>>
    %dma_start3A_143 = tpu.memref_squeeze %dma_start3A_142 : memref<1x200xi32, #tpu.memory_space<vmem>> -> memref<200xi32, #tpu.memory_space<vmem>>
    %dma_start3A_144 = arith.constant 0 : i32
    %dma_start3A_145 = arith.constant 0 : i32
    %dma_start3A_146 = tpu.memref_slice %arg12[%dma_start3A_144, %dma_start3A_145] : memref<10000x64xf32, #tpu.memory_space<vmem_shared>> -> memref<10000x64xf32, #tpu.memory_space<vmem_shared>>
    tpu.enqueue_indirect_dma source(%dma_start3A_140 : memref<200x64xf32, #tpu.memory_space<vmem>>) target(%dma_start3A_146 : memref<10000x64xf32, #tpu.memory_space<vmem_shared>>) offsets(%dma_start3A_143 : memref<200xi32, #tpu.memory_space<vmem>>) semaphore(%arg20 : memref<!tpu.dma_semaphore, #tpu.memory_space<semaphore_mem>>) {add = true}
    %dma_wait3A_147 = arith.constant 48 : i32
    %dma_wait3A_148 = arith.constant 3 : i32
    %dma_wait3A_149 = arith.constant 0 : i32
    %dma_wait3A_150 = arith.constant 0 : i32
    %dma_wait3A_151 = tpu.memref_slice %arg10[%dma_wait3A_148, %dma_wait3A_149, %dma_wait3A_150] : memref<5x200x64xf32, #tpu.memory_space<vmem>> -> memref<1x200x64xf32, #tpu.memory_space<vmem>>
    %dma_wait3A_152 = tpu.memref_squeeze %dma_wait3A_151 : memref<1x200x64xf32, #tpu.memory_space<vmem>> -> memref<200x64xf32, #tpu.memory_space<vmem>>
    %dma_wait3A_153 = arith.constant 0 : i32
    %dma_wait3A_154 = tpu.memref_slice %arg8[%dma_wait3A_147, %dma_wait3A_153] : memref<50x200xi32, #tpu.memory_space<vmem>> -> memref<1x200xi32, #tpu.memory_space<vmem>>
    %dma_wait3A_155 = tpu.memref_squeeze %dma_wait3A_154 : memref<1x200xi32, #tpu.memory_space<vmem>> -> memref<200xi32, #tpu.memory_space<vmem>>
    %dma_wait3A_156 = arith.constant 0 : i32
    %dma_wait3A_157 = arith.constant 0 : i32
    %dma_wait3A_158 = tpu.memref_slice %arg2[%dma_wait3A_156, %dma_wait3A_157] : memref<20000x64xf32, #tpu.memory_space<hbm>> -> memref<20000x64xf32, #tpu.memory_space<hbm>>
    tpu.wait_indirect_dma semaphore(%arg16 : memref<!tpu.dma_semaphore, #tpu.memory_space<semaphore_mem>>) src(%dma_wait3A_158 : memref<20000x64xf32, #tpu.memory_space<hbm>>) dst(%dma_wait3A_152 : memref<200x64xf32, #tpu.memory_space<vmem>>)
    %dma_start3A_159 = arith.constant 3 : i32
    %dma_start3A_160 = arith.constant 48 : i32
    %dma_start3A_161 = arith.constant 0 : i32
    %dma_start3A_162 = arith.constant 0 : i32
    %dma_start3A_163 = tpu.memref_slice %arg10[%dma_start3A_159, %dma_start3A_161, %dma_start3A_162] : memref<5x200x64xf32, #tpu.memory_space<vmem>> -> memref<1x200x64xf32, #tpu.memory_space<vmem>>
    %dma_start3A_164 = tpu.memref_squeeze %dma_start3A_163 : memref<1x200x64xf32, #tpu.memory_space<vmem>> -> memref<200x64xf32, #tpu.memory_space<vmem>>
    %dma_start3A_165 = arith.constant 0 : i32
    %dma_start3A_166 = tpu.memref_slice %arg9[%dma_start3A_160, %dma_start3A_165] : memref<50x200xi32, #tpu.memory_space<vmem>> -> memref<1x200xi32, #tpu.memory_space<vmem>>
    %dma_start3A_167 = tpu.memref_squeeze %dma_start3A_166 : memref<1x200xi32, #tpu.memory_space<vmem>> -> memref<200xi32, #tpu.memory_space<vmem>>
    %dma_start3A_168 = arith.constant 0 : i32
    %dma_start3A_169 = arith.constant 0 : i32
    %dma_start3A_170 = tpu.memref_slice %arg12[%dma_start3A_168, %dma_start3A_169] : memref<10000x64xf32, #tpu.memory_space<vmem_shared>> -> memref<10000x64xf32, #tpu.memory_space<vmem_shared>>
    tpu.enqueue_indirect_dma source(%dma_start3A_164 : memref<200x64xf32, #tpu.memory_space<vmem>>) target(%dma_start3A_170 : memref<10000x64xf32, #tpu.memory_space<vmem_shared>>) offsets(%dma_start3A_167 : memref<200xi32, #tpu.memory_space<vmem>>) semaphore(%arg21 : memref<!tpu.dma_semaphore, #tpu.memory_space<semaphore_mem>>) {add = true}
    %dma_wait3A_171 = arith.constant 49 : i32
    %dma_wait3A_172 = arith.constant 4 : i32
    %dma_wait3A_173 = arith.constant 0 : i32
    %dma_wait3A_174 = arith.constant 0 : i32
    %dma_wait3A_175 = tpu.memref_slice %arg10[%dma_wait3A_172, %dma_wait3A_173, %dma_wait3A_174] : memref<5x200x64xf32, #tpu.memory_space<vmem>> -> memref<1x200x64xf32, #tpu.memory_space<vmem>>
    %dma_wait3A_176 = tpu.memref_squeeze %dma_wait3A_175 : memref<1x200x64xf32, #tpu.memory_space<vmem>> -> memref<200x64xf32, #tpu.memory_space<vmem>>
    %dma_wait3A_177 = arith.constant 0 : i32
    %dma_wait3A_178 = tpu.memref_slice %arg8[%dma_wait3A_171, %dma_wait3A_177] : memref<50x200xi32, #tpu.memory_space<vmem>> -> memref<1x200xi32, #tpu.memory_space<vmem>>
    %dma_wait3A_179 = tpu.memref_squeeze %dma_wait3A_178 : memref<1x200xi32, #tpu.memory_space<vmem>> -> memref<200xi32, #tpu.memory_space<vmem>>
    %dma_wait3A_180 = arith.constant 0 : i32
    %dma_wait3A_181 = arith.constant 0 : i32
    %dma_wait3A_182 = tpu.memref_slice %arg2[%dma_wait3A_180, %dma_wait3A_181] : memref<20000x64xf32, #tpu.memory_space<hbm>> -> memref<20000x64xf32, #tpu.memory_space<hbm>>
    tpu.wait_indirect_dma semaphore(%arg17 : memref<!tpu.dma_semaphore, #tpu.memory_space<semaphore_mem>>) src(%dma_wait3A_182 : memref<20000x64xf32, #tpu.memory_space<hbm>>) dst(%dma_wait3A_176 : memref<200x64xf32, #tpu.memory_space<vmem>>)
    %dma_start3A_183 = arith.constant 4 : i32
    %dma_start3A_184 = arith.constant 49 : i32
    %dma_start3A_185 = arith.constant 0 : i32
    %dma_start3A_186 = arith.constant 0 : i32
    %dma_start3A_187 = tpu.memref_slice %arg10[%dma_start3A_183, %dma_start3A_185, %dma_start3A_186] : memref<5x200x64xf32, #tpu.memory_space<vmem>> -> memref<1x200x64xf32, #tpu.memory_space<vmem>>
    %dma_start3A_188 = tpu.memref_squeeze %dma_start3A_187 : memref<1x200x64xf32, #tpu.memory_space<vmem>> -> memref<200x64xf32, #tpu.memory_space<vmem>>
    %dma_start3A_189 = arith.constant 0 : i32
    %dma_start3A_190 = tpu.memref_slice %arg9[%dma_start3A_184, %dma_start3A_189] : memref<50x200xi32, #tpu.memory_space<vmem>> -> memref<1x200xi32, #tpu.memory_space<vmem>>
    %dma_start3A_191 = tpu.memref_squeeze %dma_start3A_190 : memref<1x200xi32, #tpu.memory_space<vmem>> -> memref<200xi32, #tpu.memory_space<vmem>>
    %dma_start3A_192 = arith.constant 0 : i32
    %dma_start3A_193 = arith.constant 0 : i32
    %dma_start3A_194 = tpu.memref_slice %arg12[%dma_start3A_192, %dma_start3A_193] : memref<10000x64xf32, #tpu.memory_space<vmem_shared>> -> memref<10000x64xf32, #tpu.memory_space<vmem_shared>>
    tpu.enqueue_indirect_dma source(%dma_start3A_188 : memref<200x64xf32, #tpu.memory_space<vmem>>) target(%dma_start3A_194 : memref<10000x64xf32, #tpu.memory_space<vmem_shared>>) offsets(%dma_start3A_191 : memref<200xi32, #tpu.memory_space<vmem>>) semaphore(%arg22 : memref<!tpu.dma_semaphore, #tpu.memory_space<semaphore_mem>>) {add = true}
    %dma_wait3A_195 = arith.constant 0 : i32
    %dma_wait3A_196 = arith.constant 45 : i32
    %dma_wait3A_197 = arith.constant 0 : i32
    %dma_wait3A_198 = arith.constant 0 : i32
    %dma_wait3A_199 = tpu.memref_slice %arg10[%dma_wait3A_195, %dma_wait3A_197, %dma_wait3A_198] : memref<5x200x64xf32, #tpu.memory_space<vmem>> -> memref<1x200x64xf32, #tpu.memory_space<vmem>>
    %dma_wait3A_200 = tpu.memref_squeeze %dma_wait3A_199 : memref<1x200x64xf32, #tpu.memory_space<vmem>> -> memref<200x64xf32, #tpu.memory_space<vmem>>
    %dma_wait3A_201 = arith.constant 0 : i32
    %dma_wait3A_202 = tpu.memref_slice %arg9[%dma_wait3A_196, %dma_wait3A_201] : memref<50x200xi32, #tpu.memory_space<vmem>> -> memref<1x200xi32, #tpu.memory_space<vmem>>
    %dma_wait3A_203 = tpu.memref_squeeze %dma_wait3A_202 : memref<1x200xi32, #tpu.memory_space<vmem>> -> memref<200xi32, #tpu.memory_space<vmem>>
    %dma_wait3A_204 = arith.constant 0 : i32
    %dma_wait3A_205 = arith.constant 0 : i32
    %dma_wait3A_206 = tpu.memref_slice %arg12[%dma_wait3A_204, %dma_wait3A_205] : memref<10000x64xf32, #tpu.memory_space<vmem_shared>> -> memref<10000x64xf32, #tpu.memory_space<vmem_shared>>
    tpu.wait_indirect_dma semaphore(%arg18 : memref<!tpu.dma_semaphore, #tpu.memory_space<semaphore_mem>>) src(%dma_wait3A_200 : memref<200x64xf32, #tpu.memory_space<vmem>>) dst(%dma_wait3A_206 : memref<10000x64xf32, #tpu.memory_space<vmem_shared>>)
    %dma_wait3A_207 = arith.constant 1 : i32
    %dma_wait3A_208 = arith.constant 46 : i32
    %dma_wait3A_209 = arith.constant 0 : i32
    %dma_wait3A_210 = arith.constant 0 : i32
    %dma_wait3A_211 = tpu.memref_slice %arg10[%dma_wait3A_207, %dma_wait3A_209, %dma_wait3A_210] : memref<5x200x64xf32, #tpu.memory_space<vmem>> -> memref<1x200x64xf32, #tpu.memory_space<vmem>>
    %dma_wait3A_212 = tpu.memref_squeeze %dma_wait3A_211 : memref<1x200x64xf32, #tpu.memory_space<vmem>> -> memref<200x64xf32, #tpu.memory_space<vmem>>
    %dma_wait3A_213 = arith.constant 0 : i32
    %dma_wait3A_214 = tpu.memref_slice %arg9[%dma_wait3A_208, %dma_wait3A_213] : memref<50x200xi32, #tpu.memory_space<vmem>> -> memref<1x200xi32, #tpu.memory_space<vmem>>
    %dma_wait3A_215 = tpu.memref_squeeze %dma_wait3A_214 : memref<1x200xi32, #tpu.memory_space<vmem>> -> memref<200xi32, #tpu.memory_space<vmem>>
    %dma_wait3A_216 = arith.constant 0 : i32
    %dma_wait3A_217 = arith.constant 0 : i32
    %dma_wait3A_218 = tpu.memref_slice %arg12[%dma_wait3A_216, %dma_wait3A_217] : memref<10000x64xf32, #tpu.memory_space<vmem_shared>> -> memref<10000x64xf32, #tpu.memory_space<vmem_shared>>
    tpu.wait_indirect_dma semaphore(%arg19 : memref<!tpu.dma_semaphore, #tpu.memory_space<semaphore_mem>>) src(%dma_wait3A_212 : memref<200x64xf32, #tpu.memory_space<vmem>>) dst(%dma_wait3A_218 : memref<10000x64xf32, #tpu.memory_space<vmem_shared>>)
    %dma_wait3A_219 = arith.constant 2 : i32
    %dma_wait3A_220 = arith.constant 47 : i32
    %dma_wait3A_221 = arith.constant 0 : i32
    %dma_wait3A_222 = arith.constant 0 : i32
    %dma_wait3A_223 = tpu.memref_slice %arg10[%dma_wait3A_219, %dma_wait3A_221, %dma_wait3A_222] : memref<5x200x64xf32, #tpu.memory_space<vmem>> -> memref<1x200x64xf32, #tpu.memory_space<vmem>>
    %dma_wait3A_224 = tpu.memref_squeeze %dma_wait3A_223 : memref<1x200x64xf32, #tpu.memory_space<vmem>> -> memref<200x64xf32, #tpu.memory_space<vmem>>
    %dma_wait3A_225 = arith.constant 0 : i32
    %dma_wait3A_226 = tpu.memref_slice %arg9[%dma_wait3A_220, %dma_wait3A_225] : memref<50x200xi32, #tpu.memory_space<vmem>> -> memref<1x200xi32, #tpu.memory_space<vmem>>
    %dma_wait3A_227 = tpu.memref_squeeze %dma_wait3A_226 : memref<1x200xi32, #tpu.memory_space<vmem>> -> memref<200xi32, #tpu.memory_space<vmem>>
    %dma_wait3A_228 = arith.constant 0 : i32
    %dma_wait3A_229 = arith.constant 0 : i32
    %dma_wait3A_230 = tpu.memref_slice %arg12[%dma_wait3A_228, %dma_wait3A_229] : memref<10000x64xf32, #tpu.memory_space<vmem_shared>> -> memref<10000x64xf32, #tpu.memory_space<vmem_shared>>
    tpu.wait_indirect_dma semaphore(%arg20 : memref<!tpu.dma_semaphore, #tpu.memory_space<semaphore_mem>>) src(%dma_wait3A_224 : memref<200x64xf32, #tpu.memory_space<vmem>>) dst(%dma_wait3A_230 : memref<10000x64xf32, #tpu.memory_space<vmem_shared>>)
    %dma_wait3A_231 = arith.constant 3 : i32
    %dma_wait3A_232 = arith.constant 48 : i32
    %dma_wait3A_233 = arith.constant 0 : i32
    %dma_wait3A_234 = arith.constant 0 : i32
    %dma_wait3A_235 = tpu.memref_slice %arg10[%dma_wait3A_231, %dma_wait3A_233, %dma_wait3A_234] : memref<5x200x64xf32, #tpu.memory_space<vmem>> -> memref<1x200x64xf32, #tpu.memory_space<vmem>>
    %dma_wait3A_236 = tpu.memref_squeeze %dma_wait3A_235 : memref<1x200x64xf32, #tpu.memory_space<vmem>> -> memref<200x64xf32, #tpu.memory_space<vmem>>
    %dma_wait3A_237 = arith.constant 0 : i32
    %dma_wait3A_238 = tpu.memref_slice %arg9[%dma_wait3A_232, %dma_wait3A_237] : memref<50x200xi32, #tpu.memory_space<vmem>> -> memref<1x200xi32, #tpu.memory_space<vmem>>
    %dma_wait3A_239 = tpu.memref_squeeze %dma_wait3A_238 : memref<1x200xi32, #tpu.memory_space<vmem>> -> memref<200xi32, #tpu.memory_space<vmem>>
    %dma_wait3A_240 = arith.constant 0 : i32
    %dma_wait3A_241 = arith.constant 0 : i32
    %dma_wait3A_242 = tpu.memref_slice %arg12[%dma_wait3A_240, %dma_wait3A_241] : memref<10000x64xf32, #tpu.memory_space<vmem_shared>> -> memref<10000x64xf32, #tpu.memory_space<vmem_shared>>
    tpu.wait_indirect_dma semaphore(%arg21 : memref<!tpu.dma_semaphore, #tpu.memory_space<semaphore_mem>>) src(%dma_wait3A_236 : memref<200x64xf32, #tpu.memory_space<vmem>>) dst(%dma_wait3A_242 : memref<10000x64xf32, #tpu.memory_space<vmem_shared>>)
    %dma_wait3A_243 = arith.constant 4 : i32
    %dma_wait3A_244 = arith.constant 49 : i32
    %dma_wait3A_245 = arith.constant 0 : i32
    %dma_wait3A_246 = arith.constant 0 : i32
    %dma_wait3A_247 = tpu.memref_slice %arg10[%dma_wait3A_243, %dma_wait3A_245, %dma_wait3A_246] : memref<5x200x64xf32, #tpu.memory_space<vmem>> -> memref<1x200x64xf32, #tpu.memory_space<vmem>>
    %dma_wait3A_248 = tpu.memref_squeeze %dma_wait3A_247 : memref<1x200x64xf32, #tpu.memory_space<vmem>> -> memref<200x64xf32, #tpu.memory_space<vmem>>
    %dma_wait3A_249 = arith.constant 0 : i32
    %dma_wait3A_250 = tpu.memref_slice %arg9[%dma_wait3A_244, %dma_wait3A_249] : memref<50x200xi32, #tpu.memory_space<vmem>> -> memref<1x200xi32, #tpu.memory_space<vmem>>
    %dma_wait3A_251 = tpu.memref_squeeze %dma_wait3A_250 : memref<1x200xi32, #tpu.memory_space<vmem>> -> memref<200xi32, #tpu.memory_space<vmem>>
    %dma_wait3A_252 = arith.constant 0 : i32
    %dma_wait3A_253 = arith.constant 0 : i32
    %dma_wait3A_254 = tpu.memref_slice %arg12[%dma_wait3A_252, %dma_wait3A_253] : memref<10000x64xf32, #tpu.memory_space<vmem_shared>> -> memref<10000x64xf32, #tpu.memory_space<vmem_shared>>
    tpu.wait_indirect_dma semaphore(%arg22 : memref<!tpu.dma_semaphore, #tpu.memory_space<semaphore_mem>>) src(%dma_wait3A_248 : memref<200x64xf32, #tpu.memory_space<vmem>>) dst(%dma_wait3A_254 : memref<10000x64xf32, #tpu.memory_space<vmem_shared>>)
    %add3A_255 = arith.constant 50 : i32
    %add3A_256 = arith.addi %mul3A_5, %add3A_255 : i32
    "tpu.region"() ({
      %run_scoped3A = tpu.sem_alloc : memref<!tpu.dma_semaphore, #tpu.memory_space<semaphore_mem>>
      %dma_start3A_864 = arith.constant 0 : i32
      %dma_start3A_865 = tpu.memref_slice %arg3[%arg0, %add3A_256, %dma_start3A_864] : memref<2x1600x200xi32, #tpu.memory_space<hbm>> -> memref<1x50x200xi32, #tpu.memory_space<hbm>>
      %dma_start3A_866 = tpu.memref_squeeze %dma_start3A_865 : memref<1x50x200xi32, #tpu.memory_space<hbm>> -> memref<50x200xi32, #tpu.memory_space<hbm>>
      %dma_start3A_867 = arith.constant 0 : i32
      %dma_start3A_868 = tpu.memref_slice %arg3[%arg0, %add3A_256, %dma_start3A_867] : memref<2x1600x200xi32, #tpu.memory_space<hbm>> -> memref<1x50x200xi32, #tpu.memory_space<hbm>>
      %dma_start3A_869 = tpu.memref_squeeze %dma_start3A_868 : memref<1x50x200xi32, #tpu.memory_space<hbm>> -> memref<50x200xi32, #tpu.memory_space<hbm>>
      tpu.enqueue_dma source(%dma_start3A_869 : memref<50x200xi32, #tpu.memory_space<hbm>>) target(%arg8 : memref<50x200xi32, #tpu.memory_space<vmem>>) target_semaphore(%run_scoped3A : memref<!tpu.dma_semaphore, #tpu.memory_space<semaphore_mem>>)
      %dma_wait3A_870 = arith.constant 0 : i32
      %dma_wait3A_871 = tpu.memref_slice %arg3[%arg0, %add3A_256, %dma_wait3A_870] : memref<2x1600x200xi32, #tpu.memory_space<hbm>> -> memref<1x50x200xi32, #tpu.memory_space<hbm>>
      %dma_wait3A_872 = tpu.memref_squeeze %dma_wait3A_871 : memref<1x50x200xi32, #tpu.memory_space<hbm>> -> memref<50x200xi32, #tpu.memory_space<hbm>>
      %dma_wait3A_873 = arith.constant 0 : i32
      %dma_wait3A_874 = tpu.memref_slice %arg3[%arg0, %add3A_256, %dma_wait3A_873] : memref<2x1600x200xi32, #tpu.memory_space<hbm>> -> memref<1x50x200xi32, #tpu.memory_space<hbm>>
      %dma_wait3A_875 = tpu.memref_squeeze %dma_wait3A_874 : memref<1x50x200xi32, #tpu.memory_space<hbm>> -> memref<50x200xi32, #tpu.memory_space<hbm>>
      tpu.wait_dma2 semaphore(%run_scoped3A : memref<!tpu.dma_semaphore, #tpu.memory_space<semaphore_mem>>) src(%dma_wait3A_875 : memref<50x200xi32, #tpu.memory_space<hbm>>) dst(%arg8 : memref<50x200xi32, #tpu.memory_space<vmem>>)
      tpu.yield
    }) : () -> ()
    "tpu.region"() ({
      %run_scoped3A = tpu.sem_alloc : memref<!tpu.dma_semaphore, #tpu.memory_space<semaphore_mem>>
      %dma_start3A_864 = arith.constant 0 : i32
      %dma_start3A_865 = tpu.memref_slice %arg4[%add3A_256, %dma_start3A_864] : memref<1600x200xi32, #tpu.memory_space<hbm>> -> memref<50x200xi32, #tpu.memory_space<hbm>>
      %dma_start3A_866 = arith.constant 0 : i32
      %dma_start3A_867 = tpu.memref_slice %arg4[%add3A_256, %dma_start3A_866] : memref<1600x200xi32, #tpu.memory_space<hbm>> -> memref<50x200xi32, #tpu.memory_space<hbm>>
      tpu.enqueue_dma source(%dma_start3A_867 : memref<50x200xi32, #tpu.memory_space<hbm>>) target(%arg9 : memref<50x200xi32, #tpu.memory_space<vmem>>) target_semaphore(%run_scoped3A : memref<!tpu.dma_semaphore, #tpu.memory_space<semaphore_mem>>)
      %dma_wait3A_868 = arith.constant 0 : i32
      %dma_wait3A_869 = tpu.memref_slice %arg4[%add3A_256, %dma_wait3A_868] : memref<1600x200xi32, #tpu.memory_space<hbm>> -> memref<50x200xi32, #tpu.memory_space<hbm>>
      %dma_wait3A_870 = arith.constant 0 : i32
      %dma_wait3A_871 = tpu.memref_slice %arg4[%add3A_256, %dma_wait3A_870] : memref<1600x200xi32, #tpu.memory_space<hbm>> -> memref<50x200xi32, #tpu.memory_space<hbm>>
      tpu.wait_dma2 semaphore(%run_scoped3A : memref<!tpu.dma_semaphore, #tpu.memory_space<semaphore_mem>>) src(%dma_wait3A_871 : memref<50x200xi32, #tpu.memory_space<hbm>>) dst(%arg9 : memref<50x200xi32, #tpu.memory_space<vmem>>)
      tpu.yield
    }) : () -> ()
    %dma_start3A_257 = arith.constant 0 : i32
    %dma_start3A_258 = arith.constant 0 : i32
    %dma_start3A_259 = arith.constant 0 : i32
    %dma_start3A_260 = arith.constant 0 : i32
    %dma_start3A_261 = tpu.memref_slice %arg10[%dma_start3A_258, %dma_start3A_259, %dma_start3A_260] : memref<5x200x64xf32, #tpu.memory_space<vmem>> -> memref<1x200x64xf32, #tpu.memory_space<vmem>>
    %dma_start3A_262 = tpu.memref_squeeze %dma_start3A_261 : memref<1x200x64xf32, #tpu.memory_space<vmem>> -> memref<200x64xf32, #tpu.memory_space<vmem>>
    %dma_start3A_263 = arith.constant 0 : i32
    %dma_start3A_264 = tpu.memref_slice %arg8[%dma_start3A_257, %dma_start3A_263] : memref<50x200xi32, #tpu.memory_space<vmem>> -> memref<1x200xi32, #tpu.memory_space<vmem>>
    %dma_start3A_265 = tpu.memref_squeeze %dma_start3A_264 : memref<1x200xi32, #tpu.memory_space<vmem>> -> memref<200xi32, #tpu.memory_space<vmem>>
    %dma_start3A_266 = arith.constant 0 : i32
    %dma_start3A_267 = arith.constant 0 : i32
    %dma_start3A_268 = tpu.memref_slice %arg2[%dma_start3A_266, %dma_start3A_267] : memref<20000x64xf32, #tpu.memory_space<hbm>> -> memref<20000x64xf32, #tpu.memory_space<hbm>>
    tpu.enqueue_indirect_dma source(%dma_start3A_268 : memref<20000x64xf32, #tpu.memory_space<hbm>>) target(%dma_start3A_262 : memref<200x64xf32, #tpu.memory_space<vmem>>) offsets(%dma_start3A_265 : memref<200xi32, #tpu.memory_space<vmem>>) semaphore(%arg13 : memref<!tpu.dma_semaphore, #tpu.memory_space<semaphore_mem>>)
    %dma_start3A_269 = arith.constant 1 : i32
    %dma_start3A_270 = arith.constant 1 : i32
    %dma_start3A_271 = arith.constant 0 : i32
    %dma_start3A_272 = arith.constant 0 : i32
    %dma_start3A_273 = tpu.memref_slice %arg10[%dma_start3A_270, %dma_start3A_271, %dma_start3A_272] : memref<5x200x64xf32, #tpu.memory_space<vmem>> -> memref<1x200x64xf32, #tpu.memory_space<vmem>>
    %dma_start3A_274 = tpu.memref_squeeze %dma_start3A_273 : memref<1x200x64xf32, #tpu.memory_space<vmem>> -> memref<200x64xf32, #tpu.memory_space<vmem>>
    %dma_start3A_275 = arith.constant 0 : i32
    %dma_start3A_276 = tpu.memref_slice %arg8[%dma_start3A_269, %dma_start3A_275] : memref<50x200xi32, #tpu.memory_space<vmem>> -> memref<1x200xi32, #tpu.memory_space<vmem>>
    %dma_start3A_277 = tpu.memref_squeeze %dma_start3A_276 : memref<1x200xi32, #tpu.memory_space<vmem>> -> memref<200xi32, #tpu.memory_space<vmem>>
    %dma_start3A_278 = arith.constant 0 : i32
    %dma_start3A_279 = arith.constant 0 : i32
    %dma_start3A_280 = tpu.memref_slice %arg2[%dma_start3A_278, %dma_start3A_279] : memref<20000x64xf32, #tpu.memory_space<hbm>> -> memref<20000x64xf32, #tpu.memory_space<hbm>>
    tpu.enqueue_indirect_dma source(%dma_start3A_280 : memref<20000x64xf32, #tpu.memory_space<hbm>>) target(%dma_start3A_274 : memref<200x64xf32, #tpu.memory_space<vmem>>) offsets(%dma_start3A_277 : memref<200xi32, #tpu.memory_space<vmem>>) semaphore(%arg14 : memref<!tpu.dma_semaphore, #tpu.memory_space<semaphore_mem>>)
    %dma_start3A_281 = arith.constant 2 : i32
    %dma_start3A_282 = arith.constant 2 : i32
    %dma_start3A_283 = arith.constant 0 : i32
    %dma_start3A_284 = arith.constant 0 : i32
    %dma_start3A_285 = tpu.memref_slice %arg10[%dma_start3A_282, %dma_start3A_283, %dma_start3A_284] : memref<5x200x64xf32, #tpu.memory_space<vmem>> -> memref<1x200x64xf32, #tpu.memory_space<vmem>>
    %dma_start3A_286 = tpu.memref_squeeze %dma_start3A_285 : memref<1x200x64xf32, #tpu.memory_space<vmem>> -> memref<200x64xf32, #tpu.memory_space<vmem>>
    %dma_start3A_287 = arith.constant 0 : i32
    %dma_start3A_288 = tpu.memref_slice %arg8[%dma_start3A_281, %dma_start3A_287] : memref<50x200xi32, #tpu.memory_space<vmem>> -> memref<1x200xi32, #tpu.memory_space<vmem>>
    %dma_start3A_289 = tpu.memref_squeeze %dma_start3A_288 : memref<1x200xi32, #tpu.memory_space<vmem>> -> memref<200xi32, #tpu.memory_space<vmem>>
    %dma_start3A_290 = arith.constant 0 : i32
    %dma_start3A_291 = arith.constant 0 : i32
    %dma_start3A_292 = tpu.memref_slice %arg2[%dma_start3A_290, %dma_start3A_291] : memref<20000x64xf32, #tpu.memory_space<hbm>> -> memref<20000x64xf32, #tpu.memory_space<hbm>>
    tpu.enqueue_indirect_dma source(%dma_start3A_292 : memref<20000x64xf32, #tpu.memory_space<hbm>>) target(%dma_start3A_286 : memref<200x64xf32, #tpu.memory_space<vmem>>) offsets(%dma_start3A_289 : memref<200xi32, #tpu.memory_space<vmem>>) semaphore(%arg15 : memref<!tpu.dma_semaphore, #tpu.memory_space<semaphore_mem>>)
    %dma_start3A_293 = arith.constant 3 : i32
    %dma_start3A_294 = arith.constant 3 : i32
    %dma_start3A_295 = arith.constant 0 : i32
    %dma_start3A_296 = arith.constant 0 : i32
    %dma_start3A_297 = tpu.memref_slice %arg10[%dma_start3A_294, %dma_start3A_295, %dma_start3A_296] : memref<5x200x64xf32, #tpu.memory_space<vmem>> -> memref<1x200x64xf32, #tpu.memory_space<vmem>>
    %dma_start3A_298 = tpu.memref_squeeze %dma_start3A_297 : memref<1x200x64xf32, #tpu.memory_space<vmem>> -> memref<200x64xf32, #tpu.memory_space<vmem>>
    %dma_start3A_299 = arith.constant 0 : i32
    %dma_start3A_300 = tpu.memref_slice %arg8[%dma_start3A_293, %dma_start3A_299] : memref<50x200xi32, #tpu.memory_space<vmem>> -> memref<1x200xi32, #tpu.memory_space<vmem>>
    %dma_start3A_301 = tpu.memref_squeeze %dma_start3A_300 : memref<1x200xi32, #tpu.memory_space<vmem>> -> memref<200xi32, #tpu.memory_space<vmem>>
    %dma_start3A_302 = arith.constant 0 : i32
    %dma_start3A_303 = arith.constant 0 : i32
    %dma_start3A_304 = tpu.memref_slice %arg2[%dma_start3A_302, %dma_start3A_303] : memref<20000x64xf32, #tpu.memory_space<hbm>> -> memref<20000x64xf32, #tpu.memory_space<hbm>>
    tpu.enqueue_indirect_dma source(%dma_start3A_304 : memref<20000x64xf32, #tpu.memory_space<hbm>>) target(%dma_start3A_298 : memref<200x64xf32, #tpu.memory_space<vmem>>) offsets(%dma_start3A_301 : memref<200xi32, #tpu.memory_space<vmem>>) semaphore(%arg16 : memref<!tpu.dma_semaphore, #tpu.memory_space<semaphore_mem>>)
    %dma_start3A_305 = arith.constant 4 : i32
    %dma_start3A_306 = arith.constant 4 : i32
    %dma_start3A_307 = arith.constant 0 : i32
    %dma_start3A_308 = arith.constant 0 : i32
    %dma_start3A_309 = tpu.memref_slice %arg10[%dma_start3A_306, %dma_start3A_307, %dma_start3A_308] : memref<5x200x64xf32, #tpu.memory_space<vmem>> -> memref<1x200x64xf32, #tpu.memory_space<vmem>>
    %dma_start3A_310 = tpu.memref_squeeze %dma_start3A_309 : memref<1x200x64xf32, #tpu.memory_space<vmem>> -> memref<200x64xf32, #tpu.memory_space<vmem>>
    %dma_start3A_311 = arith.constant 0 : i32
    %dma_start3A_312 = tpu.memref_slice %arg8[%dma_start3A_305, %dma_start3A_311] : memref<50x200xi32, #tpu.memory_space<vmem>> -> memref<1x200xi32, #tpu.memory_space<vmem>>
    %dma_start3A_313 = tpu.memref_squeeze %dma_start3A_312 : memref<1x200xi32, #tpu.memory_space<vmem>> -> memref<200xi32, #tpu.memory_space<vmem>>
    %dma_start3A_314 = arith.constant 0 : i32
    %dma_start3A_315 = arith.constant 0 : i32
    %dma_start3A_316 = tpu.memref_slice %arg2[%dma_start3A_314, %dma_start3A_315] : memref<20000x64xf32, #tpu.memory_space<hbm>> -> memref<20000x64xf32, #tpu.memory_space<hbm>>
    tpu.enqueue_indirect_dma source(%dma_start3A_316 : memref<20000x64xf32, #tpu.memory_space<hbm>>) target(%dma_start3A_310 : memref<200x64xf32, #tpu.memory_space<vmem>>) offsets(%dma_start3A_313 : memref<200xi32, #tpu.memory_space<vmem>>) semaphore(%arg17 : memref<!tpu.dma_semaphore, #tpu.memory_space<semaphore_mem>>)
    %scan3A_317 = arith.constant 0 : i32
    %scan3A_318 = arith.constant 0 : i32
    %scan3A_319 = arith.constant 9 : i32
    %scan3A_320 = arith.addi %scan3A_318, %scan3A_319 : i32
    %scan3A_321 = arith.constant 1 : i32
    scf.for %scan3A_864 = %scan3A_318 to %scan3A_320 step %scan3A_321  : i32 {
      %mul3A_865 = arith.constant 5 : i32
      %mul3A_866 = arith.muli %scan3A_864, %mul3A_865 : i32
      %add3A_867 = arith.constant 0 : i32
      %add3A_868 = arith.addi %mul3A_866, %add3A_867 : i32
      %dma_wait3A_869 = arith.constant 0 : i32
      %dma_wait3A_870 = arith.constant 0 : i32
      %dma_wait3A_871 = arith.constant 0 : i32
      %dma_wait3A_872 = tpu.memref_slice %arg10[%dma_wait3A_869, %dma_wait3A_870, %dma_wait3A_871] : memref<5x200x64xf32, #tpu.memory_space<vmem>> -> memref<1x200x64xf32, #tpu.memory_space<vmem>>
      %dma_wait3A_873 = tpu.memref_squeeze %dma_wait3A_872 : memref<1x200x64xf32, #tpu.memory_space<vmem>> -> memref<200x64xf32, #tpu.memory_space<vmem>>
      %dma_wait3A_874 = arith.constant 0 : i32
      %dma_wait3A_875 = tpu.memref_slice %arg8[%add3A_868, %dma_wait3A_874] : memref<50x200xi32, #tpu.memory_space<vmem>> -> memref<1x200xi32, #tpu.memory_space<vmem>>
      %dma_wait3A_876 = tpu.memref_squeeze %dma_wait3A_875 : memref<1x200xi32, #tpu.memory_space<vmem>> -> memref<200xi32, #tpu.memory_space<vmem>>
      %dma_wait3A_877 = arith.constant 0 : i32
      %dma_wait3A_878 = arith.constant 0 : i32
      %dma_wait3A_879 = tpu.memref_slice %arg2[%dma_wait3A_877, %dma_wait3A_878] : memref<20000x64xf32, #tpu.memory_space<hbm>> -> memref<20000x64xf32, #tpu.memory_space<hbm>>
      tpu.wait_indirect_dma semaphore(%arg13 : memref<!tpu.dma_semaphore, #tpu.memory_space<semaphore_mem>>) src(%dma_wait3A_879 : memref<20000x64xf32, #tpu.memory_space<hbm>>) dst(%dma_wait3A_873 : memref<200x64xf32, #tpu.memory_space<vmem>>)
      %add3A_880 = arith.constant 0 : i32
      %add3A_881 = arith.addi %mul3A_866, %add3A_880 : i32
      %dma_start3A_882 = arith.constant 0 : i32
      %dma_start3A_883 = arith.constant 0 : i32
      %dma_start3A_884 = arith.constant 0 : i32
      %dma_start3A_885 = tpu.memref_slice %arg10[%dma_start3A_882, %dma_start3A_883, %dma_start3A_884] : memref<5x200x64xf32, #tpu.memory_space<vmem>> -> memref<1x200x64xf32, #tpu.memory_space<vmem>>
      %dma_start3A_886 = tpu.memref_squeeze %dma_start3A_885 : memref<1x200x64xf32, #tpu.memory_space<vmem>> -> memref<200x64xf32, #tpu.memory_space<vmem>>
      %dma_start3A_887 = arith.constant 0 : i32
      %dma_start3A_888 = tpu.memref_slice %arg9[%add3A_881, %dma_start3A_887] : memref<50x200xi32, #tpu.memory_space<vmem>> -> memref<1x200xi32, #tpu.memory_space<vmem>>
      %dma_start3A_889 = tpu.memref_squeeze %dma_start3A_888 : memref<1x200xi32, #tpu.memory_space<vmem>> -> memref<200xi32, #tpu.memory_space<vmem>>
      %dma_start3A_890 = arith.constant 0 : i32
      %dma_start3A_891 = arith.constant 0 : i32
      %dma_start3A_892 = tpu.memref_slice %arg12[%dma_start3A_890, %dma_start3A_891] : memref<10000x64xf32, #tpu.memory_space<vmem_shared>> -> memref<10000x64xf32, #tpu.memory_space<vmem_shared>>
      tpu.enqueue_indirect_dma source(%dma_start3A_886 : memref<200x64xf32, #tpu.memory_space<vmem>>) target(%dma_start3A_892 : memref<10000x64xf32, #tpu.memory_space<vmem_shared>>) offsets(%dma_start3A_889 : memref<200xi32, #tpu.memory_space<vmem>>) semaphore(%arg18 : memref<!tpu.dma_semaphore, #tpu.memory_space<semaphore_mem>>) {add = true}
      %add3A_893 = arith.constant 1 : i32
      %add3A_894 = arith.addi %mul3A_866, %add3A_893 : i32
      %dma_wait3A_895 = arith.constant 1 : i32
      %dma_wait3A_896 = arith.constant 0 : i32
      %dma_wait3A_897 = arith.constant 0 : i32
      %dma_wait3A_898 = tpu.memref_slice %arg10[%dma_wait3A_895, %dma_wait3A_896, %dma_wait3A_897] : memref<5x200x64xf32, #tpu.memory_space<vmem>> -> memref<1x200x64xf32, #tpu.memory_space<vmem>>
      %dma_wait3A_899 = tpu.memref_squeeze %dma_wait3A_898 : memref<1x200x64xf32, #tpu.memory_space<vmem>> -> memref<200x64xf32, #tpu.memory_space<vmem>>
      %dma_wait3A_900 = arith.constant 0 : i32
      %dma_wait3A_901 = tpu.memref_slice %arg8[%add3A_894, %dma_wait3A_900] : memref<50x200xi32, #tpu.memory_space<vmem>> -> memref<1x200xi32, #tpu.memory_space<vmem>>
      %dma_wait3A_902 = tpu.memref_squeeze %dma_wait3A_901 : memref<1x200xi32, #tpu.memory_space<vmem>> -> memref<200xi32, #tpu.memory_space<vmem>>
      %dma_wait3A_903 = arith.constant 0 : i32
      %dma_wait3A_904 = arith.constant 0 : i32
      %dma_wait3A_905 = tpu.memref_slice %arg2[%dma_wait3A_903, %dma_wait3A_904] : memref<20000x64xf32, #tpu.memory_space<hbm>> -> memref<20000x64xf32, #tpu.memory_space<hbm>>
      tpu.wait_indirect_dma semaphore(%arg14 : memref<!tpu.dma_semaphore, #tpu.memory_space<semaphore_mem>>) src(%dma_wait3A_905 : memref<20000x64xf32, #tpu.memory_space<hbm>>) dst(%dma_wait3A_899 : memref<200x64xf32, #tpu.memory_space<vmem>>)
      %add3A_906 = arith.constant 1 : i32
      %add3A_907 = arith.addi %mul3A_866, %add3A_906 : i32
      %dma_start3A_908 = arith.constant 1 : i32
      %dma_start3A_909 = arith.constant 0 : i32
      %dma_start3A_910 = arith.constant 0 : i32
      %dma_start3A_911 = tpu.memref_slice %arg10[%dma_start3A_908, %dma_start3A_909, %dma_start3A_910] : memref<5x200x64xf32, #tpu.memory_space<vmem>> -> memref<1x200x64xf32, #tpu.memory_space<vmem>>
      %dma_start3A_912 = tpu.memref_squeeze %dma_start3A_911 : memref<1x200x64xf32, #tpu.memory_space<vmem>> -> memref<200x64xf32, #tpu.memory_space<vmem>>
      %dma_start3A_913 = arith.constant 0 : i32
      %dma_start3A_914 = tpu.memref_slice %arg9[%add3A_907, %dma_start3A_913] : memref<50x200xi32, #tpu.memory_space<vmem>> -> memref<1x200xi32, #tpu.memory_space<vmem>>
      %dma_start3A_915 = tpu.memref_squeeze %dma_start3A_914 : memref<1x200xi32, #tpu.memory_space<vmem>> -> memref<200xi32, #tpu.memory_space<vmem>>
      %dma_start3A_916 = arith.constant 0 : i32
      %dma_start3A_917 = arith.constant 0 : i32
      %dma_start3A_918 = tpu.memref_slice %arg12[%dma_start3A_916, %dma_start3A_917] : memref<10000x64xf32, #tpu.memory_space<vmem_shared>> -> memref<10000x64xf32, #tpu.memory_space<vmem_shared>>
      tpu.enqueue_indirect_dma source(%dma_start3A_912 : memref<200x64xf32, #tpu.memory_space<vmem>>) target(%dma_start3A_918 : memref<10000x64xf32, #tpu.memory_space<vmem_shared>>) offsets(%dma_start3A_915 : memref<200xi32, #tpu.memory_space<vmem>>) semaphore(%arg19 : memref<!tpu.dma_semaphore, #tpu.memory_space<semaphore_mem>>) {add = true}
      %add3A_919 = arith.constant 2 : i32
      %add3A_920 = arith.addi %mul3A_866, %add3A_919 : i32
      %dma_wait3A_921 = arith.constant 2 : i32
      %dma_wait3A_922 = arith.constant 0 : i32
      %dma_wait3A_923 = arith.constant 0 : i32
      %dma_wait3A_924 = tpu.memref_slice %arg10[%dma_wait3A_921, %dma_wait3A_922, %dma_wait3A_923] : memref<5x200x64xf32, #tpu.memory_space<vmem>> -> memref<1x200x64xf32, #tpu.memory_space<vmem>>
      %dma_wait3A_925 = tpu.memref_squeeze %dma_wait3A_924 : memref<1x200x64xf32, #tpu.memory_space<vmem>> -> memref<200x64xf32, #tpu.memory_space<vmem>>
      %dma_wait3A_926 = arith.constant 0 : i32
      %dma_wait3A_927 = tpu.memref_slice %arg8[%add3A_920, %dma_wait3A_926] : memref<50x200xi32, #tpu.memory_space<vmem>> -> memref<1x200xi32, #tpu.memory_space<vmem>>
      %dma_wait3A_928 = tpu.memref_squeeze %dma_wait3A_927 : memref<1x200xi32, #tpu.memory_space<vmem>> -> memref<200xi32, #tpu.memory_space<vmem>>
      %dma_wait3A_929 = arith.constant 0 : i32
      %dma_wait3A_930 = arith.constant 0 : i32
      %dma_wait3A_931 = tpu.memref_slice %arg2[%dma_wait3A_929, %dma_wait3A_930] : memref<20000x64xf32, #tpu.memory_space<hbm>> -> memref<20000x64xf32, #tpu.memory_space<hbm>>
      tpu.wait_indirect_dma semaphore(%arg15 : memref<!tpu.dma_semaphore, #tpu.memory_space<semaphore_mem>>) src(%dma_wait3A_931 : memref<20000x64xf32, #tpu.memory_space<hbm>>) dst(%dma_wait3A_925 : memref<200x64xf32, #tpu.memory_space<vmem>>)
      %add3A_932 = arith.constant 2 : i32
      %add3A_933 = arith.addi %mul3A_866, %add3A_932 : i32
      %dma_start3A_934 = arith.constant 2 : i32
      %dma_start3A_935 = arith.constant 0 : i32
      %dma_start3A_936 = arith.constant 0 : i32
      %dma_start3A_937 = tpu.memref_slice %arg10[%dma_start3A_934, %dma_start3A_935, %dma_start3A_936] : memref<5x200x64xf32, #tpu.memory_space<vmem>> -> memref<1x200x64xf32, #tpu.memory_space<vmem>>
      %dma_start3A_938 = tpu.memref_squeeze %dma_start3A_937 : memref<1x200x64xf32, #tpu.memory_space<vmem>> -> memref<200x64xf32, #tpu.memory_space<vmem>>
      %dma_start3A_939 = arith.constant 0 : i32
      %dma_start3A_940 = tpu.memref_slice %arg9[%add3A_933, %dma_start3A_939] : memref<50x200xi32, #tpu.memory_space<vmem>> -> memref<1x200xi32, #tpu.memory_space<vmem>>
      %dma_start3A_941 = tpu.memref_squeeze %dma_start3A_940 : memref<1x200xi32, #tpu.memory_space<vmem>> -> memref<200xi32, #tpu.memory_space<vmem>>
      %dma_start3A_942 = arith.constant 0 : i32
      %dma_start3A_943 = arith.constant 0 : i32
      %dma_start3A_944 = tpu.memref_slice %arg12[%dma_start3A_942, %dma_start3A_943] : memref<10000x64xf32, #tpu.memory_space<vmem_shared>> -> memref<10000x64xf32, #tpu.memory_space<vmem_shared>>
      tpu.enqueue_indirect_dma source(%dma_start3A_938 : memref<200x64xf32, #tpu.memory_space<vmem>>) target(%dma_start3A_944 : memref<10000x64xf32, #tpu.memory_space<vmem_shared>>) offsets(%dma_start3A_941 : memref<200xi32, #tpu.memory_space<vmem>>) semaphore(%arg20 : memref<!tpu.dma_semaphore, #tpu.memory_space<semaphore_mem>>) {add = true}
      %add3A_945 = arith.constant 3 : i32
      %add3A_946 = arith.addi %mul3A_866, %add3A_945 : i32
      %dma_wait3A_947 = arith.constant 3 : i32
      %dma_wait3A_948 = arith.constant 0 : i32
      %dma_wait3A_949 = arith.constant 0 : i32
      %dma_wait3A_950 = tpu.memref_slice %arg10[%dma_wait3A_947, %dma_wait3A_948, %dma_wait3A_949] : memref<5x200x64xf32, #tpu.memory_space<vmem>> -> memref<1x200x64xf32, #tpu.memory_space<vmem>>
      %dma_wait3A_951 = tpu.memref_squeeze %dma_wait3A_950 : memref<1x200x64xf32, #tpu.memory_space<vmem>> -> memref<200x64xf32, #tpu.memory_space<vmem>>
      %dma_wait3A_952 = arith.constant 0 : i32
      %dma_wait3A_953 = tpu.memref_slice %arg8[%add3A_946, %dma_wait3A_952] : memref<50x200xi32, #tpu.memory_space<vmem>> -> memref<1x200xi32, #tpu.memory_space<vmem>>
      %dma_wait3A_954 = tpu.memref_squeeze %dma_wait3A_953 : memref<1x200xi32, #tpu.memory_space<vmem>> -> memref<200xi32, #tpu.memory_space<vmem>>
      %dma_wait3A_955 = arith.constant 0 : i32
      %dma_wait3A_956 = arith.constant 0 : i32
      %dma_wait3A_957 = tpu.memref_slice %arg2[%dma_wait3A_955, %dma_wait3A_956] : memref<20000x64xf32, #tpu.memory_space<hbm>> -> memref<20000x64xf32, #tpu.memory_space<hbm>>
      tpu.wait_indirect_dma semaphore(%arg16 : memref<!tpu.dma_semaphore, #tpu.memory_space<semaphore_mem>>) src(%dma_wait3A_957 : memref<20000x64xf32, #tpu.memory_space<hbm>>) dst(%dma_wait3A_951 : memref<200x64xf32, #tpu.memory_space<vmem>>)
      %add3A_958 = arith.constant 3 : i32
      %add3A_959 = arith.addi %mul3A_866, %add3A_958 : i32
      %dma_start3A_960 = arith.constant 3 : i32
      %dma_start3A_961 = arith.constant 0 : i32
      %dma_start3A_962 = arith.constant 0 : i32
      %dma_start3A_963 = tpu.memref_slice %arg10[%dma_start3A_960, %dma_start3A_961, %dma_start3A_962] : memref<5x200x64xf32, #tpu.memory_space<vmem>> -> memref<1x200x64xf32, #tpu.memory_space<vmem>>
      %dma_start3A_964 = tpu.memref_squeeze %dma_start3A_963 : memref<1x200x64xf32, #tpu.memory_space<vmem>> -> memref<200x64xf32, #tpu.memory_space<vmem>>
      %dma_start3A_965 = arith.constant 0 : i32
      %dma_start3A_966 = tpu.memref_slice %arg9[%add3A_959, %dma_start3A_965] : memref<50x200xi32, #tpu.memory_space<vmem>> -> memref<1x200xi32, #tpu.memory_space<vmem>>
      %dma_start3A_967 = tpu.memref_squeeze %dma_start3A_966 : memref<1x200xi32, #tpu.memory_space<vmem>> -> memref<200xi32, #tpu.memory_space<vmem>>
      %dma_start3A_968 = arith.constant 0 : i32
      %dma_start3A_969 = arith.constant 0 : i32
      %dma_start3A_970 = tpu.memref_slice %arg12[%dma_start3A_968, %dma_start3A_969] : memref<10000x64xf32, #tpu.memory_space<vmem_shared>> -> memref<10000x64xf32, #tpu.memory_space<vmem_shared>>
      tpu.enqueue_indirect_dma source(%dma_start3A_964 : memref<200x64xf32, #tpu.memory_space<vmem>>) target(%dma_start3A_970 : memref<10000x64xf32, #tpu.memory_space<vmem_shared>>) offsets(%dma_start3A_967 : memref<200xi32, #tpu.memory_space<vmem>>) semaphore(%arg21 : memref<!tpu.dma_semaphore, #tpu.memory_space<semaphore_mem>>) {add = true}
      %add3A_971 = arith.constant 4 : i32
      %add3A_972 = arith.addi %mul3A_866, %add3A_971 : i32
      %dma_wait3A_973 = arith.constant 4 : i32
      %dma_wait3A_974 = arith.constant 0 : i32
      %dma_wait3A_975 = arith.constant 0 : i32
      %dma_wait3A_976 = tpu.memref_slice %arg10[%dma_wait3A_973, %dma_wait3A_974, %dma_wait3A_975] : memref<5x200x64xf32, #tpu.memory_space<vmem>> -> memref<1x200x64xf32, #tpu.memory_space<vmem>>
      %dma_wait3A_977 = tpu.memref_squeeze %dma_wait3A_976 : memref<1x200x64xf32, #tpu.memory_space<vmem>> -> memref<200x64xf32, #tpu.memory_space<vmem>>
      %dma_wait3A_978 = arith.constant 0 : i32
      %dma_wait3A_979 = tpu.memref_slice %arg8[%add3A_972, %dma_wait3A_978] : memref<50x200xi32, #tpu.memory_space<vmem>> -> memref<1x200xi32, #tpu.memory_space<vmem>>
      %dma_wait3A_980 = tpu.memref_squeeze %dma_wait3A_979 : memref<1x200xi32, #tpu.memory_space<vmem>> -> memref<200xi32, #tpu.memory_space<vmem>>
      %dma_wait3A_981 = arith.constant 0 : i32
      %dma_wait3A_982 = arith.constant 0 : i32
      %dma_wait3A_983 = tpu.memref_slice %arg2[%dma_wait3A_981, %dma_wait3A_982] : memref<20000x64xf32, #tpu.memory_space<hbm>> -> memref<20000x64xf32, #tpu.memory_space<hbm>>
      tpu.wait_indirect_dma semaphore(%arg17 : memref<!tpu.dma_semaphore, #tpu.memory_space<semaphore_mem>>) src(%dma_wait3A_983 : memref<20000x64xf32, #tpu.memory_space<hbm>>) dst(%dma_wait3A_977 : memref<200x64xf32, #tpu.memory_space<vmem>>)
      %add3A_984 = arith.constant 4 : i32
      %add3A_985 = arith.addi %mul3A_866, %add3A_984 : i32
      %dma_start3A_986 = arith.constant 4 : i32
      %dma_start3A_987 = arith.constant 0 : i32
      %dma_start3A_988 = arith.constant 0 : i32
      %dma_start3A_989 = tpu.memref_slice %arg10[%dma_start3A_986, %dma_start3A_987, %dma_start3A_988] : memref<5x200x64xf32, #tpu.memory_space<vmem>> -> memref<1x200x64xf32, #tpu.memory_space<vmem>>
      %dma_start3A_990 = tpu.memref_squeeze %dma_start3A_989 : memref<1x200x64xf32, #tpu.memory_space<vmem>> -> memref<200x64xf32, #tpu.memory_space<vmem>>
      %dma_start3A_991 = arith.constant 0 : i32
      %dma_start3A_992 = tpu.memref_slice %arg9[%add3A_985, %dma_start3A_991] : memref<50x200xi32, #tpu.memory_space<vmem>> -> memref<1x200xi32, #tpu.memory_space<vmem>>
      %dma_start3A_993 = tpu.memref_squeeze %dma_start3A_992 : memref<1x200xi32, #tpu.memory_space<vmem>> -> memref<200xi32, #tpu.memory_space<vmem>>
      %dma_start3A_994 = arith.constant 0 : i32
      %dma_start3A_995 = arith.constant 0 : i32
      %dma_start3A_996 = tpu.memref_slice %arg12[%dma_start3A_994, %dma_start3A_995] : memref<10000x64xf32, #tpu.memory_space<vmem_shared>> -> memref<10000x64xf32, #tpu.memory_space<vmem_shared>>
      tpu.enqueue_indirect_dma source(%dma_start3A_990 : memref<200x64xf32, #tpu.memory_space<vmem>>) target(%dma_start3A_996 : memref<10000x64xf32, #tpu.memory_space<vmem_shared>>) offsets(%dma_start3A_993 : memref<200xi32, #tpu.memory_space<vmem>>) semaphore(%arg22 : memref<!tpu.dma_semaphore, #tpu.memory_space<semaphore_mem>>) {add = true}
      %add3A_997 = arith.constant 0 : i32
      %add3A_998 = arith.addi %mul3A_866, %add3A_997 : i32
      %dma_wait3A_999 = arith.constant 0 : i32
      %dma_wait3A_1000 = arith.constant 0 : i32
      %dma_wait3A_1001 = arith.constant 0 : i32
      %dma_wait3A_1002 = tpu.memref_slice %arg10[%dma_wait3A_999, %dma_wait3A_1000, %dma_wait3A_1001] : memref<5x200x64xf32, #tpu.memory_space<vmem>> -> memref<1x200x64xf32, #tpu.memory_space<vmem>>
      %dma_wait3A_1003 = tpu.memref_squeeze %dma_wait3A_1002 : memref<1x200x64xf32, #tpu.memory_space<vmem>> -> memref<200x64xf32, #tpu.memory_space<vmem>>
      %dma_wait3A_1004 = arith.constant 0 : i32
      %dma_wait3A_1005 = tpu.memref_slice %arg9[%add3A_998, %dma_wait3A_1004] : memref<50x200xi32, #tpu.memory_space<vmem>> -> memref<1x200xi32, #tpu.memory_space<vmem>>
      %dma_wait3A_1006 = tpu.memref_squeeze %dma_wait3A_1005 : memref<1x200xi32, #tpu.memory_space<vmem>> -> memref<200xi32, #tpu.memory_space<vmem>>
      %dma_wait3A_1007 = arith.constant 0 : i32
      %dma_wait3A_1008 = arith.constant 0 : i32
      %dma_wait3A_1009 = tpu.memref_slice %arg12[%dma_wait3A_1007, %dma_wait3A_1008] : memref<10000x64xf32, #tpu.memory_space<vmem_shared>> -> memref<10000x64xf32, #tpu.memory_space<vmem_shared>>
      tpu.wait_indirect_dma semaphore(%arg18 : memref<!tpu.dma_semaphore, #tpu.memory_space<semaphore_mem>>) src(%dma_wait3A_1003 : memref<200x64xf32, #tpu.memory_space<vmem>>) dst(%dma_wait3A_1009 : memref<10000x64xf32, #tpu.memory_space<vmem_shared>>)
      %add3A_1010 = arith.constant 5 : i32
      %add3A_1011 = arith.addi %mul3A_866, %add3A_1010 : i32
      %add3A_1012 = arith.constant 0 : i32
      %add3A_1013 = arith.addi %add3A_1011, %add3A_1012 : i32
      %dma_start3A_1014 = arith.constant 0 : i32
      %dma_start3A_1015 = arith.constant 0 : i32
      %dma_start3A_1016 = arith.constant 0 : i32
      %dma_start3A_1017 = tpu.memref_slice %arg10[%dma_start3A_1014, %dma_start3A_1015, %dma_start3A_1016] : memref<5x200x64xf32, #tpu.memory_space<vmem>> -> memref<1x200x64xf32, #tpu.memory_space<vmem>>
      %dma_start3A_1018 = tpu.memref_squeeze %dma_start3A_1017 : memref<1x200x64xf32, #tpu.memory_space<vmem>> -> memref<200x64xf32, #tpu.memory_space<vmem>>
      %dma_start3A_1019 = arith.constant 0 : i32
      %dma_start3A_1020 = tpu.memref_slice %arg8[%add3A_1013, %dma_start3A_1019] : memref<50x200xi32, #tpu.memory_space<vmem>> -> memref<1x200xi32, #tpu.memory_space<vmem>>
      %dma_start3A_1021 = tpu.memref_squeeze %dma_start3A_1020 : memref<1x200xi32, #tpu.memory_space<vmem>> -> memref<200xi32, #tpu.memory_space<vmem>>
      %dma_start3A_1022 = arith.constant 0 : i32
      %dma_start3A_1023 = arith.constant 0 : i32
      %dma_start3A_1024 = tpu.memref_slice %arg2[%dma_start3A_1022, %dma_start3A_1023] : memref<20000x64xf32, #tpu.memory_space<hbm>> -> memref<20000x64xf32, #tpu.memory_space<hbm>>
      tpu.enqueue_indirect_dma source(%dma_start3A_1024 : memref<20000x64xf32, #tpu.memory_space<hbm>>) target(%dma_start3A_1018 : memref<200x64xf32, #tpu.memory_space<vmem>>) offsets(%dma_start3A_1021 : memref<200xi32, #tpu.memory_space<vmem>>) semaphore(%arg13 : memref<!tpu.dma_semaphore, #tpu.memory_space<semaphore_mem>>)
      %add3A_1025 = arith.constant 1 : i32
      %add3A_1026 = arith.addi %mul3A_866, %add3A_1025 : i32
      %dma_wait3A_1027 = arith.constant 1 : i32
      %dma_wait3A_1028 = arith.constant 0 : i32
      %dma_wait3A_1029 = arith.constant 0 : i32
      %dma_wait3A_1030 = tpu.memref_slice %arg10[%dma_wait3A_1027, %dma_wait3A_1028, %dma_wait3A_1029] : memref<5x200x64xf32, #tpu.memory_space<vmem>> -> memref<1x200x64xf32, #tpu.memory_space<vmem>>
      %dma_wait3A_1031 = tpu.memref_squeeze %dma_wait3A_1030 : memref<1x200x64xf32, #tpu.memory_space<vmem>> -> memref<200x64xf32, #tpu.memory_space<vmem>>
      %dma_wait3A_1032 = arith.constant 0 : i32
      %dma_wait3A_1033 = tpu.memref_slice %arg9[%add3A_1026, %dma_wait3A_1032] : memref<50x200xi32, #tpu.memory_space<vmem>> -> memref<1x200xi32, #tpu.memory_space<vmem>>
      %dma_wait3A_1034 = tpu.memref_squeeze %dma_wait3A_1033 : memref<1x200xi32, #tpu.memory_space<vmem>> -> memref<200xi32, #tpu.memory_space<vmem>>
      %dma_wait3A_1035 = arith.constant 0 : i32
      %dma_wait3A_1036 = arith.constant 0 : i32
      %dma_wait3A_1037 = tpu.memref_slice %arg12[%dma_wait3A_1035, %dma_wait3A_1036] : memref<10000x64xf32, #tpu.memory_space<vmem_shared>> -> memref<10000x64xf32, #tpu.memory_space<vmem_shared>>
      tpu.wait_indirect_dma semaphore(%arg19 : memref<!tpu.dma_semaphore, #tpu.memory_space<semaphore_mem>>) src(%dma_wait3A_1031 : memref<200x64xf32, #tpu.memory_space<vmem>>) dst(%dma_wait3A_1037 : memref<10000x64xf32, #tpu.memory_space<vmem_shared>>)
      %add3A_1038 = arith.constant 5 : i32
      %add3A_1039 = arith.addi %mul3A_866, %add3A_1038 : i32
      %add3A_1040 = arith.constant 1 : i32
      %add3A_1041 = arith.addi %add3A_1039, %add3A_1040 : i32
      %dma_start3A_1042 = arith.constant 1 : i32
      %dma_start3A_1043 = arith.constant 0 : i32
      %dma_start3A_1044 = arith.constant 0 : i32
      %dma_start3A_1045 = tpu.memref_slice %arg10[%dma_start3A_1042, %dma_start3A_1043, %dma_start3A_1044] : memref<5x200x64xf32, #tpu.memory_space<vmem>> -> memref<1x200x64xf32, #tpu.memory_space<vmem>>
      %dma_start3A_1046 = tpu.memref_squeeze %dma_start3A_1045 : memref<1x200x64xf32, #tpu.memory_space<vmem>> -> memref<200x64xf32, #tpu.memory_space<vmem>>
      %dma_start3A_1047 = arith.constant 0 : i32
      %dma_start3A_1048 = tpu.memref_slice %arg8[%add3A_1041, %dma_start3A_1047] : memref<50x200xi32, #tpu.memory_space<vmem>> -> memref<1x200xi32, #tpu.memory_space<vmem>>
      %dma_start3A_1049 = tpu.memref_squeeze %dma_start3A_1048 : memref<1x200xi32, #tpu.memory_space<vmem>> -> memref<200xi32, #tpu.memory_space<vmem>>
      %dma_start3A_1050 = arith.constant 0 : i32
      %dma_start3A_1051 = arith.constant 0 : i32
      %dma_start3A_1052 = tpu.memref_slice %arg2[%dma_start3A_1050, %dma_start3A_1051] : memref<20000x64xf32, #tpu.memory_space<hbm>> -> memref<20000x64xf32, #tpu.memory_space<hbm>>
      tpu.enqueue_indirect_dma source(%dma_start3A_1052 : memref<20000x64xf32, #tpu.memory_space<hbm>>) target(%dma_start3A_1046 : memref<200x64xf32, #tpu.memory_space<vmem>>) offsets(%dma_start3A_1049 : memref<200xi32, #tpu.memory_space<vmem>>) semaphore(%arg14 : memref<!tpu.dma_semaphore, #tpu.memory_space<semaphore_mem>>)
      %add3A_1053 = arith.constant 2 : i32
      %add3A_1054 = arith.addi %mul3A_866, %add3A_1053 : i32
      %dma_wait3A_1055 = arith.constant 2 : i32
      %dma_wait3A_1056 = arith.constant 0 : i32
      %dma_wait3A_1057 = arith.constant 0 : i32
      %dma_wait3A_1058 = tpu.memref_slice %arg10[%dma_wait3A_1055, %dma_wait3A_1056, %dma_wait3A_1057] : memref<5x200x64xf32, #tpu.memory_space<vmem>> -> memref<1x200x64xf32, #tpu.memory_space<vmem>>
      %dma_wait3A_1059 = tpu.memref_squeeze %dma_wait3A_1058 : memref<1x200x64xf32, #tpu.memory_space<vmem>> -> memref<200x64xf32, #tpu.memory_space<vmem>>
      %dma_wait3A_1060 = arith.constant 0 : i32
      %dma_wait3A_1061 = tpu.memref_slice %arg9[%add3A_1054, %dma_wait3A_1060] : memref<50x200xi32, #tpu.memory_space<vmem>> -> memref<1x200xi32, #tpu.memory_space<vmem>>
      %dma_wait3A_1062 = tpu.memref_squeeze %dma_wait3A_1061 : memref<1x200xi32, #tpu.memory_space<vmem>> -> memref<200xi32, #tpu.memory_space<vmem>>
      %dma_wait3A_1063 = arith.constant 0 : i32
      %dma_wait3A_1064 = arith.constant 0 : i32
      %dma_wait3A_1065 = tpu.memref_slice %arg12[%dma_wait3A_1063, %dma_wait3A_1064] : memref<10000x64xf32, #tpu.memory_space<vmem_shared>> -> memref<10000x64xf32, #tpu.memory_space<vmem_shared>>
      tpu.wait_indirect_dma semaphore(%arg20 : memref<!tpu.dma_semaphore, #tpu.memory_space<semaphore_mem>>) src(%dma_wait3A_1059 : memref<200x64xf32, #tpu.memory_space<vmem>>) dst(%dma_wait3A_1065 : memref<10000x64xf32, #tpu.memory_space<vmem_shared>>)
      %add3A_1066 = arith.constant 5 : i32
      %add3A_1067 = arith.addi %mul3A_866, %add3A_1066 : i32
      %add3A_1068 = arith.constant 2 : i32
      %add3A_1069 = arith.addi %add3A_1067, %add3A_1068 : i32
      %dma_start3A_1070 = arith.constant 2 : i32
      %dma_start3A_1071 = arith.constant 0 : i32
      %dma_start3A_1072 = arith.constant 0 : i32
      %dma_start3A_1073 = tpu.memref_slice %arg10[%dma_start3A_1070, %dma_start3A_1071, %dma_start3A_1072] : memref<5x200x64xf32, #tpu.memory_space<vmem>> -> memref<1x200x64xf32, #tpu.memory_space<vmem>>
      %dma_start3A_1074 = tpu.memref_squeeze %dma_start3A_1073 : memref<1x200x64xf32, #tpu.memory_space<vmem>> -> memref<200x64xf32, #tpu.memory_space<vmem>>
      %dma_start3A_1075 = arith.constant 0 : i32
      %dma_start3A_1076 = tpu.memref_slice %arg8[%add3A_1069, %dma_start3A_1075] : memref<50x200xi32, #tpu.memory_space<vmem>> -> memref<1x200xi32, #tpu.memory_space<vmem>>
      %dma_start3A_1077 = tpu.memref_squeeze %dma_start3A_1076 : memref<1x200xi32, #tpu.memory_space<vmem>> -> memref<200xi32, #tpu.memory_space<vmem>>
      %dma_start3A_1078 = arith.constant 0 : i32
      %dma_start3A_1079 = arith.constant 0 : i32
      %dma_start3A_1080 = tpu.memref_slice %arg2[%dma_start3A_1078, %dma_start3A_1079] : memref<20000x64xf32, #tpu.memory_space<hbm>> -> memref<20000x64xf32, #tpu.memory_space<hbm>>
      tpu.enqueue_indirect_dma source(%dma_start3A_1080 : memref<20000x64xf32, #tpu.memory_space<hbm>>) target(%dma_start3A_1074 : memref<200x64xf32, #tpu.memory_space<vmem>>) offsets(%dma_start3A_1077 : memref<200xi32, #tpu.memory_space<vmem>>) semaphore(%arg15 : memref<!tpu.dma_semaphore, #tpu.memory_space<semaphore_mem>>)
      %add3A_1081 = arith.constant 3 : i32
      %add3A_1082 = arith.addi %mul3A_866, %add3A_1081 : i32
      %dma_wait3A_1083 = arith.constant 3 : i32
      %dma_wait3A_1084 = arith.constant 0 : i32
      %dma_wait3A_1085 = arith.constant 0 : i32
      %dma_wait3A_1086 = tpu.memref_slice %arg10[%dma_wait3A_1083, %dma_wait3A_1084, %dma_wait3A_1085] : memref<5x200x64xf32, #tpu.memory_space<vmem>> -> memref<1x200x64xf32, #tpu.memory_space<vmem>>
      %dma_wait3A_1087 = tpu.memref_squeeze %dma_wait3A_1086 : memref<1x200x64xf32, #tpu.memory_space<vmem>> -> memref<200x64xf32, #tpu.memory_space<vmem>>
      %dma_wait3A_1088 = arith.constant 0 : i32
      %dma_wait3A_1089 = tpu.memref_slice %arg9[%add3A_1082, %dma_wait3A_1088] : memref<50x200xi32, #tpu.memory_space<vmem>> -> memref<1x200xi32, #tpu.memory_space<vmem>>
      %dma_wait3A_1090 = tpu.memref_squeeze %dma_wait3A_1089 : memref<1x200xi32, #tpu.memory_space<vmem>> -> memref<200xi32, #tpu.memory_space<vmem>>
      %dma_wait3A_1091 = arith.constant 0 : i32
      %dma_wait3A_1092 = arith.constant 0 : i32
      %dma_wait3A_1093 = tpu.memref_slice %arg12[%dma_wait3A_1091, %dma_wait3A_1092] : memref<10000x64xf32, #tpu.memory_space<vmem_shared>> -> memref<10000x64xf32, #tpu.memory_space<vmem_shared>>
      tpu.wait_indirect_dma semaphore(%arg21 : memref<!tpu.dma_semaphore, #tpu.memory_space<semaphore_mem>>) src(%dma_wait3A_1087 : memref<200x64xf32, #tpu.memory_space<vmem>>) dst(%dma_wait3A_1093 : memref<10000x64xf32, #tpu.memory_space<vmem_shared>>)
      %add3A_1094 = arith.constant 5 : i32
      %add3A_1095 = arith.addi %mul3A_866, %add3A_1094 : i32
      %add3A_1096 = arith.constant 3 : i32
      %add3A_1097 = arith.addi %add3A_1095, %add3A_1096 : i32
      %dma_start3A_1098 = arith.constant 3 : i32
      %dma_start3A_1099 = arith.constant 0 : i32
      %dma_start3A_1100 = arith.constant 0 : i32
      %dma_start3A_1101 = tpu.memref_slice %arg10[%dma_start3A_1098, %dma_start3A_1099, %dma_start3A_1100] : memref<5x200x64xf32, #tpu.memory_space<vmem>> -> memref<1x200x64xf32, #tpu.memory_space<vmem>>
      %dma_start3A_1102 = tpu.memref_squeeze %dma_start3A_1101 : memref<1x200x64xf32, #tpu.memory_space<vmem>> -> memref<200x64xf32, #tpu.memory_space<vmem>>
      %dma_start3A_1103 = arith.constant 0 : i32
      %dma_start3A_1104 = tpu.memref_slice %arg8[%add3A_1097, %dma_start3A_1103] : memref<50x200xi32, #tpu.memory_space<vmem>> -> memref<1x200xi32, #tpu.memory_space<vmem>>
      %dma_start3A_1105 = tpu.memref_squeeze %dma_start3A_1104 : memref<1x200xi32, #tpu.memory_space<vmem>> -> memref<200xi32, #tpu.memory_space<vmem>>
      %dma_start3A_1106 = arith.constant 0 : i32
      %dma_start3A_1107 = arith.constant 0 : i32
      %dma_start3A_1108 = tpu.memref_slice %arg2[%dma_start3A_1106, %dma_start3A_1107] : memref<20000x64xf32, #tpu.memory_space<hbm>> -> memref<20000x64xf32, #tpu.memory_space<hbm>>
      tpu.enqueue_indirect_dma source(%dma_start3A_1108 : memref<20000x64xf32, #tpu.memory_space<hbm>>) target(%dma_start3A_1102 : memref<200x64xf32, #tpu.memory_space<vmem>>) offsets(%dma_start3A_1105 : memref<200xi32, #tpu.memory_space<vmem>>) semaphore(%arg16 : memref<!tpu.dma_semaphore, #tpu.memory_space<semaphore_mem>>)
      %add3A_1109 = arith.constant 4 : i32
      %add3A_1110 = arith.addi %mul3A_866, %add3A_1109 : i32
      %dma_wait3A_1111 = arith.constant 4 : i32
      %dma_wait3A_1112 = arith.constant 0 : i32
      %dma_wait3A_1113 = arith.constant 0 : i32
      %dma_wait3A_1114 = tpu.memref_slice %arg10[%dma_wait3A_1111, %dma_wait3A_1112, %dma_wait3A_1113] : memref<5x200x64xf32, #tpu.memory_space<vmem>> -> memref<1x200x64xf32, #tpu.memory_space<vmem>>
      %dma_wait3A_1115 = tpu.memref_squeeze %dma_wait3A_1114 : memref<1x200x64xf32, #tpu.memory_space<vmem>> -> memref<200x64xf32, #tpu.memory_space<vmem>>
      %dma_wait3A_1116 = arith.constant 0 : i32
      %dma_wait3A_1117 = tpu.memref_slice %arg9[%add3A_1110, %dma_wait3A_1116] : memref<50x200xi32, #tpu.memory_space<vmem>> -> memref<1x200xi32, #tpu.memory_space<vmem>>
      %dma_wait3A_1118 = tpu.memref_squeeze %dma_wait3A_1117 : memref<1x200xi32, #tpu.memory_space<vmem>> -> memref<200xi32, #tpu.memory_space<vmem>>
      %dma_wait3A_1119 = arith.constant 0 : i32
      %dma_wait3A_1120 = arith.constant 0 : i32
      %dma_wait3A_1121 = tpu.memref_slice %arg12[%dma_wait3A_1119, %dma_wait3A_1120] : memref<10000x64xf32, #tpu.memory_space<vmem_shared>> -> memref<10000x64xf32, #tpu.memory_space<vmem_shared>>
      tpu.wait_indirect_dma semaphore(%arg22 : memref<!tpu.dma_semaphore, #tpu.memory_space<semaphore_mem>>) src(%dma_wait3A_1115 : memref<200x64xf32, #tpu.memory_space<vmem>>) dst(%dma_wait3A_1121 : memref<10000x64xf32, #tpu.memory_space<vmem_shared>>)
      %add3A_1122 = arith.constant 5 : i32
      %add3A_1123 = arith.addi %mul3A_866, %add3A_1122 : i32
      %add3A_1124 = arith.constant 4 : i32
      %add3A_1125 = arith.addi %add3A_1123, %add3A_1124 : i32
      %dma_start3A_1126 = arith.constant 4 : i32
      %dma_start3A_1127 = arith.constant 0 : i32
      %dma_start3A_1128 = arith.constant 0 : i32
      %dma_start3A_1129 = tpu.memref_slice %arg10[%dma_start3A_1126, %dma_start3A_1127, %dma_start3A_1128] : memref<5x200x64xf32, #tpu.memory_space<vmem>> -> memref<1x200x64xf32, #tpu.memory_space<vmem>>
      %dma_start3A_1130 = tpu.memref_squeeze %dma_start3A_1129 : memref<1x200x64xf32, #tpu.memory_space<vmem>> -> memref<200x64xf32, #tpu.memory_space<vmem>>
      %dma_start3A_1131 = arith.constant 0 : i32
      %dma_start3A_1132 = tpu.memref_slice %arg8[%add3A_1125, %dma_start3A_1131] : memref<50x200xi32, #tpu.memory_space<vmem>> -> memref<1x200xi32, #tpu.memory_space<vmem>>
      %dma_start3A_1133 = tpu.memref_squeeze %dma_start3A_1132 : memref<1x200xi32, #tpu.memory_space<vmem>> -> memref<200xi32, #tpu.memory_space<vmem>>
      %dma_start3A_1134 = arith.constant 0 : i32
      %dma_start3A_1135 = arith.constant 0 : i32
      %dma_start3A_1136 = tpu.memref_slice %arg2[%dma_start3A_1134, %dma_start3A_1135] : memref<20000x64xf32, #tpu.memory_space<hbm>> -> memref<20000x64xf32, #tpu.memory_space<hbm>>
      tpu.enqueue_indirect_dma source(%dma_start3A_1136 : memref<20000x64xf32, #tpu.memory_space<hbm>>) target(%dma_start3A_1130 : memref<200x64xf32, #tpu.memory_space<vmem>>) offsets(%dma_start3A_1133 : memref<200xi32, #tpu.memory_space<vmem>>) semaphore(%arg17 : memref<!tpu.dma_semaphore, #tpu.memory_space<semaphore_mem>>)
    }
    %scan3A_322 = arith.constant 9 : i32
    %dma_wait3A_323 = arith.constant 45 : i32
    %dma_wait3A_324 = arith.constant 0 : i32
    %dma_wait3A_325 = arith.constant 0 : i32
    %dma_wait3A_326 = arith.constant 0 : i32
    %dma_wait3A_327 = tpu.memref_slice %arg10[%dma_wait3A_324, %dma_wait3A_325, %dma_wait3A_326] : memref<5x200x64xf32, #tpu.memory_space<vmem>> -> memref<1x200x64xf32, #tpu.memory_space<vmem>>
    %dma_wait3A_328 = tpu.memref_squeeze %dma_wait3A_327 : memref<1x200x64xf32, #tpu.memory_space<vmem>> -> memref<200x64xf32, #tpu.memory_space<vmem>>
    %dma_wait3A_329 = arith.constant 0 : i32
    %dma_wait3A_330 = tpu.memref_slice %arg8[%dma_wait3A_323, %dma_wait3A_329] : memref<50x200xi32, #tpu.memory_space<vmem>> -> memref<1x200xi32, #tpu.memory_space<vmem>>
    %dma_wait3A_331 = tpu.memref_squeeze %dma_wait3A_330 : memref<1x200xi32, #tpu.memory_space<vmem>> -> memref<200xi32, #tpu.memory_space<vmem>>
    %dma_wait3A_332 = arith.constant 0 : i32
    %dma_wait3A_333 = arith.constant 0 : i32
    %dma_wait3A_334 = tpu.memref_slice %arg2[%dma_wait3A_332, %dma_wait3A_333] : memref<20000x64xf32, #tpu.memory_space<hbm>> -> memref<20000x64xf32, #tpu.memory_space<hbm>>
    tpu.wait_indirect_dma semaphore(%arg13 : memref<!tpu.dma_semaphore, #tpu.memory_space<semaphore_mem>>) src(%dma_wait3A_334 : memref<20000x64xf32, #tpu.memory_space<hbm>>) dst(%dma_wait3A_328 : memref<200x64xf32, #tpu.memory_space<vmem>>)
    %dma_start3A_335 = arith.constant 0 : i32
    %dma_start3A_336 = arith.constant 45 : i32
    %dma_start3A_337 = arith.constant 0 : i32
    %dma_start3A_338 = arith.constant 0 : i32
    %dma_start3A_339 = tpu.memref_slice %arg10[%dma_start3A_335, %dma_start3A_337, %dma_start3A_338] : memref<5x200x64xf32, #tpu.memory_space<vmem>> -> memref<1x200x64xf32, #tpu.memory_space<vmem>>
    %dma_start3A_340 = tpu.memref_squeeze %dma_start3A_339 : memref<1x200x64xf32, #tpu.memory_space<vmem>> -> memref<200x64xf32, #tpu.memory_space<vmem>>
    %dma_start3A_341 = arith.constant 0 : i32
    %dma_start3A_342 = tpu.memref_slice %arg9[%dma_start3A_336, %dma_start3A_341] : memref<50x200xi32, #tpu.memory_space<vmem>> -> memref<1x200xi32, #tpu.memory_space<vmem>>
    %dma_start3A_343 = tpu.memref_squeeze %dma_start3A_342 : memref<1x200xi32, #tpu.memory_space<vmem>> -> memref<200xi32, #tpu.memory_space<vmem>>
    %dma_start3A_344 = arith.constant 0 : i32
    %dma_start3A_345 = arith.constant 0 : i32
    %dma_start3A_346 = tpu.memref_slice %arg12[%dma_start3A_344, %dma_start3A_345] : memref<10000x64xf32, #tpu.memory_space<vmem_shared>> -> memref<10000x64xf32, #tpu.memory_space<vmem_shared>>
    tpu.enqueue_indirect_dma source(%dma_start3A_340 : memref<200x64xf32, #tpu.memory_space<vmem>>) target(%dma_start3A_346 : memref<10000x64xf32, #tpu.memory_space<vmem_shared>>) offsets(%dma_start3A_343 : memref<200xi32, #tpu.memory_space<vmem>>) semaphore(%arg18 : memref<!tpu.dma_semaphore, #tpu.memory_space<semaphore_mem>>) {add = true}
    %dma_wait3A_347 = arith.constant 46 : i32
    %dma_wait3A_348 = arith.constant 1 : i32
    %dma_wait3A_349 = arith.constant 0 : i32
    %dma_wait3A_350 = arith.constant 0 : i32
    %dma_wait3A_351 = tpu.memref_slice %arg10[%dma_wait3A_348, %dma_wait3A_349, %dma_wait3A_350] : memref<5x200x64xf32, #tpu.memory_space<vmem>> -> memref<1x200x64xf32, #tpu.memory_space<vmem>>
    %dma_wait3A_352 = tpu.memref_squeeze %dma_wait3A_351 : memref<1x200x64xf32, #tpu.memory_space<vmem>> -> memref<200x64xf32, #tpu.memory_space<vmem>>
    %dma_wait3A_353 = arith.constant 0 : i32
    %dma_wait3A_354 = tpu.memref_slice %arg8[%dma_wait3A_347, %dma_wait3A_353] : memref<50x200xi32, #tpu.memory_space<vmem>> -> memref<1x200xi32, #tpu.memory_space<vmem>>
    %dma_wait3A_355 = tpu.memref_squeeze %dma_wait3A_354 : memref<1x200xi32, #tpu.memory_space<vmem>> -> memref<200xi32, #tpu.memory_space<vmem>>
    %dma_wait3A_356 = arith.constant 0 : i32
    %dma_wait3A_357 = arith.constant 0 : i32
    %dma_wait3A_358 = tpu.memref_slice %arg2[%dma_wait3A_356, %dma_wait3A_357] : memref<20000x64xf32, #tpu.memory_space<hbm>> -> memref<20000x64xf32, #tpu.memory_space<hbm>>
    tpu.wait_indirect_dma semaphore(%arg14 : memref<!tpu.dma_semaphore, #tpu.memory_space<semaphore_mem>>) src(%dma_wait3A_358 : memref<20000x64xf32, #tpu.memory_space<hbm>>) dst(%dma_wait3A_352 : memref<200x64xf32, #tpu.memory_space<vmem>>)
    %dma_start3A_359 = arith.constant 1 : i32
    %dma_start3A_360 = arith.constant 46 : i32
    %dma_start3A_361 = arith.constant 0 : i32
    %dma_start3A_362 = arith.constant 0 : i32
    %dma_start3A_363 = tpu.memref_slice %arg10[%dma_start3A_359, %dma_start3A_361, %dma_start3A_362] : memref<5x200x64xf32, #tpu.memory_space<vmem>> -> memref<1x200x64xf32, #tpu.memory_space<vmem>>
    %dma_start3A_364 = tpu.memref_squeeze %dma_start3A_363 : memref<1x200x64xf32, #tpu.memory_space<vmem>> -> memref<200x64xf32, #tpu.memory_space<vmem>>
    %dma_start3A_365 = arith.constant 0 : i32
    %dma_start3A_366 = tpu.memref_slice %arg9[%dma_start3A_360, %dma_start3A_365] : memref<50x200xi32, #tpu.memory_space<vmem>> -> memref<1x200xi32, #tpu.memory_space<vmem>>
    %dma_start3A_367 = tpu.memref_squeeze %dma_start3A_366 : memref<1x200xi32, #tpu.memory_space<vmem>> -> memref<200xi32, #tpu.memory_space<vmem>>
    %dma_start3A_368 = arith.constant 0 : i32
    %dma_start3A_369 = arith.constant 0 : i32
    %dma_start3A_370 = tpu.memref_slice %arg12[%dma_start3A_368, %dma_start3A_369] : memref<10000x64xf32, #tpu.memory_space<vmem_shared>> -> memref<10000x64xf32, #tpu.memory_space<vmem_shared>>
    tpu.enqueue_indirect_dma source(%dma_start3A_364 : memref<200x64xf32, #tpu.memory_space<vmem>>) target(%dma_start3A_370 : memref<10000x64xf32, #tpu.memory_space<vmem_shared>>) offsets(%dma_start3A_367 : memref<200xi32, #tpu.memory_space<vmem>>) semaphore(%arg19 : memref<!tpu.dma_semaphore, #tpu.memory_space<semaphore_mem>>) {add = true}
    %dma_wait3A_371 = arith.constant 47 : i32
    %dma_wait3A_372 = arith.constant 2 : i32
    %dma_wait3A_373 = arith.constant 0 : i32
    %dma_wait3A_374 = arith.constant 0 : i32
    %dma_wait3A_375 = tpu.memref_slice %arg10[%dma_wait3A_372, %dma_wait3A_373, %dma_wait3A_374] : memref<5x200x64xf32, #tpu.memory_space<vmem>> -> memref<1x200x64xf32, #tpu.memory_space<vmem>>
    %dma_wait3A_376 = tpu.memref_squeeze %dma_wait3A_375 : memref<1x200x64xf32, #tpu.memory_space<vmem>> -> memref<200x64xf32, #tpu.memory_space<vmem>>
    %dma_wait3A_377 = arith.constant 0 : i32
    %dma_wait3A_378 = tpu.memref_slice %arg8[%dma_wait3A_371, %dma_wait3A_377] : memref<50x200xi32, #tpu.memory_space<vmem>> -> memref<1x200xi32, #tpu.memory_space<vmem>>
    %dma_wait3A_379 = tpu.memref_squeeze %dma_wait3A_378 : memref<1x200xi32, #tpu.memory_space<vmem>> -> memref<200xi32, #tpu.memory_space<vmem>>
    %dma_wait3A_380 = arith.constant 0 : i32
    %dma_wait3A_381 = arith.constant 0 : i32
    %dma_wait3A_382 = tpu.memref_slice %arg2[%dma_wait3A_380, %dma_wait3A_381] : memref<20000x64xf32, #tpu.memory_space<hbm>> -> memref<20000x64xf32, #tpu.memory_space<hbm>>
    tpu.wait_indirect_dma semaphore(%arg15 : memref<!tpu.dma_semaphore, #tpu.memory_space<semaphore_mem>>) src(%dma_wait3A_382 : memref<20000x64xf32, #tpu.memory_space<hbm>>) dst(%dma_wait3A_376 : memref<200x64xf32, #tpu.memory_space<vmem>>)
    %dma_start3A_383 = arith.constant 2 : i32
    %dma_start3A_384 = arith.constant 47 : i32
    %dma_start3A_385 = arith.constant 0 : i32
    %dma_start3A_386 = arith.constant 0 : i32
    %dma_start3A_387 = tpu.memref_slice %arg10[%dma_start3A_383, %dma_start3A_385, %dma_start3A_386] : memref<5x200x64xf32, #tpu.memory_space<vmem>> -> memref<1x200x64xf32, #tpu.memory_space<vmem>>
    %dma_start3A_388 = tpu.memref_squeeze %dma_start3A_387 : memref<1x200x64xf32, #tpu.memory_space<vmem>> -> memref<200x64xf32, #tpu.memory_space<vmem>>
    %dma_start3A_389 = arith.constant 0 : i32
    %dma_start3A_390 = tpu.memref_slice %arg9[%dma_start3A_384, %dma_start3A_389] : memref<50x200xi32, #tpu.memory_space<vmem>> -> memref<1x200xi32, #tpu.memory_space<vmem>>
    %dma_start3A_391 = tpu.memref_squeeze %dma_start3A_390 : memref<1x200xi32, #tpu.memory_space<vmem>> -> memref<200xi32, #tpu.memory_space<vmem>>
    %dma_start3A_392 = arith.constant 0 : i32
    %dma_start3A_393 = arith.constant 0 : i32
    %dma_start3A_394 = tpu.memref_slice %arg12[%dma_start3A_392, %dma_start3A_393] : memref<10000x64xf32, #tpu.memory_space<vmem_shared>> -> memref<10000x64xf32, #tpu.memory_space<vmem_shared>>
    tpu.enqueue_indirect_dma source(%dma_start3A_388 : memref<200x64xf32, #tpu.memory_space<vmem>>) target(%dma_start3A_394 : memref<10000x64xf32, #tpu.memory_space<vmem_shared>>) offsets(%dma_start3A_391 : memref<200xi32, #tpu.memory_space<vmem>>) semaphore(%arg20 : memref<!tpu.dma_semaphore, #tpu.memory_space<semaphore_mem>>) {add = true}
    %dma_wait3A_395 = arith.constant 48 : i32
    %dma_wait3A_396 = arith.constant 3 : i32
    %dma_wait3A_397 = arith.constant 0 : i32
    %dma_wait3A_398 = arith.constant 0 : i32
    %dma_wait3A_399 = tpu.memref_slice %arg10[%dma_wait3A_396, %dma_wait3A_397, %dma_wait3A_398] : memref<5x200x64xf32, #tpu.memory_space<vmem>> -> memref<1x200x64xf32, #tpu.memory_space<vmem>>
    %dma_wait3A_400 = tpu.memref_squeeze %dma_wait3A_399 : memref<1x200x64xf32, #tpu.memory_space<vmem>> -> memref<200x64xf32, #tpu.memory_space<vmem>>
    %dma_wait3A_401 = arith.constant 0 : i32
    %dma_wait3A_402 = tpu.memref_slice %arg8[%dma_wait3A_395, %dma_wait3A_401] : memref<50x200xi32, #tpu.memory_space<vmem>> -> memref<1x200xi32, #tpu.memory_space<vmem>>
    %dma_wait3A_403 = tpu.memref_squeeze %dma_wait3A_402 : memref<1x200xi32, #tpu.memory_space<vmem>> -> memref<200xi32, #tpu.memory_space<vmem>>
    %dma_wait3A_404 = arith.constant 0 : i32
    %dma_wait3A_405 = arith.constant 0 : i32
    %dma_wait3A_406 = tpu.memref_slice %arg2[%dma_wait3A_404, %dma_wait3A_405] : memref<20000x64xf32, #tpu.memory_space<hbm>> -> memref<20000x64xf32, #tpu.memory_space<hbm>>
    tpu.wait_indirect_dma semaphore(%arg16 : memref<!tpu.dma_semaphore, #tpu.memory_space<semaphore_mem>>) src(%dma_wait3A_406 : memref<20000x64xf32, #tpu.memory_space<hbm>>) dst(%dma_wait3A_400 : memref<200x64xf32, #tpu.memory_space<vmem>>)
    %dma_start3A_407 = arith.constant 3 : i32
    %dma_start3A_408 = arith.constant 48 : i32
    %dma_start3A_409 = arith.constant 0 : i32
    %dma_start3A_410 = arith.constant 0 : i32
    %dma_start3A_411 = tpu.memref_slice %arg10[%dma_start3A_407, %dma_start3A_409, %dma_start3A_410] : memref<5x200x64xf32, #tpu.memory_space<vmem>> -> memref<1x200x64xf32, #tpu.memory_space<vmem>>
    %dma_start3A_412 = tpu.memref_squeeze %dma_start3A_411 : memref<1x200x64xf32, #tpu.memory_space<vmem>> -> memref<200x64xf32, #tpu.memory_space<vmem>>
    %dma_start3A_413 = arith.constant 0 : i32
    %dma_start3A_414 = tpu.memref_slice %arg9[%dma_start3A_408, %dma_start3A_413] : memref<50x200xi32, #tpu.memory_space<vmem>> -> memref<1x200xi32, #tpu.memory_space<vmem>>
    %dma_start3A_415 = tpu.memref_squeeze %dma_start3A_414 : memref<1x200xi32, #tpu.memory_space<vmem>> -> memref<200xi32, #tpu.memory_space<vmem>>
    %dma_start3A_416 = arith.constant 0 : i32
    %dma_start3A_417 = arith.constant 0 : i32
    %dma_start3A_418 = tpu.memref_slice %arg12[%dma_start3A_416, %dma_start3A_417] : memref<10000x64xf32, #tpu.memory_space<vmem_shared>> -> memref<10000x64xf32, #tpu.memory_space<vmem_shared>>
    tpu.enqueue_indirect_dma source(%dma_start3A_412 : memref<200x64xf32, #tpu.memory_space<vmem>>) target(%dma_start3A_418 : memref<10000x64xf32, #tpu.memory_space<vmem_shared>>) offsets(%dma_start3A_415 : memref<200xi32, #tpu.memory_space<vmem>>) semaphore(%arg21 : memref<!tpu.dma_semaphore, #tpu.memory_space<semaphore_mem>>) {add = true}
    %dma_wait3A_419 = arith.constant 49 : i32
    %dma_wait3A_420 = arith.constant 4 : i32
    %dma_wait3A_421 = arith.constant 0 : i32
    %dma_wait3A_422 = arith.constant 0 : i32
    %dma_wait3A_423 = tpu.memref_slice %arg10[%dma_wait3A_420, %dma_wait3A_421, %dma_wait3A_422] : memref<5x200x64xf32, #tpu.memory_space<vmem>> -> memref<1x200x64xf32, #tpu.memory_space<vmem>>
    %dma_wait3A_424 = tpu.memref_squeeze %dma_wait3A_423 : memref<1x200x64xf32, #tpu.memory_space<vmem>> -> memref<200x64xf32, #tpu.memory_space<vmem>>
    %dma_wait3A_425 = arith.constant 0 : i32
    %dma_wait3A_426 = tpu.memref_slice %arg8[%dma_wait3A_419, %dma_wait3A_425] : memref<50x200xi32, #tpu.memory_space<vmem>> -> memref<1x200xi32, #tpu.memory_space<vmem>>
    %dma_wait3A_427 = tpu.memref_squeeze %dma_wait3A_426 : memref<1x200xi32, #tpu.memory_space<vmem>> -> memref<200xi32, #tpu.memory_space<vmem>>
    %dma_wait3A_428 = arith.constant 0 : i32
    %dma_wait3A_429 = arith.constant 0 : i32
    %dma_wait3A_430 = tpu.memref_slice %arg2[%dma_wait3A_428, %dma_wait3A_429] : memref<20000x64xf32, #tpu.memory_space<hbm>> -> memref<20000x64xf32, #tpu.memory_space<hbm>>
    tpu.wait_indirect_dma semaphore(%arg17 : memref<!tpu.dma_semaphore, #tpu.memory_space<semaphore_mem>>) src(%dma_wait3A_430 : memref<20000x64xf32, #tpu.memory_space<hbm>>) dst(%dma_wait3A_424 : memref<200x64xf32, #tpu.memory_space<vmem>>)
    %dma_start3A_431 = arith.constant 4 : i32
    %dma_start3A_432 = arith.constant 49 : i32
    %dma_start3A_433 = arith.constant 0 : i32
    %dma_start3A_434 = arith.constant 0 : i32
    %dma_start3A_435 = tpu.memref_slice %arg10[%dma_start3A_431, %dma_start3A_433, %dma_start3A_434] : memref<5x200x64xf32, #tpu.memory_space<vmem>> -> memref<1x200x64xf32, #tpu.memory_space<vmem>>
    %dma_start3A_436 = tpu.memref_squeeze %dma_start3A_435 : memref<1x200x64xf32, #tpu.memory_space<vmem>> -> memref<200x64xf32, #tpu.memory_space<vmem>>
    %dma_start3A_437 = arith.constant 0 : i32
    %dma_start3A_438 = tpu.memref_slice %arg9[%dma_start3A_432, %dma_start3A_437] : memref<50x200xi32, #tpu.memory_space<vmem>> -> memref<1x200xi32, #tpu.memory_space<vmem>>
    %dma_start3A_439 = tpu.memref_squeeze %dma_start3A_438 : memref<1x200xi32, #tpu.memory_space<vmem>> -> memref<200xi32, #tpu.memory_space<vmem>>
    %dma_start3A_440 = arith.constant 0 : i32
    %dma_start3A_441 = arith.constant 0 : i32
    %dma_start3A_442 = tpu.memref_slice %arg12[%dma_start3A_440, %dma_start3A_441] : memref<10000x64xf32, #tpu.memory_space<vmem_shared>> -> memref<10000x64xf32, #tpu.memory_space<vmem_shared>>
    tpu.enqueue_indirect_dma source(%dma_start3A_436 : memref<200x64xf32, #tpu.memory_space<vmem>>) target(%dma_start3A_442 : memref<10000x64xf32, #tpu.memory_space<vmem_shared>>) offsets(%dma_start3A_439 : memref<200xi32, #tpu.memory_space<vmem>>) semaphore(%arg22 : memref<!tpu.dma_semaphore, #tpu.memory_space<semaphore_mem>>) {add = true}
    %dma_wait3A_443 = arith.constant 0 : i32
    %dma_wait3A_444 = arith.constant 45 : i32
    %dma_wait3A_445 = arith.constant 0 : i32
    %dma_wait3A_446 = arith.constant 0 : i32
    %dma_wait3A_447 = tpu.memref_slice %arg10[%dma_wait3A_443, %dma_wait3A_445, %dma_wait3A_446] : memref<5x200x64xf32, #tpu.memory_space<vmem>> -> memref<1x200x64xf32, #tpu.memory_space<vmem>>
    %dma_wait3A_448 = tpu.memref_squeeze %dma_wait3A_447 : memref<1x200x64xf32, #tpu.memory_space<vmem>> -> memref<200x64xf32, #tpu.memory_space<vmem>>
    %dma_wait3A_449 = arith.constant 0 : i32
    %dma_wait3A_450 = tpu.memref_slice %arg9[%dma_wait3A_444, %dma_wait3A_449] : memref<50x200xi32, #tpu.memory_space<vmem>> -> memref<1x200xi32, #tpu.memory_space<vmem>>
    %dma_wait3A_451 = tpu.memref_squeeze %dma_wait3A_450 : memref<1x200xi32, #tpu.memory_space<vmem>> -> memref<200xi32, #tpu.memory_space<vmem>>
    %dma_wait3A_452 = arith.constant 0 : i32
    %dma_wait3A_453 = arith.constant 0 : i32
    %dma_wait3A_454 = tpu.memref_slice %arg12[%dma_wait3A_452, %dma_wait3A_453] : memref<10000x64xf32, #tpu.memory_space<vmem_shared>> -> memref<10000x64xf32, #tpu.memory_space<vmem_shared>>
    tpu.wait_indirect_dma semaphore(%arg18 : memref<!tpu.dma_semaphore, #tpu.memory_space<semaphore_mem>>) src(%dma_wait3A_448 : memref<200x64xf32, #tpu.memory_space<vmem>>) dst(%dma_wait3A_454 : memref<10000x64xf32, #tpu.memory_space<vmem_shared>>)
    %dma_wait3A_455 = arith.constant 1 : i32
    %dma_wait3A_456 = arith.constant 46 : i32
    %dma_wait3A_457 = arith.constant 0 : i32
    %dma_wait3A_458 = arith.constant 0 : i32
    %dma_wait3A_459 = tpu.memref_slice %arg10[%dma_wait3A_455, %dma_wait3A_457, %dma_wait3A_458] : memref<5x200x64xf32, #tpu.memory_space<vmem>> -> memref<1x200x64xf32, #tpu.memory_space<vmem>>
    %dma_wait3A_460 = tpu.memref_squeeze %dma_wait3A_459 : memref<1x200x64xf32, #tpu.memory_space<vmem>> -> memref<200x64xf32, #tpu.memory_space<vmem>>
    %dma_wait3A_461 = arith.constant 0 : i32
    %dma_wait3A_462 = tpu.memref_slice %arg9[%dma_wait3A_456, %dma_wait3A_461] : memref<50x200xi32, #tpu.memory_space<vmem>> -> memref<1x200xi32, #tpu.memory_space<vmem>>
    %dma_wait3A_463 = tpu.memref_squeeze %dma_wait3A_462 : memref<1x200xi32, #tpu.memory_space<vmem>> -> memref<200xi32, #tpu.memory_space<vmem>>
    %dma_wait3A_464 = arith.constant 0 : i32
    %dma_wait3A_465 = arith.constant 0 : i32
    %dma_wait3A_466 = tpu.memref_slice %arg12[%dma_wait3A_464, %dma_wait3A_465] : memref<10000x64xf32, #tpu.memory_space<vmem_shared>> -> memref<10000x64xf32, #tpu.memory_space<vmem_shared>>
    tpu.wait_indirect_dma semaphore(%arg19 : memref<!tpu.dma_semaphore, #tpu.memory_space<semaphore_mem>>) src(%dma_wait3A_460 : memref<200x64xf32, #tpu.memory_space<vmem>>) dst(%dma_wait3A_466 : memref<10000x64xf32, #tpu.memory_space<vmem_shared>>)
    %dma_wait3A_467 = arith.constant 2 : i32
    %dma_wait3A_468 = arith.constant 47 : i32
    %dma_wait3A_469 = arith.constant 0 : i32
    %dma_wait3A_470 = arith.constant 0 : i32
    %dma_wait3A_471 = tpu.memref_slice %arg10[%dma_wait3A_467, %dma_wait3A_469, %dma_wait3A_470] : memref<5x200x64xf32, #tpu.memory_space<vmem>> -> memref<1x200x64xf32, #tpu.memory_space<vmem>>
    %dma_wait3A_472 = tpu.memref_squeeze %dma_wait3A_471 : memref<1x200x64xf32, #tpu.memory_space<vmem>> -> memref<200x64xf32, #tpu.memory_space<vmem>>
    %dma_wait3A_473 = arith.constant 0 : i32
    %dma_wait3A_474 = tpu.memref_slice %arg9[%dma_wait3A_468, %dma_wait3A_473] : memref<50x200xi32, #tpu.memory_space<vmem>> -> memref<1x200xi32, #tpu.memory_space<vmem>>
    %dma_wait3A_475 = tpu.memref_squeeze %dma_wait3A_474 : memref<1x200xi32, #tpu.memory_space<vmem>> -> memref<200xi32, #tpu.memory_space<vmem>>
    %dma_wait3A_476 = arith.constant 0 : i32
    %dma_wait3A_477 = arith.constant 0 : i32
    %dma_wait3A_478 = tpu.memref_slice %arg12[%dma_wait3A_476, %dma_wait3A_477] : memref<10000x64xf32, #tpu.memory_space<vmem_shared>> -> memref<10000x64xf32, #tpu.memory_space<vmem_shared>>
    tpu.wait_indirect_dma semaphore(%arg20 : memref<!tpu.dma_semaphore, #tpu.memory_space<semaphore_mem>>) src(%dma_wait3A_472 : memref<200x64xf32, #tpu.memory_space<vmem>>) dst(%dma_wait3A_478 : memref<10000x64xf32, #tpu.memory_space<vmem_shared>>)
    %dma_wait3A_479 = arith.constant 3 : i32
    %dma_wait3A_480 = arith.constant 48 : i32
    %dma_wait3A_481 = arith.constant 0 : i32
    %dma_wait3A_482 = arith.constant 0 : i32
    %dma_wait3A_483 = tpu.memref_slice %arg10[%dma_wait3A_479, %dma_wait3A_481, %dma_wait3A_482] : memref<5x200x64xf32, #tpu.memory_space<vmem>> -> memref<1x200x64xf32, #tpu.memory_space<vmem>>
    %dma_wait3A_484 = tpu.memref_squeeze %dma_wait3A_483 : memref<1x200x64xf32, #tpu.memory_space<vmem>> -> memref<200x64xf32, #tpu.memory_space<vmem>>
    %dma_wait3A_485 = arith.constant 0 : i32
    %dma_wait3A_486 = tpu.memref_slice %arg9[%dma_wait3A_480, %dma_wait3A_485] : memref<50x200xi32, #tpu.memory_space<vmem>> -> memref<1x200xi32, #tpu.memory_space<vmem>>
    %dma_wait3A_487 = tpu.memref_squeeze %dma_wait3A_486 : memref<1x200xi32, #tpu.memory_space<vmem>> -> memref<200xi32, #tpu.memory_space<vmem>>
    %dma_wait3A_488 = arith.constant 0 : i32
    %dma_wait3A_489 = arith.constant 0 : i32
    %dma_wait3A_490 = tpu.memref_slice %arg12[%dma_wait3A_488, %dma_wait3A_489] : memref<10000x64xf32, #tpu.memory_space<vmem_shared>> -> memref<10000x64xf32, #tpu.memory_space<vmem_shared>>
    tpu.wait_indirect_dma semaphore(%arg21 : memref<!tpu.dma_semaphore, #tpu.memory_space<semaphore_mem>>) src(%dma_wait3A_484 : memref<200x64xf32, #tpu.memory_space<vmem>>) dst(%dma_wait3A_490 : memref<10000x64xf32, #tpu.memory_space<vmem_shared>>)
    %dma_wait3A_491 = arith.constant 4 : i32
    %dma_wait3A_492 = arith.constant 49 : i32
    %dma_wait3A_493 = arith.constant 0 : i32
    %dma_wait3A_494 = arith.constant 0 : i32
    %dma_wait3A_495 = tpu.memref_slice %arg10[%dma_wait3A_491, %dma_wait3A_493, %dma_wait3A_494] : memref<5x200x64xf32, #tpu.memory_space<vmem>> -> memref<1x200x64xf32, #tpu.memory_space<vmem>>
    %dma_wait3A_496 = tpu.memref_squeeze %dma_wait3A_495 : memref<1x200x64xf32, #tpu.memory_space<vmem>> -> memref<200x64xf32, #tpu.memory_space<vmem>>
    %dma_wait3A_497 = arith.constant 0 : i32
    %dma_wait3A_498 = tpu.memref_slice %arg9[%dma_wait3A_492, %dma_wait3A_497] : memref<50x200xi32, #tpu.memory_space<vmem>> -> memref<1x200xi32, #tpu.memory_space<vmem>>
    %dma_wait3A_499 = tpu.memref_squeeze %dma_wait3A_498 : memref<1x200xi32, #tpu.memory_space<vmem>> -> memref<200xi32, #tpu.memory_space<vmem>>
    %dma_wait3A_500 = arith.constant 0 : i32
    %dma_wait3A_501 = arith.constant 0 : i32
    %dma_wait3A_502 = tpu.memref_slice %arg12[%dma_wait3A_500, %dma_wait3A_501] : memref<10000x64xf32, #tpu.memory_space<vmem_shared>> -> memref<10000x64xf32, #tpu.memory_space<vmem_shared>>
    tpu.wait_indirect_dma semaphore(%arg22 : memref<!tpu.dma_semaphore, #tpu.memory_space<semaphore_mem>>) src(%dma_wait3A_496 : memref<200x64xf32, #tpu.memory_space<vmem>>) dst(%dma_wait3A_502 : memref<10000x64xf32, #tpu.memory_space<vmem_shared>>)
    %barrier3A_503 = arith.constant 0 : index
    tpu.barrier barrier_id(%barrier3A_503)
    %add3A_504 = arith.constant 0 : i32
    %add3A_505 = arith.addi %mul3A_0, %add3A_504 : i32
    %dma_start3A_506 = arith.constant 0 : i32
    %dma_start3A_507 = arith.constant 0 : i32
    %dma_start3A_508 = arith.constant 0 : i32
    %dma_start3A_509 = tpu.memref_slice %arg10[%dma_start3A_506, %dma_start3A_507, %dma_start3A_508] : memref<5x200x64xf32, #tpu.memory_space<vmem>> -> memref<1x200x64xf32, #tpu.memory_space<vmem>>
    %dma_start3A_510 = tpu.memref_squeeze %dma_start3A_509 : memref<1x200x64xf32, #tpu.memory_space<vmem>> -> memref<200x64xf32, #tpu.memory_space<vmem>>
    %dma_start3A_511 = arith.constant 0 : i32
    %dma_start3A_512 = arith.constant 0 : i32
    %dma_start3A_513 = tpu.memref_slice %dma_start3A_510[%dma_start3A_511, %dma_start3A_512] : memref<200x64xf32, #tpu.memory_space<vmem>> -> memref<125x64xf32, #tpu.memory_space<vmem>>
    %dma_start3A_514 = arith.constant 0 : i32
    %dma_start3A_515 = tpu.memref_slice %arg12[%add3A_505, %dma_start3A_514] : memref<10000x64xf32, #tpu.memory_space<vmem_shared>> -> memref<125x64xf32, #tpu.memory_space<vmem_shared>>
    %dma_start3A_516 = arith.constant 0 : i32
    %dma_start3A_517 = arith.constant 0 : i32
    %dma_start3A_518 = tpu.memref_slice %arg10[%dma_start3A_506, %dma_start3A_516, %dma_start3A_517] : memref<5x200x64xf32, #tpu.memory_space<vmem>> -> memref<1x200x64xf32, #tpu.memory_space<vmem>>
    %dma_start3A_519 = tpu.memref_squeeze %dma_start3A_518 : memref<1x200x64xf32, #tpu.memory_space<vmem>> -> memref<200x64xf32, #tpu.memory_space<vmem>>
    %dma_start3A_520 = arith.constant 0 : i32
    %dma_start3A_521 = arith.constant 0 : i32
    %dma_start3A_522 = tpu.memref_slice %dma_start3A_519[%dma_start3A_520, %dma_start3A_521] : memref<200x64xf32, #tpu.memory_space<vmem>> -> memref<125x64xf32, #tpu.memory_space<vmem>>
    %dma_start3A_523 = arith.constant 0 : i32
    %dma_start3A_524 = tpu.memref_slice %arg12[%add3A_505, %dma_start3A_523] : memref<10000x64xf32, #tpu.memory_space<vmem_shared>> -> memref<125x64xf32, #tpu.memory_space<vmem_shared>>
    tpu.enqueue_dma source(%dma_start3A_524 : memref<125x64xf32, #tpu.memory_space<vmem_shared>>) target(%dma_start3A_522 : memref<125x64xf32, #tpu.memory_space<vmem>>) target_semaphore(%arg13 : memref<!tpu.dma_semaphore, #tpu.memory_space<semaphore_mem>>)
    %add3A_525 = arith.constant 125 : i32
    %add3A_526 = arith.addi %mul3A_0, %add3A_525 : i32
    %dma_start3A_527 = arith.constant 1 : i32
    %dma_start3A_528 = arith.constant 0 : i32
    %dma_start3A_529 = arith.constant 0 : i32
    %dma_start3A_530 = tpu.memref_slice %arg10[%dma_start3A_527, %dma_start3A_528, %dma_start3A_529] : memref<5x200x64xf32, #tpu.memory_space<vmem>> -> memref<1x200x64xf32, #tpu.memory_space<vmem>>
    %dma_start3A_531 = tpu.memref_squeeze %dma_start3A_530 : memref<1x200x64xf32, #tpu.memory_space<vmem>> -> memref<200x64xf32, #tpu.memory_space<vmem>>
    %dma_start3A_532 = arith.constant 0 : i32
    %dma_start3A_533 = arith.constant 0 : i32
    %dma_start3A_534 = tpu.memref_slice %dma_start3A_531[%dma_start3A_532, %dma_start3A_533] : memref<200x64xf32, #tpu.memory_space<vmem>> -> memref<125x64xf32, #tpu.memory_space<vmem>>
    %dma_start3A_535 = arith.constant 0 : i32
    %dma_start3A_536 = tpu.memref_slice %arg12[%add3A_526, %dma_start3A_535] : memref<10000x64xf32, #tpu.memory_space<vmem_shared>> -> memref<125x64xf32, #tpu.memory_space<vmem_shared>>
    %dma_start3A_537 = arith.constant 0 : i32
    %dma_start3A_538 = arith.constant 0 : i32
    %dma_start3A_539 = tpu.memref_slice %arg10[%dma_start3A_527, %dma_start3A_537, %dma_start3A_538] : memref<5x200x64xf32, #tpu.memory_space<vmem>> -> memref<1x200x64xf32, #tpu.memory_space<vmem>>
    %dma_start3A_540 = tpu.memref_squeeze %dma_start3A_539 : memref<1x200x64xf32, #tpu.memory_space<vmem>> -> memref<200x64xf32, #tpu.memory_space<vmem>>
    %dma_start3A_541 = arith.constant 0 : i32
    %dma_start3A_542 = arith.constant 0 : i32
    %dma_start3A_543 = tpu.memref_slice %dma_start3A_540[%dma_start3A_541, %dma_start3A_542] : memref<200x64xf32, #tpu.memory_space<vmem>> -> memref<125x64xf32, #tpu.memory_space<vmem>>
    %dma_start3A_544 = arith.constant 0 : i32
    %dma_start3A_545 = tpu.memref_slice %arg12[%add3A_526, %dma_start3A_544] : memref<10000x64xf32, #tpu.memory_space<vmem_shared>> -> memref<125x64xf32, #tpu.memory_space<vmem_shared>>
    tpu.enqueue_dma source(%dma_start3A_545 : memref<125x64xf32, #tpu.memory_space<vmem_shared>>) target(%dma_start3A_543 : memref<125x64xf32, #tpu.memory_space<vmem>>) target_semaphore(%arg14 : memref<!tpu.dma_semaphore, #tpu.memory_space<semaphore_mem>>)
    %add3A_546 = arith.constant 250 : i32
    %add3A_547 = arith.addi %mul3A_0, %add3A_546 : i32
    %dma_start3A_548 = arith.constant 2 : i32
    %dma_start3A_549 = arith.constant 0 : i32
    %dma_start3A_550 = arith.constant 0 : i32
    %dma_start3A_551 = tpu.memref_slice %arg10[%dma_start3A_548, %dma_start3A_549, %dma_start3A_550] : memref<5x200x64xf32, #tpu.memory_space<vmem>> -> memref<1x200x64xf32, #tpu.memory_space<vmem>>
    %dma_start3A_552 = tpu.memref_squeeze %dma_start3A_551 : memref<1x200x64xf32, #tpu.memory_space<vmem>> -> memref<200x64xf32, #tpu.memory_space<vmem>>
    %dma_start3A_553 = arith.constant 0 : i32
    %dma_start3A_554 = arith.constant 0 : i32
    %dma_start3A_555 = tpu.memref_slice %dma_start3A_552[%dma_start3A_553, %dma_start3A_554] : memref<200x64xf32, #tpu.memory_space<vmem>> -> memref<125x64xf32, #tpu.memory_space<vmem>>
    %dma_start3A_556 = arith.constant 0 : i32
    %dma_start3A_557 = tpu.memref_slice %arg12[%add3A_547, %dma_start3A_556] : memref<10000x64xf32, #tpu.memory_space<vmem_shared>> -> memref<125x64xf32, #tpu.memory_space<vmem_shared>>
    %dma_start3A_558 = arith.constant 0 : i32
    %dma_start3A_559 = arith.constant 0 : i32
    %dma_start3A_560 = tpu.memref_slice %arg10[%dma_start3A_548, %dma_start3A_558, %dma_start3A_559] : memref<5x200x64xf32, #tpu.memory_space<vmem>> -> memref<1x200x64xf32, #tpu.memory_space<vmem>>
    %dma_start3A_561 = tpu.memref_squeeze %dma_start3A_560 : memref<1x200x64xf32, #tpu.memory_space<vmem>> -> memref<200x64xf32, #tpu.memory_space<vmem>>
    %dma_start3A_562 = arith.constant 0 : i32
    %dma_start3A_563 = arith.constant 0 : i32
    %dma_start3A_564 = tpu.memref_slice %dma_start3A_561[%dma_start3A_562, %dma_start3A_563] : memref<200x64xf32, #tpu.memory_space<vmem>> -> memref<125x64xf32, #tpu.memory_space<vmem>>
    %dma_start3A_565 = arith.constant 0 : i32
    %dma_start3A_566 = tpu.memref_slice %arg12[%add3A_547, %dma_start3A_565] : memref<10000x64xf32, #tpu.memory_space<vmem_shared>> -> memref<125x64xf32, #tpu.memory_space<vmem_shared>>
    tpu.enqueue_dma source(%dma_start3A_566 : memref<125x64xf32, #tpu.memory_space<vmem_shared>>) target(%dma_start3A_564 : memref<125x64xf32, #tpu.memory_space<vmem>>) target_semaphore(%arg15 : memref<!tpu.dma_semaphore, #tpu.memory_space<semaphore_mem>>)
    %add3A_567 = arith.constant 375 : i32
    %add3A_568 = arith.addi %mul3A_0, %add3A_567 : i32
    %dma_start3A_569 = arith.constant 3 : i32
    %dma_start3A_570 = arith.constant 0 : i32
    %dma_start3A_571 = arith.constant 0 : i32
    %dma_start3A_572 = tpu.memref_slice %arg10[%dma_start3A_569, %dma_start3A_570, %dma_start3A_571] : memref<5x200x64xf32, #tpu.memory_space<vmem>> -> memref<1x200x64xf32, #tpu.memory_space<vmem>>
    %dma_start3A_573 = tpu.memref_squeeze %dma_start3A_572 : memref<1x200x64xf32, #tpu.memory_space<vmem>> -> memref<200x64xf32, #tpu.memory_space<vmem>>
    %dma_start3A_574 = arith.constant 0 : i32
    %dma_start3A_575 = arith.constant 0 : i32
    %dma_start3A_576 = tpu.memref_slice %dma_start3A_573[%dma_start3A_574, %dma_start3A_575] : memref<200x64xf32, #tpu.memory_space<vmem>> -> memref<125x64xf32, #tpu.memory_space<vmem>>
    %dma_start3A_577 = arith.constant 0 : i32
    %dma_start3A_578 = tpu.memref_slice %arg12[%add3A_568, %dma_start3A_577] : memref<10000x64xf32, #tpu.memory_space<vmem_shared>> -> memref<125x64xf32, #tpu.memory_space<vmem_shared>>
    %dma_start3A_579 = arith.constant 0 : i32
    %dma_start3A_580 = arith.constant 0 : i32
    %dma_start3A_581 = tpu.memref_slice %arg10[%dma_start3A_569, %dma_start3A_579, %dma_start3A_580] : memref<5x200x64xf32, #tpu.memory_space<vmem>> -> memref<1x200x64xf32, #tpu.memory_space<vmem>>
    %dma_start3A_582 = tpu.memref_squeeze %dma_start3A_581 : memref<1x200x64xf32, #tpu.memory_space<vmem>> -> memref<200x64xf32, #tpu.memory_space<vmem>>
    %dma_start3A_583 = arith.constant 0 : i32
    %dma_start3A_584 = arith.constant 0 : i32
    %dma_start3A_585 = tpu.memref_slice %dma_start3A_582[%dma_start3A_583, %dma_start3A_584] : memref<200x64xf32, #tpu.memory_space<vmem>> -> memref<125x64xf32, #tpu.memory_space<vmem>>
    %dma_start3A_586 = arith.constant 0 : i32
    %dma_start3A_587 = tpu.memref_slice %arg12[%add3A_568, %dma_start3A_586] : memref<10000x64xf32, #tpu.memory_space<vmem_shared>> -> memref<125x64xf32, #tpu.memory_space<vmem_shared>>
    tpu.enqueue_dma source(%dma_start3A_587 : memref<125x64xf32, #tpu.memory_space<vmem_shared>>) target(%dma_start3A_585 : memref<125x64xf32, #tpu.memory_space<vmem>>) target_semaphore(%arg16 : memref<!tpu.dma_semaphore, #tpu.memory_space<semaphore_mem>>)
    %add3A_588 = arith.constant 500 : i32
    %add3A_589 = arith.addi %mul3A_0, %add3A_588 : i32
    %dma_start3A_590 = arith.constant 4 : i32
    %dma_start3A_591 = arith.constant 0 : i32
    %dma_start3A_592 = arith.constant 0 : i32
    %dma_start3A_593 = tpu.memref_slice %arg10[%dma_start3A_590, %dma_start3A_591, %dma_start3A_592] : memref<5x200x64xf32, #tpu.memory_space<vmem>> -> memref<1x200x64xf32, #tpu.memory_space<vmem>>
    %dma_start3A_594 = tpu.memref_squeeze %dma_start3A_593 : memref<1x200x64xf32, #tpu.memory_space<vmem>> -> memref<200x64xf32, #tpu.memory_space<vmem>>
    %dma_start3A_595 = arith.constant 0 : i32
    %dma_start3A_596 = arith.constant 0 : i32
    %dma_start3A_597 = tpu.memref_slice %dma_start3A_594[%dma_start3A_595, %dma_start3A_596] : memref<200x64xf32, #tpu.memory_space<vmem>> -> memref<125x64xf32, #tpu.memory_space<vmem>>
    %dma_start3A_598 = arith.constant 0 : i32
    %dma_start3A_599 = tpu.memref_slice %arg12[%add3A_589, %dma_start3A_598] : memref<10000x64xf32, #tpu.memory_space<vmem_shared>> -> memref<125x64xf32, #tpu.memory_space<vmem_shared>>
    %dma_start3A_600 = arith.constant 0 : i32
    %dma_start3A_601 = arith.constant 0 : i32
    %dma_start3A_602 = tpu.memref_slice %arg10[%dma_start3A_590, %dma_start3A_600, %dma_start3A_601] : memref<5x200x64xf32, #tpu.memory_space<vmem>> -> memref<1x200x64xf32, #tpu.memory_space<vmem>>
    %dma_start3A_603 = tpu.memref_squeeze %dma_start3A_602 : memref<1x200x64xf32, #tpu.memory_space<vmem>> -> memref<200x64xf32, #tpu.memory_space<vmem>>
    %dma_start3A_604 = arith.constant 0 : i32
    %dma_start3A_605 = arith.constant 0 : i32
    %dma_start3A_606 = tpu.memref_slice %dma_start3A_603[%dma_start3A_604, %dma_start3A_605] : memref<200x64xf32, #tpu.memory_space<vmem>> -> memref<125x64xf32, #tpu.memory_space<vmem>>
    %dma_start3A_607 = arith.constant 0 : i32
    %dma_start3A_608 = tpu.memref_slice %arg12[%add3A_589, %dma_start3A_607] : memref<10000x64xf32, #tpu.memory_space<vmem_shared>> -> memref<125x64xf32, #tpu.memory_space<vmem_shared>>
    tpu.enqueue_dma source(%dma_start3A_608 : memref<125x64xf32, #tpu.memory_space<vmem_shared>>) target(%dma_start3A_606 : memref<125x64xf32, #tpu.memory_space<vmem>>) target_semaphore(%arg17 : memref<!tpu.dma_semaphore, #tpu.memory_space<semaphore_mem>>)
    %add3A_609 = arith.constant 0 : i32
    %add3A_610 = arith.addi %mul3A_0, %add3A_609 : i32
    %dma_wait3A_611 = arith.constant 0 : i32
    %dma_wait3A_612 = arith.constant 0 : i32
    %dma_wait3A_613 = arith.constant 0 : i32
    %dma_wait3A_614 = tpu.memref_slice %arg10[%dma_wait3A_611, %dma_wait3A_612, %dma_wait3A_613] : memref<5x200x64xf32, #tpu.memory_space<vmem>> -> memref<1x200x64xf32, #tpu.memory_space<vmem>>
    %dma_wait3A_615 = tpu.memref_squeeze %dma_wait3A_614 : memref<1x200x64xf32, #tpu.memory_space<vmem>> -> memref<200x64xf32, #tpu.memory_space<vmem>>
    %dma_wait3A_616 = arith.constant 0 : i32
    %dma_wait3A_617 = arith.constant 0 : i32
    %dma_wait3A_618 = tpu.memref_slice %dma_wait3A_615[%dma_wait3A_616, %dma_wait3A_617] : memref<200x64xf32, #tpu.memory_space<vmem>> -> memref<125x64xf32, #tpu.memory_space<vmem>>
    %dma_wait3A_619 = arith.constant 0 : i32
    %dma_wait3A_620 = tpu.memref_slice %arg12[%add3A_610, %dma_wait3A_619] : memref<10000x64xf32, #tpu.memory_space<vmem_shared>> -> memref<125x64xf32, #tpu.memory_space<vmem_shared>>
    %dma_wait3A_621 = arith.constant 0 : i32
    %dma_wait3A_622 = arith.constant 0 : i32
    %dma_wait3A_623 = tpu.memref_slice %arg10[%dma_wait3A_611, %dma_wait3A_621, %dma_wait3A_622] : memref<5x200x64xf32, #tpu.memory_space<vmem>> -> memref<1x200x64xf32, #tpu.memory_space<vmem>>
    %dma_wait3A_624 = tpu.memref_squeeze %dma_wait3A_623 : memref<1x200x64xf32, #tpu.memory_space<vmem>> -> memref<200x64xf32, #tpu.memory_space<vmem>>
    %dma_wait3A_625 = arith.constant 0 : i32
    %dma_wait3A_626 = arith.constant 0 : i32
    %dma_wait3A_627 = tpu.memref_slice %dma_wait3A_624[%dma_wait3A_625, %dma_wait3A_626] : memref<200x64xf32, #tpu.memory_space<vmem>> -> memref<125x64xf32, #tpu.memory_space<vmem>>
    %dma_wait3A_628 = arith.constant 0 : i32
    %dma_wait3A_629 = tpu.memref_slice %arg12[%add3A_610, %dma_wait3A_628] : memref<10000x64xf32, #tpu.memory_space<vmem_shared>> -> memref<125x64xf32, #tpu.memory_space<vmem_shared>>
    tpu.wait_dma2 semaphore(%arg13 : memref<!tpu.dma_semaphore, #tpu.memory_space<semaphore_mem>>) src(%dma_wait3A_629 : memref<125x64xf32, #tpu.memory_space<vmem_shared>>) dst(%dma_wait3A_627 : memref<125x64xf32, #tpu.memory_space<vmem>>)
    %dma_start3A_630 = arith.constant 0 : i32
    %dma_start3A_631 = arith.constant 0 : i32
    %dma_start3A_632 = arith.constant 0 : i32
    %dma_start3A_633 = arith.constant 0 : i32
    %dma_start3A_634 = tpu.memref_slice %arg10[%dma_start3A_630, %dma_start3A_632, %dma_start3A_633] : memref<5x200x64xf32, #tpu.memory_space<vmem>> -> memref<1x200x64xf32, #tpu.memory_space<vmem>>
    %dma_start3A_635 = tpu.memref_squeeze %dma_start3A_634 : memref<1x200x64xf32, #tpu.memory_space<vmem>> -> memref<200x64xf32, #tpu.memory_space<vmem>>
    %dma_start3A_636 = arith.constant 0 : i32
    %dma_start3A_637 = arith.constant 0 : i32
    %dma_start3A_638 = tpu.memref_slice %dma_start3A_635[%dma_start3A_636, %dma_start3A_637] : memref<200x64xf32, #tpu.memory_space<vmem>> -> memref<125x64xf32, #tpu.memory_space<vmem>>
    %dma_start3A_639 = arith.constant 0 : i32
    %dma_start3A_640 = tpu.memref_slice %arg11[%dma_start3A_631, %dma_start3A_639] : memref<5x125xi32, #tpu.memory_space<vmem>> -> memref<1x125xi32, #tpu.memory_space<vmem>>
    %dma_start3A_641 = tpu.memref_squeeze %dma_start3A_640 : memref<1x125xi32, #tpu.memory_space<vmem>> -> memref<125xi32, #tpu.memory_space<vmem>>
    %dma_start3A_642 = arith.constant 0 : i32
    %dma_start3A_643 = arith.constant 0 : i32
    %dma_start3A_644 = tpu.memref_slice %arg7[%dma_start3A_642, %dma_start3A_643] : memref<20000x64xf32, #tpu.memory_space<hbm>> -> memref<20000x64xf32, #tpu.memory_space<hbm>>
    tpu.enqueue_indirect_dma source(%dma_start3A_638 : memref<125x64xf32, #tpu.memory_space<vmem>>) target(%dma_start3A_644 : memref<20000x64xf32, #tpu.memory_space<hbm>>) offsets(%dma_start3A_641 : memref<125xi32, #tpu.memory_space<vmem>>) semaphore(%arg18 : memref<!tpu.dma_semaphore, #tpu.memory_space<semaphore_mem>>)
    %add3A_645 = arith.constant 125 : i32
    %add3A_646 = arith.addi %mul3A_0, %add3A_645 : i32
    %dma_wait3A_647 = arith.constant 1 : i32
    %dma_wait3A_648 = arith.constant 0 : i32
    %dma_wait3A_649 = arith.constant 0 : i32
    %dma_wait3A_650 = tpu.memref_slice %arg10[%dma_wait3A_647, %dma_wait3A_648, %dma_wait3A_649] : memref<5x200x64xf32, #tpu.memory_space<vmem>> -> memref<1x200x64xf32, #tpu.memory_space<vmem>>
    %dma_wait3A_651 = tpu.memref_squeeze %dma_wait3A_650 : memref<1x200x64xf32, #tpu.memory_space<vmem>> -> memref<200x64xf32, #tpu.memory_space<vmem>>
    %dma_wait3A_652 = arith.constant 0 : i32
    %dma_wait3A_653 = arith.constant 0 : i32
    %dma_wait3A_654 = tpu.memref_slice %dma_wait3A_651[%dma_wait3A_652, %dma_wait3A_653] : memref<200x64xf32, #tpu.memory_space<vmem>> -> memref<125x64xf32, #tpu.memory_space<vmem>>
    %dma_wait3A_655 = arith.constant 0 : i32
    %dma_wait3A_656 = tpu.memref_slice %arg12[%add3A_646, %dma_wait3A_655] : memref<10000x64xf32, #tpu.memory_space<vmem_shared>> -> memref<125x64xf32, #tpu.memory_space<vmem_shared>>
    %dma_wait3A_657 = arith.constant 0 : i32
    %dma_wait3A_658 = arith.constant 0 : i32
    %dma_wait3A_659 = tpu.memref_slice %arg10[%dma_wait3A_647, %dma_wait3A_657, %dma_wait3A_658] : memref<5x200x64xf32, #tpu.memory_space<vmem>> -> memref<1x200x64xf32, #tpu.memory_space<vmem>>
    %dma_wait3A_660 = tpu.memref_squeeze %dma_wait3A_659 : memref<1x200x64xf32, #tpu.memory_space<vmem>> -> memref<200x64xf32, #tpu.memory_space<vmem>>
    %dma_wait3A_661 = arith.constant 0 : i32
    %dma_wait3A_662 = arith.constant 0 : i32
    %dma_wait3A_663 = tpu.memref_slice %dma_wait3A_660[%dma_wait3A_661, %dma_wait3A_662] : memref<200x64xf32, #tpu.memory_space<vmem>> -> memref<125x64xf32, #tpu.memory_space<vmem>>
    %dma_wait3A_664 = arith.constant 0 : i32
    %dma_wait3A_665 = tpu.memref_slice %arg12[%add3A_646, %dma_wait3A_664] : memref<10000x64xf32, #tpu.memory_space<vmem_shared>> -> memref<125x64xf32, #tpu.memory_space<vmem_shared>>
    tpu.wait_dma2 semaphore(%arg14 : memref<!tpu.dma_semaphore, #tpu.memory_space<semaphore_mem>>) src(%dma_wait3A_665 : memref<125x64xf32, #tpu.memory_space<vmem_shared>>) dst(%dma_wait3A_663 : memref<125x64xf32, #tpu.memory_space<vmem>>)
    %dma_start3A_666 = arith.constant 1 : i32
    %dma_start3A_667 = arith.constant 1 : i32
    %dma_start3A_668 = arith.constant 0 : i32
    %dma_start3A_669 = arith.constant 0 : i32
    %dma_start3A_670 = tpu.memref_slice %arg10[%dma_start3A_666, %dma_start3A_668, %dma_start3A_669] : memref<5x200x64xf32, #tpu.memory_space<vmem>> -> memref<1x200x64xf32, #tpu.memory_space<vmem>>
    %dma_start3A_671 = tpu.memref_squeeze %dma_start3A_670 : memref<1x200x64xf32, #tpu.memory_space<vmem>> -> memref<200x64xf32, #tpu.memory_space<vmem>>
    %dma_start3A_672 = arith.constant 0 : i32
    %dma_start3A_673 = arith.constant 0 : i32
    %dma_start3A_674 = tpu.memref_slice %dma_start3A_671[%dma_start3A_672, %dma_start3A_673] : memref<200x64xf32, #tpu.memory_space<vmem>> -> memref<125x64xf32, #tpu.memory_space<vmem>>
    %dma_start3A_675 = arith.constant 0 : i32
    %dma_start3A_676 = tpu.memref_slice %arg11[%dma_start3A_667, %dma_start3A_675] : memref<5x125xi32, #tpu.memory_space<vmem>> -> memref<1x125xi32, #tpu.memory_space<vmem>>
    %dma_start3A_677 = tpu.memref_squeeze %dma_start3A_676 : memref<1x125xi32, #tpu.memory_space<vmem>> -> memref<125xi32, #tpu.memory_space<vmem>>
    %dma_start3A_678 = arith.constant 0 : i32
    %dma_start3A_679 = arith.constant 0 : i32
    %dma_start3A_680 = tpu.memref_slice %arg7[%dma_start3A_678, %dma_start3A_679] : memref<20000x64xf32, #tpu.memory_space<hbm>> -> memref<20000x64xf32, #tpu.memory_space<hbm>>
    tpu.enqueue_indirect_dma source(%dma_start3A_674 : memref<125x64xf32, #tpu.memory_space<vmem>>) target(%dma_start3A_680 : memref<20000x64xf32, #tpu.memory_space<hbm>>) offsets(%dma_start3A_677 : memref<125xi32, #tpu.memory_space<vmem>>) semaphore(%arg19 : memref<!tpu.dma_semaphore, #tpu.memory_space<semaphore_mem>>)
    %add3A_681 = arith.constant 250 : i32
    %add3A_682 = arith.addi %mul3A_0, %add3A_681 : i32
    %dma_wait3A_683 = arith.constant 2 : i32
    %dma_wait3A_684 = arith.constant 0 : i32
    %dma_wait3A_685 = arith.constant 0 : i32
    %dma_wait3A_686 = tpu.memref_slice %arg10[%dma_wait3A_683, %dma_wait3A_684, %dma_wait3A_685] : memref<5x200x64xf32, #tpu.memory_space<vmem>> -> memref<1x200x64xf32, #tpu.memory_space<vmem>>
    %dma_wait3A_687 = tpu.memref_squeeze %dma_wait3A_686 : memref<1x200x64xf32, #tpu.memory_space<vmem>> -> memref<200x64xf32, #tpu.memory_space<vmem>>
    %dma_wait3A_688 = arith.constant 0 : i32
    %dma_wait3A_689 = arith.constant 0 : i32
    %dma_wait3A_690 = tpu.memref_slice %dma_wait3A_687[%dma_wait3A_688, %dma_wait3A_689] : memref<200x64xf32, #tpu.memory_space<vmem>> -> memref<125x64xf32, #tpu.memory_space<vmem>>
    %dma_wait3A_691 = arith.constant 0 : i32
    %dma_wait3A_692 = tpu.memref_slice %arg12[%add3A_682, %dma_wait3A_691] : memref<10000x64xf32, #tpu.memory_space<vmem_shared>> -> memref<125x64xf32, #tpu.memory_space<vmem_shared>>
    %dma_wait3A_693 = arith.constant 0 : i32
    %dma_wait3A_694 = arith.constant 0 : i32
    %dma_wait3A_695 = tpu.memref_slice %arg10[%dma_wait3A_683, %dma_wait3A_693, %dma_wait3A_694] : memref<5x200x64xf32, #tpu.memory_space<vmem>> -> memref<1x200x64xf32, #tpu.memory_space<vmem>>
    %dma_wait3A_696 = tpu.memref_squeeze %dma_wait3A_695 : memref<1x200x64xf32, #tpu.memory_space<vmem>> -> memref<200x64xf32, #tpu.memory_space<vmem>>
    %dma_wait3A_697 = arith.constant 0 : i32
    %dma_wait3A_698 = arith.constant 0 : i32
    %dma_wait3A_699 = tpu.memref_slice %dma_wait3A_696[%dma_wait3A_697, %dma_wait3A_698] : memref<200x64xf32, #tpu.memory_space<vmem>> -> memref<125x64xf32, #tpu.memory_space<vmem>>
    %dma_wait3A_700 = arith.constant 0 : i32
    %dma_wait3A_701 = tpu.memref_slice %arg12[%add3A_682, %dma_wait3A_700] : memref<10000x64xf32, #tpu.memory_space<vmem_shared>> -> memref<125x64xf32, #tpu.memory_space<vmem_shared>>
    tpu.wait_dma2 semaphore(%arg15 : memref<!tpu.dma_semaphore, #tpu.memory_space<semaphore_mem>>) src(%dma_wait3A_701 : memref<125x64xf32, #tpu.memory_space<vmem_shared>>) dst(%dma_wait3A_699 : memref<125x64xf32, #tpu.memory_space<vmem>>)
    %dma_start3A_702 = arith.constant 2 : i32
    %dma_start3A_703 = arith.constant 2 : i32
    %dma_start3A_704 = arith.constant 0 : i32
    %dma_start3A_705 = arith.constant 0 : i32
    %dma_start3A_706 = tpu.memref_slice %arg10[%dma_start3A_702, %dma_start3A_704, %dma_start3A_705] : memref<5x200x64xf32, #tpu.memory_space<vmem>> -> memref<1x200x64xf32, #tpu.memory_space<vmem>>
    %dma_start3A_707 = tpu.memref_squeeze %dma_start3A_706 : memref<1x200x64xf32, #tpu.memory_space<vmem>> -> memref<200x64xf32, #tpu.memory_space<vmem>>
    %dma_start3A_708 = arith.constant 0 : i32
    %dma_start3A_709 = arith.constant 0 : i32
    %dma_start3A_710 = tpu.memref_slice %dma_start3A_707[%dma_start3A_708, %dma_start3A_709] : memref<200x64xf32, #tpu.memory_space<vmem>> -> memref<125x64xf32, #tpu.memory_space<vmem>>
    %dma_start3A_711 = arith.constant 0 : i32
    %dma_start3A_712 = tpu.memref_slice %arg11[%dma_start3A_703, %dma_start3A_711] : memref<5x125xi32, #tpu.memory_space<vmem>> -> memref<1x125xi32, #tpu.memory_space<vmem>>
    %dma_start3A_713 = tpu.memref_squeeze %dma_start3A_712 : memref<1x125xi32, #tpu.memory_space<vmem>> -> memref<125xi32, #tpu.memory_space<vmem>>
    %dma_start3A_714 = arith.constant 0 : i32
    %dma_start3A_715 = arith.constant 0 : i32
    %dma_start3A_716 = tpu.memref_slice %arg7[%dma_start3A_714, %dma_start3A_715] : memref<20000x64xf32, #tpu.memory_space<hbm>> -> memref<20000x64xf32, #tpu.memory_space<hbm>>
    tpu.enqueue_indirect_dma source(%dma_start3A_710 : memref<125x64xf32, #tpu.memory_space<vmem>>) target(%dma_start3A_716 : memref<20000x64xf32, #tpu.memory_space<hbm>>) offsets(%dma_start3A_713 : memref<125xi32, #tpu.memory_space<vmem>>) semaphore(%arg20 : memref<!tpu.dma_semaphore, #tpu.memory_space<semaphore_mem>>)
    %add3A_717 = arith.constant 375 : i32
    %add3A_718 = arith.addi %mul3A_0, %add3A_717 : i32
    %dma_wait3A_719 = arith.constant 3 : i32
    %dma_wait3A_720 = arith.constant 0 : i32
    %dma_wait3A_721 = arith.constant 0 : i32
    %dma_wait3A_722 = tpu.memref_slice %arg10[%dma_wait3A_719, %dma_wait3A_720, %dma_wait3A_721] : memref<5x200x64xf32, #tpu.memory_space<vmem>> -> memref<1x200x64xf32, #tpu.memory_space<vmem>>
    %dma_wait3A_723 = tpu.memref_squeeze %dma_wait3A_722 : memref<1x200x64xf32, #tpu.memory_space<vmem>> -> memref<200x64xf32, #tpu.memory_space<vmem>>
    %dma_wait3A_724 = arith.constant 0 : i32
    %dma_wait3A_725 = arith.constant 0 : i32
    %dma_wait3A_726 = tpu.memref_slice %dma_wait3A_723[%dma_wait3A_724, %dma_wait3A_725] : memref<200x64xf32, #tpu.memory_space<vmem>> -> memref<125x64xf32, #tpu.memory_space<vmem>>
    %dma_wait3A_727 = arith.constant 0 : i32
    %dma_wait3A_728 = tpu.memref_slice %arg12[%add3A_718, %dma_wait3A_727] : memref<10000x64xf32, #tpu.memory_space<vmem_shared>> -> memref<125x64xf32, #tpu.memory_space<vmem_shared>>
    %dma_wait3A_729 = arith.constant 0 : i32
    %dma_wait3A_730 = arith.constant 0 : i32
    %dma_wait3A_731 = tpu.memref_slice %arg10[%dma_wait3A_719, %dma_wait3A_729, %dma_wait3A_730] : memref<5x200x64xf32, #tpu.memory_space<vmem>> -> memref<1x200x64xf32, #tpu.memory_space<vmem>>
    %dma_wait3A_732 = tpu.memref_squeeze %dma_wait3A_731 : memref<1x200x64xf32, #tpu.memory_space<vmem>> -> memref<200x64xf32, #tpu.memory_space<vmem>>
    %dma_wait3A_733 = arith.constant 0 : i32
    %dma_wait3A_734 = arith.constant 0 : i32
    %dma_wait3A_735 = tpu.memref_slice %dma_wait3A_732[%dma_wait3A_733, %dma_wait3A_734] : memref<200x64xf32, #tpu.memory_space<vmem>> -> memref<125x64xf32, #tpu.memory_space<vmem>>
    %dma_wait3A_736 = arith.constant 0 : i32
    %dma_wait3A_737 = tpu.memref_slice %arg12[%add3A_718, %dma_wait3A_736] : memref<10000x64xf32, #tpu.memory_space<vmem_shared>> -> memref<125x64xf32, #tpu.memory_space<vmem_shared>>
    tpu.wait_dma2 semaphore(%arg16 : memref<!tpu.dma_semaphore, #tpu.memory_space<semaphore_mem>>) src(%dma_wait3A_737 : memref<125x64xf32, #tpu.memory_space<vmem_shared>>) dst(%dma_wait3A_735 : memref<125x64xf32, #tpu.memory_space<vmem>>)
    %dma_start3A_738 = arith.constant 3 : i32
    %dma_start3A_739 = arith.constant 3 : i32
    %dma_start3A_740 = arith.constant 0 : i32
    %dma_start3A_741 = arith.constant 0 : i32
    %dma_start3A_742 = tpu.memref_slice %arg10[%dma_start3A_738, %dma_start3A_740, %dma_start3A_741] : memref<5x200x64xf32, #tpu.memory_space<vmem>> -> memref<1x200x64xf32, #tpu.memory_space<vmem>>
    %dma_start3A_743 = tpu.memref_squeeze %dma_start3A_742 : memref<1x200x64xf32, #tpu.memory_space<vmem>> -> memref<200x64xf32, #tpu.memory_space<vmem>>
    %dma_start3A_744 = arith.constant 0 : i32
    %dma_start3A_745 = arith.constant 0 : i32
    %dma_start3A_746 = tpu.memref_slice %dma_start3A_743[%dma_start3A_744, %dma_start3A_745] : memref<200x64xf32, #tpu.memory_space<vmem>> -> memref<125x64xf32, #tpu.memory_space<vmem>>
    %dma_start3A_747 = arith.constant 0 : i32
    %dma_start3A_748 = tpu.memref_slice %arg11[%dma_start3A_739, %dma_start3A_747] : memref<5x125xi32, #tpu.memory_space<vmem>> -> memref<1x125xi32, #tpu.memory_space<vmem>>
    %dma_start3A_749 = tpu.memref_squeeze %dma_start3A_748 : memref<1x125xi32, #tpu.memory_space<vmem>> -> memref<125xi32, #tpu.memory_space<vmem>>
    %dma_start3A_750 = arith.constant 0 : i32
    %dma_start3A_751 = arith.constant 0 : i32
    %dma_start3A_752 = tpu.memref_slice %arg7[%dma_start3A_750, %dma_start3A_751] : memref<20000x64xf32, #tpu.memory_space<hbm>> -> memref<20000x64xf32, #tpu.memory_space<hbm>>
    tpu.enqueue_indirect_dma source(%dma_start3A_746 : memref<125x64xf32, #tpu.memory_space<vmem>>) target(%dma_start3A_752 : memref<20000x64xf32, #tpu.memory_space<hbm>>) offsets(%dma_start3A_749 : memref<125xi32, #tpu.memory_space<vmem>>) semaphore(%arg21 : memref<!tpu.dma_semaphore, #tpu.memory_space<semaphore_mem>>)
    %add3A_753 = arith.constant 500 : i32
    %add3A_754 = arith.addi %mul3A_0, %add3A_753 : i32
    %dma_wait3A_755 = arith.constant 4 : i32
    %dma_wait3A_756 = arith.constant 0 : i32
    %dma_wait3A_757 = arith.constant 0 : i32
    %dma_wait3A_758 = tpu.memref_slice %arg10[%dma_wait3A_755, %dma_wait3A_756, %dma_wait3A_757] : memref<5x200x64xf32, #tpu.memory_space<vmem>> -> memref<1x200x64xf32, #tpu.memory_space<vmem>>
    %dma_wait3A_759 = tpu.memref_squeeze %dma_wait3A_758 : memref<1x200x64xf32, #tpu.memory_space<vmem>> -> memref<200x64xf32, #tpu.memory_space<vmem>>
    %dma_wait3A_760 = arith.constant 0 : i32
    %dma_wait3A_761 = arith.constant 0 : i32
    %dma_wait3A_762 = tpu.memref_slice %dma_wait3A_759[%dma_wait3A_760, %dma_wait3A_761] : memref<200x64xf32, #tpu.memory_space<vmem>> -> memref<125x64xf32, #tpu.memory_space<vmem>>
    %dma_wait3A_763 = arith.constant 0 : i32
    %dma_wait3A_764 = tpu.memref_slice %arg12[%add3A_754, %dma_wait3A_763] : memref<10000x64xf32, #tpu.memory_space<vmem_shared>> -> memref<125x64xf32, #tpu.memory_space<vmem_shared>>
    %dma_wait3A_765 = arith.constant 0 : i32
    %dma_wait3A_766 = arith.constant 0 : i32
    %dma_wait3A_767 = tpu.memref_slice %arg10[%dma_wait3A_755, %dma_wait3A_765, %dma_wait3A_766] : memref<5x200x64xf32, #tpu.memory_space<vmem>> -> memref<1x200x64xf32, #tpu.memory_space<vmem>>
    %dma_wait3A_768 = tpu.memref_squeeze %dma_wait3A_767 : memref<1x200x64xf32, #tpu.memory_space<vmem>> -> memref<200x64xf32, #tpu.memory_space<vmem>>
    %dma_wait3A_769 = arith.constant 0 : i32
    %dma_wait3A_770 = arith.constant 0 : i32
    %dma_wait3A_771 = tpu.memref_slice %dma_wait3A_768[%dma_wait3A_769, %dma_wait3A_770] : memref<200x64xf32, #tpu.memory_space<vmem>> -> memref<125x64xf32, #tpu.memory_space<vmem>>
    %dma_wait3A_772 = arith.constant 0 : i32
    %dma_wait3A_773 = tpu.memref_slice %arg12[%add3A_754, %dma_wait3A_772] : memref<10000x64xf32, #tpu.memory_space<vmem_shared>> -> memref<125x64xf32, #tpu.memory_space<vmem_shared>>
    tpu.wait_dma2 semaphore(%arg17 : memref<!tpu.dma_semaphore, #tpu.memory_space<semaphore_mem>>) src(%dma_wait3A_773 : memref<125x64xf32, #tpu.memory_space<vmem_shared>>) dst(%dma_wait3A_771 : memref<125x64xf32, #tpu.memory_space<vmem>>)
    %dma_start3A_774 = arith.constant 4 : i32
    %dma_start3A_775 = arith.constant 4 : i32
    %dma_start3A_776 = arith.constant 0 : i32
    %dma_start3A_777 = arith.constant 0 : i32
    %dma_start3A_778 = tpu.memref_slice %arg10[%dma_start3A_774, %dma_start3A_776, %dma_start3A_777] : memref<5x200x64xf32, #tpu.memory_space<vmem>> -> memref<1x200x64xf32, #tpu.memory_space<vmem>>
    %dma_start3A_779 = tpu.memref_squeeze %dma_start3A_778 : memref<1x200x64xf32, #tpu.memory_space<vmem>> -> memref<200x64xf32, #tpu.memory_space<vmem>>
    %dma_start3A_780 = arith.constant 0 : i32
    %dma_start3A_781 = arith.constant 0 : i32
    %dma_start3A_782 = tpu.memref_slice %dma_start3A_779[%dma_start3A_780, %dma_start3A_781] : memref<200x64xf32, #tpu.memory_space<vmem>> -> memref<125x64xf32, #tpu.memory_space<vmem>>
    %dma_start3A_783 = arith.constant 0 : i32
    %dma_start3A_784 = tpu.memref_slice %arg11[%dma_start3A_775, %dma_start3A_783] : memref<5x125xi32, #tpu.memory_space<vmem>> -> memref<1x125xi32, #tpu.memory_space<vmem>>
    %dma_start3A_785 = tpu.memref_squeeze %dma_start3A_784 : memref<1x125xi32, #tpu.memory_space<vmem>> -> memref<125xi32, #tpu.memory_space<vmem>>
    %dma_start3A_786 = arith.constant 0 : i32
    %dma_start3A_787 = arith.constant 0 : i32
    %dma_start3A_788 = tpu.memref_slice %arg7[%dma_start3A_786, %dma_start3A_787] : memref<20000x64xf32, #tpu.memory_space<hbm>> -> memref<20000x64xf32, #tpu.memory_space<hbm>>
    tpu.enqueue_indirect_dma source(%dma_start3A_782 : memref<125x64xf32, #tpu.memory_space<vmem>>) target(%dma_start3A_788 : memref<20000x64xf32, #tpu.memory_space<hbm>>) offsets(%dma_start3A_785 : memref<125xi32, #tpu.memory_space<vmem>>) semaphore(%arg22 : memref<!tpu.dma_semaphore, #tpu.memory_space<semaphore_mem>>)
    %dma_wait3A_789 = arith.constant 0 : i32
    %dma_wait3A_790 = arith.constant 0 : i32
    %dma_wait3A_791 = arith.constant 0 : i32
    %dma_wait3A_792 = arith.constant 0 : i32
    %dma_wait3A_793 = tpu.memref_slice %arg10[%dma_wait3A_789, %dma_wait3A_791, %dma_wait3A_792] : memref<5x200x64xf32, #tpu.memory_space<vmem>> -> memref<1x200x64xf32, #tpu.memory_space<vmem>>
    %dma_wait3A_794 = tpu.memref_squeeze %dma_wait3A_793 : memref<1x200x64xf32, #tpu.memory_space<vmem>> -> memref<200x64xf32, #tpu.memory_space<vmem>>
    %dma_wait3A_795 = arith.constant 0 : i32
    %dma_wait3A_796 = arith.constant 0 : i32
    %dma_wait3A_797 = tpu.memref_slice %dma_wait3A_794[%dma_wait3A_795, %dma_wait3A_796] : memref<200x64xf32, #tpu.memory_space<vmem>> -> memref<125x64xf32, #tpu.memory_space<vmem>>
    %dma_wait3A_798 = arith.constant 0 : i32
    %dma_wait3A_799 = tpu.memref_slice %arg11[%dma_wait3A_790, %dma_wait3A_798] : memref<5x125xi32, #tpu.memory_space<vmem>> -> memref<1x125xi32, #tpu.memory_space<vmem>>
    %dma_wait3A_800 = tpu.memref_squeeze %dma_wait3A_799 : memref<1x125xi32, #tpu.memory_space<vmem>> -> memref<125xi32, #tpu.memory_space<vmem>>
    %dma_wait3A_801 = arith.constant 0 : i32
    %dma_wait3A_802 = arith.constant 0 : i32
    %dma_wait3A_803 = tpu.memref_slice %arg7[%dma_wait3A_801, %dma_wait3A_802] : memref<20000x64xf32, #tpu.memory_space<hbm>> -> memref<20000x64xf32, #tpu.memory_space<hbm>>
    tpu.wait_indirect_dma semaphore(%arg18 : memref<!tpu.dma_semaphore, #tpu.memory_space<semaphore_mem>>) src(%dma_wait3A_797 : memref<125x64xf32, #tpu.memory_space<vmem>>) dst(%dma_wait3A_803 : memref<20000x64xf32, #tpu.memory_space<hbm>>)
    %dma_wait3A_804 = arith.constant 1 : i32
    %dma_wait3A_805 = arith.constant 1 : i32
    %dma_wait3A_806 = arith.constant 0 : i32
    %dma_wait3A_807 = arith.constant 0 : i32
    %dma_wait3A_808 = tpu.memref_slice %arg10[%dma_wait3A_804, %dma_wait3A_806, %dma_wait3A_807] : memref<5x200x64xf32, #tpu.memory_space<vmem>> -> memref<1x200x64xf32, #tpu.memory_space<vmem>>
    %dma_wait3A_809 = tpu.memref_squeeze %dma_wait3A_808 : memref<1x200x64xf32, #tpu.memory_space<vmem>> -> memref<200x64xf32, #tpu.memory_space<vmem>>
    %dma_wait3A_810 = arith.constant 0 : i32
    %dma_wait3A_811 = arith.constant 0 : i32
    %dma_wait3A_812 = tpu.memref_slice %dma_wait3A_809[%dma_wait3A_810, %dma_wait3A_811] : memref<200x64xf32, #tpu.memory_space<vmem>> -> memref<125x64xf32, #tpu.memory_space<vmem>>
    %dma_wait3A_813 = arith.constant 0 : i32
    %dma_wait3A_814 = tpu.memref_slice %arg11[%dma_wait3A_805, %dma_wait3A_813] : memref<5x125xi32, #tpu.memory_space<vmem>> -> memref<1x125xi32, #tpu.memory_space<vmem>>
    %dma_wait3A_815 = tpu.memref_squeeze %dma_wait3A_814 : memref<1x125xi32, #tpu.memory_space<vmem>> -> memref<125xi32, #tpu.memory_space<vmem>>
    %dma_wait3A_816 = arith.constant 0 : i32
    %dma_wait3A_817 = arith.constant 0 : i32
    %dma_wait3A_818 = tpu.memref_slice %arg7[%dma_wait3A_816, %dma_wait3A_817] : memref<20000x64xf32, #tpu.memory_space<hbm>> -> memref<20000x64xf32, #tpu.memory_space<hbm>>
    tpu.wait_indirect_dma semaphore(%arg19 : memref<!tpu.dma_semaphore, #tpu.memory_space<semaphore_mem>>) src(%dma_wait3A_812 : memref<125x64xf32, #tpu.memory_space<vmem>>) dst(%dma_wait3A_818 : memref<20000x64xf32, #tpu.memory_space<hbm>>)
    %dma_wait3A_819 = arith.constant 2 : i32
    %dma_wait3A_820 = arith.constant 2 : i32
    %dma_wait3A_821 = arith.constant 0 : i32
    %dma_wait3A_822 = arith.constant 0 : i32
    %dma_wait3A_823 = tpu.memref_slice %arg10[%dma_wait3A_819, %dma_wait3A_821, %dma_wait3A_822] : memref<5x200x64xf32, #tpu.memory_space<vmem>> -> memref<1x200x64xf32, #tpu.memory_space<vmem>>
    %dma_wait3A_824 = tpu.memref_squeeze %dma_wait3A_823 : memref<1x200x64xf32, #tpu.memory_space<vmem>> -> memref<200x64xf32, #tpu.memory_space<vmem>>
    %dma_wait3A_825 = arith.constant 0 : i32
    %dma_wait3A_826 = arith.constant 0 : i32
    %dma_wait3A_827 = tpu.memref_slice %dma_wait3A_824[%dma_wait3A_825, %dma_wait3A_826] : memref<200x64xf32, #tpu.memory_space<vmem>> -> memref<125x64xf32, #tpu.memory_space<vmem>>
    %dma_wait3A_828 = arith.constant 0 : i32
    %dma_wait3A_829 = tpu.memref_slice %arg11[%dma_wait3A_820, %dma_wait3A_828] : memref<5x125xi32, #tpu.memory_space<vmem>> -> memref<1x125xi32, #tpu.memory_space<vmem>>
    %dma_wait3A_830 = tpu.memref_squeeze %dma_wait3A_829 : memref<1x125xi32, #tpu.memory_space<vmem>> -> memref<125xi32, #tpu.memory_space<vmem>>
    %dma_wait3A_831 = arith.constant 0 : i32
    %dma_wait3A_832 = arith.constant 0 : i32
    %dma_wait3A_833 = tpu.memref_slice %arg7[%dma_wait3A_831, %dma_wait3A_832] : memref<20000x64xf32, #tpu.memory_space<hbm>> -> memref<20000x64xf32, #tpu.memory_space<hbm>>
    tpu.wait_indirect_dma semaphore(%arg20 : memref<!tpu.dma_semaphore, #tpu.memory_space<semaphore_mem>>) src(%dma_wait3A_827 : memref<125x64xf32, #tpu.memory_space<vmem>>) dst(%dma_wait3A_833 : memref<20000x64xf32, #tpu.memory_space<hbm>>)
    %dma_wait3A_834 = arith.constant 3 : i32
    %dma_wait3A_835 = arith.constant 3 : i32
    %dma_wait3A_836 = arith.constant 0 : i32
    %dma_wait3A_837 = arith.constant 0 : i32
    %dma_wait3A_838 = tpu.memref_slice %arg10[%dma_wait3A_834, %dma_wait3A_836, %dma_wait3A_837] : memref<5x200x64xf32, #tpu.memory_space<vmem>> -> memref<1x200x64xf32, #tpu.memory_space<vmem>>
    %dma_wait3A_839 = tpu.memref_squeeze %dma_wait3A_838 : memref<1x200x64xf32, #tpu.memory_space<vmem>> -> memref<200x64xf32, #tpu.memory_space<vmem>>
    %dma_wait3A_840 = arith.constant 0 : i32
    %dma_wait3A_841 = arith.constant 0 : i32
    %dma_wait3A_842 = tpu.memref_slice %dma_wait3A_839[%dma_wait3A_840, %dma_wait3A_841] : memref<200x64xf32, #tpu.memory_space<vmem>> -> memref<125x64xf32, #tpu.memory_space<vmem>>
    %dma_wait3A_843 = arith.constant 0 : i32
    %dma_wait3A_844 = tpu.memref_slice %arg11[%dma_wait3A_835, %dma_wait3A_843] : memref<5x125xi32, #tpu.memory_space<vmem>> -> memref<1x125xi32, #tpu.memory_space<vmem>>
    %dma_wait3A_845 = tpu.memref_squeeze %dma_wait3A_844 : memref<1x125xi32, #tpu.memory_space<vmem>> -> memref<125xi32, #tpu.memory_space<vmem>>
    %dma_wait3A_846 = arith.constant 0 : i32
    %dma_wait3A_847 = arith.constant 0 : i32
    %dma_wait3A_848 = tpu.memref_slice %arg7[%dma_wait3A_846, %dma_wait3A_847] : memref<20000x64xf32, #tpu.memory_space<hbm>> -> memref<20000x64xf32, #tpu.memory_space<hbm>>
    tpu.wait_indirect_dma semaphore(%arg21 : memref<!tpu.dma_semaphore, #tpu.memory_space<semaphore_mem>>) src(%dma_wait3A_842 : memref<125x64xf32, #tpu.memory_space<vmem>>) dst(%dma_wait3A_848 : memref<20000x64xf32, #tpu.memory_space<hbm>>)
    %dma_wait3A_849 = arith.constant 4 : i32
    %dma_wait3A_850 = arith.constant 4 : i32
    %dma_wait3A_851 = arith.constant 0 : i32
    %dma_wait3A_852 = arith.constant 0 : i32
    %dma_wait3A_853 = tpu.memref_slice %arg10[%dma_wait3A_849, %dma_wait3A_851, %dma_wait3A_852] : memref<5x200x64xf32, #tpu.memory_space<vmem>> -> memref<1x200x64xf32, #tpu.memory_space<vmem>>
    %dma_wait3A_854 = tpu.memref_squeeze %dma_wait3A_853 : memref<1x200x64xf32, #tpu.memory_space<vmem>> -> memref<200x64xf32, #tpu.memory_space<vmem>>
    %dma_wait3A_855 = arith.constant 0 : i32
    %dma_wait3A_856 = arith.constant 0 : i32
    %dma_wait3A_857 = tpu.memref_slice %dma_wait3A_854[%dma_wait3A_855, %dma_wait3A_856] : memref<200x64xf32, #tpu.memory_space<vmem>> -> memref<125x64xf32, #tpu.memory_space<vmem>>
    %dma_wait3A_858 = arith.constant 0 : i32
    %dma_wait3A_859 = tpu.memref_slice %arg11[%dma_wait3A_850, %dma_wait3A_858] : memref<5x125xi32, #tpu.memory_space<vmem>> -> memref<1x125xi32, #tpu.memory_space<vmem>>
    %dma_wait3A_860 = tpu.memref_squeeze %dma_wait3A_859 : memref<1x125xi32, #tpu.memory_space<vmem>> -> memref<125xi32, #tpu.memory_space<vmem>>
    %dma_wait3A_861 = arith.constant 0 : i32
    %dma_wait3A_862 = arith.constant 0 : i32
    %dma_wait3A_863 = tpu.memref_slice %arg7[%dma_wait3A_861, %dma_wait3A_862] : memref<20000x64xf32, #tpu.memory_space<hbm>> -> memref<20000x64xf32, #tpu.memory_space<hbm>>
    tpu.wait_indirect_dma semaphore(%arg22 : memref<!tpu.dma_semaphore, #tpu.memory_space<semaphore_mem>>) src(%dma_wait3A_857 : memref<125x64xf32, #tpu.memory_space<vmem>>) dst(%dma_wait3A_863 : memref<20000x64xf32, #tpu.memory_space<hbm>>)
    return
  }
}

#map = affine_map<(d0, d1) -> (0, 0)>
#map1 = affine_map<(d0, d1) -> (0, 0, 0)>
module attributes {stable_mosaic.version = 14 : i64} {
  func.func @_sc_degree(%arg0: i32, %arg1: i32, %arg2: memref<1600x200xi32, #tpu.memory_space<hbm>>, %arg3: memref<200x16xf32, #tpu.memory_space<hbm>>, %arg4: memref<10000x16xf32, #tpu.memory_space<hbm>>, %arg5: memref<2x10000x16xf32, #tpu.memory_space<hbm>>, %arg6: memref<50x200xi32, #tpu.memory_space<vmem>>, %arg7: memref<200x16xf32, #tpu.memory_space<vmem>>, %arg8: memref<10000x16xf32, #tpu.memory_space<vmem_shared>>, %arg9: memref<!tpu.dma_semaphore, #tpu.memory_space<semaphore_mem>>, %arg10: memref<!tpu.dma_semaphore, #tpu.memory_space<semaphore_mem>>, %arg11: memref<!tpu.dma_semaphore, #tpu.memory_space<semaphore_mem>>, %arg12: memref<!tpu.dma_semaphore, #tpu.memory_space<semaphore_mem>>, %arg13: memref<!tpu.dma_semaphore, #tpu.memory_space<semaphore_mem>>) attributes {dimension_semantics = [#tpu.dimension_semantics<core_parallel>, #tpu.dimension_semantics<subcore_parallel>], iteration_bounds = array<i64: 2, 16>, scalar_prefetch = 0 : i64, scratch_operands = 8 : i64, tpu.core_type = #tpu.core_type<sc_vector_subcore>, window_params = [{transform_indices = #map}, {transform_indices = #map}, {transform_indices = #map}, {transform_indices = #map1}]} {
    %mul3A = arith.constant 2 : i32
    %mul3A_0 = arith.muli %arg1, %mul3A : i32
    %add3A = arith.addi %mul3A_0, %arg0 : i32
    %mul3A_1 = arith.constant 625 : i32
    %mul3A_2 = arith.muli %arg1, %mul3A_1 : i32
    "tpu.region"() ({
      %run_scoped3A = tpu.sem_alloc : memref<!tpu.dma_semaphore, #tpu.memory_space<semaphore_mem>>
      %dma_start3A = arith.constant 0 : i32
      %dma_start3A_11 = tpu.memref_slice %arg8[%mul3A_2, %dma_start3A] : memref<10000x16xf32, #tpu.memory_space<vmem_shared>> -> memref<625x16xf32, #tpu.memory_space<vmem_shared>>
      %dma_start3A_12 = arith.constant 0 : i32
      %dma_start3A_13 = tpu.memref_slice %arg4[%mul3A_2, %dma_start3A_12] : memref<10000x16xf32, #tpu.memory_space<hbm>> -> memref<625x16xf32, #tpu.memory_space<hbm>>
      tpu.enqueue_dma source(%dma_start3A_13 : memref<625x16xf32, #tpu.memory_space<hbm>>) target(%dma_start3A_11 : memref<625x16xf32, #tpu.memory_space<vmem_shared>>) target_semaphore(%run_scoped3A : memref<!tpu.dma_semaphore, #tpu.memory_space<semaphore_mem>>)
      %dma_wait3A = arith.constant 0 : i32
      %dma_wait3A_14 = tpu.memref_slice %arg8[%mul3A_2, %dma_wait3A] : memref<10000x16xf32, #tpu.memory_space<vmem_shared>> -> memref<625x16xf32, #tpu.memory_space<vmem_shared>>
      %dma_wait3A_15 = arith.constant 0 : i32
      %dma_wait3A_16 = tpu.memref_slice %arg4[%mul3A_2, %dma_wait3A_15] : memref<10000x16xf32, #tpu.memory_space<hbm>> -> memref<625x16xf32, #tpu.memory_space<hbm>>
      tpu.wait_dma2 semaphore(%run_scoped3A : memref<!tpu.dma_semaphore, #tpu.memory_space<semaphore_mem>>) src(%dma_wait3A_16 : memref<625x16xf32, #tpu.memory_space<hbm>>) dst(%dma_wait3A_14 : memref<625x16xf32, #tpu.memory_space<vmem_shared>>)
      tpu.yield
    }) : () -> ()
    "tpu.region"() ({
      %run_scoped3A = tpu.sem_alloc : memref<!tpu.dma_semaphore, #tpu.memory_space<semaphore_mem>>
      tpu.enqueue_dma source(%arg3 : memref<200x16xf32, #tpu.memory_space<hbm>>) target(%arg7 : memref<200x16xf32, #tpu.memory_space<vmem>>) target_semaphore(%run_scoped3A : memref<!tpu.dma_semaphore, #tpu.memory_space<semaphore_mem>>)
      tpu.wait_dma2 semaphore(%run_scoped3A : memref<!tpu.dma_semaphore, #tpu.memory_space<semaphore_mem>>) src(%arg3 : memref<200x16xf32, #tpu.memory_space<hbm>>) dst(%arg7 : memref<200x16xf32, #tpu.memory_space<vmem>>)
      tpu.yield
    }) : () -> ()
    %mul3A_3 = arith.constant 50 : i32
    %mul3A_4 = arith.muli %add3A, %mul3A_3 : i32
    "tpu.region"() ({
      %run_scoped3A = tpu.sem_alloc : memref<!tpu.dma_semaphore, #tpu.memory_space<semaphore_mem>>
      %dma_start3A = arith.constant 0 : i32
      %dma_start3A_11 = tpu.memref_slice %arg2[%mul3A_4, %dma_start3A] : memref<1600x200xi32, #tpu.memory_space<hbm>> -> memref<50x200xi32, #tpu.memory_space<hbm>>
      %dma_start3A_12 = arith.constant 0 : i32
      %dma_start3A_13 = tpu.memref_slice %arg2[%mul3A_4, %dma_start3A_12] : memref<1600x200xi32, #tpu.memory_space<hbm>> -> memref<50x200xi32, #tpu.memory_space<hbm>>
      tpu.enqueue_dma source(%dma_start3A_13 : memref<50x200xi32, #tpu.memory_space<hbm>>) target(%arg6 : memref<50x200xi32, #tpu.memory_space<vmem>>) target_semaphore(%run_scoped3A : memref<!tpu.dma_semaphore, #tpu.memory_space<semaphore_mem>>)
      %dma_wait3A = arith.constant 0 : i32
      %dma_wait3A_14 = tpu.memref_slice %arg2[%mul3A_4, %dma_wait3A] : memref<1600x200xi32, #tpu.memory_space<hbm>> -> memref<50x200xi32, #tpu.memory_space<hbm>>
      %dma_wait3A_15 = arith.constant 0 : i32
      %dma_wait3A_16 = tpu.memref_slice %arg2[%mul3A_4, %dma_wait3A_15] : memref<1600x200xi32, #tpu.memory_space<hbm>> -> memref<50x200xi32, #tpu.memory_space<hbm>>
      tpu.wait_dma2 semaphore(%run_scoped3A : memref<!tpu.dma_semaphore, #tpu.memory_space<semaphore_mem>>) src(%dma_wait3A_16 : memref<50x200xi32, #tpu.memory_space<hbm>>) dst(%arg6 : memref<50x200xi32, #tpu.memory_space<vmem>>)
      tpu.yield
    }) : () -> ()
    %barrier3A = arith.constant 0 : index
    tpu.barrier barrier_id(%barrier3A)
    %scan3A = arith.constant 0 : i32
    %scan3A_5 = arith.constant 0 : i32
    %scan3A_6 = arith.constant 10 : i32
    %scan3A_7 = arith.addi %scan3A_5, %scan3A_6 : i32
    %scan3A_8 = arith.constant 1 : i32
    scf.for %scan3A_11 = %scan3A_5 to %scan3A_7 step %scan3A_8  : i32 {
      %mul3A_12 = arith.constant 5 : i32
      %mul3A_13 = arith.muli %scan3A_11, %mul3A_12 : i32
      %add3A_14 = arith.constant 0 : i32
      %add3A_15 = arith.addi %mul3A_13, %add3A_14 : i32
      %dma_start3A = arith.constant 0 : i32
      %dma_start3A_16 = tpu.memref_slice %arg6[%add3A_15, %dma_start3A] : memref<50x200xi32, #tpu.memory_space<vmem>> -> memref<1x200xi32, #tpu.memory_space<vmem>>
      %dma_start3A_17 = tpu.memref_squeeze %dma_start3A_16 : memref<1x200xi32, #tpu.memory_space<vmem>> -> memref<200xi32, #tpu.memory_space<vmem>>
      %dma_start3A_18 = arith.constant 0 : i32
      %dma_start3A_19 = arith.constant 0 : i32
      %dma_start3A_20 = tpu.memref_slice %arg8[%dma_start3A_18, %dma_start3A_19] : memref<10000x16xf32, #tpu.memory_space<vmem_shared>> -> memref<10000x16xf32, #tpu.memory_space<vmem_shared>>
      tpu.enqueue_indirect_dma source(%arg7 : memref<200x16xf32, #tpu.memory_space<vmem>>) target(%dma_start3A_20 : memref<10000x16xf32, #tpu.memory_space<vmem_shared>>) offsets(%dma_start3A_17 : memref<200xi32, #tpu.memory_space<vmem>>) semaphore(%arg9 : memref<!tpu.dma_semaphore, #tpu.memory_space<semaphore_mem>>) {add = true}
      %add3A_21 = arith.constant 1 : i32
      %add3A_22 = arith.addi %mul3A_13, %add3A_21 : i32
      %dma_start3A_23 = arith.constant 0 : i32
      %dma_start3A_24 = tpu.memref_slice %arg6[%add3A_22, %dma_start3A_23] : memref<50x200xi32, #tpu.memory_space<vmem>> -> memref<1x200xi32, #tpu.memory_space<vmem>>
      %dma_start3A_25 = tpu.memref_squeeze %dma_start3A_24 : memref<1x200xi32, #tpu.memory_space<vmem>> -> memref<200xi32, #tpu.memory_space<vmem>>
      %dma_start3A_26 = arith.constant 0 : i32
      %dma_start3A_27 = arith.constant 0 : i32
      %dma_start3A_28 = tpu.memref_slice %arg8[%dma_start3A_26, %dma_start3A_27] : memref<10000x16xf32, #tpu.memory_space<vmem_shared>> -> memref<10000x16xf32, #tpu.memory_space<vmem_shared>>
      tpu.enqueue_indirect_dma source(%arg7 : memref<200x16xf32, #tpu.memory_space<vmem>>) target(%dma_start3A_28 : memref<10000x16xf32, #tpu.memory_space<vmem_shared>>) offsets(%dma_start3A_25 : memref<200xi32, #tpu.memory_space<vmem>>) semaphore(%arg10 : memref<!tpu.dma_semaphore, #tpu.memory_space<semaphore_mem>>) {add = true}
      %add3A_29 = arith.constant 2 : i32
      %add3A_30 = arith.addi %mul3A_13, %add3A_29 : i32
      %dma_start3A_31 = arith.constant 0 : i32
      %dma_start3A_32 = tpu.memref_slice %arg6[%add3A_30, %dma_start3A_31] : memref<50x200xi32, #tpu.memory_space<vmem>> -> memref<1x200xi32, #tpu.memory_space<vmem>>
      %dma_start3A_33 = tpu.memref_squeeze %dma_start3A_32 : memref<1x200xi32, #tpu.memory_space<vmem>> -> memref<200xi32, #tpu.memory_space<vmem>>
      %dma_start3A_34 = arith.constant 0 : i32
      %dma_start3A_35 = arith.constant 0 : i32
      %dma_start3A_36 = tpu.memref_slice %arg8[%dma_start3A_34, %dma_start3A_35] : memref<10000x16xf32, #tpu.memory_space<vmem_shared>> -> memref<10000x16xf32, #tpu.memory_space<vmem_shared>>
      tpu.enqueue_indirect_dma source(%arg7 : memref<200x16xf32, #tpu.memory_space<vmem>>) target(%dma_start3A_36 : memref<10000x16xf32, #tpu.memory_space<vmem_shared>>) offsets(%dma_start3A_33 : memref<200xi32, #tpu.memory_space<vmem>>) semaphore(%arg11 : memref<!tpu.dma_semaphore, #tpu.memory_space<semaphore_mem>>) {add = true}
      %add3A_37 = arith.constant 3 : i32
      %add3A_38 = arith.addi %mul3A_13, %add3A_37 : i32
      %dma_start3A_39 = arith.constant 0 : i32
      %dma_start3A_40 = tpu.memref_slice %arg6[%add3A_38, %dma_start3A_39] : memref<50x200xi32, #tpu.memory_space<vmem>> -> memref<1x200xi32, #tpu.memory_space<vmem>>
      %dma_start3A_41 = tpu.memref_squeeze %dma_start3A_40 : memref<1x200xi32, #tpu.memory_space<vmem>> -> memref<200xi32, #tpu.memory_space<vmem>>
      %dma_start3A_42 = arith.constant 0 : i32
      %dma_start3A_43 = arith.constant 0 : i32
      %dma_start3A_44 = tpu.memref_slice %arg8[%dma_start3A_42, %dma_start3A_43] : memref<10000x16xf32, #tpu.memory_space<vmem_shared>> -> memref<10000x16xf32, #tpu.memory_space<vmem_shared>>
      tpu.enqueue_indirect_dma source(%arg7 : memref<200x16xf32, #tpu.memory_space<vmem>>) target(%dma_start3A_44 : memref<10000x16xf32, #tpu.memory_space<vmem_shared>>) offsets(%dma_start3A_41 : memref<200xi32, #tpu.memory_space<vmem>>) semaphore(%arg12 : memref<!tpu.dma_semaphore, #tpu.memory_space<semaphore_mem>>) {add = true}
      %add3A_45 = arith.constant 4 : i32
      %add3A_46 = arith.addi %mul3A_13, %add3A_45 : i32
      %dma_start3A_47 = arith.constant 0 : i32
      %dma_start3A_48 = tpu.memref_slice %arg6[%add3A_46, %dma_start3A_47] : memref<50x200xi32, #tpu.memory_space<vmem>> -> memref<1x200xi32, #tpu.memory_space<vmem>>
      %dma_start3A_49 = tpu.memref_squeeze %dma_start3A_48 : memref<1x200xi32, #tpu.memory_space<vmem>> -> memref<200xi32, #tpu.memory_space<vmem>>
      %dma_start3A_50 = arith.constant 0 : i32
      %dma_start3A_51 = arith.constant 0 : i32
      %dma_start3A_52 = tpu.memref_slice %arg8[%dma_start3A_50, %dma_start3A_51] : memref<10000x16xf32, #tpu.memory_space<vmem_shared>> -> memref<10000x16xf32, #tpu.memory_space<vmem_shared>>
      tpu.enqueue_indirect_dma source(%arg7 : memref<200x16xf32, #tpu.memory_space<vmem>>) target(%dma_start3A_52 : memref<10000x16xf32, #tpu.memory_space<vmem_shared>>) offsets(%dma_start3A_49 : memref<200xi32, #tpu.memory_space<vmem>>) semaphore(%arg13 : memref<!tpu.dma_semaphore, #tpu.memory_space<semaphore_mem>>) {add = true}
      %add3A_53 = arith.constant 0 : i32
      %add3A_54 = arith.addi %mul3A_13, %add3A_53 : i32
      %dma_wait3A = arith.constant 0 : i32
      %dma_wait3A_55 = tpu.memref_slice %arg6[%add3A_54, %dma_wait3A] : memref<50x200xi32, #tpu.memory_space<vmem>> -> memref<1x200xi32, #tpu.memory_space<vmem>>
      %dma_wait3A_56 = tpu.memref_squeeze %dma_wait3A_55 : memref<1x200xi32, #tpu.memory_space<vmem>> -> memref<200xi32, #tpu.memory_space<vmem>>
      %dma_wait3A_57 = arith.constant 0 : i32
      %dma_wait3A_58 = arith.constant 0 : i32
      %dma_wait3A_59 = tpu.memref_slice %arg8[%dma_wait3A_57, %dma_wait3A_58] : memref<10000x16xf32, #tpu.memory_space<vmem_shared>> -> memref<10000x16xf32, #tpu.memory_space<vmem_shared>>
      tpu.wait_indirect_dma semaphore(%arg9 : memref<!tpu.dma_semaphore, #tpu.memory_space<semaphore_mem>>) src(%arg7 : memref<200x16xf32, #tpu.memory_space<vmem>>) dst(%dma_wait3A_59 : memref<10000x16xf32, #tpu.memory_space<vmem_shared>>)
      %add3A_60 = arith.constant 1 : i32
      %add3A_61 = arith.addi %mul3A_13, %add3A_60 : i32
      %dma_wait3A_62 = arith.constant 0 : i32
      %dma_wait3A_63 = tpu.memref_slice %arg6[%add3A_61, %dma_wait3A_62] : memref<50x200xi32, #tpu.memory_space<vmem>> -> memref<1x200xi32, #tpu.memory_space<vmem>>
      %dma_wait3A_64 = tpu.memref_squeeze %dma_wait3A_63 : memref<1x200xi32, #tpu.memory_space<vmem>> -> memref<200xi32, #tpu.memory_space<vmem>>
      %dma_wait3A_65 = arith.constant 0 : i32
      %dma_wait3A_66 = arith.constant 0 : i32
      %dma_wait3A_67 = tpu.memref_slice %arg8[%dma_wait3A_65, %dma_wait3A_66] : memref<10000x16xf32, #tpu.memory_space<vmem_shared>> -> memref<10000x16xf32, #tpu.memory_space<vmem_shared>>
      tpu.wait_indirect_dma semaphore(%arg10 : memref<!tpu.dma_semaphore, #tpu.memory_space<semaphore_mem>>) src(%arg7 : memref<200x16xf32, #tpu.memory_space<vmem>>) dst(%dma_wait3A_67 : memref<10000x16xf32, #tpu.memory_space<vmem_shared>>)
      %add3A_68 = arith.constant 2 : i32
      %add3A_69 = arith.addi %mul3A_13, %add3A_68 : i32
      %dma_wait3A_70 = arith.constant 0 : i32
      %dma_wait3A_71 = tpu.memref_slice %arg6[%add3A_69, %dma_wait3A_70] : memref<50x200xi32, #tpu.memory_space<vmem>> -> memref<1x200xi32, #tpu.memory_space<vmem>>
      %dma_wait3A_72 = tpu.memref_squeeze %dma_wait3A_71 : memref<1x200xi32, #tpu.memory_space<vmem>> -> memref<200xi32, #tpu.memory_space<vmem>>
      %dma_wait3A_73 = arith.constant 0 : i32
      %dma_wait3A_74 = arith.constant 0 : i32
      %dma_wait3A_75 = tpu.memref_slice %arg8[%dma_wait3A_73, %dma_wait3A_74] : memref<10000x16xf32, #tpu.memory_space<vmem_shared>> -> memref<10000x16xf32, #tpu.memory_space<vmem_shared>>
      tpu.wait_indirect_dma semaphore(%arg11 : memref<!tpu.dma_semaphore, #tpu.memory_space<semaphore_mem>>) src(%arg7 : memref<200x16xf32, #tpu.memory_space<vmem>>) dst(%dma_wait3A_75 : memref<10000x16xf32, #tpu.memory_space<vmem_shared>>)
      %add3A_76 = arith.constant 3 : i32
      %add3A_77 = arith.addi %mul3A_13, %add3A_76 : i32
      %dma_wait3A_78 = arith.constant 0 : i32
      %dma_wait3A_79 = tpu.memref_slice %arg6[%add3A_77, %dma_wait3A_78] : memref<50x200xi32, #tpu.memory_space<vmem>> -> memref<1x200xi32, #tpu.memory_space<vmem>>
      %dma_wait3A_80 = tpu.memref_squeeze %dma_wait3A_79 : memref<1x200xi32, #tpu.memory_space<vmem>> -> memref<200xi32, #tpu.memory_space<vmem>>
      %dma_wait3A_81 = arith.constant 0 : i32
      %dma_wait3A_82 = arith.constant 0 : i32
      %dma_wait3A_83 = tpu.memref_slice %arg8[%dma_wait3A_81, %dma_wait3A_82] : memref<10000x16xf32, #tpu.memory_space<vmem_shared>> -> memref<10000x16xf32, #tpu.memory_space<vmem_shared>>
      tpu.wait_indirect_dma semaphore(%arg12 : memref<!tpu.dma_semaphore, #tpu.memory_space<semaphore_mem>>) src(%arg7 : memref<200x16xf32, #tpu.memory_space<vmem>>) dst(%dma_wait3A_83 : memref<10000x16xf32, #tpu.memory_space<vmem_shared>>)
      %add3A_84 = arith.constant 4 : i32
      %add3A_85 = arith.addi %mul3A_13, %add3A_84 : i32
      %dma_wait3A_86 = arith.constant 0 : i32
      %dma_wait3A_87 = tpu.memref_slice %arg6[%add3A_85, %dma_wait3A_86] : memref<50x200xi32, #tpu.memory_space<vmem>> -> memref<1x200xi32, #tpu.memory_space<vmem>>
      %dma_wait3A_88 = tpu.memref_squeeze %dma_wait3A_87 : memref<1x200xi32, #tpu.memory_space<vmem>> -> memref<200xi32, #tpu.memory_space<vmem>>
      %dma_wait3A_89 = arith.constant 0 : i32
      %dma_wait3A_90 = arith.constant 0 : i32
      %dma_wait3A_91 = tpu.memref_slice %arg8[%dma_wait3A_89, %dma_wait3A_90] : memref<10000x16xf32, #tpu.memory_space<vmem_shared>> -> memref<10000x16xf32, #tpu.memory_space<vmem_shared>>
      tpu.wait_indirect_dma semaphore(%arg13 : memref<!tpu.dma_semaphore, #tpu.memory_space<semaphore_mem>>) src(%arg7 : memref<200x16xf32, #tpu.memory_space<vmem>>) dst(%dma_wait3A_91 : memref<10000x16xf32, #tpu.memory_space<vmem_shared>>)
    }
    %scan3A_9 = arith.constant 10 : i32
    %barrier3A_10 = arith.constant 0 : index
    tpu.barrier barrier_id(%barrier3A_10)
    "tpu.region"() ({
      %run_scoped3A = tpu.sem_alloc : memref<!tpu.dma_semaphore, #tpu.memory_space<semaphore_mem>>
      %dma_start3A = arith.constant 0 : i32
      %dma_start3A_11 = tpu.memref_slice %arg5[%arg0, %mul3A_2, %dma_start3A] : memref<2x10000x16xf32, #tpu.memory_space<hbm>> -> memref<1x625x16xf32, #tpu.memory_space<hbm>>
      %dma_start3A_12 = tpu.memref_squeeze %dma_start3A_11 : memref<1x625x16xf32, #tpu.memory_space<hbm>> -> memref<625x16xf32, #tpu.memory_space<hbm>>
      %dma_start3A_13 = arith.constant 0 : i32
      %dma_start3A_14 = tpu.memref_slice %arg8[%mul3A_2, %dma_start3A_13] : memref<10000x16xf32, #tpu.memory_space<vmem_shared>> -> memref<625x16xf32, #tpu.memory_space<vmem_shared>>
      tpu.enqueue_dma source(%dma_start3A_14 : memref<625x16xf32, #tpu.memory_space<vmem_shared>>) target(%dma_start3A_12 : memref<625x16xf32, #tpu.memory_space<hbm>>) target_semaphore(%run_scoped3A : memref<!tpu.dma_semaphore, #tpu.memory_space<semaphore_mem>>)
      %dma_wait3A = arith.constant 0 : i32
      %dma_wait3A_15 = tpu.memref_slice %arg5[%arg0, %mul3A_2, %dma_wait3A] : memref<2x10000x16xf32, #tpu.memory_space<hbm>> -> memref<1x625x16xf32, #tpu.memory_space<hbm>>
      %dma_wait3A_16 = tpu.memref_squeeze %dma_wait3A_15 : memref<1x625x16xf32, #tpu.memory_space<hbm>> -> memref<625x16xf32, #tpu.memory_space<hbm>>
      %dma_wait3A_17 = arith.constant 0 : i32
      %dma_wait3A_18 = tpu.memref_slice %arg8[%mul3A_2, %dma_wait3A_17] : memref<10000x16xf32, #tpu.memory_space<vmem_shared>> -> memref<625x16xf32, #tpu.memory_space<vmem_shared>>
      tpu.wait_dma2 semaphore(%run_scoped3A : memref<!tpu.dma_semaphore, #tpu.memory_space<semaphore_mem>>) src(%dma_wait3A_18 : memref<625x16xf32, #tpu.memory_space<vmem_shared>>) dst(%dma_wait3A_16 : memref<625x16xf32, #tpu.memory_space<hbm>>)
      tpu.yield
    }) : () -> ()
    return
  }
}

#map = affine_map<(d0, d1) -> (0, 0)>
#map1 = affine_map<(d0, d1) -> (0, 0, 0)>
#map2 = affine_map<(d0, d1) -> (0, 0, 0, 0)>
module attributes {stable_mosaic.version = 14 : i64} {
  func.func @_sc_edge_sum(%arg0: i32, %arg1: i32, %arg2: memref<20000x64xf32, #tpu.memory_space<hbm>>, %arg3: memref<2x1600x200xi32, #tpu.memory_space<hbm>>, %arg4: memref<1600x200xi32, #tpu.memory_space<hbm>>, %arg5: memref<2x16x5x125xi32, #tpu.memory_space<hbm>>, %arg6: memref<10000x64xf32, #tpu.memory_space<hbm>>, %arg7: memref<20000x64xf32, #tpu.memory_space<hbm>>, %arg8: memref<50x200xi32, #tpu.memory_space<vmem>>, %arg9: memref<50x200xi32, #tpu.memory_space<vmem>>, %arg10: memref<5x200x64xf32, #tpu.memory_space<vmem>>, %arg11: memref<5x125xi32, #tpu.memory_space<vmem>>, %arg12: memref<10000x64xf32, #tpu.memory_space<vmem_shared>>, %arg13: memref<!tpu.dma_semaphore, #tpu.memory_space<semaphore_mem>>, %arg14: memref<!tpu.dma_semaphore, #tpu.memory_space<semaphore_mem>>, %arg15: memref<!tpu.dma_semaphore, #tpu.memory_space<semaphore_mem>>, %arg16: memref<!tpu.dma_semaphore, #tpu.memory_space<semaphore_mem>>, %arg17: memref<!tpu.dma_semaphore, #tpu.memory_space<semaphore_mem>>, %arg18: memref<!tpu.dma_semaphore, #tpu.memory_space<semaphore_mem>>, %arg19: memref<!tpu.dma_semaphore, #tpu.memory_space<semaphore_mem>>, %arg20: memref<!tpu.dma_semaphore, #tpu.memory_space<semaphore_mem>>, %arg21: memref<!tpu.dma_semaphore, #tpu.memory_space<semaphore_mem>>, %arg22: memref<!tpu.dma_semaphore, #tpu.memory_space<semaphore_mem>>) attributes {dimension_semantics = [#tpu.dimension_semantics<core_parallel>, #tpu.dimension_semantics<subcore_parallel>], iteration_bounds = array<i64: 2, 16>, scalar_prefetch = 0 : i64, scratch_operands = 15 : i64, tpu.core_type = #tpu.core_type<sc_vector_subcore>, window_params = [{transform_indices = #map}, {transform_indices = #map1}, {transform_indices = #map}, {transform_indices = #map2}, {transform_indices = #map}, {transform_indices = #map}]} {
    %mul3A = arith.constant 625 : i32
    %mul3A_0 = arith.muli %arg1, %mul3A : i32
    %dma_start3A = arith.constant 0 : i32
    %dma_start3A_1 = tpu.memref_slice %arg12[%mul3A_0, %dma_start3A] : memref<10000x64xf32, #tpu.memory_space<vmem_shared>> -> memref<625x64xf32, #tpu.memory_space<vmem_shared>>
    %dma_start3A_2 = arith.constant 0 : i32
    %dma_start3A_3 = tpu.memref_slice %arg6[%mul3A_0, %dma_start3A_2] : memref<10000x64xf32, #tpu.memory_space<hbm>> -> memref<625x64xf32, #tpu.memory_space<hbm>>
    tpu.enqueue_dma source(%dma_start3A_3 : memref<625x64xf32, #tpu.memory_space<hbm>>) target(%dma_start3A_1 : memref<625x64xf32, #tpu.memory_space<vmem_shared>>) target_semaphore(%arg18 : memref<!tpu.dma_semaphore, #tpu.memory_space<semaphore_mem>>)
    "tpu.region"() ({
      %run_scoped3A = tpu.sem_alloc : memref<!tpu.dma_semaphore, #tpu.memory_space<semaphore_mem>>
      %dma_start3A_864 = arith.constant 0 : i32
      %dma_start3A_865 = arith.constant 0 : i32
      %dma_start3A_866 = tpu.memref_slice %arg5[%arg0, %arg1, %dma_start3A_864, %dma_start3A_865] : memref<2x16x5x125xi32, #tpu.memory_space<hbm>> -> memref<1x1x5x125xi32, #tpu.memory_space<hbm>>
      %dma_start3A_867 = tpu.memref_squeeze %dma_start3A_866 : memref<1x1x5x125xi32, #tpu.memory_space<hbm>> -> memref<5x125xi32, #tpu.memory_space<hbm>>
      %dma_start3A_868 = arith.constant 0 : i32
      %dma_start3A_869 = arith.constant 0 : i32
      %dma_start3A_870 = tpu.memref_slice %arg5[%arg0, %arg1, %dma_start3A_868, %dma_start3A_869] : memref<2x16x5x125xi32, #tpu.memory_space<hbm>> -> memref<1x1x5x125xi32, #tpu.memory_space<hbm>>
      %dma_start3A_871 = tpu.memref_squeeze %dma_start3A_870 : memref<1x1x5x125xi32, #tpu.memory_space<hbm>> -> memref<5x125xi32, #tpu.memory_space<hbm>>
      tpu.enqueue_dma source(%dma_start3A_871 : memref<5x125xi32, #tpu.memory_space<hbm>>) target(%arg11 : memref<5x125xi32, #tpu.memory_space<vmem>>) target_semaphore(%run_scoped3A : memref<!tpu.dma_semaphore, #tpu.memory_space<semaphore_mem>>)
      %dma_wait3A_872 = arith.constant 0 : i32
      %dma_wait3A_873 = arith.constant 0 : i32
      %dma_wait3A_874 = tpu.memref_slice %arg5[%arg0, %arg1, %dma_wait3A_872, %dma_wait3A_873] : memref<2x16x5x125xi32, #tpu.memory_space<hbm>> -> memref<1x1x5x125xi32, #tpu.memory_space<hbm>>
      %dma_wait3A_875 = tpu.memref_squeeze %dma_wait3A_874 : memref<1x1x5x125xi32, #tpu.memory_space<hbm>> -> memref<5x125xi32, #tpu.memory_space<hbm>>
      %dma_wait3A_876 = arith.constant 0 : i32
      %dma_wait3A_877 = arith.constant 0 : i32
      %dma_wait3A_878 = tpu.memref_slice %arg5[%arg0, %arg1, %dma_wait3A_876, %dma_wait3A_877] : memref<2x16x5x125xi32, #tpu.memory_space<hbm>> -> memref<1x1x5x125xi32, #tpu.memory_space<hbm>>
      %dma_wait3A_879 = tpu.memref_squeeze %dma_wait3A_878 : memref<1x1x5x125xi32, #tpu.memory_space<hbm>> -> memref<5x125xi32, #tpu.memory_space<hbm>>
      tpu.wait_dma2 semaphore(%run_scoped3A : memref<!tpu.dma_semaphore, #tpu.memory_space<semaphore_mem>>) src(%dma_wait3A_879 : memref<5x125xi32, #tpu.memory_space<hbm>>) dst(%arg11 : memref<5x125xi32, #tpu.memory_space<vmem>>)
      tpu.yield
    }) : () -> ()
    %mul3A_4 = arith.constant 100 : i32
    %mul3A_5 = arith.muli %arg1, %mul3A_4 : i32
    %add3A = arith.constant 0 : i32
    %add3A_6 = arith.addi %mul3A_5, %add3A : i32
    "tpu.region"() ({
      %run_scoped3A = tpu.sem_alloc : memref<!tpu.dma_semaphore, #tpu.memory_space<semaphore_mem>>
      %dma_start3A_864 = arith.constant 0 : i32
      %dma_start3A_865 = tpu.memref_slice %arg3[%arg0, %add3A_6, %dma_start3A_864] : memref<2x1600x200xi32, #tpu.memory_space<hbm>> -> memref<1x50x200xi32, #tpu.memory_space<hbm>>
      %dma_start3A_866 = tpu.memref_squeeze %dma_start3A_865 : memref<1x50x200xi32, #tpu.memory_space<hbm>> -> memref<50x200xi32, #tpu.memory_space<hbm>>
      %dma_start3A_867 = arith.constant 0 : i32
      %dma_start3A_868 = tpu.memref_slice %arg3[%arg0, %add3A_6, %dma_start3A_867] : memref<2x1600x200xi32, #tpu.memory_space<hbm>> -> memref<1x50x200xi32, #tpu.memory_space<hbm>>
      %dma_start3A_869 = tpu.memref_squeeze %dma_start3A_868 : memref<1x50x200xi32, #tpu.memory_space<hbm>> -> memref<50x200xi32, #tpu.memory_space<hbm>>
      tpu.enqueue_dma source(%dma_start3A_869 : memref<50x200xi32, #tpu.memory_space<hbm>>) target(%arg8 : memref<50x200xi32, #tpu.memory_space<vmem>>) target_semaphore(%run_scoped3A : memref<!tpu.dma_semaphore, #tpu.memory_space<semaphore_mem>>)
      %dma_wait3A_870 = arith.constant 0 : i32
      %dma_wait3A_871 = tpu.memref_slice %arg3[%arg0, %add3A_6, %dma_wait3A_870] : memref<2x1600x200xi32, #tpu.memory_space<hbm>> -> memref<1x50x200xi32, #tpu.memory_space<hbm>>
      %dma_wait3A_872 = tpu.memref_squeeze %dma_wait3A_871 : memref<1x50x200xi32, #tpu.memory_space<hbm>> -> memref<50x200xi32, #tpu.memory_space<hbm>>
      %dma_wait3A_873 = arith.constant 0 : i32
      %dma_wait3A_874 = tpu.memref_slice %arg3[%arg0, %add3A_6, %dma_wait3A_873] : memref<2x1600x200xi32, #tpu.memory_space<hbm>> -> memref<1x50x200xi32, #tpu.memory_space<hbm>>
      %dma_wait3A_875 = tpu.memref_squeeze %dma_wait3A_874 : memref<1x50x200xi32, #tpu.memory_space<hbm>> -> memref<50x200xi32, #tpu.memory_space<hbm>>
      tpu.wait_dma2 semaphore(%run_scoped3A : memref<!tpu.dma_semaphore, #tpu.memory_space<semaphore_mem>>) src(%dma_wait3A_875 : memref<50x200xi32, #tpu.memory_space<hbm>>) dst(%arg8 : memref<50x200xi32, #tpu.memory_space<vmem>>)
      tpu.yield
    }) : () -> ()
    "tpu.region"() ({
      %run_scoped3A = tpu.sem_alloc : memref<!tpu.dma_semaphore, #tpu.memory_space<semaphore_mem>>
      %dma_start3A_864 = arith.constant 0 : i32
      %dma_start3A_865 = tpu.memref_slice %arg4[%add3A_6, %dma_start3A_864] : memref<1600x200xi32, #tpu.memory_space<hbm>> -> memref<50x200xi32, #tpu.memory_space<hbm>>
      %dma_start3A_866 = arith.constant 0 : i32
      %dma_start3A_867 = tpu.memref_slice %arg4[%add3A_6, %dma_start3A_866] : memref<1600x200xi32, #tpu.memory_space<hbm>> -> memref<50x200xi32, #tpu.memory_space<hbm>>
      tpu.enqueue_dma source(%dma_start3A_867 : memref<50x200xi32, #tpu.memory_space<hbm>>) target(%arg9 : memref<50x200xi32, #tpu.memory_space<vmem>>) target_semaphore(%run_scoped3A : memref<!tpu.dma_semaphore, #tpu.memory_space<semaphore_mem>>)
      %dma_wait3A_868 = arith.constant 0 : i32
      %dma_wait3A_869 = tpu.memref_slice %arg4[%add3A_6, %dma_wait3A_868] : memref<1600x200xi32, #tpu.memory_space<hbm>> -> memref<50x200xi32, #tpu.memory_space<hbm>>
      %dma_wait3A_870 = arith.constant 0 : i32
      %dma_wait3A_871 = tpu.memref_slice %arg4[%add3A_6, %dma_wait3A_870] : memref<1600x200xi32, #tpu.memory_space<hbm>> -> memref<50x200xi32, #tpu.memory_space<hbm>>
      tpu.wait_dma2 semaphore(%run_scoped3A : memref<!tpu.dma_semaphore, #tpu.memory_space<semaphore_mem>>) src(%dma_wait3A_871 : memref<50x200xi32, #tpu.memory_space<hbm>>) dst(%arg9 : memref<50x200xi32, #tpu.memory_space<vmem>>)
      tpu.yield
    }) : () -> ()
    %dma_start3A_7 = arith.constant 0 : i32
    %dma_start3A_8 = arith.constant 0 : i32
    %dma_start3A_9 = arith.constant 0 : i32
    %dma_start3A_10 = arith.constant 0 : i32
    %dma_start3A_11 = tpu.memref_slice %arg10[%dma_start3A_8, %dma_start3A_9, %dma_start3A_10] : memref<5x200x64xf32, #tpu.memory_space<vmem>> -> memref<1x200x64xf32, #tpu.memory_space<vmem>>
    %dma_start3A_12 = tpu.memref_squeeze %dma_start3A_11 : memref<1x200x64xf32, #tpu.memory_space<vmem>> -> memref<200x64xf32, #tpu.memory_space<vmem>>
    %dma_start3A_13 = arith.constant 0 : i32
    %dma_start3A_14 = tpu.memref_slice %arg8[%dma_start3A_7, %dma_start3A_13] : memref<50x200xi32, #tpu.memory_space<vmem>> -> memref<1x200xi32, #tpu.memory_space<vmem>>
    %dma_start3A_15 = tpu.memref_squeeze %dma_start3A_14 : memref<1x200xi32, #tpu.memory_space<vmem>> -> memref<200xi32, #tpu.memory_space<vmem>>
    %dma_start3A_16 = arith.constant 0 : i32
    %dma_start3A_17 = arith.constant 0 : i32
    %dma_start3A_18 = tpu.memref_slice %arg2[%dma_start3A_16, %dma_start3A_17] : memref<20000x64xf32, #tpu.memory_space<hbm>> -> memref<20000x64xf32, #tpu.memory_space<hbm>>
    tpu.enqueue_indirect_dma source(%dma_start3A_18 : memref<20000x64xf32, #tpu.memory_space<hbm>>) target(%dma_start3A_12 : memref<200x64xf32, #tpu.memory_space<vmem>>) offsets(%dma_start3A_15 : memref<200xi32, #tpu.memory_space<vmem>>) semaphore(%arg13 : memref<!tpu.dma_semaphore, #tpu.memory_space<semaphore_mem>>)
    %dma_start3A_19 = arith.constant 1 : i32
    %dma_start3A_20 = arith.constant 1 : i32
    %dma_start3A_21 = arith.constant 0 : i32
    %dma_start3A_22 = arith.constant 0 : i32
    %dma_start3A_23 = tpu.memref_slice %arg10[%dma_start3A_20, %dma_start3A_21, %dma_start3A_22] : memref<5x200x64xf32, #tpu.memory_space<vmem>> -> memref<1x200x64xf32, #tpu.memory_space<vmem>>
    %dma_start3A_24 = tpu.memref_squeeze %dma_start3A_23 : memref<1x200x64xf32, #tpu.memory_space<vmem>> -> memref<200x64xf32, #tpu.memory_space<vmem>>
    %dma_start3A_25 = arith.constant 0 : i32
    %dma_start3A_26 = tpu.memref_slice %arg8[%dma_start3A_19, %dma_start3A_25] : memref<50x200xi32, #tpu.memory_space<vmem>> -> memref<1x200xi32, #tpu.memory_space<vmem>>
    %dma_start3A_27 = tpu.memref_squeeze %dma_start3A_26 : memref<1x200xi32, #tpu.memory_space<vmem>> -> memref<200xi32, #tpu.memory_space<vmem>>
    %dma_start3A_28 = arith.constant 0 : i32
    %dma_start3A_29 = arith.constant 0 : i32
    %dma_start3A_30 = tpu.memref_slice %arg2[%dma_start3A_28, %dma_start3A_29] : memref<20000x64xf32, #tpu.memory_space<hbm>> -> memref<20000x64xf32, #tpu.memory_space<hbm>>
    tpu.enqueue_indirect_dma source(%dma_start3A_30 : memref<20000x64xf32, #tpu.memory_space<hbm>>) target(%dma_start3A_24 : memref<200x64xf32, #tpu.memory_space<vmem>>) offsets(%dma_start3A_27 : memref<200xi32, #tpu.memory_space<vmem>>) semaphore(%arg14 : memref<!tpu.dma_semaphore, #tpu.memory_space<semaphore_mem>>)
    %dma_start3A_31 = arith.constant 2 : i32
    %dma_start3A_32 = arith.constant 2 : i32
    %dma_start3A_33 = arith.constant 0 : i32
    %dma_start3A_34 = arith.constant 0 : i32
    %dma_start3A_35 = tpu.memref_slice %arg10[%dma_start3A_32, %dma_start3A_33, %dma_start3A_34] : memref<5x200x64xf32, #tpu.memory_space<vmem>> -> memref<1x200x64xf32, #tpu.memory_space<vmem>>
    %dma_start3A_36 = tpu.memref_squeeze %dma_start3A_35 : memref<1x200x64xf32, #tpu.memory_space<vmem>> -> memref<200x64xf32, #tpu.memory_space<vmem>>
    %dma_start3A_37 = arith.constant 0 : i32
    %dma_start3A_38 = tpu.memref_slice %arg8[%dma_start3A_31, %dma_start3A_37] : memref<50x200xi32, #tpu.memory_space<vmem>> -> memref<1x200xi32, #tpu.memory_space<vmem>>
    %dma_start3A_39 = tpu.memref_squeeze %dma_start3A_38 : memref<1x200xi32, #tpu.memory_space<vmem>> -> memref<200xi32, #tpu.memory_space<vmem>>
    %dma_start3A_40 = arith.constant 0 : i32
    %dma_start3A_41 = arith.constant 0 : i32
    %dma_start3A_42 = tpu.memref_slice %arg2[%dma_start3A_40, %dma_start3A_41] : memref<20000x64xf32, #tpu.memory_space<hbm>> -> memref<20000x64xf32, #tpu.memory_space<hbm>>
    tpu.enqueue_indirect_dma source(%dma_start3A_42 : memref<20000x64xf32, #tpu.memory_space<hbm>>) target(%dma_start3A_36 : memref<200x64xf32, #tpu.memory_space<vmem>>) offsets(%dma_start3A_39 : memref<200xi32, #tpu.memory_space<vmem>>) semaphore(%arg15 : memref<!tpu.dma_semaphore, #tpu.memory_space<semaphore_mem>>)
    %dma_start3A_43 = arith.constant 3 : i32
    %dma_start3A_44 = arith.constant 3 : i32
    %dma_start3A_45 = arith.constant 0 : i32
    %dma_start3A_46 = arith.constant 0 : i32
    %dma_start3A_47 = tpu.memref_slice %arg10[%dma_start3A_44, %dma_start3A_45, %dma_start3A_46] : memref<5x200x64xf32, #tpu.memory_space<vmem>> -> memref<1x200x64xf32, #tpu.memory_space<vmem>>
    %dma_start3A_48 = tpu.memref_squeeze %dma_start3A_47 : memref<1x200x64xf32, #tpu.memory_space<vmem>> -> memref<200x64xf32, #tpu.memory_space<vmem>>
    %dma_start3A_49 = arith.constant 0 : i32
    %dma_start3A_50 = tpu.memref_slice %arg8[%dma_start3A_43, %dma_start3A_49] : memref<50x200xi32, #tpu.memory_space<vmem>> -> memref<1x200xi32, #tpu.memory_space<vmem>>
    %dma_start3A_51 = tpu.memref_squeeze %dma_start3A_50 : memref<1x200xi32, #tpu.memory_space<vmem>> -> memref<200xi32, #tpu.memory_space<vmem>>
    %dma_start3A_52 = arith.constant 0 : i32
    %dma_start3A_53 = arith.constant 0 : i32
    %dma_start3A_54 = tpu.memref_slice %arg2[%dma_start3A_52, %dma_start3A_53] : memref<20000x64xf32, #tpu.memory_space<hbm>> -> memref<20000x64xf32, #tpu.memory_space<hbm>>
    tpu.enqueue_indirect_dma source(%dma_start3A_54 : memref<20000x64xf32, #tpu.memory_space<hbm>>) target(%dma_start3A_48 : memref<200x64xf32, #tpu.memory_space<vmem>>) offsets(%dma_start3A_51 : memref<200xi32, #tpu.memory_space<vmem>>) semaphore(%arg16 : memref<!tpu.dma_semaphore, #tpu.memory_space<semaphore_mem>>)
    %dma_start3A_55 = arith.constant 4 : i32
    %dma_start3A_56 = arith.constant 4 : i32
    %dma_start3A_57 = arith.constant 0 : i32
    %dma_start3A_58 = arith.constant 0 : i32
    %dma_start3A_59 = tpu.memref_slice %arg10[%dma_start3A_56, %dma_start3A_57, %dma_start3A_58] : memref<5x200x64xf32, #tpu.memory_space<vmem>> -> memref<1x200x64xf32, #tpu.memory_space<vmem>>
    %dma_start3A_60 = tpu.memref_squeeze %dma_start3A_59 : memref<1x200x64xf32, #tpu.memory_space<vmem>> -> memref<200x64xf32, #tpu.memory_space<vmem>>
    %dma_start3A_61 = arith.constant 0 : i32
    %dma_start3A_62 = tpu.memref_slice %arg8[%dma_start3A_55, %dma_start3A_61] : memref<50x200xi32, #tpu.memory_space<vmem>> -> memref<1x200xi32, #tpu.memory_space<vmem>>
    %dma_start3A_63 = tpu.memref_squeeze %dma_start3A_62 : memref<1x200xi32, #tpu.memory_space<vmem>> -> memref<200xi32, #tpu.memory_space<vmem>>
    %dma_start3A_64 = arith.constant 0 : i32
    %dma_start3A_65 = arith.constant 0 : i32
    %dma_start3A_66 = tpu.memref_slice %arg2[%dma_start3A_64, %dma_start3A_65] : memref<20000x64xf32, #tpu.memory_space<hbm>> -> memref<20000x64xf32, #tpu.memory_space<hbm>>
    tpu.enqueue_indirect_dma source(%dma_start3A_66 : memref<20000x64xf32, #tpu.memory_space<hbm>>) target(%dma_start3A_60 : memref<200x64xf32, #tpu.memory_space<vmem>>) offsets(%dma_start3A_63 : memref<200xi32, #tpu.memory_space<vmem>>) semaphore(%arg17 : memref<!tpu.dma_semaphore, #tpu.memory_space<semaphore_mem>>)
    %dma_wait3A = arith.constant 0 : i32
    %dma_wait3A_67 = tpu.memref_slice %arg12[%mul3A_0, %dma_wait3A] : memref<10000x64xf32, #tpu.memory_space<vmem_shared>> -> memref<625x64xf32, #tpu.memory_space<vmem_shared>>
    %dma_wait3A_68 = arith.constant 0 : i32
    %dma_wait3A_69 = tpu.memref_slice %arg6[%mul3A_0, %dma_wait3A_68] : memref<10000x64xf32, #tpu.memory_space<hbm>> -> memref<625x64xf32, #tpu.memory_space<hbm>>
    tpu.wait_dma2 semaphore(%arg18 : memref<!tpu.dma_semaphore, #tpu.memory_space<semaphore_mem>>) src(%dma_wait3A_69 : memref<625x64xf32, #tpu.memory_space<hbm>>) dst(%dma_wait3A_67 : memref<625x64xf32, #tpu.memory_space<vmem_shared>>)
    %barrier3A = arith.constant 0 : index
    tpu.barrier barrier_id(%barrier3A)
    %scan3A = arith.constant 0 : i32
    %scan3A_70 = arith.constant 0 : i32
    %scan3A_71 = arith.constant 9 : i32
    %scan3A_72 = arith.addi %scan3A_70, %scan3A_71 : i32
    %scan3A_73 = arith.constant 1 : i32
    scf.for %scan3A_864 = %scan3A_70 to %scan3A_72 step %scan3A_73  : i32 {
      %mul3A_865 = arith.constant 5 : i32
      %mul3A_866 = arith.muli %scan3A_864, %mul3A_865 : i32
      %add3A_867 = arith.constant 0 : i32
      %add3A_868 = arith.addi %mul3A_866, %add3A_867 : i32
      %dma_wait3A_869 = arith.constant 0 : i32
      %dma_wait3A_870 = arith.constant 0 : i32
      %dma_wait3A_871 = arith.constant 0 : i32
      %dma_wait3A_872 = tpu.memref_slice %arg10[%dma_wait3A_869, %dma_wait3A_870, %dma_wait3A_871] : memref<5x200x64xf32, #tpu.memory_space<vmem>> -> memref<1x200x64xf32, #tpu.memory_space<vmem>>
      %dma_wait3A_873 = tpu.memref_squeeze %dma_wait3A_872 : memref<1x200x64xf32, #tpu.memory_space<vmem>> -> memref<200x64xf32, #tpu.memory_space<vmem>>
      %dma_wait3A_874 = arith.constant 0 : i32
      %dma_wait3A_875 = tpu.memref_slice %arg8[%add3A_868, %dma_wait3A_874] : memref<50x200xi32, #tpu.memory_space<vmem>> -> memref<1x200xi32, #tpu.memory_space<vmem>>
      %dma_wait3A_876 = tpu.memref_squeeze %dma_wait3A_875 : memref<1x200xi32, #tpu.memory_space<vmem>> -> memref<200xi32, #tpu.memory_space<vmem>>
      %dma_wait3A_877 = arith.constant 0 : i32
      %dma_wait3A_878 = arith.constant 0 : i32
      %dma_wait3A_879 = tpu.memref_slice %arg2[%dma_wait3A_877, %dma_wait3A_878] : memref<20000x64xf32, #tpu.memory_space<hbm>> -> memref<20000x64xf32, #tpu.memory_space<hbm>>
      tpu.wait_indirect_dma semaphore(%arg13 : memref<!tpu.dma_semaphore, #tpu.memory_space<semaphore_mem>>) src(%dma_wait3A_879 : memref<20000x64xf32, #tpu.memory_space<hbm>>) dst(%dma_wait3A_873 : memref<200x64xf32, #tpu.memory_space<vmem>>)
      %add3A_880 = arith.constant 0 : i32
      %add3A_881 = arith.addi %mul3A_866, %add3A_880 : i32
      %dma_start3A_882 = arith.constant 0 : i32
      %dma_start3A_883 = arith.constant 0 : i32
      %dma_start3A_884 = arith.constant 0 : i32
      %dma_start3A_885 = tpu.memref_slice %arg10[%dma_start3A_882, %dma_start3A_883, %dma_start3A_884] : memref<5x200x64xf32, #tpu.memory_space<vmem>> -> memref<1x200x64xf32, #tpu.memory_space<vmem>>
      %dma_start3A_886 = tpu.memref_squeeze %dma_start3A_885 : memref<1x200x64xf32, #tpu.memory_space<vmem>> -> memref<200x64xf32, #tpu.memory_space<vmem>>
      %dma_start3A_887 = arith.constant 0 : i32
      %dma_start3A_888 = tpu.memref_slice %arg9[%add3A_881, %dma_start3A_887] : memref<50x200xi32, #tpu.memory_space<vmem>> -> memref<1x200xi32, #tpu.memory_space<vmem>>
      %dma_start3A_889 = tpu.memref_squeeze %dma_start3A_888 : memref<1x200xi32, #tpu.memory_space<vmem>> -> memref<200xi32, #tpu.memory_space<vmem>>
      %dma_start3A_890 = arith.constant 0 : i32
      %dma_start3A_891 = arith.constant 0 : i32
      %dma_start3A_892 = tpu.memref_slice %arg12[%dma_start3A_890, %dma_start3A_891] : memref<10000x64xf32, #tpu.memory_space<vmem_shared>> -> memref<10000x64xf32, #tpu.memory_space<vmem_shared>>
      tpu.enqueue_indirect_dma source(%dma_start3A_886 : memref<200x64xf32, #tpu.memory_space<vmem>>) target(%dma_start3A_892 : memref<10000x64xf32, #tpu.memory_space<vmem_shared>>) offsets(%dma_start3A_889 : memref<200xi32, #tpu.memory_space<vmem>>) semaphore(%arg18 : memref<!tpu.dma_semaphore, #tpu.memory_space<semaphore_mem>>) {add = true}
      %add3A_893 = arith.constant 1 : i32
      %add3A_894 = arith.addi %mul3A_866, %add3A_893 : i32
      %dma_wait3A_895 = arith.constant 1 : i32
      %dma_wait3A_896 = arith.constant 0 : i32
      %dma_wait3A_897 = arith.constant 0 : i32
      %dma_wait3A_898 = tpu.memref_slice %arg10[%dma_wait3A_895, %dma_wait3A_896, %dma_wait3A_897] : memref<5x200x64xf32, #tpu.memory_space<vmem>> -> memref<1x200x64xf32, #tpu.memory_space<vmem>>
      %dma_wait3A_899 = tpu.memref_squeeze %dma_wait3A_898 : memref<1x200x64xf32, #tpu.memory_space<vmem>> -> memref<200x64xf32, #tpu.memory_space<vmem>>
      %dma_wait3A_900 = arith.constant 0 : i32
      %dma_wait3A_901 = tpu.memref_slice %arg8[%add3A_894, %dma_wait3A_900] : memref<50x200xi32, #tpu.memory_space<vmem>> -> memref<1x200xi32, #tpu.memory_space<vmem>>
      %dma_wait3A_902 = tpu.memref_squeeze %dma_wait3A_901 : memref<1x200xi32, #tpu.memory_space<vmem>> -> memref<200xi32, #tpu.memory_space<vmem>>
      %dma_wait3A_903 = arith.constant 0 : i32
      %dma_wait3A_904 = arith.constant 0 : i32
      %dma_wait3A_905 = tpu.memref_slice %arg2[%dma_wait3A_903, %dma_wait3A_904] : memref<20000x64xf32, #tpu.memory_space<hbm>> -> memref<20000x64xf32, #tpu.memory_space<hbm>>
      tpu.wait_indirect_dma semaphore(%arg14 : memref<!tpu.dma_semaphore, #tpu.memory_space<semaphore_mem>>) src(%dma_wait3A_905 : memref<20000x64xf32, #tpu.memory_space<hbm>>) dst(%dma_wait3A_899 : memref<200x64xf32, #tpu.memory_space<vmem>>)
      %add3A_906 = arith.constant 1 : i32
      %add3A_907 = arith.addi %mul3A_866, %add3A_906 : i32
      %dma_start3A_908 = arith.constant 1 : i32
      %dma_start3A_909 = arith.constant 0 : i32
      %dma_start3A_910 = arith.constant 0 : i32
      %dma_start3A_911 = tpu.memref_slice %arg10[%dma_start3A_908, %dma_start3A_909, %dma_start3A_910] : memref<5x200x64xf32, #tpu.memory_space<vmem>> -> memref<1x200x64xf32, #tpu.memory_space<vmem>>
      %dma_start3A_912 = tpu.memref_squeeze %dma_start3A_911 : memref<1x200x64xf32, #tpu.memory_space<vmem>> -> memref<200x64xf32, #tpu.memory_space<vmem>>
      %dma_start3A_913 = arith.constant 0 : i32
      %dma_start3A_914 = tpu.memref_slice %arg9[%add3A_907, %dma_start3A_913] : memref<50x200xi32, #tpu.memory_space<vmem>> -> memref<1x200xi32, #tpu.memory_space<vmem>>
      %dma_start3A_915 = tpu.memref_squeeze %dma_start3A_914 : memref<1x200xi32, #tpu.memory_space<vmem>> -> memref<200xi32, #tpu.memory_space<vmem>>
      %dma_start3A_916 = arith.constant 0 : i32
      %dma_start3A_917 = arith.constant 0 : i32
      %dma_start3A_918 = tpu.memref_slice %arg12[%dma_start3A_916, %dma_start3A_917] : memref<10000x64xf32, #tpu.memory_space<vmem_shared>> -> memref<10000x64xf32, #tpu.memory_space<vmem_shared>>
      tpu.enqueue_indirect_dma source(%dma_start3A_912 : memref<200x64xf32, #tpu.memory_space<vmem>>) target(%dma_start3A_918 : memref<10000x64xf32, #tpu.memory_space<vmem_shared>>) offsets(%dma_start3A_915 : memref<200xi32, #tpu.memory_space<vmem>>) semaphore(%arg19 : memref<!tpu.dma_semaphore, #tpu.memory_space<semaphore_mem>>) {add = true}
      %add3A_919 = arith.constant 2 : i32
      %add3A_920 = arith.addi %mul3A_866, %add3A_919 : i32
      %dma_wait3A_921 = arith.constant 2 : i32
      %dma_wait3A_922 = arith.constant 0 : i32
      %dma_wait3A_923 = arith.constant 0 : i32
      %dma_wait3A_924 = tpu.memref_slice %arg10[%dma_wait3A_921, %dma_wait3A_922, %dma_wait3A_923] : memref<5x200x64xf32, #tpu.memory_space<vmem>> -> memref<1x200x64xf32, #tpu.memory_space<vmem>>
      %dma_wait3A_925 = tpu.memref_squeeze %dma_wait3A_924 : memref<1x200x64xf32, #tpu.memory_space<vmem>> -> memref<200x64xf32, #tpu.memory_space<vmem>>
      %dma_wait3A_926 = arith.constant 0 : i32
      %dma_wait3A_927 = tpu.memref_slice %arg8[%add3A_920, %dma_wait3A_926] : memref<50x200xi32, #tpu.memory_space<vmem>> -> memref<1x200xi32, #tpu.memory_space<vmem>>
      %dma_wait3A_928 = tpu.memref_squeeze %dma_wait3A_927 : memref<1x200xi32, #tpu.memory_space<vmem>> -> memref<200xi32, #tpu.memory_space<vmem>>
      %dma_wait3A_929 = arith.constant 0 : i32
      %dma_wait3A_930 = arith.constant 0 : i32
      %dma_wait3A_931 = tpu.memref_slice %arg2[%dma_wait3A_929, %dma_wait3A_930] : memref<20000x64xf32, #tpu.memory_space<hbm>> -> memref<20000x64xf32, #tpu.memory_space<hbm>>
      tpu.wait_indirect_dma semaphore(%arg15 : memref<!tpu.dma_semaphore, #tpu.memory_space<semaphore_mem>>) src(%dma_wait3A_931 : memref<20000x64xf32, #tpu.memory_space<hbm>>) dst(%dma_wait3A_925 : memref<200x64xf32, #tpu.memory_space<vmem>>)
      %add3A_932 = arith.constant 2 : i32
      %add3A_933 = arith.addi %mul3A_866, %add3A_932 : i32
      %dma_start3A_934 = arith.constant 2 : i32
      %dma_start3A_935 = arith.constant 0 : i32
      %dma_start3A_936 = arith.constant 0 : i32
      %dma_start3A_937 = tpu.memref_slice %arg10[%dma_start3A_934, %dma_start3A_935, %dma_start3A_936] : memref<5x200x64xf32, #tpu.memory_space<vmem>> -> memref<1x200x64xf32, #tpu.memory_space<vmem>>
      %dma_start3A_938 = tpu.memref_squeeze %dma_start3A_937 : memref<1x200x64xf32, #tpu.memory_space<vmem>> -> memref<200x64xf32, #tpu.memory_space<vmem>>
      %dma_start3A_939 = arith.constant 0 : i32
      %dma_start3A_940 = tpu.memref_slice %arg9[%add3A_933, %dma_start3A_939] : memref<50x200xi32, #tpu.memory_space<vmem>> -> memref<1x200xi32, #tpu.memory_space<vmem>>
      %dma_start3A_941 = tpu.memref_squeeze %dma_start3A_940 : memref<1x200xi32, #tpu.memory_space<vmem>> -> memref<200xi32, #tpu.memory_space<vmem>>
      %dma_start3A_942 = arith.constant 0 : i32
      %dma_start3A_943 = arith.constant 0 : i32
      %dma_start3A_944 = tpu.memref_slice %arg12[%dma_start3A_942, %dma_start3A_943] : memref<10000x64xf32, #tpu.memory_space<vmem_shared>> -> memref<10000x64xf32, #tpu.memory_space<vmem_shared>>
      tpu.enqueue_indirect_dma source(%dma_start3A_938 : memref<200x64xf32, #tpu.memory_space<vmem>>) target(%dma_start3A_944 : memref<10000x64xf32, #tpu.memory_space<vmem_shared>>) offsets(%dma_start3A_941 : memref<200xi32, #tpu.memory_space<vmem>>) semaphore(%arg20 : memref<!tpu.dma_semaphore, #tpu.memory_space<semaphore_mem>>) {add = true}
      %add3A_945 = arith.constant 3 : i32
      %add3A_946 = arith.addi %mul3A_866, %add3A_945 : i32
      %dma_wait3A_947 = arith.constant 3 : i32
      %dma_wait3A_948 = arith.constant 0 : i32
      %dma_wait3A_949 = arith.constant 0 : i32
      %dma_wait3A_950 = tpu.memref_slice %arg10[%dma_wait3A_947, %dma_wait3A_948, %dma_wait3A_949] : memref<5x200x64xf32, #tpu.memory_space<vmem>> -> memref<1x200x64xf32, #tpu.memory_space<vmem>>
      %dma_wait3A_951 = tpu.memref_squeeze %dma_wait3A_950 : memref<1x200x64xf32, #tpu.memory_space<vmem>> -> memref<200x64xf32, #tpu.memory_space<vmem>>
      %dma_wait3A_952 = arith.constant 0 : i32
      %dma_wait3A_953 = tpu.memref_slice %arg8[%add3A_946, %dma_wait3A_952] : memref<50x200xi32, #tpu.memory_space<vmem>> -> memref<1x200xi32, #tpu.memory_space<vmem>>
      %dma_wait3A_954 = tpu.memref_squeeze %dma_wait3A_953 : memref<1x200xi32, #tpu.memory_space<vmem>> -> memref<200xi32, #tpu.memory_space<vmem>>
      %dma_wait3A_955 = arith.constant 0 : i32
      %dma_wait3A_956 = arith.constant 0 : i32
      %dma_wait3A_957 = tpu.memref_slice %arg2[%dma_wait3A_955, %dma_wait3A_956] : memref<20000x64xf32, #tpu.memory_space<hbm>> -> memref<20000x64xf32, #tpu.memory_space<hbm>>
      tpu.wait_indirect_dma semaphore(%arg16 : memref<!tpu.dma_semaphore, #tpu.memory_space<semaphore_mem>>) src(%dma_wait3A_957 : memref<20000x64xf32, #tpu.memory_space<hbm>>) dst(%dma_wait3A_951 : memref<200x64xf32, #tpu.memory_space<vmem>>)
      %add3A_958 = arith.constant 3 : i32
      %add3A_959 = arith.addi %mul3A_866, %add3A_958 : i32
      %dma_start3A_960 = arith.constant 3 : i32
      %dma_start3A_961 = arith.constant 0 : i32
      %dma_start3A_962 = arith.constant 0 : i32
      %dma_start3A_963 = tpu.memref_slice %arg10[%dma_start3A_960, %dma_start3A_961, %dma_start3A_962] : memref<5x200x64xf32, #tpu.memory_space<vmem>> -> memref<1x200x64xf32, #tpu.memory_space<vmem>>
      %dma_start3A_964 = tpu.memref_squeeze %dma_start3A_963 : memref<1x200x64xf32, #tpu.memory_space<vmem>> -> memref<200x64xf32, #tpu.memory_space<vmem>>
      %dma_start3A_965 = arith.constant 0 : i32
      %dma_start3A_966 = tpu.memref_slice %arg9[%add3A_959, %dma_start3A_965] : memref<50x200xi32, #tpu.memory_space<vmem>> -> memref<1x200xi32, #tpu.memory_space<vmem>>
      %dma_start3A_967 = tpu.memref_squeeze %dma_start3A_966 : memref<1x200xi32, #tpu.memory_space<vmem>> -> memref<200xi32, #tpu.memory_space<vmem>>
      %dma_start3A_968 = arith.constant 0 : i32
      %dma_start3A_969 = arith.constant 0 : i32
      %dma_start3A_970 = tpu.memref_slice %arg12[%dma_start3A_968, %dma_start3A_969] : memref<10000x64xf32, #tpu.memory_space<vmem_shared>> -> memref<10000x64xf32, #tpu.memory_space<vmem_shared>>
      tpu.enqueue_indirect_dma source(%dma_start3A_964 : memref<200x64xf32, #tpu.memory_space<vmem>>) target(%dma_start3A_970 : memref<10000x64xf32, #tpu.memory_space<vmem_shared>>) offsets(%dma_start3A_967 : memref<200xi32, #tpu.memory_space<vmem>>) semaphore(%arg21 : memref<!tpu.dma_semaphore, #tpu.memory_space<semaphore_mem>>) {add = true}
      %add3A_971 = arith.constant 4 : i32
      %add3A_972 = arith.addi %mul3A_866, %add3A_971 : i32
      %dma_wait3A_973 = arith.constant 4 : i32
      %dma_wait3A_974 = arith.constant 0 : i32
      %dma_wait3A_975 = arith.constant 0 : i32
      %dma_wait3A_976 = tpu.memref_slice %arg10[%dma_wait3A_973, %dma_wait3A_974, %dma_wait3A_975] : memref<5x200x64xf32, #tpu.memory_space<vmem>> -> memref<1x200x64xf32, #tpu.memory_space<vmem>>
      %dma_wait3A_977 = tpu.memref_squeeze %dma_wait3A_976 : memref<1x200x64xf32, #tpu.memory_space<vmem>> -> memref<200x64xf32, #tpu.memory_space<vmem>>
      %dma_wait3A_978 = arith.constant 0 : i32
      %dma_wait3A_979 = tpu.memref_slice %arg8[%add3A_972, %dma_wait3A_978] : memref<50x200xi32, #tpu.memory_space<vmem>> -> memref<1x200xi32, #tpu.memory_space<vmem>>
      %dma_wait3A_980 = tpu.memref_squeeze %dma_wait3A_979 : memref<1x200xi32, #tpu.memory_space<vmem>> -> memref<200xi32, #tpu.memory_space<vmem>>
      %dma_wait3A_981 = arith.constant 0 : i32
      %dma_wait3A_982 = arith.constant 0 : i32
      %dma_wait3A_983 = tpu.memref_slice %arg2[%dma_wait3A_981, %dma_wait3A_982] : memref<20000x64xf32, #tpu.memory_space<hbm>> -> memref<20000x64xf32, #tpu.memory_space<hbm>>
      tpu.wait_indirect_dma semaphore(%arg17 : memref<!tpu.dma_semaphore, #tpu.memory_space<semaphore_mem>>) src(%dma_wait3A_983 : memref<20000x64xf32, #tpu.memory_space<hbm>>) dst(%dma_wait3A_977 : memref<200x64xf32, #tpu.memory_space<vmem>>)
      %add3A_984 = arith.constant 4 : i32
      %add3A_985 = arith.addi %mul3A_866, %add3A_984 : i32
      %dma_start3A_986 = arith.constant 4 : i32
      %dma_start3A_987 = arith.constant 0 : i32
      %dma_start3A_988 = arith.constant 0 : i32
      %dma_start3A_989 = tpu.memref_slice %arg10[%dma_start3A_986, %dma_start3A_987, %dma_start3A_988] : memref<5x200x64xf32, #tpu.memory_space<vmem>> -> memref<1x200x64xf32, #tpu.memory_space<vmem>>
      %dma_start3A_990 = tpu.memref_squeeze %dma_start3A_989 : memref<1x200x64xf32, #tpu.memory_space<vmem>> -> memref<200x64xf32, #tpu.memory_space<vmem>>
      %dma_start3A_991 = arith.constant 0 : i32
      %dma_start3A_992 = tpu.memref_slice %arg9[%add3A_985, %dma_start3A_991] : memref<50x200xi32, #tpu.memory_space<vmem>> -> memref<1x200xi32, #tpu.memory_space<vmem>>
      %dma_start3A_993 = tpu.memref_squeeze %dma_start3A_992 : memref<1x200xi32, #tpu.memory_space<vmem>> -> memref<200xi32, #tpu.memory_space<vmem>>
      %dma_start3A_994 = arith.constant 0 : i32
      %dma_start3A_995 = arith.constant 0 : i32
      %dma_start3A_996 = tpu.memref_slice %arg12[%dma_start3A_994, %dma_start3A_995] : memref<10000x64xf32, #tpu.memory_space<vmem_shared>> -> memref<10000x64xf32, #tpu.memory_space<vmem_shared>>
      tpu.enqueue_indirect_dma source(%dma_start3A_990 : memref<200x64xf32, #tpu.memory_space<vmem>>) target(%dma_start3A_996 : memref<10000x64xf32, #tpu.memory_space<vmem_shared>>) offsets(%dma_start3A_993 : memref<200xi32, #tpu.memory_space<vmem>>) semaphore(%arg22 : memref<!tpu.dma_semaphore, #tpu.memory_space<semaphore_mem>>) {add = true}
      %add3A_997 = arith.constant 0 : i32
      %add3A_998 = arith.addi %mul3A_866, %add3A_997 : i32
      %dma_wait3A_999 = arith.constant 0 : i32
      %dma_wait3A_1000 = arith.constant 0 : i32
      %dma_wait3A_1001 = arith.constant 0 : i32
      %dma_wait3A_1002 = tpu.memref_slice %arg10[%dma_wait3A_999, %dma_wait3A_1000, %dma_wait3A_1001] : memref<5x200x64xf32, #tpu.memory_space<vmem>> -> memref<1x200x64xf32, #tpu.memory_space<vmem>>
      %dma_wait3A_1003 = tpu.memref_squeeze %dma_wait3A_1002 : memref<1x200x64xf32, #tpu.memory_space<vmem>> -> memref<200x64xf32, #tpu.memory_space<vmem>>
      %dma_wait3A_1004 = arith.constant 0 : i32
      %dma_wait3A_1005 = tpu.memref_slice %arg9[%add3A_998, %dma_wait3A_1004] : memref<50x200xi32, #tpu.memory_space<vmem>> -> memref<1x200xi32, #tpu.memory_space<vmem>>
      %dma_wait3A_1006 = tpu.memref_squeeze %dma_wait3A_1005 : memref<1x200xi32, #tpu.memory_space<vmem>> -> memref<200xi32, #tpu.memory_space<vmem>>
      %dma_wait3A_1007 = arith.constant 0 : i32
      %dma_wait3A_1008 = arith.constant 0 : i32
      %dma_wait3A_1009 = tpu.memref_slice %arg12[%dma_wait3A_1007, %dma_wait3A_1008] : memref<10000x64xf32, #tpu.memory_space<vmem_shared>> -> memref<10000x64xf32, #tpu.memory_space<vmem_shared>>
      tpu.wait_indirect_dma semaphore(%arg18 : memref<!tpu.dma_semaphore, #tpu.memory_space<semaphore_mem>>) src(%dma_wait3A_1003 : memref<200x64xf32, #tpu.memory_space<vmem>>) dst(%dma_wait3A_1009 : memref<10000x64xf32, #tpu.memory_space<vmem_shared>>)
      %add3A_1010 = arith.constant 5 : i32
      %add3A_1011 = arith.addi %mul3A_866, %add3A_1010 : i32
      %add3A_1012 = arith.constant 0 : i32
      %add3A_1013 = arith.addi %add3A_1011, %add3A_1012 : i32
      %dma_start3A_1014 = arith.constant 0 : i32
      %dma_start3A_1015 = arith.constant 0 : i32
      %dma_start3A_1016 = arith.constant 0 : i32
      %dma_start3A_1017 = tpu.memref_slice %arg10[%dma_start3A_1014, %dma_start3A_1015, %dma_start3A_1016] : memref<5x200x64xf32, #tpu.memory_space<vmem>> -> memref<1x200x64xf32, #tpu.memory_space<vmem>>
      %dma_start3A_1018 = tpu.memref_squeeze %dma_start3A_1017 : memref<1x200x64xf32, #tpu.memory_space<vmem>> -> memref<200x64xf32, #tpu.memory_space<vmem>>
      %dma_start3A_1019 = arith.constant 0 : i32
      %dma_start3A_1020 = tpu.memref_slice %arg8[%add3A_1013, %dma_start3A_1019] : memref<50x200xi32, #tpu.memory_space<vmem>> -> memref<1x200xi32, #tpu.memory_space<vmem>>
      %dma_start3A_1021 = tpu.memref_squeeze %dma_start3A_1020 : memref<1x200xi32, #tpu.memory_space<vmem>> -> memref<200xi32, #tpu.memory_space<vmem>>
      %dma_start3A_1022 = arith.constant 0 : i32
      %dma_start3A_1023 = arith.constant 0 : i32
      %dma_start3A_1024 = tpu.memref_slice %arg2[%dma_start3A_1022, %dma_start3A_1023] : memref<20000x64xf32, #tpu.memory_space<hbm>> -> memref<20000x64xf32, #tpu.memory_space<hbm>>
      tpu.enqueue_indirect_dma source(%dma_start3A_1024 : memref<20000x64xf32, #tpu.memory_space<hbm>>) target(%dma_start3A_1018 : memref<200x64xf32, #tpu.memory_space<vmem>>) offsets(%dma_start3A_1021 : memref<200xi32, #tpu.memory_space<vmem>>) semaphore(%arg13 : memref<!tpu.dma_semaphore, #tpu.memory_space<semaphore_mem>>)
      %add3A_1025 = arith.constant 1 : i32
      %add3A_1026 = arith.addi %mul3A_866, %add3A_1025 : i32
      %dma_wait3A_1027 = arith.constant 1 : i32
      %dma_wait3A_1028 = arith.constant 0 : i32
      %dma_wait3A_1029 = arith.constant 0 : i32
      %dma_wait3A_1030 = tpu.memref_slice %arg10[%dma_wait3A_1027, %dma_wait3A_1028, %dma_wait3A_1029] : memref<5x200x64xf32, #tpu.memory_space<vmem>> -> memref<1x200x64xf32, #tpu.memory_space<vmem>>
      %dma_wait3A_1031 = tpu.memref_squeeze %dma_wait3A_1030 : memref<1x200x64xf32, #tpu.memory_space<vmem>> -> memref<200x64xf32, #tpu.memory_space<vmem>>
      %dma_wait3A_1032 = arith.constant 0 : i32
      %dma_wait3A_1033 = tpu.memref_slice %arg9[%add3A_1026, %dma_wait3A_1032] : memref<50x200xi32, #tpu.memory_space<vmem>> -> memref<1x200xi32, #tpu.memory_space<vmem>>
      %dma_wait3A_1034 = tpu.memref_squeeze %dma_wait3A_1033 : memref<1x200xi32, #tpu.memory_space<vmem>> -> memref<200xi32, #tpu.memory_space<vmem>>
      %dma_wait3A_1035 = arith.constant 0 : i32
      %dma_wait3A_1036 = arith.constant 0 : i32
      %dma_wait3A_1037 = tpu.memref_slice %arg12[%dma_wait3A_1035, %dma_wait3A_1036] : memref<10000x64xf32, #tpu.memory_space<vmem_shared>> -> memref<10000x64xf32, #tpu.memory_space<vmem_shared>>
      tpu.wait_indirect_dma semaphore(%arg19 : memref<!tpu.dma_semaphore, #tpu.memory_space<semaphore_mem>>) src(%dma_wait3A_1031 : memref<200x64xf32, #tpu.memory_space<vmem>>) dst(%dma_wait3A_1037 : memref<10000x64xf32, #tpu.memory_space<vmem_shared>>)
      %add3A_1038 = arith.constant 5 : i32
      %add3A_1039 = arith.addi %mul3A_866, %add3A_1038 : i32
      %add3A_1040 = arith.constant 1 : i32
      %add3A_1041 = arith.addi %add3A_1039, %add3A_1040 : i32
      %dma_start3A_1042 = arith.constant 1 : i32
      %dma_start3A_1043 = arith.constant 0 : i32
      %dma_start3A_1044 = arith.constant 0 : i32
      %dma_start3A_1045 = tpu.memref_slice %arg10[%dma_start3A_1042, %dma_start3A_1043, %dma_start3A_1044] : memref<5x200x64xf32, #tpu.memory_space<vmem>> -> memref<1x200x64xf32, #tpu.memory_space<vmem>>
      %dma_start3A_1046 = tpu.memref_squeeze %dma_start3A_1045 : memref<1x200x64xf32, #tpu.memory_space<vmem>> -> memref<200x64xf32, #tpu.memory_space<vmem>>
      %dma_start3A_1047 = arith.constant 0 : i32
      %dma_start3A_1048 = tpu.memref_slice %arg8[%add3A_1041, %dma_start3A_1047] : memref<50x200xi32, #tpu.memory_space<vmem>> -> memref<1x200xi32, #tpu.memory_space<vmem>>
      %dma_start3A_1049 = tpu.memref_squeeze %dma_start3A_1048 : memref<1x200xi32, #tpu.memory_space<vmem>> -> memref<200xi32, #tpu.memory_space<vmem>>
      %dma_start3A_1050 = arith.constant 0 : i32
      %dma_start3A_1051 = arith.constant 0 : i32
      %dma_start3A_1052 = tpu.memref_slice %arg2[%dma_start3A_1050, %dma_start3A_1051] : memref<20000x64xf32, #tpu.memory_space<hbm>> -> memref<20000x64xf32, #tpu.memory_space<hbm>>
      tpu.enqueue_indirect_dma source(%dma_start3A_1052 : memref<20000x64xf32, #tpu.memory_space<hbm>>) target(%dma_start3A_1046 : memref<200x64xf32, #tpu.memory_space<vmem>>) offsets(%dma_start3A_1049 : memref<200xi32, #tpu.memory_space<vmem>>) semaphore(%arg14 : memref<!tpu.dma_semaphore, #tpu.memory_space<semaphore_mem>>)
      %add3A_1053 = arith.constant 2 : i32
      %add3A_1054 = arith.addi %mul3A_866, %add3A_1053 : i32
      %dma_wait3A_1055 = arith.constant 2 : i32
      %dma_wait3A_1056 = arith.constant 0 : i32
      %dma_wait3A_1057 = arith.constant 0 : i32
      %dma_wait3A_1058 = tpu.memref_slice %arg10[%dma_wait3A_1055, %dma_wait3A_1056, %dma_wait3A_1057] : memref<5x200x64xf32, #tpu.memory_space<vmem>> -> memref<1x200x64xf32, #tpu.memory_space<vmem>>
      %dma_wait3A_1059 = tpu.memref_squeeze %dma_wait3A_1058 : memref<1x200x64xf32, #tpu.memory_space<vmem>> -> memref<200x64xf32, #tpu.memory_space<vmem>>
      %dma_wait3A_1060 = arith.constant 0 : i32
      %dma_wait3A_1061 = tpu.memref_slice %arg9[%add3A_1054, %dma_wait3A_1060] : memref<50x200xi32, #tpu.memory_space<vmem>> -> memref<1x200xi32, #tpu.memory_space<vmem>>
      %dma_wait3A_1062 = tpu.memref_squeeze %dma_wait3A_1061 : memref<1x200xi32, #tpu.memory_space<vmem>> -> memref<200xi32, #tpu.memory_space<vmem>>
      %dma_wait3A_1063 = arith.constant 0 : i32
      %dma_wait3A_1064 = arith.constant 0 : i32
      %dma_wait3A_1065 = tpu.memref_slice %arg12[%dma_wait3A_1063, %dma_wait3A_1064] : memref<10000x64xf32, #tpu.memory_space<vmem_shared>> -> memref<10000x64xf32, #tpu.memory_space<vmem_shared>>
      tpu.wait_indirect_dma semaphore(%arg20 : memref<!tpu.dma_semaphore, #tpu.memory_space<semaphore_mem>>) src(%dma_wait3A_1059 : memref<200x64xf32, #tpu.memory_space<vmem>>) dst(%dma_wait3A_1065 : memref<10000x64xf32, #tpu.memory_space<vmem_shared>>)
      %add3A_1066 = arith.constant 5 : i32
      %add3A_1067 = arith.addi %mul3A_866, %add3A_1066 : i32
      %add3A_1068 = arith.constant 2 : i32
      %add3A_1069 = arith.addi %add3A_1067, %add3A_1068 : i32
      %dma_start3A_1070 = arith.constant 2 : i32
      %dma_start3A_1071 = arith.constant 0 : i32
      %dma_start3A_1072 = arith.constant 0 : i32
      %dma_start3A_1073 = tpu.memref_slice %arg10[%dma_start3A_1070, %dma_start3A_1071, %dma_start3A_1072] : memref<5x200x64xf32, #tpu.memory_space<vmem>> -> memref<1x200x64xf32, #tpu.memory_space<vmem>>
      %dma_start3A_1074 = tpu.memref_squeeze %dma_start3A_1073 : memref<1x200x64xf32, #tpu.memory_space<vmem>> -> memref<200x64xf32, #tpu.memory_space<vmem>>
      %dma_start3A_1075 = arith.constant 0 : i32
      %dma_start3A_1076 = tpu.memref_slice %arg8[%add3A_1069, %dma_start3A_1075] : memref<50x200xi32, #tpu.memory_space<vmem>> -> memref<1x200xi32, #tpu.memory_space<vmem>>
      %dma_start3A_1077 = tpu.memref_squeeze %dma_start3A_1076 : memref<1x200xi32, #tpu.memory_space<vmem>> -> memref<200xi32, #tpu.memory_space<vmem>>
      %dma_start3A_1078 = arith.constant 0 : i32
      %dma_start3A_1079 = arith.constant 0 : i32
      %dma_start3A_1080 = tpu.memref_slice %arg2[%dma_start3A_1078, %dma_start3A_1079] : memref<20000x64xf32, #tpu.memory_space<hbm>> -> memref<20000x64xf32, #tpu.memory_space<hbm>>
      tpu.enqueue_indirect_dma source(%dma_start3A_1080 : memref<20000x64xf32, #tpu.memory_space<hbm>>) target(%dma_start3A_1074 : memref<200x64xf32, #tpu.memory_space<vmem>>) offsets(%dma_start3A_1077 : memref<200xi32, #tpu.memory_space<vmem>>) semaphore(%arg15 : memref<!tpu.dma_semaphore, #tpu.memory_space<semaphore_mem>>)
      %add3A_1081 = arith.constant 3 : i32
      %add3A_1082 = arith.addi %mul3A_866, %add3A_1081 : i32
      %dma_wait3A_1083 = arith.constant 3 : i32
      %dma_wait3A_1084 = arith.constant 0 : i32
      %dma_wait3A_1085 = arith.constant 0 : i32
      %dma_wait3A_1086 = tpu.memref_slice %arg10[%dma_wait3A_1083, %dma_wait3A_1084, %dma_wait3A_1085] : memref<5x200x64xf32, #tpu.memory_space<vmem>> -> memref<1x200x64xf32, #tpu.memory_space<vmem>>
      %dma_wait3A_1087 = tpu.memref_squeeze %dma_wait3A_1086 : memref<1x200x64xf32, #tpu.memory_space<vmem>> -> memref<200x64xf32, #tpu.memory_space<vmem>>
      %dma_wait3A_1088 = arith.constant 0 : i32
      %dma_wait3A_1089 = tpu.memref_slice %arg9[%add3A_1082, %dma_wait3A_1088] : memref<50x200xi32, #tpu.memory_space<vmem>> -> memref<1x200xi32, #tpu.memory_space<vmem>>
      %dma_wait3A_1090 = tpu.memref_squeeze %dma_wait3A_1089 : memref<1x200xi32, #tpu.memory_space<vmem>> -> memref<200xi32, #tpu.memory_space<vmem>>
      %dma_wait3A_1091 = arith.constant 0 : i32
      %dma_wait3A_1092 = arith.constant 0 : i32
      %dma_wait3A_1093 = tpu.memref_slice %arg12[%dma_wait3A_1091, %dma_wait3A_1092] : memref<10000x64xf32, #tpu.memory_space<vmem_shared>> -> memref<10000x64xf32, #tpu.memory_space<vmem_shared>>
      tpu.wait_indirect_dma semaphore(%arg21 : memref<!tpu.dma_semaphore, #tpu.memory_space<semaphore_mem>>) src(%dma_wait3A_1087 : memref<200x64xf32, #tpu.memory_space<vmem>>) dst(%dma_wait3A_1093 : memref<10000x64xf32, #tpu.memory_space<vmem_shared>>)
      %add3A_1094 = arith.constant 5 : i32
      %add3A_1095 = arith.addi %mul3A_866, %add3A_1094 : i32
      %add3A_1096 = arith.constant 3 : i32
      %add3A_1097 = arith.addi %add3A_1095, %add3A_1096 : i32
      %dma_start3A_1098 = arith.constant 3 : i32
      %dma_start3A_1099 = arith.constant 0 : i32
      %dma_start3A_1100 = arith.constant 0 : i32
      %dma_start3A_1101 = tpu.memref_slice %arg10[%dma_start3A_1098, %dma_start3A_1099, %dma_start3A_1100] : memref<5x200x64xf32, #tpu.memory_space<vmem>> -> memref<1x200x64xf32, #tpu.memory_space<vmem>>
      %dma_start3A_1102 = tpu.memref_squeeze %dma_start3A_1101 : memref<1x200x64xf32, #tpu.memory_space<vmem>> -> memref<200x64xf32, #tpu.memory_space<vmem>>
      %dma_start3A_1103 = arith.constant 0 : i32
      %dma_start3A_1104 = tpu.memref_slice %arg8[%add3A_1097, %dma_start3A_1103] : memref<50x200xi32, #tpu.memory_space<vmem>> -> memref<1x200xi32, #tpu.memory_space<vmem>>
      %dma_start3A_1105 = tpu.memref_squeeze %dma_start3A_1104 : memref<1x200xi32, #tpu.memory_space<vmem>> -> memref<200xi32, #tpu.memory_space<vmem>>
      %dma_start3A_1106 = arith.constant 0 : i32
      %dma_start3A_1107 = arith.constant 0 : i32
      %dma_start3A_1108 = tpu.memref_slice %arg2[%dma_start3A_1106, %dma_start3A_1107] : memref<20000x64xf32, #tpu.memory_space<hbm>> -> memref<20000x64xf32, #tpu.memory_space<hbm>>
      tpu.enqueue_indirect_dma source(%dma_start3A_1108 : memref<20000x64xf32, #tpu.memory_space<hbm>>) target(%dma_start3A_1102 : memref<200x64xf32, #tpu.memory_space<vmem>>) offsets(%dma_start3A_1105 : memref<200xi32, #tpu.memory_space<vmem>>) semaphore(%arg16 : memref<!tpu.dma_semaphore, #tpu.memory_space<semaphore_mem>>)
      %add3A_1109 = arith.constant 4 : i32
      %add3A_1110 = arith.addi %mul3A_866, %add3A_1109 : i32
      %dma_wait3A_1111 = arith.constant 4 : i32
      %dma_wait3A_1112 = arith.constant 0 : i32
      %dma_wait3A_1113 = arith.constant 0 : i32
      %dma_wait3A_1114 = tpu.memref_slice %arg10[%dma_wait3A_1111, %dma_wait3A_1112, %dma_wait3A_1113] : memref<5x200x64xf32, #tpu.memory_space<vmem>> -> memref<1x200x64xf32, #tpu.memory_space<vmem>>
      %dma_wait3A_1115 = tpu.memref_squeeze %dma_wait3A_1114 : memref<1x200x64xf32, #tpu.memory_space<vmem>> -> memref<200x64xf32, #tpu.memory_space<vmem>>
      %dma_wait3A_1116 = arith.constant 0 : i32
      %dma_wait3A_1117 = tpu.memref_slice %arg9[%add3A_1110, %dma_wait3A_1116] : memref<50x200xi32, #tpu.memory_space<vmem>> -> memref<1x200xi32, #tpu.memory_space<vmem>>
      %dma_wait3A_1118 = tpu.memref_squeeze %dma_wait3A_1117 : memref<1x200xi32, #tpu.memory_space<vmem>> -> memref<200xi32, #tpu.memory_space<vmem>>
      %dma_wait3A_1119 = arith.constant 0 : i32
      %dma_wait3A_1120 = arith.constant 0 : i32
      %dma_wait3A_1121 = tpu.memref_slice %arg12[%dma_wait3A_1119, %dma_wait3A_1120] : memref<10000x64xf32, #tpu.memory_space<vmem_shared>> -> memref<10000x64xf32, #tpu.memory_space<vmem_shared>>
      tpu.wait_indirect_dma semaphore(%arg22 : memref<!tpu.dma_semaphore, #tpu.memory_space<semaphore_mem>>) src(%dma_wait3A_1115 : memref<200x64xf32, #tpu.memory_space<vmem>>) dst(%dma_wait3A_1121 : memref<10000x64xf32, #tpu.memory_space<vmem_shared>>)
      %add3A_1122 = arith.constant 5 : i32
      %add3A_1123 = arith.addi %mul3A_866, %add3A_1122 : i32
      %add3A_1124 = arith.constant 4 : i32
      %add3A_1125 = arith.addi %add3A_1123, %add3A_1124 : i32
      %dma_start3A_1126 = arith.constant 4 : i32
      %dma_start3A_1127 = arith.constant 0 : i32
      %dma_start3A_1128 = arith.constant 0 : i32
      %dma_start3A_1129 = tpu.memref_slice %arg10[%dma_start3A_1126, %dma_start3A_1127, %dma_start3A_1128] : memref<5x200x64xf32, #tpu.memory_space<vmem>> -> memref<1x200x64xf32, #tpu.memory_space<vmem>>
      %dma_start3A_1130 = tpu.memref_squeeze %dma_start3A_1129 : memref<1x200x64xf32, #tpu.memory_space<vmem>> -> memref<200x64xf32, #tpu.memory_space<vmem>>
      %dma_start3A_1131 = arith.constant 0 : i32
      %dma_start3A_1132 = tpu.memref_slice %arg8[%add3A_1125, %dma_start3A_1131] : memref<50x200xi32, #tpu.memory_space<vmem>> -> memref<1x200xi32, #tpu.memory_space<vmem>>
      %dma_start3A_1133 = tpu.memref_squeeze %dma_start3A_1132 : memref<1x200xi32, #tpu.memory_space<vmem>> -> memref<200xi32, #tpu.memory_space<vmem>>
      %dma_start3A_1134 = arith.constant 0 : i32
      %dma_start3A_1135 = arith.constant 0 : i32
      %dma_start3A_1136 = tpu.memref_slice %arg2[%dma_start3A_1134, %dma_start3A_1135] : memref<20000x64xf32, #tpu.memory_space<hbm>> -> memref<20000x64xf32, #tpu.memory_space<hbm>>
      tpu.enqueue_indirect_dma source(%dma_start3A_1136 : memref<20000x64xf32, #tpu.memory_space<hbm>>) target(%dma_start3A_1130 : memref<200x64xf32, #tpu.memory_space<vmem>>) offsets(%dma_start3A_1133 : memref<200xi32, #tpu.memory_space<vmem>>) semaphore(%arg17 : memref<!tpu.dma_semaphore, #tpu.memory_space<semaphore_mem>>)
    }
    %scan3A_74 = arith.constant 9 : i32
    %dma_wait3A_75 = arith.constant 45 : i32
    %dma_wait3A_76 = arith.constant 0 : i32
    %dma_wait3A_77 = arith.constant 0 : i32
    %dma_wait3A_78 = arith.constant 0 : i32
    %dma_wait3A_79 = tpu.memref_slice %arg10[%dma_wait3A_76, %dma_wait3A_77, %dma_wait3A_78] : memref<5x200x64xf32, #tpu.memory_space<vmem>> -> memref<1x200x64xf32, #tpu.memory_space<vmem>>
    %dma_wait3A_80 = tpu.memref_squeeze %dma_wait3A_79 : memref<1x200x64xf32, #tpu.memory_space<vmem>> -> memref<200x64xf32, #tpu.memory_space<vmem>>
    %dma_wait3A_81 = arith.constant 0 : i32
    %dma_wait3A_82 = tpu.memref_slice %arg8[%dma_wait3A_75, %dma_wait3A_81] : memref<50x200xi32, #tpu.memory_space<vmem>> -> memref<1x200xi32, #tpu.memory_space<vmem>>
    %dma_wait3A_83 = tpu.memref_squeeze %dma_wait3A_82 : memref<1x200xi32, #tpu.memory_space<vmem>> -> memref<200xi32, #tpu.memory_space<vmem>>
    %dma_wait3A_84 = arith.constant 0 : i32
    %dma_wait3A_85 = arith.constant 0 : i32
    %dma_wait3A_86 = tpu.memref_slice %arg2[%dma_wait3A_84, %dma_wait3A_85] : memref<20000x64xf32, #tpu.memory_space<hbm>> -> memref<20000x64xf32, #tpu.memory_space<hbm>>
    tpu.wait_indirect_dma semaphore(%arg13 : memref<!tpu.dma_semaphore, #tpu.memory_space<semaphore_mem>>) src(%dma_wait3A_86 : memref<20000x64xf32, #tpu.memory_space<hbm>>) dst(%dma_wait3A_80 : memref<200x64xf32, #tpu.memory_space<vmem>>)
    %dma_start3A_87 = arith.constant 0 : i32
    %dma_start3A_88 = arith.constant 45 : i32
    %dma_start3A_89 = arith.constant 0 : i32
    %dma_start3A_90 = arith.constant 0 : i32
    %dma_start3A_91 = tpu.memref_slice %arg10[%dma_start3A_87, %dma_start3A_89, %dma_start3A_90] : memref<5x200x64xf32, #tpu.memory_space<vmem>> -> memref<1x200x64xf32, #tpu.memory_space<vmem>>
    %dma_start3A_92 = tpu.memref_squeeze %dma_start3A_91 : memref<1x200x64xf32, #tpu.memory_space<vmem>> -> memref<200x64xf32, #tpu.memory_space<vmem>>
    %dma_start3A_93 = arith.constant 0 : i32
    %dma_start3A_94 = tpu.memref_slice %arg9[%dma_start3A_88, %dma_start3A_93] : memref<50x200xi32, #tpu.memory_space<vmem>> -> memref<1x200xi32, #tpu.memory_space<vmem>>
    %dma_start3A_95 = tpu.memref_squeeze %dma_start3A_94 : memref<1x200xi32, #tpu.memory_space<vmem>> -> memref<200xi32, #tpu.memory_space<vmem>>
    %dma_start3A_96 = arith.constant 0 : i32
    %dma_start3A_97 = arith.constant 0 : i32
    %dma_start3A_98 = tpu.memref_slice %arg12[%dma_start3A_96, %dma_start3A_97] : memref<10000x64xf32, #tpu.memory_space<vmem_shared>> -> memref<10000x64xf32, #tpu.memory_space<vmem_shared>>
    tpu.enqueue_indirect_dma source(%dma_start3A_92 : memref<200x64xf32, #tpu.memory_space<vmem>>) target(%dma_start3A_98 : memref<10000x64xf32, #tpu.memory_space<vmem_shared>>) offsets(%dma_start3A_95 : memref<200xi32, #tpu.memory_space<vmem>>) semaphore(%arg18 : memref<!tpu.dma_semaphore, #tpu.memory_space<semaphore_mem>>) {add = true}
    %dma_wait3A_99 = arith.constant 46 : i32
    %dma_wait3A_100 = arith.constant 1 : i32
    %dma_wait3A_101 = arith.constant 0 : i32
    %dma_wait3A_102 = arith.constant 0 : i32
    %dma_wait3A_103 = tpu.memref_slice %arg10[%dma_wait3A_100, %dma_wait3A_101, %dma_wait3A_102] : memref<5x200x64xf32, #tpu.memory_space<vmem>> -> memref<1x200x64xf32, #tpu.memory_space<vmem>>
    %dma_wait3A_104 = tpu.memref_squeeze %dma_wait3A_103 : memref<1x200x64xf32, #tpu.memory_space<vmem>> -> memref<200x64xf32, #tpu.memory_space<vmem>>
    %dma_wait3A_105 = arith.constant 0 : i32
    %dma_wait3A_106 = tpu.memref_slice %arg8[%dma_wait3A_99, %dma_wait3A_105] : memref<50x200xi32, #tpu.memory_space<vmem>> -> memref<1x200xi32, #tpu.memory_space<vmem>>
    %dma_wait3A_107 = tpu.memref_squeeze %dma_wait3A_106 : memref<1x200xi32, #tpu.memory_space<vmem>> -> memref<200xi32, #tpu.memory_space<vmem>>
    %dma_wait3A_108 = arith.constant 0 : i32
    %dma_wait3A_109 = arith.constant 0 : i32
    %dma_wait3A_110 = tpu.memref_slice %arg2[%dma_wait3A_108, %dma_wait3A_109] : memref<20000x64xf32, #tpu.memory_space<hbm>> -> memref<20000x64xf32, #tpu.memory_space<hbm>>
    tpu.wait_indirect_dma semaphore(%arg14 : memref<!tpu.dma_semaphore, #tpu.memory_space<semaphore_mem>>) src(%dma_wait3A_110 : memref<20000x64xf32, #tpu.memory_space<hbm>>) dst(%dma_wait3A_104 : memref<200x64xf32, #tpu.memory_space<vmem>>)
    %dma_start3A_111 = arith.constant 1 : i32
    %dma_start3A_112 = arith.constant 46 : i32
    %dma_start3A_113 = arith.constant 0 : i32
    %dma_start3A_114 = arith.constant 0 : i32
    %dma_start3A_115 = tpu.memref_slice %arg10[%dma_start3A_111, %dma_start3A_113, %dma_start3A_114] : memref<5x200x64xf32, #tpu.memory_space<vmem>> -> memref<1x200x64xf32, #tpu.memory_space<vmem>>
    %dma_start3A_116 = tpu.memref_squeeze %dma_start3A_115 : memref<1x200x64xf32, #tpu.memory_space<vmem>> -> memref<200x64xf32, #tpu.memory_space<vmem>>
    %dma_start3A_117 = arith.constant 0 : i32
    %dma_start3A_118 = tpu.memref_slice %arg9[%dma_start3A_112, %dma_start3A_117] : memref<50x200xi32, #tpu.memory_space<vmem>> -> memref<1x200xi32, #tpu.memory_space<vmem>>
    %dma_start3A_119 = tpu.memref_squeeze %dma_start3A_118 : memref<1x200xi32, #tpu.memory_space<vmem>> -> memref<200xi32, #tpu.memory_space<vmem>>
    %dma_start3A_120 = arith.constant 0 : i32
    %dma_start3A_121 = arith.constant 0 : i32
    %dma_start3A_122 = tpu.memref_slice %arg12[%dma_start3A_120, %dma_start3A_121] : memref<10000x64xf32, #tpu.memory_space<vmem_shared>> -> memref<10000x64xf32, #tpu.memory_space<vmem_shared>>
    tpu.enqueue_indirect_dma source(%dma_start3A_116 : memref<200x64xf32, #tpu.memory_space<vmem>>) target(%dma_start3A_122 : memref<10000x64xf32, #tpu.memory_space<vmem_shared>>) offsets(%dma_start3A_119 : memref<200xi32, #tpu.memory_space<vmem>>) semaphore(%arg19 : memref<!tpu.dma_semaphore, #tpu.memory_space<semaphore_mem>>) {add = true}
    %dma_wait3A_123 = arith.constant 47 : i32
    %dma_wait3A_124 = arith.constant 2 : i32
    %dma_wait3A_125 = arith.constant 0 : i32
    %dma_wait3A_126 = arith.constant 0 : i32
    %dma_wait3A_127 = tpu.memref_slice %arg10[%dma_wait3A_124, %dma_wait3A_125, %dma_wait3A_126] : memref<5x200x64xf32, #tpu.memory_space<vmem>> -> memref<1x200x64xf32, #tpu.memory_space<vmem>>
    %dma_wait3A_128 = tpu.memref_squeeze %dma_wait3A_127 : memref<1x200x64xf32, #tpu.memory_space<vmem>> -> memref<200x64xf32, #tpu.memory_space<vmem>>
    %dma_wait3A_129 = arith.constant 0 : i32
    %dma_wait3A_130 = tpu.memref_slice %arg8[%dma_wait3A_123, %dma_wait3A_129] : memref<50x200xi32, #tpu.memory_space<vmem>> -> memref<1x200xi32, #tpu.memory_space<vmem>>
    %dma_wait3A_131 = tpu.memref_squeeze %dma_wait3A_130 : memref<1x200xi32, #tpu.memory_space<vmem>> -> memref<200xi32, #tpu.memory_space<vmem>>
    %dma_wait3A_132 = arith.constant 0 : i32
    %dma_wait3A_133 = arith.constant 0 : i32
    %dma_wait3A_134 = tpu.memref_slice %arg2[%dma_wait3A_132, %dma_wait3A_133] : memref<20000x64xf32, #tpu.memory_space<hbm>> -> memref<20000x64xf32, #tpu.memory_space<hbm>>
    tpu.wait_indirect_dma semaphore(%arg15 : memref<!tpu.dma_semaphore, #tpu.memory_space<semaphore_mem>>) src(%dma_wait3A_134 : memref<20000x64xf32, #tpu.memory_space<hbm>>) dst(%dma_wait3A_128 : memref<200x64xf32, #tpu.memory_space<vmem>>)
    %dma_start3A_135 = arith.constant 2 : i32
    %dma_start3A_136 = arith.constant 47 : i32
    %dma_start3A_137 = arith.constant 0 : i32
    %dma_start3A_138 = arith.constant 0 : i32
    %dma_start3A_139 = tpu.memref_slice %arg10[%dma_start3A_135, %dma_start3A_137, %dma_start3A_138] : memref<5x200x64xf32, #tpu.memory_space<vmem>> -> memref<1x200x64xf32, #tpu.memory_space<vmem>>
    %dma_start3A_140 = tpu.memref_squeeze %dma_start3A_139 : memref<1x200x64xf32, #tpu.memory_space<vmem>> -> memref<200x64xf32, #tpu.memory_space<vmem>>
    %dma_start3A_141 = arith.constant 0 : i32
    %dma_start3A_142 = tpu.memref_slice %arg9[%dma_start3A_136, %dma_start3A_141] : memref<50x200xi32, #tpu.memory_space<vmem>> -> memref<1x200xi32, #tpu.memory_space<vmem>>
    %dma_start3A_143 = tpu.memref_squeeze %dma_start3A_142 : memref<1x200xi32, #tpu.memory_space<vmem>> -> memref<200xi32, #tpu.memory_space<vmem>>
    %dma_start3A_144 = arith.constant 0 : i32
    %dma_start3A_145 = arith.constant 0 : i32
    %dma_start3A_146 = tpu.memref_slice %arg12[%dma_start3A_144, %dma_start3A_145] : memref<10000x64xf32, #tpu.memory_space<vmem_shared>> -> memref<10000x64xf32, #tpu.memory_space<vmem_shared>>
    tpu.enqueue_indirect_dma source(%dma_start3A_140 : memref<200x64xf32, #tpu.memory_space<vmem>>) target(%dma_start3A_146 : memref<10000x64xf32, #tpu.memory_space<vmem_shared>>) offsets(%dma_start3A_143 : memref<200xi32, #tpu.memory_space<vmem>>) semaphore(%arg20 : memref<!tpu.dma_semaphore, #tpu.memory_space<semaphore_mem>>) {add = true}
    %dma_wait3A_147 = arith.constant 48 : i32
    %dma_wait3A_148 = arith.constant 3 : i32
    %dma_wait3A_149 = arith.constant 0 : i32
    %dma_wait3A_150 = arith.constant 0 : i32
    %dma_wait3A_151 = tpu.memref_slice %arg10[%dma_wait3A_148, %dma_wait3A_149, %dma_wait3A_150] : memref<5x200x64xf32, #tpu.memory_space<vmem>> -> memref<1x200x64xf32, #tpu.memory_space<vmem>>
    %dma_wait3A_152 = tpu.memref_squeeze %dma_wait3A_151 : memref<1x200x64xf32, #tpu.memory_space<vmem>> -> memref<200x64xf32, #tpu.memory_space<vmem>>
    %dma_wait3A_153 = arith.constant 0 : i32
    %dma_wait3A_154 = tpu.memref_slice %arg8[%dma_wait3A_147, %dma_wait3A_153] : memref<50x200xi32, #tpu.memory_space<vmem>> -> memref<1x200xi32, #tpu.memory_space<vmem>>
    %dma_wait3A_155 = tpu.memref_squeeze %dma_wait3A_154 : memref<1x200xi32, #tpu.memory_space<vmem>> -> memref<200xi32, #tpu.memory_space<vmem>>
    %dma_wait3A_156 = arith.constant 0 : i32
    %dma_wait3A_157 = arith.constant 0 : i32
    %dma_wait3A_158 = tpu.memref_slice %arg2[%dma_wait3A_156, %dma_wait3A_157] : memref<20000x64xf32, #tpu.memory_space<hbm>> -> memref<20000x64xf32, #tpu.memory_space<hbm>>
    tpu.wait_indirect_dma semaphore(%arg16 : memref<!tpu.dma_semaphore, #tpu.memory_space<semaphore_mem>>) src(%dma_wait3A_158 : memref<20000x64xf32, #tpu.memory_space<hbm>>) dst(%dma_wait3A_152 : memref<200x64xf32, #tpu.memory_space<vmem>>)
    %dma_start3A_159 = arith.constant 3 : i32
    %dma_start3A_160 = arith.constant 48 : i32
    %dma_start3A_161 = arith.constant 0 : i32
    %dma_start3A_162 = arith.constant 0 : i32
    %dma_start3A_163 = tpu.memref_slice %arg10[%dma_start3A_159, %dma_start3A_161, %dma_start3A_162] : memref<5x200x64xf32, #tpu.memory_space<vmem>> -> memref<1x200x64xf32, #tpu.memory_space<vmem>>
    %dma_start3A_164 = tpu.memref_squeeze %dma_start3A_163 : memref<1x200x64xf32, #tpu.memory_space<vmem>> -> memref<200x64xf32, #tpu.memory_space<vmem>>
    %dma_start3A_165 = arith.constant 0 : i32
    %dma_start3A_166 = tpu.memref_slice %arg9[%dma_start3A_160, %dma_start3A_165] : memref<50x200xi32, #tpu.memory_space<vmem>> -> memref<1x200xi32, #tpu.memory_space<vmem>>
    %dma_start3A_167 = tpu.memref_squeeze %dma_start3A_166 : memref<1x200xi32, #tpu.memory_space<vmem>> -> memref<200xi32, #tpu.memory_space<vmem>>
    %dma_start3A_168 = arith.constant 0 : i32
    %dma_start3A_169 = arith.constant 0 : i32
    %dma_start3A_170 = tpu.memref_slice %arg12[%dma_start3A_168, %dma_start3A_169] : memref<10000x64xf32, #tpu.memory_space<vmem_shared>> -> memref<10000x64xf32, #tpu.memory_space<vmem_shared>>
    tpu.enqueue_indirect_dma source(%dma_start3A_164 : memref<200x64xf32, #tpu.memory_space<vmem>>) target(%dma_start3A_170 : memref<10000x64xf32, #tpu.memory_space<vmem_shared>>) offsets(%dma_start3A_167 : memref<200xi32, #tpu.memory_space<vmem>>) semaphore(%arg21 : memref<!tpu.dma_semaphore, #tpu.memory_space<semaphore_mem>>) {add = true}
    %dma_wait3A_171 = arith.constant 49 : i32
    %dma_wait3A_172 = arith.constant 4 : i32
    %dma_wait3A_173 = arith.constant 0 : i32
    %dma_wait3A_174 = arith.constant 0 : i32
    %dma_wait3A_175 = tpu.memref_slice %arg10[%dma_wait3A_172, %dma_wait3A_173, %dma_wait3A_174] : memref<5x200x64xf32, #tpu.memory_space<vmem>> -> memref<1x200x64xf32, #tpu.memory_space<vmem>>
    %dma_wait3A_176 = tpu.memref_squeeze %dma_wait3A_175 : memref<1x200x64xf32, #tpu.memory_space<vmem>> -> memref<200x64xf32, #tpu.memory_space<vmem>>
    %dma_wait3A_177 = arith.constant 0 : i32
    %dma_wait3A_178 = tpu.memref_slice %arg8[%dma_wait3A_171, %dma_wait3A_177] : memref<50x200xi32, #tpu.memory_space<vmem>> -> memref<1x200xi32, #tpu.memory_space<vmem>>
    %dma_wait3A_179 = tpu.memref_squeeze %dma_wait3A_178 : memref<1x200xi32, #tpu.memory_space<vmem>> -> memref<200xi32, #tpu.memory_space<vmem>>
    %dma_wait3A_180 = arith.constant 0 : i32
    %dma_wait3A_181 = arith.constant 0 : i32
    %dma_wait3A_182 = tpu.memref_slice %arg2[%dma_wait3A_180, %dma_wait3A_181] : memref<20000x64xf32, #tpu.memory_space<hbm>> -> memref<20000x64xf32, #tpu.memory_space<hbm>>
    tpu.wait_indirect_dma semaphore(%arg17 : memref<!tpu.dma_semaphore, #tpu.memory_space<semaphore_mem>>) src(%dma_wait3A_182 : memref<20000x64xf32, #tpu.memory_space<hbm>>) dst(%dma_wait3A_176 : memref<200x64xf32, #tpu.memory_space<vmem>>)
    %dma_start3A_183 = arith.constant 4 : i32
    %dma_start3A_184 = arith.constant 49 : i32
    %dma_start3A_185 = arith.constant 0 : i32
    %dma_start3A_186 = arith.constant 0 : i32
    %dma_start3A_187 = tpu.memref_slice %arg10[%dma_start3A_183, %dma_start3A_185, %dma_start3A_186] : memref<5x200x64xf32, #tpu.memory_space<vmem>> -> memref<1x200x64xf32, #tpu.memory_space<vmem>>
    %dma_start3A_188 = tpu.memref_squeeze %dma_start3A_187 : memref<1x200x64xf32, #tpu.memory_space<vmem>> -> memref<200x64xf32, #tpu.memory_space<vmem>>
    %dma_start3A_189 = arith.constant 0 : i32
    %dma_start3A_190 = tpu.memref_slice %arg9[%dma_start3A_184, %dma_start3A_189] : memref<50x200xi32, #tpu.memory_space<vmem>> -> memref<1x200xi32, #tpu.memory_space<vmem>>
    %dma_start3A_191 = tpu.memref_squeeze %dma_start3A_190 : memref<1x200xi32, #tpu.memory_space<vmem>> -> memref<200xi32, #tpu.memory_space<vmem>>
    %dma_start3A_192 = arith.constant 0 : i32
    %dma_start3A_193 = arith.constant 0 : i32
    %dma_start3A_194 = tpu.memref_slice %arg12[%dma_start3A_192, %dma_start3A_193] : memref<10000x64xf32, #tpu.memory_space<vmem_shared>> -> memref<10000x64xf32, #tpu.memory_space<vmem_shared>>
    tpu.enqueue_indirect_dma source(%dma_start3A_188 : memref<200x64xf32, #tpu.memory_space<vmem>>) target(%dma_start3A_194 : memref<10000x64xf32, #tpu.memory_space<vmem_shared>>) offsets(%dma_start3A_191 : memref<200xi32, #tpu.memory_space<vmem>>) semaphore(%arg22 : memref<!tpu.dma_semaphore, #tpu.memory_space<semaphore_mem>>) {add = true}
    %dma_wait3A_195 = arith.constant 0 : i32
    %dma_wait3A_196 = arith.constant 45 : i32
    %dma_wait3A_197 = arith.constant 0 : i32
    %dma_wait3A_198 = arith.constant 0 : i32
    %dma_wait3A_199 = tpu.memref_slice %arg10[%dma_wait3A_195, %dma_wait3A_197, %dma_wait3A_198] : memref<5x200x64xf32, #tpu.memory_space<vmem>> -> memref<1x200x64xf32, #tpu.memory_space<vmem>>
    %dma_wait3A_200 = tpu.memref_squeeze %dma_wait3A_199 : memref<1x200x64xf32, #tpu.memory_space<vmem>> -> memref<200x64xf32, #tpu.memory_space<vmem>>
    %dma_wait3A_201 = arith.constant 0 : i32
    %dma_wait3A_202 = tpu.memref_slice %arg9[%dma_wait3A_196, %dma_wait3A_201] : memref<50x200xi32, #tpu.memory_space<vmem>> -> memref<1x200xi32, #tpu.memory_space<vmem>>
    %dma_wait3A_203 = tpu.memref_squeeze %dma_wait3A_202 : memref<1x200xi32, #tpu.memory_space<vmem>> -> memref<200xi32, #tpu.memory_space<vmem>>
    %dma_wait3A_204 = arith.constant 0 : i32
    %dma_wait3A_205 = arith.constant 0 : i32
    %dma_wait3A_206 = tpu.memref_slice %arg12[%dma_wait3A_204, %dma_wait3A_205] : memref<10000x64xf32, #tpu.memory_space<vmem_shared>> -> memref<10000x64xf32, #tpu.memory_space<vmem_shared>>
    tpu.wait_indirect_dma semaphore(%arg18 : memref<!tpu.dma_semaphore, #tpu.memory_space<semaphore_mem>>) src(%dma_wait3A_200 : memref<200x64xf32, #tpu.memory_space<vmem>>) dst(%dma_wait3A_206 : memref<10000x64xf32, #tpu.memory_space<vmem_shared>>)
    %dma_wait3A_207 = arith.constant 1 : i32
    %dma_wait3A_208 = arith.constant 46 : i32
    %dma_wait3A_209 = arith.constant 0 : i32
    %dma_wait3A_210 = arith.constant 0 : i32
    %dma_wait3A_211 = tpu.memref_slice %arg10[%dma_wait3A_207, %dma_wait3A_209, %dma_wait3A_210] : memref<5x200x64xf32, #tpu.memory_space<vmem>> -> memref<1x200x64xf32, #tpu.memory_space<vmem>>
    %dma_wait3A_212 = tpu.memref_squeeze %dma_wait3A_211 : memref<1x200x64xf32, #tpu.memory_space<vmem>> -> memref<200x64xf32, #tpu.memory_space<vmem>>
    %dma_wait3A_213 = arith.constant 0 : i32
    %dma_wait3A_214 = tpu.memref_slice %arg9[%dma_wait3A_208, %dma_wait3A_213] : memref<50x200xi32, #tpu.memory_space<vmem>> -> memref<1x200xi32, #tpu.memory_space<vmem>>
    %dma_wait3A_215 = tpu.memref_squeeze %dma_wait3A_214 : memref<1x200xi32, #tpu.memory_space<vmem>> -> memref<200xi32, #tpu.memory_space<vmem>>
    %dma_wait3A_216 = arith.constant 0 : i32
    %dma_wait3A_217 = arith.constant 0 : i32
    %dma_wait3A_218 = tpu.memref_slice %arg12[%dma_wait3A_216, %dma_wait3A_217] : memref<10000x64xf32, #tpu.memory_space<vmem_shared>> -> memref<10000x64xf32, #tpu.memory_space<vmem_shared>>
    tpu.wait_indirect_dma semaphore(%arg19 : memref<!tpu.dma_semaphore, #tpu.memory_space<semaphore_mem>>) src(%dma_wait3A_212 : memref<200x64xf32, #tpu.memory_space<vmem>>) dst(%dma_wait3A_218 : memref<10000x64xf32, #tpu.memory_space<vmem_shared>>)
    %dma_wait3A_219 = arith.constant 2 : i32
    %dma_wait3A_220 = arith.constant 47 : i32
    %dma_wait3A_221 = arith.constant 0 : i32
    %dma_wait3A_222 = arith.constant 0 : i32
    %dma_wait3A_223 = tpu.memref_slice %arg10[%dma_wait3A_219, %dma_wait3A_221, %dma_wait3A_222] : memref<5x200x64xf32, #tpu.memory_space<vmem>> -> memref<1x200x64xf32, #tpu.memory_space<vmem>>
    %dma_wait3A_224 = tpu.memref_squeeze %dma_wait3A_223 : memref<1x200x64xf32, #tpu.memory_space<vmem>> -> memref<200x64xf32, #tpu.memory_space<vmem>>
    %dma_wait3A_225 = arith.constant 0 : i32
    %dma_wait3A_226 = tpu.memref_slice %arg9[%dma_wait3A_220, %dma_wait3A_225] : memref<50x200xi32, #tpu.memory_space<vmem>> -> memref<1x200xi32, #tpu.memory_space<vmem>>
    %dma_wait3A_227 = tpu.memref_squeeze %dma_wait3A_226 : memref<1x200xi32, #tpu.memory_space<vmem>> -> memref<200xi32, #tpu.memory_space<vmem>>
    %dma_wait3A_228 = arith.constant 0 : i32
    %dma_wait3A_229 = arith.constant 0 : i32
    %dma_wait3A_230 = tpu.memref_slice %arg12[%dma_wait3A_228, %dma_wait3A_229] : memref<10000x64xf32, #tpu.memory_space<vmem_shared>> -> memref<10000x64xf32, #tpu.memory_space<vmem_shared>>
    tpu.wait_indirect_dma semaphore(%arg20 : memref<!tpu.dma_semaphore, #tpu.memory_space<semaphore_mem>>) src(%dma_wait3A_224 : memref<200x64xf32, #tpu.memory_space<vmem>>) dst(%dma_wait3A_230 : memref<10000x64xf32, #tpu.memory_space<vmem_shared>>)
    %dma_wait3A_231 = arith.constant 3 : i32
    %dma_wait3A_232 = arith.constant 48 : i32
    %dma_wait3A_233 = arith.constant 0 : i32
    %dma_wait3A_234 = arith.constant 0 : i32
    %dma_wait3A_235 = tpu.memref_slice %arg10[%dma_wait3A_231, %dma_wait3A_233, %dma_wait3A_234] : memref<5x200x64xf32, #tpu.memory_space<vmem>> -> memref<1x200x64xf32, #tpu.memory_space<vmem>>
    %dma_wait3A_236 = tpu.memref_squeeze %dma_wait3A_235 : memref<1x200x64xf32, #tpu.memory_space<vmem>> -> memref<200x64xf32, #tpu.memory_space<vmem>>
    %dma_wait3A_237 = arith.constant 0 : i32
    %dma_wait3A_238 = tpu.memref_slice %arg9[%dma_wait3A_232, %dma_wait3A_237] : memref<50x200xi32, #tpu.memory_space<vmem>> -> memref<1x200xi32, #tpu.memory_space<vmem>>
    %dma_wait3A_239 = tpu.memref_squeeze %dma_wait3A_238 : memref<1x200xi32, #tpu.memory_space<vmem>> -> memref<200xi32, #tpu.memory_space<vmem>>
    %dma_wait3A_240 = arith.constant 0 : i32
    %dma_wait3A_241 = arith.constant 0 : i32
    %dma_wait3A_242 = tpu.memref_slice %arg12[%dma_wait3A_240, %dma_wait3A_241] : memref<10000x64xf32, #tpu.memory_space<vmem_shared>> -> memref<10000x64xf32, #tpu.memory_space<vmem_shared>>
    tpu.wait_indirect_dma semaphore(%arg21 : memref<!tpu.dma_semaphore, #tpu.memory_space<semaphore_mem>>) src(%dma_wait3A_236 : memref<200x64xf32, #tpu.memory_space<vmem>>) dst(%dma_wait3A_242 : memref<10000x64xf32, #tpu.memory_space<vmem_shared>>)
    %dma_wait3A_243 = arith.constant 4 : i32
    %dma_wait3A_244 = arith.constant 49 : i32
    %dma_wait3A_245 = arith.constant 0 : i32
    %dma_wait3A_246 = arith.constant 0 : i32
    %dma_wait3A_247 = tpu.memref_slice %arg10[%dma_wait3A_243, %dma_wait3A_245, %dma_wait3A_246] : memref<5x200x64xf32, #tpu.memory_space<vmem>> -> memref<1x200x64xf32, #tpu.memory_space<vmem>>
    %dma_wait3A_248 = tpu.memref_squeeze %dma_wait3A_247 : memref<1x200x64xf32, #tpu.memory_space<vmem>> -> memref<200x64xf32, #tpu.memory_space<vmem>>
    %dma_wait3A_249 = arith.constant 0 : i32
    %dma_wait3A_250 = tpu.memref_slice %arg9[%dma_wait3A_244, %dma_wait3A_249] : memref<50x200xi32, #tpu.memory_space<vmem>> -> memref<1x200xi32, #tpu.memory_space<vmem>>
    %dma_wait3A_251 = tpu.memref_squeeze %dma_wait3A_250 : memref<1x200xi32, #tpu.memory_space<vmem>> -> memref<200xi32, #tpu.memory_space<vmem>>
    %dma_wait3A_252 = arith.constant 0 : i32
    %dma_wait3A_253 = arith.constant 0 : i32
    %dma_wait3A_254 = tpu.memref_slice %arg12[%dma_wait3A_252, %dma_wait3A_253] : memref<10000x64xf32, #tpu.memory_space<vmem_shared>> -> memref<10000x64xf32, #tpu.memory_space<vmem_shared>>
    tpu.wait_indirect_dma semaphore(%arg22 : memref<!tpu.dma_semaphore, #tpu.memory_space<semaphore_mem>>) src(%dma_wait3A_248 : memref<200x64xf32, #tpu.memory_space<vmem>>) dst(%dma_wait3A_254 : memref<10000x64xf32, #tpu.memory_space<vmem_shared>>)
    %add3A_255 = arith.constant 50 : i32
    %add3A_256 = arith.addi %mul3A_5, %add3A_255 : i32
    "tpu.region"() ({
      %run_scoped3A = tpu.sem_alloc : memref<!tpu.dma_semaphore, #tpu.memory_space<semaphore_mem>>
      %dma_start3A_864 = arith.constant 0 : i32
      %dma_start3A_865 = tpu.memref_slice %arg3[%arg0, %add3A_256, %dma_start3A_864] : memref<2x1600x200xi32, #tpu.memory_space<hbm>> -> memref<1x50x200xi32, #tpu.memory_space<hbm>>
      %dma_start3A_866 = tpu.memref_squeeze %dma_start3A_865 : memref<1x50x200xi32, #tpu.memory_space<hbm>> -> memref<50x200xi32, #tpu.memory_space<hbm>>
      %dma_start3A_867 = arith.constant 0 : i32
      %dma_start3A_868 = tpu.memref_slice %arg3[%arg0, %add3A_256, %dma_start3A_867] : memref<2x1600x200xi32, #tpu.memory_space<hbm>> -> memref<1x50x200xi32, #tpu.memory_space<hbm>>
      %dma_start3A_869 = tpu.memref_squeeze %dma_start3A_868 : memref<1x50x200xi32, #tpu.memory_space<hbm>> -> memref<50x200xi32, #tpu.memory_space<hbm>>
      tpu.enqueue_dma source(%dma_start3A_869 : memref<50x200xi32, #tpu.memory_space<hbm>>) target(%arg8 : memref<50x200xi32, #tpu.memory_space<vmem>>) target_semaphore(%run_scoped3A : memref<!tpu.dma_semaphore, #tpu.memory_space<semaphore_mem>>)
      %dma_wait3A_870 = arith.constant 0 : i32
      %dma_wait3A_871 = tpu.memref_slice %arg3[%arg0, %add3A_256, %dma_wait3A_870] : memref<2x1600x200xi32, #tpu.memory_space<hbm>> -> memref<1x50x200xi32, #tpu.memory_space<hbm>>
      %dma_wait3A_872 = tpu.memref_squeeze %dma_wait3A_871 : memref<1x50x200xi32, #tpu.memory_space<hbm>> -> memref<50x200xi32, #tpu.memory_space<hbm>>
      %dma_wait3A_873 = arith.constant 0 : i32
      %dma_wait3A_874 = tpu.memref_slice %arg3[%arg0, %add3A_256, %dma_wait3A_873] : memref<2x1600x200xi32, #tpu.memory_space<hbm>> -> memref<1x50x200xi32, #tpu.memory_space<hbm>>
      %dma_wait3A_875 = tpu.memref_squeeze %dma_wait3A_874 : memref<1x50x200xi32, #tpu.memory_space<hbm>> -> memref<50x200xi32, #tpu.memory_space<hbm>>
      tpu.wait_dma2 semaphore(%run_scoped3A : memref<!tpu.dma_semaphore, #tpu.memory_space<semaphore_mem>>) src(%dma_wait3A_875 : memref<50x200xi32, #tpu.memory_space<hbm>>) dst(%arg8 : memref<50x200xi32, #tpu.memory_space<vmem>>)
      tpu.yield
    }) : () -> ()
    "tpu.region"() ({
      %run_scoped3A = tpu.sem_alloc : memref<!tpu.dma_semaphore, #tpu.memory_space<semaphore_mem>>
      %dma_start3A_864 = arith.constant 0 : i32
      %dma_start3A_865 = tpu.memref_slice %arg4[%add3A_256, %dma_start3A_864] : memref<1600x200xi32, #tpu.memory_space<hbm>> -> memref<50x200xi32, #tpu.memory_space<hbm>>
      %dma_start3A_866 = arith.constant 0 : i32
      %dma_start3A_867 = tpu.memref_slice %arg4[%add3A_256, %dma_start3A_866] : memref<1600x200xi32, #tpu.memory_space<hbm>> -> memref<50x200xi32, #tpu.memory_space<hbm>>
      tpu.enqueue_dma source(%dma_start3A_867 : memref<50x200xi32, #tpu.memory_space<hbm>>) target(%arg9 : memref<50x200xi32, #tpu.memory_space<vmem>>) target_semaphore(%run_scoped3A : memref<!tpu.dma_semaphore, #tpu.memory_space<semaphore_mem>>)
      %dma_wait3A_868 = arith.constant 0 : i32
      %dma_wait3A_869 = tpu.memref_slice %arg4[%add3A_256, %dma_wait3A_868] : memref<1600x200xi32, #tpu.memory_space<hbm>> -> memref<50x200xi32, #tpu.memory_space<hbm>>
      %dma_wait3A_870 = arith.constant 0 : i32
      %dma_wait3A_871 = tpu.memref_slice %arg4[%add3A_256, %dma_wait3A_870] : memref<1600x200xi32, #tpu.memory_space<hbm>> -> memref<50x200xi32, #tpu.memory_space<hbm>>
      tpu.wait_dma2 semaphore(%run_scoped3A : memref<!tpu.dma_semaphore, #tpu.memory_space<semaphore_mem>>) src(%dma_wait3A_871 : memref<50x200xi32, #tpu.memory_space<hbm>>) dst(%arg9 : memref<50x200xi32, #tpu.memory_space<vmem>>)
      tpu.yield
    }) : () -> ()
    %dma_start3A_257 = arith.constant 0 : i32
    %dma_start3A_258 = arith.constant 0 : i32
    %dma_start3A_259 = arith.constant 0 : i32
    %dma_start3A_260 = arith.constant 0 : i32
    %dma_start3A_261 = tpu.memref_slice %arg10[%dma_start3A_258, %dma_start3A_259, %dma_start3A_260] : memref<5x200x64xf32, #tpu.memory_space<vmem>> -> memref<1x200x64xf32, #tpu.memory_space<vmem>>
    %dma_start3A_262 = tpu.memref_squeeze %dma_start3A_261 : memref<1x200x64xf32, #tpu.memory_space<vmem>> -> memref<200x64xf32, #tpu.memory_space<vmem>>
    %dma_start3A_263 = arith.constant 0 : i32
    %dma_start3A_264 = tpu.memref_slice %arg8[%dma_start3A_257, %dma_start3A_263] : memref<50x200xi32, #tpu.memory_space<vmem>> -> memref<1x200xi32, #tpu.memory_space<vmem>>
    %dma_start3A_265 = tpu.memref_squeeze %dma_start3A_264 : memref<1x200xi32, #tpu.memory_space<vmem>> -> memref<200xi32, #tpu.memory_space<vmem>>
    %dma_start3A_266 = arith.constant 0 : i32
    %dma_start3A_267 = arith.constant 0 : i32
    %dma_start3A_268 = tpu.memref_slice %arg2[%dma_start3A_266, %dma_start3A_267] : memref<20000x64xf32, #tpu.memory_space<hbm>> -> memref<20000x64xf32, #tpu.memory_space<hbm>>
    tpu.enqueue_indirect_dma source(%dma_start3A_268 : memref<20000x64xf32, #tpu.memory_space<hbm>>) target(%dma_start3A_262 : memref<200x64xf32, #tpu.memory_space<vmem>>) offsets(%dma_start3A_265 : memref<200xi32, #tpu.memory_space<vmem>>) semaphore(%arg13 : memref<!tpu.dma_semaphore, #tpu.memory_space<semaphore_mem>>)
    %dma_start3A_269 = arith.constant 1 : i32
    %dma_start3A_270 = arith.constant 1 : i32
    %dma_start3A_271 = arith.constant 0 : i32
    %dma_start3A_272 = arith.constant 0 : i32
    %dma_start3A_273 = tpu.memref_slice %arg10[%dma_start3A_270, %dma_start3A_271, %dma_start3A_272] : memref<5x200x64xf32, #tpu.memory_space<vmem>> -> memref<1x200x64xf32, #tpu.memory_space<vmem>>
    %dma_start3A_274 = tpu.memref_squeeze %dma_start3A_273 : memref<1x200x64xf32, #tpu.memory_space<vmem>> -> memref<200x64xf32, #tpu.memory_space<vmem>>
    %dma_start3A_275 = arith.constant 0 : i32
    %dma_start3A_276 = tpu.memref_slice %arg8[%dma_start3A_269, %dma_start3A_275] : memref<50x200xi32, #tpu.memory_space<vmem>> -> memref<1x200xi32, #tpu.memory_space<vmem>>
    %dma_start3A_277 = tpu.memref_squeeze %dma_start3A_276 : memref<1x200xi32, #tpu.memory_space<vmem>> -> memref<200xi32, #tpu.memory_space<vmem>>
    %dma_start3A_278 = arith.constant 0 : i32
    %dma_start3A_279 = arith.constant 0 : i32
    %dma_start3A_280 = tpu.memref_slice %arg2[%dma_start3A_278, %dma_start3A_279] : memref<20000x64xf32, #tpu.memory_space<hbm>> -> memref<20000x64xf32, #tpu.memory_space<hbm>>
    tpu.enqueue_indirect_dma source(%dma_start3A_280 : memref<20000x64xf32, #tpu.memory_space<hbm>>) target(%dma_start3A_274 : memref<200x64xf32, #tpu.memory_space<vmem>>) offsets(%dma_start3A_277 : memref<200xi32, #tpu.memory_space<vmem>>) semaphore(%arg14 : memref<!tpu.dma_semaphore, #tpu.memory_space<semaphore_mem>>)
    %dma_start3A_281 = arith.constant 2 : i32
    %dma_start3A_282 = arith.constant 2 : i32
    %dma_start3A_283 = arith.constant 0 : i32
    %dma_start3A_284 = arith.constant 0 : i32
    %dma_start3A_285 = tpu.memref_slice %arg10[%dma_start3A_282, %dma_start3A_283, %dma_start3A_284] : memref<5x200x64xf32, #tpu.memory_space<vmem>> -> memref<1x200x64xf32, #tpu.memory_space<vmem>>
    %dma_start3A_286 = tpu.memref_squeeze %dma_start3A_285 : memref<1x200x64xf32, #tpu.memory_space<vmem>> -> memref<200x64xf32, #tpu.memory_space<vmem>>
    %dma_start3A_287 = arith.constant 0 : i32
    %dma_start3A_288 = tpu.memref_slice %arg8[%dma_start3A_281, %dma_start3A_287] : memref<50x200xi32, #tpu.memory_space<vmem>> -> memref<1x200xi32, #tpu.memory_space<vmem>>
    %dma_start3A_289 = tpu.memref_squeeze %dma_start3A_288 : memref<1x200xi32, #tpu.memory_space<vmem>> -> memref<200xi32, #tpu.memory_space<vmem>>
    %dma_start3A_290 = arith.constant 0 : i32
    %dma_start3A_291 = arith.constant 0 : i32
    %dma_start3A_292 = tpu.memref_slice %arg2[%dma_start3A_290, %dma_start3A_291] : memref<20000x64xf32, #tpu.memory_space<hbm>> -> memref<20000x64xf32, #tpu.memory_space<hbm>>
    tpu.enqueue_indirect_dma source(%dma_start3A_292 : memref<20000x64xf32, #tpu.memory_space<hbm>>) target(%dma_start3A_286 : memref<200x64xf32, #tpu.memory_space<vmem>>) offsets(%dma_start3A_289 : memref<200xi32, #tpu.memory_space<vmem>>) semaphore(%arg15 : memref<!tpu.dma_semaphore, #tpu.memory_space<semaphore_mem>>)
    %dma_start3A_293 = arith.constant 3 : i32
    %dma_start3A_294 = arith.constant 3 : i32
    %dma_start3A_295 = arith.constant 0 : i32
    %dma_start3A_296 = arith.constant 0 : i32
    %dma_start3A_297 = tpu.memref_slice %arg10[%dma_start3A_294, %dma_start3A_295, %dma_start3A_296] : memref<5x200x64xf32, #tpu.memory_space<vmem>> -> memref<1x200x64xf32, #tpu.memory_space<vmem>>
    %dma_start3A_298 = tpu.memref_squeeze %dma_start3A_297 : memref<1x200x64xf32, #tpu.memory_space<vmem>> -> memref<200x64xf32, #tpu.memory_space<vmem>>
    %dma_start3A_299 = arith.constant 0 : i32
    %dma_start3A_300 = tpu.memref_slice %arg8[%dma_start3A_293, %dma_start3A_299] : memref<50x200xi32, #tpu.memory_space<vmem>> -> memref<1x200xi32, #tpu.memory_space<vmem>>
    %dma_start3A_301 = tpu.memref_squeeze %dma_start3A_300 : memref<1x200xi32, #tpu.memory_space<vmem>> -> memref<200xi32, #tpu.memory_space<vmem>>
    %dma_start3A_302 = arith.constant 0 : i32
    %dma_start3A_303 = arith.constant 0 : i32
    %dma_start3A_304 = tpu.memref_slice %arg2[%dma_start3A_302, %dma_start3A_303] : memref<20000x64xf32, #tpu.memory_space<hbm>> -> memref<20000x64xf32, #tpu.memory_space<hbm>>
    tpu.enqueue_indirect_dma source(%dma_start3A_304 : memref<20000x64xf32, #tpu.memory_space<hbm>>) target(%dma_start3A_298 : memref<200x64xf32, #tpu.memory_space<vmem>>) offsets(%dma_start3A_301 : memref<200xi32, #tpu.memory_space<vmem>>) semaphore(%arg16 : memref<!tpu.dma_semaphore, #tpu.memory_space<semaphore_mem>>)
    %dma_start3A_305 = arith.constant 4 : i32
    %dma_start3A_306 = arith.constant 4 : i32
    %dma_start3A_307 = arith.constant 0 : i32
    %dma_start3A_308 = arith.constant 0 : i32
    %dma_start3A_309 = tpu.memref_slice %arg10[%dma_start3A_306, %dma_start3A_307, %dma_start3A_308] : memref<5x200x64xf32, #tpu.memory_space<vmem>> -> memref<1x200x64xf32, #tpu.memory_space<vmem>>
    %dma_start3A_310 = tpu.memref_squeeze %dma_start3A_309 : memref<1x200x64xf32, #tpu.memory_space<vmem>> -> memref<200x64xf32, #tpu.memory_space<vmem>>
    %dma_start3A_311 = arith.constant 0 : i32
    %dma_start3A_312 = tpu.memref_slice %arg8[%dma_start3A_305, %dma_start3A_311] : memref<50x200xi32, #tpu.memory_space<vmem>> -> memref<1x200xi32, #tpu.memory_space<vmem>>
    %dma_start3A_313 = tpu.memref_squeeze %dma_start3A_312 : memref<1x200xi32, #tpu.memory_space<vmem>> -> memref<200xi32, #tpu.memory_space<vmem>>
    %dma_start3A_314 = arith.constant 0 : i32
    %dma_start3A_315 = arith.constant 0 : i32
    %dma_start3A_316 = tpu.memref_slice %arg2[%dma_start3A_314, %dma_start3A_315] : memref<20000x64xf32, #tpu.memory_space<hbm>> -> memref<20000x64xf32, #tpu.memory_space<hbm>>
    tpu.enqueue_indirect_dma source(%dma_start3A_316 : memref<20000x64xf32, #tpu.memory_space<hbm>>) target(%dma_start3A_310 : memref<200x64xf32, #tpu.memory_space<vmem>>) offsets(%dma_start3A_313 : memref<200xi32, #tpu.memory_space<vmem>>) semaphore(%arg17 : memref<!tpu.dma_semaphore, #tpu.memory_space<semaphore_mem>>)
    %scan3A_317 = arith.constant 0 : i32
    %scan3A_318 = arith.constant 0 : i32
    %scan3A_319 = arith.constant 9 : i32
    %scan3A_320 = arith.addi %scan3A_318, %scan3A_319 : i32
    %scan3A_321 = arith.constant 1 : i32
    scf.for %scan3A_864 = %scan3A_318 to %scan3A_320 step %scan3A_321  : i32 {
      %mul3A_865 = arith.constant 5 : i32
      %mul3A_866 = arith.muli %scan3A_864, %mul3A_865 : i32
      %add3A_867 = arith.constant 0 : i32
      %add3A_868 = arith.addi %mul3A_866, %add3A_867 : i32
      %dma_wait3A_869 = arith.constant 0 : i32
      %dma_wait3A_870 = arith.constant 0 : i32
      %dma_wait3A_871 = arith.constant 0 : i32
      %dma_wait3A_872 = tpu.memref_slice %arg10[%dma_wait3A_869, %dma_wait3A_870, %dma_wait3A_871] : memref<5x200x64xf32, #tpu.memory_space<vmem>> -> memref<1x200x64xf32, #tpu.memory_space<vmem>>
      %dma_wait3A_873 = tpu.memref_squeeze %dma_wait3A_872 : memref<1x200x64xf32, #tpu.memory_space<vmem>> -> memref<200x64xf32, #tpu.memory_space<vmem>>
      %dma_wait3A_874 = arith.constant 0 : i32
      %dma_wait3A_875 = tpu.memref_slice %arg8[%add3A_868, %dma_wait3A_874] : memref<50x200xi32, #tpu.memory_space<vmem>> -> memref<1x200xi32, #tpu.memory_space<vmem>>
      %dma_wait3A_876 = tpu.memref_squeeze %dma_wait3A_875 : memref<1x200xi32, #tpu.memory_space<vmem>> -> memref<200xi32, #tpu.memory_space<vmem>>
      %dma_wait3A_877 = arith.constant 0 : i32
      %dma_wait3A_878 = arith.constant 0 : i32
      %dma_wait3A_879 = tpu.memref_slice %arg2[%dma_wait3A_877, %dma_wait3A_878] : memref<20000x64xf32, #tpu.memory_space<hbm>> -> memref<20000x64xf32, #tpu.memory_space<hbm>>
      tpu.wait_indirect_dma semaphore(%arg13 : memref<!tpu.dma_semaphore, #tpu.memory_space<semaphore_mem>>) src(%dma_wait3A_879 : memref<20000x64xf32, #tpu.memory_space<hbm>>) dst(%dma_wait3A_873 : memref<200x64xf32, #tpu.memory_space<vmem>>)
      %add3A_880 = arith.constant 0 : i32
      %add3A_881 = arith.addi %mul3A_866, %add3A_880 : i32
      %dma_start3A_882 = arith.constant 0 : i32
      %dma_start3A_883 = arith.constant 0 : i32
      %dma_start3A_884 = arith.constant 0 : i32
      %dma_start3A_885 = tpu.memref_slice %arg10[%dma_start3A_882, %dma_start3A_883, %dma_start3A_884] : memref<5x200x64xf32, #tpu.memory_space<vmem>> -> memref<1x200x64xf32, #tpu.memory_space<vmem>>
      %dma_start3A_886 = tpu.memref_squeeze %dma_start3A_885 : memref<1x200x64xf32, #tpu.memory_space<vmem>> -> memref<200x64xf32, #tpu.memory_space<vmem>>
      %dma_start3A_887 = arith.constant 0 : i32
      %dma_start3A_888 = tpu.memref_slice %arg9[%add3A_881, %dma_start3A_887] : memref<50x200xi32, #tpu.memory_space<vmem>> -> memref<1x200xi32, #tpu.memory_space<vmem>>
      %dma_start3A_889 = tpu.memref_squeeze %dma_start3A_888 : memref<1x200xi32, #tpu.memory_space<vmem>> -> memref<200xi32, #tpu.memory_space<vmem>>
      %dma_start3A_890 = arith.constant 0 : i32
      %dma_start3A_891 = arith.constant 0 : i32
      %dma_start3A_892 = tpu.memref_slice %arg12[%dma_start3A_890, %dma_start3A_891] : memref<10000x64xf32, #tpu.memory_space<vmem_shared>> -> memref<10000x64xf32, #tpu.memory_space<vmem_shared>>
      tpu.enqueue_indirect_dma source(%dma_start3A_886 : memref<200x64xf32, #tpu.memory_space<vmem>>) target(%dma_start3A_892 : memref<10000x64xf32, #tpu.memory_space<vmem_shared>>) offsets(%dma_start3A_889 : memref<200xi32, #tpu.memory_space<vmem>>) semaphore(%arg18 : memref<!tpu.dma_semaphore, #tpu.memory_space<semaphore_mem>>) {add = true}
      %add3A_893 = arith.constant 1 : i32
      %add3A_894 = arith.addi %mul3A_866, %add3A_893 : i32
      %dma_wait3A_895 = arith.constant 1 : i32
      %dma_wait3A_896 = arith.constant 0 : i32
      %dma_wait3A_897 = arith.constant 0 : i32
      %dma_wait3A_898 = tpu.memref_slice %arg10[%dma_wait3A_895, %dma_wait3A_896, %dma_wait3A_897] : memref<5x200x64xf32, #tpu.memory_space<vmem>> -> memref<1x200x64xf32, #tpu.memory_space<vmem>>
      %dma_wait3A_899 = tpu.memref_squeeze %dma_wait3A_898 : memref<1x200x64xf32, #tpu.memory_space<vmem>> -> memref<200x64xf32, #tpu.memory_space<vmem>>
      %dma_wait3A_900 = arith.constant 0 : i32
      %dma_wait3A_901 = tpu.memref_slice %arg8[%add3A_894, %dma_wait3A_900] : memref<50x200xi32, #tpu.memory_space<vmem>> -> memref<1x200xi32, #tpu.memory_space<vmem>>
      %dma_wait3A_902 = tpu.memref_squeeze %dma_wait3A_901 : memref<1x200xi32, #tpu.memory_space<vmem>> -> memref<200xi32, #tpu.memory_space<vmem>>
      %dma_wait3A_903 = arith.constant 0 : i32
      %dma_wait3A_904 = arith.constant 0 : i32
      %dma_wait3A_905 = tpu.memref_slice %arg2[%dma_wait3A_903, %dma_wait3A_904] : memref<20000x64xf32, #tpu.memory_space<hbm>> -> memref<20000x64xf32, #tpu.memory_space<hbm>>
      tpu.wait_indirect_dma semaphore(%arg14 : memref<!tpu.dma_semaphore, #tpu.memory_space<semaphore_mem>>) src(%dma_wait3A_905 : memref<20000x64xf32, #tpu.memory_space<hbm>>) dst(%dma_wait3A_899 : memref<200x64xf32, #tpu.memory_space<vmem>>)
      %add3A_906 = arith.constant 1 : i32
      %add3A_907 = arith.addi %mul3A_866, %add3A_906 : i32
      %dma_start3A_908 = arith.constant 1 : i32
      %dma_start3A_909 = arith.constant 0 : i32
      %dma_start3A_910 = arith.constant 0 : i32
      %dma_start3A_911 = tpu.memref_slice %arg10[%dma_start3A_908, %dma_start3A_909, %dma_start3A_910] : memref<5x200x64xf32, #tpu.memory_space<vmem>> -> memref<1x200x64xf32, #tpu.memory_space<vmem>>
      %dma_start3A_912 = tpu.memref_squeeze %dma_start3A_911 : memref<1x200x64xf32, #tpu.memory_space<vmem>> -> memref<200x64xf32, #tpu.memory_space<vmem>>
      %dma_start3A_913 = arith.constant 0 : i32
      %dma_start3A_914 = tpu.memref_slice %arg9[%add3A_907, %dma_start3A_913] : memref<50x200xi32, #tpu.memory_space<vmem>> -> memref<1x200xi32, #tpu.memory_space<vmem>>
      %dma_start3A_915 = tpu.memref_squeeze %dma_start3A_914 : memref<1x200xi32, #tpu.memory_space<vmem>> -> memref<200xi32, #tpu.memory_space<vmem>>
      %dma_start3A_916 = arith.constant 0 : i32
      %dma_start3A_917 = arith.constant 0 : i32
      %dma_start3A_918 = tpu.memref_slice %arg12[%dma_start3A_916, %dma_start3A_917] : memref<10000x64xf32, #tpu.memory_space<vmem_shared>> -> memref<10000x64xf32, #tpu.memory_space<vmem_shared>>
      tpu.enqueue_indirect_dma source(%dma_start3A_912 : memref<200x64xf32, #tpu.memory_space<vmem>>) target(%dma_start3A_918 : memref<10000x64xf32, #tpu.memory_space<vmem_shared>>) offsets(%dma_start3A_915 : memref<200xi32, #tpu.memory_space<vmem>>) semaphore(%arg19 : memref<!tpu.dma_semaphore, #tpu.memory_space<semaphore_mem>>) {add = true}
      %add3A_919 = arith.constant 2 : i32
      %add3A_920 = arith.addi %mul3A_866, %add3A_919 : i32
      %dma_wait3A_921 = arith.constant 2 : i32
      %dma_wait3A_922 = arith.constant 0 : i32
      %dma_wait3A_923 = arith.constant 0 : i32
      %dma_wait3A_924 = tpu.memref_slice %arg10[%dma_wait3A_921, %dma_wait3A_922, %dma_wait3A_923] : memref<5x200x64xf32, #tpu.memory_space<vmem>> -> memref<1x200x64xf32, #tpu.memory_space<vmem>>
      %dma_wait3A_925 = tpu.memref_squeeze %dma_wait3A_924 : memref<1x200x64xf32, #tpu.memory_space<vmem>> -> memref<200x64xf32, #tpu.memory_space<vmem>>
      %dma_wait3A_926 = arith.constant 0 : i32
      %dma_wait3A_927 = tpu.memref_slice %arg8[%add3A_920, %dma_wait3A_926] : memref<50x200xi32, #tpu.memory_space<vmem>> -> memref<1x200xi32, #tpu.memory_space<vmem>>
      %dma_wait3A_928 = tpu.memref_squeeze %dma_wait3A_927 : memref<1x200xi32, #tpu.memory_space<vmem>> -> memref<200xi32, #tpu.memory_space<vmem>>
      %dma_wait3A_929 = arith.constant 0 : i32
      %dma_wait3A_930 = arith.constant 0 : i32
      %dma_wait3A_931 = tpu.memref_slice %arg2[%dma_wait3A_929, %dma_wait3A_930] : memref<20000x64xf32, #tpu.memory_space<hbm>> -> memref<20000x64xf32, #tpu.memory_space<hbm>>
      tpu.wait_indirect_dma semaphore(%arg15 : memref<!tpu.dma_semaphore, #tpu.memory_space<semaphore_mem>>) src(%dma_wait3A_931 : memref<20000x64xf32, #tpu.memory_space<hbm>>) dst(%dma_wait3A_925 : memref<200x64xf32, #tpu.memory_space<vmem>>)
      %add3A_932 = arith.constant 2 : i32
      %add3A_933 = arith.addi %mul3A_866, %add3A_932 : i32
      %dma_start3A_934 = arith.constant 2 : i32
      %dma_start3A_935 = arith.constant 0 : i32
      %dma_start3A_936 = arith.constant 0 : i32
      %dma_start3A_937 = tpu.memref_slice %arg10[%dma_start3A_934, %dma_start3A_935, %dma_start3A_936] : memref<5x200x64xf32, #tpu.memory_space<vmem>> -> memref<1x200x64xf32, #tpu.memory_space<vmem>>
      %dma_start3A_938 = tpu.memref_squeeze %dma_start3A_937 : memref<1x200x64xf32, #tpu.memory_space<vmem>> -> memref<200x64xf32, #tpu.memory_space<vmem>>
      %dma_start3A_939 = arith.constant 0 : i32
      %dma_start3A_940 = tpu.memref_slice %arg9[%add3A_933, %dma_start3A_939] : memref<50x200xi32, #tpu.memory_space<vmem>> -> memref<1x200xi32, #tpu.memory_space<vmem>>
      %dma_start3A_941 = tpu.memref_squeeze %dma_start3A_940 : memref<1x200xi32, #tpu.memory_space<vmem>> -> memref<200xi32, #tpu.memory_space<vmem>>
      %dma_start3A_942 = arith.constant 0 : i32
      %dma_start3A_943 = arith.constant 0 : i32
      %dma_start3A_944 = tpu.memref_slice %arg12[%dma_start3A_942, %dma_start3A_943] : memref<10000x64xf32, #tpu.memory_space<vmem_shared>> -> memref<10000x64xf32, #tpu.memory_space<vmem_shared>>
      tpu.enqueue_indirect_dma source(%dma_start3A_938 : memref<200x64xf32, #tpu.memory_space<vmem>>) target(%dma_start3A_944 : memref<10000x64xf32, #tpu.memory_space<vmem_shared>>) offsets(%dma_start3A_941 : memref<200xi32, #tpu.memory_space<vmem>>) semaphore(%arg20 : memref<!tpu.dma_semaphore, #tpu.memory_space<semaphore_mem>>) {add = true}
      %add3A_945 = arith.constant 3 : i32
      %add3A_946 = arith.addi %mul3A_866, %add3A_945 : i32
      %dma_wait3A_947 = arith.constant 3 : i32
      %dma_wait3A_948 = arith.constant 0 : i32
      %dma_wait3A_949 = arith.constant 0 : i32
      %dma_wait3A_950 = tpu.memref_slice %arg10[%dma_wait3A_947, %dma_wait3A_948, %dma_wait3A_949] : memref<5x200x64xf32, #tpu.memory_space<vmem>> -> memref<1x200x64xf32, #tpu.memory_space<vmem>>
      %dma_wait3A_951 = tpu.memref_squeeze %dma_wait3A_950 : memref<1x200x64xf32, #tpu.memory_space<vmem>> -> memref<200x64xf32, #tpu.memory_space<vmem>>
      %dma_wait3A_952 = arith.constant 0 : i32
      %dma_wait3A_953 = tpu.memref_slice %arg8[%add3A_946, %dma_wait3A_952] : memref<50x200xi32, #tpu.memory_space<vmem>> -> memref<1x200xi32, #tpu.memory_space<vmem>>
      %dma_wait3A_954 = tpu.memref_squeeze %dma_wait3A_953 : memref<1x200xi32, #tpu.memory_space<vmem>> -> memref<200xi32, #tpu.memory_space<vmem>>
      %dma_wait3A_955 = arith.constant 0 : i32
      %dma_wait3A_956 = arith.constant 0 : i32
      %dma_wait3A_957 = tpu.memref_slice %arg2[%dma_wait3A_955, %dma_wait3A_956] : memref<20000x64xf32, #tpu.memory_space<hbm>> -> memref<20000x64xf32, #tpu.memory_space<hbm>>
      tpu.wait_indirect_dma semaphore(%arg16 : memref<!tpu.dma_semaphore, #tpu.memory_space<semaphore_mem>>) src(%dma_wait3A_957 : memref<20000x64xf32, #tpu.memory_space<hbm>>) dst(%dma_wait3A_951 : memref<200x64xf32, #tpu.memory_space<vmem>>)
      %add3A_958 = arith.constant 3 : i32
      %add3A_959 = arith.addi %mul3A_866, %add3A_958 : i32
      %dma_start3A_960 = arith.constant 3 : i32
      %dma_start3A_961 = arith.constant 0 : i32
      %dma_start3A_962 = arith.constant 0 : i32
      %dma_start3A_963 = tpu.memref_slice %arg10[%dma_start3A_960, %dma_start3A_961, %dma_start3A_962] : memref<5x200x64xf32, #tpu.memory_space<vmem>> -> memref<1x200x64xf32, #tpu.memory_space<vmem>>
      %dma_start3A_964 = tpu.memref_squeeze %dma_start3A_963 : memref<1x200x64xf32, #tpu.memory_space<vmem>> -> memref<200x64xf32, #tpu.memory_space<vmem>>
      %dma_start3A_965 = arith.constant 0 : i32
      %dma_start3A_966 = tpu.memref_slice %arg9[%add3A_959, %dma_start3A_965] : memref<50x200xi32, #tpu.memory_space<vmem>> -> memref<1x200xi32, #tpu.memory_space<vmem>>
      %dma_start3A_967 = tpu.memref_squeeze %dma_start3A_966 : memref<1x200xi32, #tpu.memory_space<vmem>> -> memref<200xi32, #tpu.memory_space<vmem>>
      %dma_start3A_968 = arith.constant 0 : i32
      %dma_start3A_969 = arith.constant 0 : i32
      %dma_start3A_970 = tpu.memref_slice %arg12[%dma_start3A_968, %dma_start3A_969] : memref<10000x64xf32, #tpu.memory_space<vmem_shared>> -> memref<10000x64xf32, #tpu.memory_space<vmem_shared>>
      tpu.enqueue_indirect_dma source(%dma_start3A_964 : memref<200x64xf32, #tpu.memory_space<vmem>>) target(%dma_start3A_970 : memref<10000x64xf32, #tpu.memory_space<vmem_shared>>) offsets(%dma_start3A_967 : memref<200xi32, #tpu.memory_space<vmem>>) semaphore(%arg21 : memref<!tpu.dma_semaphore, #tpu.memory_space<semaphore_mem>>) {add = true}
      %add3A_971 = arith.constant 4 : i32
      %add3A_972 = arith.addi %mul3A_866, %add3A_971 : i32
      %dma_wait3A_973 = arith.constant 4 : i32
      %dma_wait3A_974 = arith.constant 0 : i32
      %dma_wait3A_975 = arith.constant 0 : i32
      %dma_wait3A_976 = tpu.memref_slice %arg10[%dma_wait3A_973, %dma_wait3A_974, %dma_wait3A_975] : memref<5x200x64xf32, #tpu.memory_space<vmem>> -> memref<1x200x64xf32, #tpu.memory_space<vmem>>
      %dma_wait3A_977 = tpu.memref_squeeze %dma_wait3A_976 : memref<1x200x64xf32, #tpu.memory_space<vmem>> -> memref<200x64xf32, #tpu.memory_space<vmem>>
      %dma_wait3A_978 = arith.constant 0 : i32
      %dma_wait3A_979 = tpu.memref_slice %arg8[%add3A_972, %dma_wait3A_978] : memref<50x200xi32, #tpu.memory_space<vmem>> -> memref<1x200xi32, #tpu.memory_space<vmem>>
      %dma_wait3A_980 = tpu.memref_squeeze %dma_wait3A_979 : memref<1x200xi32, #tpu.memory_space<vmem>> -> memref<200xi32, #tpu.memory_space<vmem>>
      %dma_wait3A_981 = arith.constant 0 : i32
      %dma_wait3A_982 = arith.constant 0 : i32
      %dma_wait3A_983 = tpu.memref_slice %arg2[%dma_wait3A_981, %dma_wait3A_982] : memref<20000x64xf32, #tpu.memory_space<hbm>> -> memref<20000x64xf32, #tpu.memory_space<hbm>>
      tpu.wait_indirect_dma semaphore(%arg17 : memref<!tpu.dma_semaphore, #tpu.memory_space<semaphore_mem>>) src(%dma_wait3A_983 : memref<20000x64xf32, #tpu.memory_space<hbm>>) dst(%dma_wait3A_977 : memref<200x64xf32, #tpu.memory_space<vmem>>)
      %add3A_984 = arith.constant 4 : i32
      %add3A_985 = arith.addi %mul3A_866, %add3A_984 : i32
      %dma_start3A_986 = arith.constant 4 : i32
      %dma_start3A_987 = arith.constant 0 : i32
      %dma_start3A_988 = arith.constant 0 : i32
      %dma_start3A_989 = tpu.memref_slice %arg10[%dma_start3A_986, %dma_start3A_987, %dma_start3A_988] : memref<5x200x64xf32, #tpu.memory_space<vmem>> -> memref<1x200x64xf32, #tpu.memory_space<vmem>>
      %dma_start3A_990 = tpu.memref_squeeze %dma_start3A_989 : memref<1x200x64xf32, #tpu.memory_space<vmem>> -> memref<200x64xf32, #tpu.memory_space<vmem>>
      %dma_start3A_991 = arith.constant 0 : i32
      %dma_start3A_992 = tpu.memref_slice %arg9[%add3A_985, %dma_start3A_991] : memref<50x200xi32, #tpu.memory_space<vmem>> -> memref<1x200xi32, #tpu.memory_space<vmem>>
      %dma_start3A_993 = tpu.memref_squeeze %dma_start3A_992 : memref<1x200xi32, #tpu.memory_space<vmem>> -> memref<200xi32, #tpu.memory_space<vmem>>
      %dma_start3A_994 = arith.constant 0 : i32
      %dma_start3A_995 = arith.constant 0 : i32
      %dma_start3A_996 = tpu.memref_slice %arg12[%dma_start3A_994, %dma_start3A_995] : memref<10000x64xf32, #tpu.memory_space<vmem_shared>> -> memref<10000x64xf32, #tpu.memory_space<vmem_shared>>
      tpu.enqueue_indirect_dma source(%dma_start3A_990 : memref<200x64xf32, #tpu.memory_space<vmem>>) target(%dma_start3A_996 : memref<10000x64xf32, #tpu.memory_space<vmem_shared>>) offsets(%dma_start3A_993 : memref<200xi32, #tpu.memory_space<vmem>>) semaphore(%arg22 : memref<!tpu.dma_semaphore, #tpu.memory_space<semaphore_mem>>) {add = true}
      %add3A_997 = arith.constant 0 : i32
      %add3A_998 = arith.addi %mul3A_866, %add3A_997 : i32
      %dma_wait3A_999 = arith.constant 0 : i32
      %dma_wait3A_1000 = arith.constant 0 : i32
      %dma_wait3A_1001 = arith.constant 0 : i32
      %dma_wait3A_1002 = tpu.memref_slice %arg10[%dma_wait3A_999, %dma_wait3A_1000, %dma_wait3A_1001] : memref<5x200x64xf32, #tpu.memory_space<vmem>> -> memref<1x200x64xf32, #tpu.memory_space<vmem>>
      %dma_wait3A_1003 = tpu.memref_squeeze %dma_wait3A_1002 : memref<1x200x64xf32, #tpu.memory_space<vmem>> -> memref<200x64xf32, #tpu.memory_space<vmem>>
      %dma_wait3A_1004 = arith.constant 0 : i32
      %dma_wait3A_1005 = tpu.memref_slice %arg9[%add3A_998, %dma_wait3A_1004] : memref<50x200xi32, #tpu.memory_space<vmem>> -> memref<1x200xi32, #tpu.memory_space<vmem>>
      %dma_wait3A_1006 = tpu.memref_squeeze %dma_wait3A_1005 : memref<1x200xi32, #tpu.memory_space<vmem>> -> memref<200xi32, #tpu.memory_space<vmem>>
      %dma_wait3A_1007 = arith.constant 0 : i32
      %dma_wait3A_1008 = arith.constant 0 : i32
      %dma_wait3A_1009 = tpu.memref_slice %arg12[%dma_wait3A_1007, %dma_wait3A_1008] : memref<10000x64xf32, #tpu.memory_space<vmem_shared>> -> memref<10000x64xf32, #tpu.memory_space<vmem_shared>>
      tpu.wait_indirect_dma semaphore(%arg18 : memref<!tpu.dma_semaphore, #tpu.memory_space<semaphore_mem>>) src(%dma_wait3A_1003 : memref<200x64xf32, #tpu.memory_space<vmem>>) dst(%dma_wait3A_1009 : memref<10000x64xf32, #tpu.memory_space<vmem_shared>>)
      %add3A_1010 = arith.constant 5 : i32
      %add3A_1011 = arith.addi %mul3A_866, %add3A_1010 : i32
      %add3A_1012 = arith.constant 0 : i32
      %add3A_1013 = arith.addi %add3A_1011, %add3A_1012 : i32
      %dma_start3A_1014 = arith.constant 0 : i32
      %dma_start3A_1015 = arith.constant 0 : i32
      %dma_start3A_1016 = arith.constant 0 : i32
      %dma_start3A_1017 = tpu.memref_slice %arg10[%dma_start3A_1014, %dma_start3A_1015, %dma_start3A_1016] : memref<5x200x64xf32, #tpu.memory_space<vmem>> -> memref<1x200x64xf32, #tpu.memory_space<vmem>>
      %dma_start3A_1018 = tpu.memref_squeeze %dma_start3A_1017 : memref<1x200x64xf32, #tpu.memory_space<vmem>> -> memref<200x64xf32, #tpu.memory_space<vmem>>
      %dma_start3A_1019 = arith.constant 0 : i32
      %dma_start3A_1020 = tpu.memref_slice %arg8[%add3A_1013, %dma_start3A_1019] : memref<50x200xi32, #tpu.memory_space<vmem>> -> memref<1x200xi32, #tpu.memory_space<vmem>>
      %dma_start3A_1021 = tpu.memref_squeeze %dma_start3A_1020 : memref<1x200xi32, #tpu.memory_space<vmem>> -> memref<200xi32, #tpu.memory_space<vmem>>
      %dma_start3A_1022 = arith.constant 0 : i32
      %dma_start3A_1023 = arith.constant 0 : i32
      %dma_start3A_1024 = tpu.memref_slice %arg2[%dma_start3A_1022, %dma_start3A_1023] : memref<20000x64xf32, #tpu.memory_space<hbm>> -> memref<20000x64xf32, #tpu.memory_space<hbm>>
      tpu.enqueue_indirect_dma source(%dma_start3A_1024 : memref<20000x64xf32, #tpu.memory_space<hbm>>) target(%dma_start3A_1018 : memref<200x64xf32, #tpu.memory_space<vmem>>) offsets(%dma_start3A_1021 : memref<200xi32, #tpu.memory_space<vmem>>) semaphore(%arg13 : memref<!tpu.dma_semaphore, #tpu.memory_space<semaphore_mem>>)
      %add3A_1025 = arith.constant 1 : i32
      %add3A_1026 = arith.addi %mul3A_866, %add3A_1025 : i32
      %dma_wait3A_1027 = arith.constant 1 : i32
      %dma_wait3A_1028 = arith.constant 0 : i32
      %dma_wait3A_1029 = arith.constant 0 : i32
      %dma_wait3A_1030 = tpu.memref_slice %arg10[%dma_wait3A_1027, %dma_wait3A_1028, %dma_wait3A_1029] : memref<5x200x64xf32, #tpu.memory_space<vmem>> -> memref<1x200x64xf32, #tpu.memory_space<vmem>>
      %dma_wait3A_1031 = tpu.memref_squeeze %dma_wait3A_1030 : memref<1x200x64xf32, #tpu.memory_space<vmem>> -> memref<200x64xf32, #tpu.memory_space<vmem>>
      %dma_wait3A_1032 = arith.constant 0 : i32
      %dma_wait3A_1033 = tpu.memref_slice %arg9[%add3A_1026, %dma_wait3A_1032] : memref<50x200xi32, #tpu.memory_space<vmem>> -> memref<1x200xi32, #tpu.memory_space<vmem>>
      %dma_wait3A_1034 = tpu.memref_squeeze %dma_wait3A_1033 : memref<1x200xi32, #tpu.memory_space<vmem>> -> memref<200xi32, #tpu.memory_space<vmem>>
      %dma_wait3A_1035 = arith.constant 0 : i32
      %dma_wait3A_1036 = arith.constant 0 : i32
      %dma_wait3A_1037 = tpu.memref_slice %arg12[%dma_wait3A_1035, %dma_wait3A_1036] : memref<10000x64xf32, #tpu.memory_space<vmem_shared>> -> memref<10000x64xf32, #tpu.memory_space<vmem_shared>>
      tpu.wait_indirect_dma semaphore(%arg19 : memref<!tpu.dma_semaphore, #tpu.memory_space<semaphore_mem>>) src(%dma_wait3A_1031 : memref<200x64xf32, #tpu.memory_space<vmem>>) dst(%dma_wait3A_1037 : memref<10000x64xf32, #tpu.memory_space<vmem_shared>>)
      %add3A_1038 = arith.constant 5 : i32
      %add3A_1039 = arith.addi %mul3A_866, %add3A_1038 : i32
      %add3A_1040 = arith.constant 1 : i32
      %add3A_1041 = arith.addi %add3A_1039, %add3A_1040 : i32
      %dma_start3A_1042 = arith.constant 1 : i32
      %dma_start3A_1043 = arith.constant 0 : i32
      %dma_start3A_1044 = arith.constant 0 : i32
      %dma_start3A_1045 = tpu.memref_slice %arg10[%dma_start3A_1042, %dma_start3A_1043, %dma_start3A_1044] : memref<5x200x64xf32, #tpu.memory_space<vmem>> -> memref<1x200x64xf32, #tpu.memory_space<vmem>>
      %dma_start3A_1046 = tpu.memref_squeeze %dma_start3A_1045 : memref<1x200x64xf32, #tpu.memory_space<vmem>> -> memref<200x64xf32, #tpu.memory_space<vmem>>
      %dma_start3A_1047 = arith.constant 0 : i32
      %dma_start3A_1048 = tpu.memref_slice %arg8[%add3A_1041, %dma_start3A_1047] : memref<50x200xi32, #tpu.memory_space<vmem>> -> memref<1x200xi32, #tpu.memory_space<vmem>>
      %dma_start3A_1049 = tpu.memref_squeeze %dma_start3A_1048 : memref<1x200xi32, #tpu.memory_space<vmem>> -> memref<200xi32, #tpu.memory_space<vmem>>
      %dma_start3A_1050 = arith.constant 0 : i32
      %dma_start3A_1051 = arith.constant 0 : i32
      %dma_start3A_1052 = tpu.memref_slice %arg2[%dma_start3A_1050, %dma_start3A_1051] : memref<20000x64xf32, #tpu.memory_space<hbm>> -> memref<20000x64xf32, #tpu.memory_space<hbm>>
      tpu.enqueue_indirect_dma source(%dma_start3A_1052 : memref<20000x64xf32, #tpu.memory_space<hbm>>) target(%dma_start3A_1046 : memref<200x64xf32, #tpu.memory_space<vmem>>) offsets(%dma_start3A_1049 : memref<200xi32, #tpu.memory_space<vmem>>) semaphore(%arg14 : memref<!tpu.dma_semaphore, #tpu.memory_space<semaphore_mem>>)
      %add3A_1053 = arith.constant 2 : i32
      %add3A_1054 = arith.addi %mul3A_866, %add3A_1053 : i32
      %dma_wait3A_1055 = arith.constant 2 : i32
      %dma_wait3A_1056 = arith.constant 0 : i32
      %dma_wait3A_1057 = arith.constant 0 : i32
      %dma_wait3A_1058 = tpu.memref_slice %arg10[%dma_wait3A_1055, %dma_wait3A_1056, %dma_wait3A_1057] : memref<5x200x64xf32, #tpu.memory_space<vmem>> -> memref<1x200x64xf32, #tpu.memory_space<vmem>>
      %dma_wait3A_1059 = tpu.memref_squeeze %dma_wait3A_1058 : memref<1x200x64xf32, #tpu.memory_space<vmem>> -> memref<200x64xf32, #tpu.memory_space<vmem>>
      %dma_wait3A_1060 = arith.constant 0 : i32
      %dma_wait3A_1061 = tpu.memref_slice %arg9[%add3A_1054, %dma_wait3A_1060] : memref<50x200xi32, #tpu.memory_space<vmem>> -> memref<1x200xi32, #tpu.memory_space<vmem>>
      %dma_wait3A_1062 = tpu.memref_squeeze %dma_wait3A_1061 : memref<1x200xi32, #tpu.memory_space<vmem>> -> memref<200xi32, #tpu.memory_space<vmem>>
      %dma_wait3A_1063 = arith.constant 0 : i32
      %dma_wait3A_1064 = arith.constant 0 : i32
      %dma_wait3A_1065 = tpu.memref_slice %arg12[%dma_wait3A_1063, %dma_wait3A_1064] : memref<10000x64xf32, #tpu.memory_space<vmem_shared>> -> memref<10000x64xf32, #tpu.memory_space<vmem_shared>>
      tpu.wait_indirect_dma semaphore(%arg20 : memref<!tpu.dma_semaphore, #tpu.memory_space<semaphore_mem>>) src(%dma_wait3A_1059 : memref<200x64xf32, #tpu.memory_space<vmem>>) dst(%dma_wait3A_1065 : memref<10000x64xf32, #tpu.memory_space<vmem_shared>>)
      %add3A_1066 = arith.constant 5 : i32
      %add3A_1067 = arith.addi %mul3A_866, %add3A_1066 : i32
      %add3A_1068 = arith.constant 2 : i32
      %add3A_1069 = arith.addi %add3A_1067, %add3A_1068 : i32
      %dma_start3A_1070 = arith.constant 2 : i32
      %dma_start3A_1071 = arith.constant 0 : i32
      %dma_start3A_1072 = arith.constant 0 : i32
      %dma_start3A_1073 = tpu.memref_slice %arg10[%dma_start3A_1070, %dma_start3A_1071, %dma_start3A_1072] : memref<5x200x64xf32, #tpu.memory_space<vmem>> -> memref<1x200x64xf32, #tpu.memory_space<vmem>>
      %dma_start3A_1074 = tpu.memref_squeeze %dma_start3A_1073 : memref<1x200x64xf32, #tpu.memory_space<vmem>> -> memref<200x64xf32, #tpu.memory_space<vmem>>
      %dma_start3A_1075 = arith.constant 0 : i32
      %dma_start3A_1076 = tpu.memref_slice %arg8[%add3A_1069, %dma_start3A_1075] : memref<50x200xi32, #tpu.memory_space<vmem>> -> memref<1x200xi32, #tpu.memory_space<vmem>>
      %dma_start3A_1077 = tpu.memref_squeeze %dma_start3A_1076 : memref<1x200xi32, #tpu.memory_space<vmem>> -> memref<200xi32, #tpu.memory_space<vmem>>
      %dma_start3A_1078 = arith.constant 0 : i32
      %dma_start3A_1079 = arith.constant 0 : i32
      %dma_start3A_1080 = tpu.memref_slice %arg2[%dma_start3A_1078, %dma_start3A_1079] : memref<20000x64xf32, #tpu.memory_space<hbm>> -> memref<20000x64xf32, #tpu.memory_space<hbm>>
      tpu.enqueue_indirect_dma source(%dma_start3A_1080 : memref<20000x64xf32, #tpu.memory_space<hbm>>) target(%dma_start3A_1074 : memref<200x64xf32, #tpu.memory_space<vmem>>) offsets(%dma_start3A_1077 : memref<200xi32, #tpu.memory_space<vmem>>) semaphore(%arg15 : memref<!tpu.dma_semaphore, #tpu.memory_space<semaphore_mem>>)
      %add3A_1081 = arith.constant 3 : i32
      %add3A_1082 = arith.addi %mul3A_866, %add3A_1081 : i32
      %dma_wait3A_1083 = arith.constant 3 : i32
      %dma_wait3A_1084 = arith.constant 0 : i32
      %dma_wait3A_1085 = arith.constant 0 : i32
      %dma_wait3A_1086 = tpu.memref_slice %arg10[%dma_wait3A_1083, %dma_wait3A_1084, %dma_wait3A_1085] : memref<5x200x64xf32, #tpu.memory_space<vmem>> -> memref<1x200x64xf32, #tpu.memory_space<vmem>>
      %dma_wait3A_1087 = tpu.memref_squeeze %dma_wait3A_1086 : memref<1x200x64xf32, #tpu.memory_space<vmem>> -> memref<200x64xf32, #tpu.memory_space<vmem>>
      %dma_wait3A_1088 = arith.constant 0 : i32
      %dma_wait3A_1089 = tpu.memref_slice %arg9[%add3A_1082, %dma_wait3A_1088] : memref<50x200xi32, #tpu.memory_space<vmem>> -> memref<1x200xi32, #tpu.memory_space<vmem>>
      %dma_wait3A_1090 = tpu.memref_squeeze %dma_wait3A_1089 : memref<1x200xi32, #tpu.memory_space<vmem>> -> memref<200xi32, #tpu.memory_space<vmem>>
      %dma_wait3A_1091 = arith.constant 0 : i32
      %dma_wait3A_1092 = arith.constant 0 : i32
      %dma_wait3A_1093 = tpu.memref_slice %arg12[%dma_wait3A_1091, %dma_wait3A_1092] : memref<10000x64xf32, #tpu.memory_space<vmem_shared>> -> memref<10000x64xf32, #tpu.memory_space<vmem_shared>>
      tpu.wait_indirect_dma semaphore(%arg21 : memref<!tpu.dma_semaphore, #tpu.memory_space<semaphore_mem>>) src(%dma_wait3A_1087 : memref<200x64xf32, #tpu.memory_space<vmem>>) dst(%dma_wait3A_1093 : memref<10000x64xf32, #tpu.memory_space<vmem_shared>>)
      %add3A_1094 = arith.constant 5 : i32
      %add3A_1095 = arith.addi %mul3A_866, %add3A_1094 : i32
      %add3A_1096 = arith.constant 3 : i32
      %add3A_1097 = arith.addi %add3A_1095, %add3A_1096 : i32
      %dma_start3A_1098 = arith.constant 3 : i32
      %dma_start3A_1099 = arith.constant 0 : i32
      %dma_start3A_1100 = arith.constant 0 : i32
      %dma_start3A_1101 = tpu.memref_slice %arg10[%dma_start3A_1098, %dma_start3A_1099, %dma_start3A_1100] : memref<5x200x64xf32, #tpu.memory_space<vmem>> -> memref<1x200x64xf32, #tpu.memory_space<vmem>>
      %dma_start3A_1102 = tpu.memref_squeeze %dma_start3A_1101 : memref<1x200x64xf32, #tpu.memory_space<vmem>> -> memref<200x64xf32, #tpu.memory_space<vmem>>
      %dma_start3A_1103 = arith.constant 0 : i32
      %dma_start3A_1104 = tpu.memref_slice %arg8[%add3A_1097, %dma_start3A_1103] : memref<50x200xi32, #tpu.memory_space<vmem>> -> memref<1x200xi32, #tpu.memory_space<vmem>>
      %dma_start3A_1105 = tpu.memref_squeeze %dma_start3A_1104 : memref<1x200xi32, #tpu.memory_space<vmem>> -> memref<200xi32, #tpu.memory_space<vmem>>
      %dma_start3A_1106 = arith.constant 0 : i32
      %dma_start3A_1107 = arith.constant 0 : i32
      %dma_start3A_1108 = tpu.memref_slice %arg2[%dma_start3A_1106, %dma_start3A_1107] : memref<20000x64xf32, #tpu.memory_space<hbm>> -> memref<20000x64xf32, #tpu.memory_space<hbm>>
      tpu.enqueue_indirect_dma source(%dma_start3A_1108 : memref<20000x64xf32, #tpu.memory_space<hbm>>) target(%dma_start3A_1102 : memref<200x64xf32, #tpu.memory_space<vmem>>) offsets(%dma_start3A_1105 : memref<200xi32, #tpu.memory_space<vmem>>) semaphore(%arg16 : memref<!tpu.dma_semaphore, #tpu.memory_space<semaphore_mem>>)
      %add3A_1109 = arith.constant 4 : i32
      %add3A_1110 = arith.addi %mul3A_866, %add3A_1109 : i32
      %dma_wait3A_1111 = arith.constant 4 : i32
      %dma_wait3A_1112 = arith.constant 0 : i32
      %dma_wait3A_1113 = arith.constant 0 : i32
      %dma_wait3A_1114 = tpu.memref_slice %arg10[%dma_wait3A_1111, %dma_wait3A_1112, %dma_wait3A_1113] : memref<5x200x64xf32, #tpu.memory_space<vmem>> -> memref<1x200x64xf32, #tpu.memory_space<vmem>>
      %dma_wait3A_1115 = tpu.memref_squeeze %dma_wait3A_1114 : memref<1x200x64xf32, #tpu.memory_space<vmem>> -> memref<200x64xf32, #tpu.memory_space<vmem>>
      %dma_wait3A_1116 = arith.constant 0 : i32
      %dma_wait3A_1117 = tpu.memref_slice %arg9[%add3A_1110, %dma_wait3A_1116] : memref<50x200xi32, #tpu.memory_space<vmem>> -> memref<1x200xi32, #tpu.memory_space<vmem>>
      %dma_wait3A_1118 = tpu.memref_squeeze %dma_wait3A_1117 : memref<1x200xi32, #tpu.memory_space<vmem>> -> memref<200xi32, #tpu.memory_space<vmem>>
      %dma_wait3A_1119 = arith.constant 0 : i32
      %dma_wait3A_1120 = arith.constant 0 : i32
      %dma_wait3A_1121 = tpu.memref_slice %arg12[%dma_wait3A_1119, %dma_wait3A_1120] : memref<10000x64xf32, #tpu.memory_space<vmem_shared>> -> memref<10000x64xf32, #tpu.memory_space<vmem_shared>>
      tpu.wait_indirect_dma semaphore(%arg22 : memref<!tpu.dma_semaphore, #tpu.memory_space<semaphore_mem>>) src(%dma_wait3A_1115 : memref<200x64xf32, #tpu.memory_space<vmem>>) dst(%dma_wait3A_1121 : memref<10000x64xf32, #tpu.memory_space<vmem_shared>>)
      %add3A_1122 = arith.constant 5 : i32
      %add3A_1123 = arith.addi %mul3A_866, %add3A_1122 : i32
      %add3A_1124 = arith.constant 4 : i32
      %add3A_1125 = arith.addi %add3A_1123, %add3A_1124 : i32
      %dma_start3A_1126 = arith.constant 4 : i32
      %dma_start3A_1127 = arith.constant 0 : i32
      %dma_start3A_1128 = arith.constant 0 : i32
      %dma_start3A_1129 = tpu.memref_slice %arg10[%dma_start3A_1126, %dma_start3A_1127, %dma_start3A_1128] : memref<5x200x64xf32, #tpu.memory_space<vmem>> -> memref<1x200x64xf32, #tpu.memory_space<vmem>>
      %dma_start3A_1130 = tpu.memref_squeeze %dma_start3A_1129 : memref<1x200x64xf32, #tpu.memory_space<vmem>> -> memref<200x64xf32, #tpu.memory_space<vmem>>
      %dma_start3A_1131 = arith.constant 0 : i32
      %dma_start3A_1132 = tpu.memref_slice %arg8[%add3A_1125, %dma_start3A_1131] : memref<50x200xi32, #tpu.memory_space<vmem>> -> memref<1x200xi32, #tpu.memory_space<vmem>>
      %dma_start3A_1133 = tpu.memref_squeeze %dma_start3A_1132 : memref<1x200xi32, #tpu.memory_space<vmem>> -> memref<200xi32, #tpu.memory_space<vmem>>
      %dma_start3A_1134 = arith.constant 0 : i32
      %dma_start3A_1135 = arith.constant 0 : i32
      %dma_start3A_1136 = tpu.memref_slice %arg2[%dma_start3A_1134, %dma_start3A_1135] : memref<20000x64xf32, #tpu.memory_space<hbm>> -> memref<20000x64xf32, #tpu.memory_space<hbm>>
      tpu.enqueue_indirect_dma source(%dma_start3A_1136 : memref<20000x64xf32, #tpu.memory_space<hbm>>) target(%dma_start3A_1130 : memref<200x64xf32, #tpu.memory_space<vmem>>) offsets(%dma_start3A_1133 : memref<200xi32, #tpu.memory_space<vmem>>) semaphore(%arg17 : memref<!tpu.dma_semaphore, #tpu.memory_space<semaphore_mem>>)
    }
    %scan3A_322 = arith.constant 9 : i32
    %dma_wait3A_323 = arith.constant 45 : i32
    %dma_wait3A_324 = arith.constant 0 : i32
    %dma_wait3A_325 = arith.constant 0 : i32
    %dma_wait3A_326 = arith.constant 0 : i32
    %dma_wait3A_327 = tpu.memref_slice %arg10[%dma_wait3A_324, %dma_wait3A_325, %dma_wait3A_326] : memref<5x200x64xf32, #tpu.memory_space<vmem>> -> memref<1x200x64xf32, #tpu.memory_space<vmem>>
    %dma_wait3A_328 = tpu.memref_squeeze %dma_wait3A_327 : memref<1x200x64xf32, #tpu.memory_space<vmem>> -> memref<200x64xf32, #tpu.memory_space<vmem>>
    %dma_wait3A_329 = arith.constant 0 : i32
    %dma_wait3A_330 = tpu.memref_slice %arg8[%dma_wait3A_323, %dma_wait3A_329] : memref<50x200xi32, #tpu.memory_space<vmem>> -> memref<1x200xi32, #tpu.memory_space<vmem>>
    %dma_wait3A_331 = tpu.memref_squeeze %dma_wait3A_330 : memref<1x200xi32, #tpu.memory_space<vmem>> -> memref<200xi32, #tpu.memory_space<vmem>>
    %dma_wait3A_332 = arith.constant 0 : i32
    %dma_wait3A_333 = arith.constant 0 : i32
    %dma_wait3A_334 = tpu.memref_slice %arg2[%dma_wait3A_332, %dma_wait3A_333] : memref<20000x64xf32, #tpu.memory_space<hbm>> -> memref<20000x64xf32, #tpu.memory_space<hbm>>
    tpu.wait_indirect_dma semaphore(%arg13 : memref<!tpu.dma_semaphore, #tpu.memory_space<semaphore_mem>>) src(%dma_wait3A_334 : memref<20000x64xf32, #tpu.memory_space<hbm>>) dst(%dma_wait3A_328 : memref<200x64xf32, #tpu.memory_space<vmem>>)
    %dma_start3A_335 = arith.constant 0 : i32
    %dma_start3A_336 = arith.constant 45 : i32
    %dma_start3A_337 = arith.constant 0 : i32
    %dma_start3A_338 = arith.constant 0 : i32
    %dma_start3A_339 = tpu.memref_slice %arg10[%dma_start3A_335, %dma_start3A_337, %dma_start3A_338] : memref<5x200x64xf32, #tpu.memory_space<vmem>> -> memref<1x200x64xf32, #tpu.memory_space<vmem>>
    %dma_start3A_340 = tpu.memref_squeeze %dma_start3A_339 : memref<1x200x64xf32, #tpu.memory_space<vmem>> -> memref<200x64xf32, #tpu.memory_space<vmem>>
    %dma_start3A_341 = arith.constant 0 : i32
    %dma_start3A_342 = tpu.memref_slice %arg9[%dma_start3A_336, %dma_start3A_341] : memref<50x200xi32, #tpu.memory_space<vmem>> -> memref<1x200xi32, #tpu.memory_space<vmem>>
    %dma_start3A_343 = tpu.memref_squeeze %dma_start3A_342 : memref<1x200xi32, #tpu.memory_space<vmem>> -> memref<200xi32, #tpu.memory_space<vmem>>
    %dma_start3A_344 = arith.constant 0 : i32
    %dma_start3A_345 = arith.constant 0 : i32
    %dma_start3A_346 = tpu.memref_slice %arg12[%dma_start3A_344, %dma_start3A_345] : memref<10000x64xf32, #tpu.memory_space<vmem_shared>> -> memref<10000x64xf32, #tpu.memory_space<vmem_shared>>
    tpu.enqueue_indirect_dma source(%dma_start3A_340 : memref<200x64xf32, #tpu.memory_space<vmem>>) target(%dma_start3A_346 : memref<10000x64xf32, #tpu.memory_space<vmem_shared>>) offsets(%dma_start3A_343 : memref<200xi32, #tpu.memory_space<vmem>>) semaphore(%arg18 : memref<!tpu.dma_semaphore, #tpu.memory_space<semaphore_mem>>) {add = true}
    %dma_wait3A_347 = arith.constant 46 : i32
    %dma_wait3A_348 = arith.constant 1 : i32
    %dma_wait3A_349 = arith.constant 0 : i32
    %dma_wait3A_350 = arith.constant 0 : i32
    %dma_wait3A_351 = tpu.memref_slice %arg10[%dma_wait3A_348, %dma_wait3A_349, %dma_wait3A_350] : memref<5x200x64xf32, #tpu.memory_space<vmem>> -> memref<1x200x64xf32, #tpu.memory_space<vmem>>
    %dma_wait3A_352 = tpu.memref_squeeze %dma_wait3A_351 : memref<1x200x64xf32, #tpu.memory_space<vmem>> -> memref<200x64xf32, #tpu.memory_space<vmem>>
    %dma_wait3A_353 = arith.constant 0 : i32
    %dma_wait3A_354 = tpu.memref_slice %arg8[%dma_wait3A_347, %dma_wait3A_353] : memref<50x200xi32, #tpu.memory_space<vmem>> -> memref<1x200xi32, #tpu.memory_space<vmem>>
    %dma_wait3A_355 = tpu.memref_squeeze %dma_wait3A_354 : memref<1x200xi32, #tpu.memory_space<vmem>> -> memref<200xi32, #tpu.memory_space<vmem>>
    %dma_wait3A_356 = arith.constant 0 : i32
    %dma_wait3A_357 = arith.constant 0 : i32
    %dma_wait3A_358 = tpu.memref_slice %arg2[%dma_wait3A_356, %dma_wait3A_357] : memref<20000x64xf32, #tpu.memory_space<hbm>> -> memref<20000x64xf32, #tpu.memory_space<hbm>>
    tpu.wait_indirect_dma semaphore(%arg14 : memref<!tpu.dma_semaphore, #tpu.memory_space<semaphore_mem>>) src(%dma_wait3A_358 : memref<20000x64xf32, #tpu.memory_space<hbm>>) dst(%dma_wait3A_352 : memref<200x64xf32, #tpu.memory_space<vmem>>)
    %dma_start3A_359 = arith.constant 1 : i32
    %dma_start3A_360 = arith.constant 46 : i32
    %dma_start3A_361 = arith.constant 0 : i32
    %dma_start3A_362 = arith.constant 0 : i32
    %dma_start3A_363 = tpu.memref_slice %arg10[%dma_start3A_359, %dma_start3A_361, %dma_start3A_362] : memref<5x200x64xf32, #tpu.memory_space<vmem>> -> memref<1x200x64xf32, #tpu.memory_space<vmem>>
    %dma_start3A_364 = tpu.memref_squeeze %dma_start3A_363 : memref<1x200x64xf32, #tpu.memory_space<vmem>> -> memref<200x64xf32, #tpu.memory_space<vmem>>
    %dma_start3A_365 = arith.constant 0 : i32
    %dma_start3A_366 = tpu.memref_slice %arg9[%dma_start3A_360, %dma_start3A_365] : memref<50x200xi32, #tpu.memory_space<vmem>> -> memref<1x200xi32, #tpu.memory_space<vmem>>
    %dma_start3A_367 = tpu.memref_squeeze %dma_start3A_366 : memref<1x200xi32, #tpu.memory_space<vmem>> -> memref<200xi32, #tpu.memory_space<vmem>>
    %dma_start3A_368 = arith.constant 0 : i32
    %dma_start3A_369 = arith.constant 0 : i32
    %dma_start3A_370 = tpu.memref_slice %arg12[%dma_start3A_368, %dma_start3A_369] : memref<10000x64xf32, #tpu.memory_space<vmem_shared>> -> memref<10000x64xf32, #tpu.memory_space<vmem_shared>>
    tpu.enqueue_indirect_dma source(%dma_start3A_364 : memref<200x64xf32, #tpu.memory_space<vmem>>) target(%dma_start3A_370 : memref<10000x64xf32, #tpu.memory_space<vmem_shared>>) offsets(%dma_start3A_367 : memref<200xi32, #tpu.memory_space<vmem>>) semaphore(%arg19 : memref<!tpu.dma_semaphore, #tpu.memory_space<semaphore_mem>>) {add = true}
    %dma_wait3A_371 = arith.constant 47 : i32
    %dma_wait3A_372 = arith.constant 2 : i32
    %dma_wait3A_373 = arith.constant 0 : i32
    %dma_wait3A_374 = arith.constant 0 : i32
    %dma_wait3A_375 = tpu.memref_slice %arg10[%dma_wait3A_372, %dma_wait3A_373, %dma_wait3A_374] : memref<5x200x64xf32, #tpu.memory_space<vmem>> -> memref<1x200x64xf32, #tpu.memory_space<vmem>>
    %dma_wait3A_376 = tpu.memref_squeeze %dma_wait3A_375 : memref<1x200x64xf32, #tpu.memory_space<vmem>> -> memref<200x64xf32, #tpu.memory_space<vmem>>
    %dma_wait3A_377 = arith.constant 0 : i32
    %dma_wait3A_378 = tpu.memref_slice %arg8[%dma_wait3A_371, %dma_wait3A_377] : memref<50x200xi32, #tpu.memory_space<vmem>> -> memref<1x200xi32, #tpu.memory_space<vmem>>
    %dma_wait3A_379 = tpu.memref_squeeze %dma_wait3A_378 : memref<1x200xi32, #tpu.memory_space<vmem>> -> memref<200xi32, #tpu.memory_space<vmem>>
    %dma_wait3A_380 = arith.constant 0 : i32
    %dma_wait3A_381 = arith.constant 0 : i32
    %dma_wait3A_382 = tpu.memref_slice %arg2[%dma_wait3A_380, %dma_wait3A_381] : memref<20000x64xf32, #tpu.memory_space<hbm>> -> memref<20000x64xf32, #tpu.memory_space<hbm>>
    tpu.wait_indirect_dma semaphore(%arg15 : memref<!tpu.dma_semaphore, #tpu.memory_space<semaphore_mem>>) src(%dma_wait3A_382 : memref<20000x64xf32, #tpu.memory_space<hbm>>) dst(%dma_wait3A_376 : memref<200x64xf32, #tpu.memory_space<vmem>>)
    %dma_start3A_383 = arith.constant 2 : i32
    %dma_start3A_384 = arith.constant 47 : i32
    %dma_start3A_385 = arith.constant 0 : i32
    %dma_start3A_386 = arith.constant 0 : i32
    %dma_start3A_387 = tpu.memref_slice %arg10[%dma_start3A_383, %dma_start3A_385, %dma_start3A_386] : memref<5x200x64xf32, #tpu.memory_space<vmem>> -> memref<1x200x64xf32, #tpu.memory_space<vmem>>
    %dma_start3A_388 = tpu.memref_squeeze %dma_start3A_387 : memref<1x200x64xf32, #tpu.memory_space<vmem>> -> memref<200x64xf32, #tpu.memory_space<vmem>>
    %dma_start3A_389 = arith.constant 0 : i32
    %dma_start3A_390 = tpu.memref_slice %arg9[%dma_start3A_384, %dma_start3A_389] : memref<50x200xi32, #tpu.memory_space<vmem>> -> memref<1x200xi32, #tpu.memory_space<vmem>>
    %dma_start3A_391 = tpu.memref_squeeze %dma_start3A_390 : memref<1x200xi32, #tpu.memory_space<vmem>> -> memref<200xi32, #tpu.memory_space<vmem>>
    %dma_start3A_392 = arith.constant 0 : i32
    %dma_start3A_393 = arith.constant 0 : i32
    %dma_start3A_394 = tpu.memref_slice %arg12[%dma_start3A_392, %dma_start3A_393] : memref<10000x64xf32, #tpu.memory_space<vmem_shared>> -> memref<10000x64xf32, #tpu.memory_space<vmem_shared>>
    tpu.enqueue_indirect_dma source(%dma_start3A_388 : memref<200x64xf32, #tpu.memory_space<vmem>>) target(%dma_start3A_394 : memref<10000x64xf32, #tpu.memory_space<vmem_shared>>) offsets(%dma_start3A_391 : memref<200xi32, #tpu.memory_space<vmem>>) semaphore(%arg20 : memref<!tpu.dma_semaphore, #tpu.memory_space<semaphore_mem>>) {add = true}
    %dma_wait3A_395 = arith.constant 48 : i32
    %dma_wait3A_396 = arith.constant 3 : i32
    %dma_wait3A_397 = arith.constant 0 : i32
    %dma_wait3A_398 = arith.constant 0 : i32
    %dma_wait3A_399 = tpu.memref_slice %arg10[%dma_wait3A_396, %dma_wait3A_397, %dma_wait3A_398] : memref<5x200x64xf32, #tpu.memory_space<vmem>> -> memref<1x200x64xf32, #tpu.memory_space<vmem>>
    %dma_wait3A_400 = tpu.memref_squeeze %dma_wait3A_399 : memref<1x200x64xf32, #tpu.memory_space<vmem>> -> memref<200x64xf32, #tpu.memory_space<vmem>>
    %dma_wait3A_401 = arith.constant 0 : i32
    %dma_wait3A_402 = tpu.memref_slice %arg8[%dma_wait3A_395, %dma_wait3A_401] : memref<50x200xi32, #tpu.memory_space<vmem>> -> memref<1x200xi32, #tpu.memory_space<vmem>>
    %dma_wait3A_403 = tpu.memref_squeeze %dma_wait3A_402 : memref<1x200xi32, #tpu.memory_space<vmem>> -> memref<200xi32, #tpu.memory_space<vmem>>
    %dma_wait3A_404 = arith.constant 0 : i32
    %dma_wait3A_405 = arith.constant 0 : i32
    %dma_wait3A_406 = tpu.memref_slice %arg2[%dma_wait3A_404, %dma_wait3A_405] : memref<20000x64xf32, #tpu.memory_space<hbm>> -> memref<20000x64xf32, #tpu.memory_space<hbm>>
    tpu.wait_indirect_dma semaphore(%arg16 : memref<!tpu.dma_semaphore, #tpu.memory_space<semaphore_mem>>) src(%dma_wait3A_406 : memref<20000x64xf32, #tpu.memory_space<hbm>>) dst(%dma_wait3A_400 : memref<200x64xf32, #tpu.memory_space<vmem>>)
    %dma_start3A_407 = arith.constant 3 : i32
    %dma_start3A_408 = arith.constant 48 : i32
    %dma_start3A_409 = arith.constant 0 : i32
    %dma_start3A_410 = arith.constant 0 : i32
    %dma_start3A_411 = tpu.memref_slice %arg10[%dma_start3A_407, %dma_start3A_409, %dma_start3A_410] : memref<5x200x64xf32, #tpu.memory_space<vmem>> -> memref<1x200x64xf32, #tpu.memory_space<vmem>>
    %dma_start3A_412 = tpu.memref_squeeze %dma_start3A_411 : memref<1x200x64xf32, #tpu.memory_space<vmem>> -> memref<200x64xf32, #tpu.memory_space<vmem>>
    %dma_start3A_413 = arith.constant 0 : i32
    %dma_start3A_414 = tpu.memref_slice %arg9[%dma_start3A_408, %dma_start3A_413] : memref<50x200xi32, #tpu.memory_space<vmem>> -> memref<1x200xi32, #tpu.memory_space<vmem>>
    %dma_start3A_415 = tpu.memref_squeeze %dma_start3A_414 : memref<1x200xi32, #tpu.memory_space<vmem>> -> memref<200xi32, #tpu.memory_space<vmem>>
    %dma_start3A_416 = arith.constant 0 : i32
    %dma_start3A_417 = arith.constant 0 : i32
    %dma_start3A_418 = tpu.memref_slice %arg12[%dma_start3A_416, %dma_start3A_417] : memref<10000x64xf32, #tpu.memory_space<vmem_shared>> -> memref<10000x64xf32, #tpu.memory_space<vmem_shared>>
    tpu.enqueue_indirect_dma source(%dma_start3A_412 : memref<200x64xf32, #tpu.memory_space<vmem>>) target(%dma_start3A_418 : memref<10000x64xf32, #tpu.memory_space<vmem_shared>>) offsets(%dma_start3A_415 : memref<200xi32, #tpu.memory_space<vmem>>) semaphore(%arg21 : memref<!tpu.dma_semaphore, #tpu.memory_space<semaphore_mem>>) {add = true}
    %dma_wait3A_419 = arith.constant 49 : i32
    %dma_wait3A_420 = arith.constant 4 : i32
    %dma_wait3A_421 = arith.constant 0 : i32
    %dma_wait3A_422 = arith.constant 0 : i32
    %dma_wait3A_423 = tpu.memref_slice %arg10[%dma_wait3A_420, %dma_wait3A_421, %dma_wait3A_422] : memref<5x200x64xf32, #tpu.memory_space<vmem>> -> memref<1x200x64xf32, #tpu.memory_space<vmem>>
    %dma_wait3A_424 = tpu.memref_squeeze %dma_wait3A_423 : memref<1x200x64xf32, #tpu.memory_space<vmem>> -> memref<200x64xf32, #tpu.memory_space<vmem>>
    %dma_wait3A_425 = arith.constant 0 : i32
    %dma_wait3A_426 = tpu.memref_slice %arg8[%dma_wait3A_419, %dma_wait3A_425] : memref<50x200xi32, #tpu.memory_space<vmem>> -> memref<1x200xi32, #tpu.memory_space<vmem>>
    %dma_wait3A_427 = tpu.memref_squeeze %dma_wait3A_426 : memref<1x200xi32, #tpu.memory_space<vmem>> -> memref<200xi32, #tpu.memory_space<vmem>>
    %dma_wait3A_428 = arith.constant 0 : i32
    %dma_wait3A_429 = arith.constant 0 : i32
    %dma_wait3A_430 = tpu.memref_slice %arg2[%dma_wait3A_428, %dma_wait3A_429] : memref<20000x64xf32, #tpu.memory_space<hbm>> -> memref<20000x64xf32, #tpu.memory_space<hbm>>
    tpu.wait_indirect_dma semaphore(%arg17 : memref<!tpu.dma_semaphore, #tpu.memory_space<semaphore_mem>>) src(%dma_wait3A_430 : memref<20000x64xf32, #tpu.memory_space<hbm>>) dst(%dma_wait3A_424 : memref<200x64xf32, #tpu.memory_space<vmem>>)
    %dma_start3A_431 = arith.constant 4 : i32
    %dma_start3A_432 = arith.constant 49 : i32
    %dma_start3A_433 = arith.constant 0 : i32
    %dma_start3A_434 = arith.constant 0 : i32
    %dma_start3A_435 = tpu.memref_slice %arg10[%dma_start3A_431, %dma_start3A_433, %dma_start3A_434] : memref<5x200x64xf32, #tpu.memory_space<vmem>> -> memref<1x200x64xf32, #tpu.memory_space<vmem>>
    %dma_start3A_436 = tpu.memref_squeeze %dma_start3A_435 : memref<1x200x64xf32, #tpu.memory_space<vmem>> -> memref<200x64xf32, #tpu.memory_space<vmem>>
    %dma_start3A_437 = arith.constant 0 : i32
    %dma_start3A_438 = tpu.memref_slice %arg9[%dma_start3A_432, %dma_start3A_437] : memref<50x200xi32, #tpu.memory_space<vmem>> -> memref<1x200xi32, #tpu.memory_space<vmem>>
    %dma_start3A_439 = tpu.memref_squeeze %dma_start3A_438 : memref<1x200xi32, #tpu.memory_space<vmem>> -> memref<200xi32, #tpu.memory_space<vmem>>
    %dma_start3A_440 = arith.constant 0 : i32
    %dma_start3A_441 = arith.constant 0 : i32
    %dma_start3A_442 = tpu.memref_slice %arg12[%dma_start3A_440, %dma_start3A_441] : memref<10000x64xf32, #tpu.memory_space<vmem_shared>> -> memref<10000x64xf32, #tpu.memory_space<vmem_shared>>
    tpu.enqueue_indirect_dma source(%dma_start3A_436 : memref<200x64xf32, #tpu.memory_space<vmem>>) target(%dma_start3A_442 : memref<10000x64xf32, #tpu.memory_space<vmem_shared>>) offsets(%dma_start3A_439 : memref<200xi32, #tpu.memory_space<vmem>>) semaphore(%arg22 : memref<!tpu.dma_semaphore, #tpu.memory_space<semaphore_mem>>) {add = true}
    %dma_wait3A_443 = arith.constant 0 : i32
    %dma_wait3A_444 = arith.constant 45 : i32
    %dma_wait3A_445 = arith.constant 0 : i32
    %dma_wait3A_446 = arith.constant 0 : i32
    %dma_wait3A_447 = tpu.memref_slice %arg10[%dma_wait3A_443, %dma_wait3A_445, %dma_wait3A_446] : memref<5x200x64xf32, #tpu.memory_space<vmem>> -> memref<1x200x64xf32, #tpu.memory_space<vmem>>
    %dma_wait3A_448 = tpu.memref_squeeze %dma_wait3A_447 : memref<1x200x64xf32, #tpu.memory_space<vmem>> -> memref<200x64xf32, #tpu.memory_space<vmem>>
    %dma_wait3A_449 = arith.constant 0 : i32
    %dma_wait3A_450 = tpu.memref_slice %arg9[%dma_wait3A_444, %dma_wait3A_449] : memref<50x200xi32, #tpu.memory_space<vmem>> -> memref<1x200xi32, #tpu.memory_space<vmem>>
    %dma_wait3A_451 = tpu.memref_squeeze %dma_wait3A_450 : memref<1x200xi32, #tpu.memory_space<vmem>> -> memref<200xi32, #tpu.memory_space<vmem>>
    %dma_wait3A_452 = arith.constant 0 : i32
    %dma_wait3A_453 = arith.constant 0 : i32
    %dma_wait3A_454 = tpu.memref_slice %arg12[%dma_wait3A_452, %dma_wait3A_453] : memref<10000x64xf32, #tpu.memory_space<vmem_shared>> -> memref<10000x64xf32, #tpu.memory_space<vmem_shared>>
    tpu.wait_indirect_dma semaphore(%arg18 : memref<!tpu.dma_semaphore, #tpu.memory_space<semaphore_mem>>) src(%dma_wait3A_448 : memref<200x64xf32, #tpu.memory_space<vmem>>) dst(%dma_wait3A_454 : memref<10000x64xf32, #tpu.memory_space<vmem_shared>>)
    %dma_wait3A_455 = arith.constant 1 : i32
    %dma_wait3A_456 = arith.constant 46 : i32
    %dma_wait3A_457 = arith.constant 0 : i32
    %dma_wait3A_458 = arith.constant 0 : i32
    %dma_wait3A_459 = tpu.memref_slice %arg10[%dma_wait3A_455, %dma_wait3A_457, %dma_wait3A_458] : memref<5x200x64xf32, #tpu.memory_space<vmem>> -> memref<1x200x64xf32, #tpu.memory_space<vmem>>
    %dma_wait3A_460 = tpu.memref_squeeze %dma_wait3A_459 : memref<1x200x64xf32, #tpu.memory_space<vmem>> -> memref<200x64xf32, #tpu.memory_space<vmem>>
    %dma_wait3A_461 = arith.constant 0 : i32
    %dma_wait3A_462 = tpu.memref_slice %arg9[%dma_wait3A_456, %dma_wait3A_461] : memref<50x200xi32, #tpu.memory_space<vmem>> -> memref<1x200xi32, #tpu.memory_space<vmem>>
    %dma_wait3A_463 = tpu.memref_squeeze %dma_wait3A_462 : memref<1x200xi32, #tpu.memory_space<vmem>> -> memref<200xi32, #tpu.memory_space<vmem>>
    %dma_wait3A_464 = arith.constant 0 : i32
    %dma_wait3A_465 = arith.constant 0 : i32
    %dma_wait3A_466 = tpu.memref_slice %arg12[%dma_wait3A_464, %dma_wait3A_465] : memref<10000x64xf32, #tpu.memory_space<vmem_shared>> -> memref<10000x64xf32, #tpu.memory_space<vmem_shared>>
    tpu.wait_indirect_dma semaphore(%arg19 : memref<!tpu.dma_semaphore, #tpu.memory_space<semaphore_mem>>) src(%dma_wait3A_460 : memref<200x64xf32, #tpu.memory_space<vmem>>) dst(%dma_wait3A_466 : memref<10000x64xf32, #tpu.memory_space<vmem_shared>>)
    %dma_wait3A_467 = arith.constant 2 : i32
    %dma_wait3A_468 = arith.constant 47 : i32
    %dma_wait3A_469 = arith.constant 0 : i32
    %dma_wait3A_470 = arith.constant 0 : i32
    %dma_wait3A_471 = tpu.memref_slice %arg10[%dma_wait3A_467, %dma_wait3A_469, %dma_wait3A_470] : memref<5x200x64xf32, #tpu.memory_space<vmem>> -> memref<1x200x64xf32, #tpu.memory_space<vmem>>
    %dma_wait3A_472 = tpu.memref_squeeze %dma_wait3A_471 : memref<1x200x64xf32, #tpu.memory_space<vmem>> -> memref<200x64xf32, #tpu.memory_space<vmem>>
    %dma_wait3A_473 = arith.constant 0 : i32
    %dma_wait3A_474 = tpu.memref_slice %arg9[%dma_wait3A_468, %dma_wait3A_473] : memref<50x200xi32, #tpu.memory_space<vmem>> -> memref<1x200xi32, #tpu.memory_space<vmem>>
    %dma_wait3A_475 = tpu.memref_squeeze %dma_wait3A_474 : memref<1x200xi32, #tpu.memory_space<vmem>> -> memref<200xi32, #tpu.memory_space<vmem>>
    %dma_wait3A_476 = arith.constant 0 : i32
    %dma_wait3A_477 = arith.constant 0 : i32
    %dma_wait3A_478 = tpu.memref_slice %arg12[%dma_wait3A_476, %dma_wait3A_477] : memref<10000x64xf32, #tpu.memory_space<vmem_shared>> -> memref<10000x64xf32, #tpu.memory_space<vmem_shared>>
    tpu.wait_indirect_dma semaphore(%arg20 : memref<!tpu.dma_semaphore, #tpu.memory_space<semaphore_mem>>) src(%dma_wait3A_472 : memref<200x64xf32, #tpu.memory_space<vmem>>) dst(%dma_wait3A_478 : memref<10000x64xf32, #tpu.memory_space<vmem_shared>>)
    %dma_wait3A_479 = arith.constant 3 : i32
    %dma_wait3A_480 = arith.constant 48 : i32
    %dma_wait3A_481 = arith.constant 0 : i32
    %dma_wait3A_482 = arith.constant 0 : i32
    %dma_wait3A_483 = tpu.memref_slice %arg10[%dma_wait3A_479, %dma_wait3A_481, %dma_wait3A_482] : memref<5x200x64xf32, #tpu.memory_space<vmem>> -> memref<1x200x64xf32, #tpu.memory_space<vmem>>
    %dma_wait3A_484 = tpu.memref_squeeze %dma_wait3A_483 : memref<1x200x64xf32, #tpu.memory_space<vmem>> -> memref<200x64xf32, #tpu.memory_space<vmem>>
    %dma_wait3A_485 = arith.constant 0 : i32
    %dma_wait3A_486 = tpu.memref_slice %arg9[%dma_wait3A_480, %dma_wait3A_485] : memref<50x200xi32, #tpu.memory_space<vmem>> -> memref<1x200xi32, #tpu.memory_space<vmem>>
    %dma_wait3A_487 = tpu.memref_squeeze %dma_wait3A_486 : memref<1x200xi32, #tpu.memory_space<vmem>> -> memref<200xi32, #tpu.memory_space<vmem>>
    %dma_wait3A_488 = arith.constant 0 : i32
    %dma_wait3A_489 = arith.constant 0 : i32
    %dma_wait3A_490 = tpu.memref_slice %arg12[%dma_wait3A_488, %dma_wait3A_489] : memref<10000x64xf32, #tpu.memory_space<vmem_shared>> -> memref<10000x64xf32, #tpu.memory_space<vmem_shared>>
    tpu.wait_indirect_dma semaphore(%arg21 : memref<!tpu.dma_semaphore, #tpu.memory_space<semaphore_mem>>) src(%dma_wait3A_484 : memref<200x64xf32, #tpu.memory_space<vmem>>) dst(%dma_wait3A_490 : memref<10000x64xf32, #tpu.memory_space<vmem_shared>>)
    %dma_wait3A_491 = arith.constant 4 : i32
    %dma_wait3A_492 = arith.constant 49 : i32
    %dma_wait3A_493 = arith.constant 0 : i32
    %dma_wait3A_494 = arith.constant 0 : i32
    %dma_wait3A_495 = tpu.memref_slice %arg10[%dma_wait3A_491, %dma_wait3A_493, %dma_wait3A_494] : memref<5x200x64xf32, #tpu.memory_space<vmem>> -> memref<1x200x64xf32, #tpu.memory_space<vmem>>
    %dma_wait3A_496 = tpu.memref_squeeze %dma_wait3A_495 : memref<1x200x64xf32, #tpu.memory_space<vmem>> -> memref<200x64xf32, #tpu.memory_space<vmem>>
    %dma_wait3A_497 = arith.constant 0 : i32
    %dma_wait3A_498 = tpu.memref_slice %arg9[%dma_wait3A_492, %dma_wait3A_497] : memref<50x200xi32, #tpu.memory_space<vmem>> -> memref<1x200xi32, #tpu.memory_space<vmem>>
    %dma_wait3A_499 = tpu.memref_squeeze %dma_wait3A_498 : memref<1x200xi32, #tpu.memory_space<vmem>> -> memref<200xi32, #tpu.memory_space<vmem>>
    %dma_wait3A_500 = arith.constant 0 : i32
    %dma_wait3A_501 = arith.constant 0 : i32
    %dma_wait3A_502 = tpu.memref_slice %arg12[%dma_wait3A_500, %dma_wait3A_501] : memref<10000x64xf32, #tpu.memory_space<vmem_shared>> -> memref<10000x64xf32, #tpu.memory_space<vmem_shared>>
    tpu.wait_indirect_dma semaphore(%arg22 : memref<!tpu.dma_semaphore, #tpu.memory_space<semaphore_mem>>) src(%dma_wait3A_496 : memref<200x64xf32, #tpu.memory_space<vmem>>) dst(%dma_wait3A_502 : memref<10000x64xf32, #tpu.memory_space<vmem_shared>>)
    %barrier3A_503 = arith.constant 0 : index
    tpu.barrier barrier_id(%barrier3A_503)
    %add3A_504 = arith.constant 0 : i32
    %add3A_505 = arith.addi %mul3A_0, %add3A_504 : i32
    %dma_start3A_506 = arith.constant 0 : i32
    %dma_start3A_507 = arith.constant 0 : i32
    %dma_start3A_508 = arith.constant 0 : i32
    %dma_start3A_509 = tpu.memref_slice %arg10[%dma_start3A_506, %dma_start3A_507, %dma_start3A_508] : memref<5x200x64xf32, #tpu.memory_space<vmem>> -> memref<1x200x64xf32, #tpu.memory_space<vmem>>
    %dma_start3A_510 = tpu.memref_squeeze %dma_start3A_509 : memref<1x200x64xf32, #tpu.memory_space<vmem>> -> memref<200x64xf32, #tpu.memory_space<vmem>>
    %dma_start3A_511 = arith.constant 0 : i32
    %dma_start3A_512 = arith.constant 0 : i32
    %dma_start3A_513 = tpu.memref_slice %dma_start3A_510[%dma_start3A_511, %dma_start3A_512] : memref<200x64xf32, #tpu.memory_space<vmem>> -> memref<125x64xf32, #tpu.memory_space<vmem>>
    %dma_start3A_514 = arith.constant 0 : i32
    %dma_start3A_515 = tpu.memref_slice %arg12[%add3A_505, %dma_start3A_514] : memref<10000x64xf32, #tpu.memory_space<vmem_shared>> -> memref<125x64xf32, #tpu.memory_space<vmem_shared>>
    %dma_start3A_516 = arith.constant 0 : i32
    %dma_start3A_517 = arith.constant 0 : i32
    %dma_start3A_518 = tpu.memref_slice %arg10[%dma_start3A_506, %dma_start3A_516, %dma_start3A_517] : memref<5x200x64xf32, #tpu.memory_space<vmem>> -> memref<1x200x64xf32, #tpu.memory_space<vmem>>
    %dma_start3A_519 = tpu.memref_squeeze %dma_start3A_518 : memref<1x200x64xf32, #tpu.memory_space<vmem>> -> memref<200x64xf32, #tpu.memory_space<vmem>>
    %dma_start3A_520 = arith.constant 0 : i32
    %dma_start3A_521 = arith.constant 0 : i32
    %dma_start3A_522 = tpu.memref_slice %dma_start3A_519[%dma_start3A_520, %dma_start3A_521] : memref<200x64xf32, #tpu.memory_space<vmem>> -> memref<125x64xf32, #tpu.memory_space<vmem>>
    %dma_start3A_523 = arith.constant 0 : i32
    %dma_start3A_524 = tpu.memref_slice %arg12[%add3A_505, %dma_start3A_523] : memref<10000x64xf32, #tpu.memory_space<vmem_shared>> -> memref<125x64xf32, #tpu.memory_space<vmem_shared>>
    tpu.enqueue_dma source(%dma_start3A_524 : memref<125x64xf32, #tpu.memory_space<vmem_shared>>) target(%dma_start3A_522 : memref<125x64xf32, #tpu.memory_space<vmem>>) target_semaphore(%arg13 : memref<!tpu.dma_semaphore, #tpu.memory_space<semaphore_mem>>)
    %add3A_525 = arith.constant 125 : i32
    %add3A_526 = arith.addi %mul3A_0, %add3A_525 : i32
    %dma_start3A_527 = arith.constant 1 : i32
    %dma_start3A_528 = arith.constant 0 : i32
    %dma_start3A_529 = arith.constant 0 : i32
    %dma_start3A_530 = tpu.memref_slice %arg10[%dma_start3A_527, %dma_start3A_528, %dma_start3A_529] : memref<5x200x64xf32, #tpu.memory_space<vmem>> -> memref<1x200x64xf32, #tpu.memory_space<vmem>>
    %dma_start3A_531 = tpu.memref_squeeze %dma_start3A_530 : memref<1x200x64xf32, #tpu.memory_space<vmem>> -> memref<200x64xf32, #tpu.memory_space<vmem>>
    %dma_start3A_532 = arith.constant 0 : i32
    %dma_start3A_533 = arith.constant 0 : i32
    %dma_start3A_534 = tpu.memref_slice %dma_start3A_531[%dma_start3A_532, %dma_start3A_533] : memref<200x64xf32, #tpu.memory_space<vmem>> -> memref<125x64xf32, #tpu.memory_space<vmem>>
    %dma_start3A_535 = arith.constant 0 : i32
    %dma_start3A_536 = tpu.memref_slice %arg12[%add3A_526, %dma_start3A_535] : memref<10000x64xf32, #tpu.memory_space<vmem_shared>> -> memref<125x64xf32, #tpu.memory_space<vmem_shared>>
    %dma_start3A_537 = arith.constant 0 : i32
    %dma_start3A_538 = arith.constant 0 : i32
    %dma_start3A_539 = tpu.memref_slice %arg10[%dma_start3A_527, %dma_start3A_537, %dma_start3A_538] : memref<5x200x64xf32, #tpu.memory_space<vmem>> -> memref<1x200x64xf32, #tpu.memory_space<vmem>>
    %dma_start3A_540 = tpu.memref_squeeze %dma_start3A_539 : memref<1x200x64xf32, #tpu.memory_space<vmem>> -> memref<200x64xf32, #tpu.memory_space<vmem>>
    %dma_start3A_541 = arith.constant 0 : i32
    %dma_start3A_542 = arith.constant 0 : i32
    %dma_start3A_543 = tpu.memref_slice %dma_start3A_540[%dma_start3A_541, %dma_start3A_542] : memref<200x64xf32, #tpu.memory_space<vmem>> -> memref<125x64xf32, #tpu.memory_space<vmem>>
    %dma_start3A_544 = arith.constant 0 : i32
    %dma_start3A_545 = tpu.memref_slice %arg12[%add3A_526, %dma_start3A_544] : memref<10000x64xf32, #tpu.memory_space<vmem_shared>> -> memref<125x64xf32, #tpu.memory_space<vmem_shared>>
    tpu.enqueue_dma source(%dma_start3A_545 : memref<125x64xf32, #tpu.memory_space<vmem_shared>>) target(%dma_start3A_543 : memref<125x64xf32, #tpu.memory_space<vmem>>) target_semaphore(%arg14 : memref<!tpu.dma_semaphore, #tpu.memory_space<semaphore_mem>>)
    %add3A_546 = arith.constant 250 : i32
    %add3A_547 = arith.addi %mul3A_0, %add3A_546 : i32
    %dma_start3A_548 = arith.constant 2 : i32
    %dma_start3A_549 = arith.constant 0 : i32
    %dma_start3A_550 = arith.constant 0 : i32
    %dma_start3A_551 = tpu.memref_slice %arg10[%dma_start3A_548, %dma_start3A_549, %dma_start3A_550] : memref<5x200x64xf32, #tpu.memory_space<vmem>> -> memref<1x200x64xf32, #tpu.memory_space<vmem>>
    %dma_start3A_552 = tpu.memref_squeeze %dma_start3A_551 : memref<1x200x64xf32, #tpu.memory_space<vmem>> -> memref<200x64xf32, #tpu.memory_space<vmem>>
    %dma_start3A_553 = arith.constant 0 : i32
    %dma_start3A_554 = arith.constant 0 : i32
    %dma_start3A_555 = tpu.memref_slice %dma_start3A_552[%dma_start3A_553, %dma_start3A_554] : memref<200x64xf32, #tpu.memory_space<vmem>> -> memref<125x64xf32, #tpu.memory_space<vmem>>
    %dma_start3A_556 = arith.constant 0 : i32
    %dma_start3A_557 = tpu.memref_slice %arg12[%add3A_547, %dma_start3A_556] : memref<10000x64xf32, #tpu.memory_space<vmem_shared>> -> memref<125x64xf32, #tpu.memory_space<vmem_shared>>
    %dma_start3A_558 = arith.constant 0 : i32
    %dma_start3A_559 = arith.constant 0 : i32
    %dma_start3A_560 = tpu.memref_slice %arg10[%dma_start3A_548, %dma_start3A_558, %dma_start3A_559] : memref<5x200x64xf32, #tpu.memory_space<vmem>> -> memref<1x200x64xf32, #tpu.memory_space<vmem>>
    %dma_start3A_561 = tpu.memref_squeeze %dma_start3A_560 : memref<1x200x64xf32, #tpu.memory_space<vmem>> -> memref<200x64xf32, #tpu.memory_space<vmem>>
    %dma_start3A_562 = arith.constant 0 : i32
    %dma_start3A_563 = arith.constant 0 : i32
    %dma_start3A_564 = tpu.memref_slice %dma_start3A_561[%dma_start3A_562, %dma_start3A_563] : memref<200x64xf32, #tpu.memory_space<vmem>> -> memref<125x64xf32, #tpu.memory_space<vmem>>
    %dma_start3A_565 = arith.constant 0 : i32
    %dma_start3A_566 = tpu.memref_slice %arg12[%add3A_547, %dma_start3A_565] : memref<10000x64xf32, #tpu.memory_space<vmem_shared>> -> memref<125x64xf32, #tpu.memory_space<vmem_shared>>
    tpu.enqueue_dma source(%dma_start3A_566 : memref<125x64xf32, #tpu.memory_space<vmem_shared>>) target(%dma_start3A_564 : memref<125x64xf32, #tpu.memory_space<vmem>>) target_semaphore(%arg15 : memref<!tpu.dma_semaphore, #tpu.memory_space<semaphore_mem>>)
    %add3A_567 = arith.constant 375 : i32
    %add3A_568 = arith.addi %mul3A_0, %add3A_567 : i32
    %dma_start3A_569 = arith.constant 3 : i32
    %dma_start3A_570 = arith.constant 0 : i32
    %dma_start3A_571 = arith.constant 0 : i32
    %dma_start3A_572 = tpu.memref_slice %arg10[%dma_start3A_569, %dma_start3A_570, %dma_start3A_571] : memref<5x200x64xf32, #tpu.memory_space<vmem>> -> memref<1x200x64xf32, #tpu.memory_space<vmem>>
    %dma_start3A_573 = tpu.memref_squeeze %dma_start3A_572 : memref<1x200x64xf32, #tpu.memory_space<vmem>> -> memref<200x64xf32, #tpu.memory_space<vmem>>
    %dma_start3A_574 = arith.constant 0 : i32
    %dma_start3A_575 = arith.constant 0 : i32
    %dma_start3A_576 = tpu.memref_slice %dma_start3A_573[%dma_start3A_574, %dma_start3A_575] : memref<200x64xf32, #tpu.memory_space<vmem>> -> memref<125x64xf32, #tpu.memory_space<vmem>>
    %dma_start3A_577 = arith.constant 0 : i32
    %dma_start3A_578 = tpu.memref_slice %arg12[%add3A_568, %dma_start3A_577] : memref<10000x64xf32, #tpu.memory_space<vmem_shared>> -> memref<125x64xf32, #tpu.memory_space<vmem_shared>>
    %dma_start3A_579 = arith.constant 0 : i32
    %dma_start3A_580 = arith.constant 0 : i32
    %dma_start3A_581 = tpu.memref_slice %arg10[%dma_start3A_569, %dma_start3A_579, %dma_start3A_580] : memref<5x200x64xf32, #tpu.memory_space<vmem>> -> memref<1x200x64xf32, #tpu.memory_space<vmem>>
    %dma_start3A_582 = tpu.memref_squeeze %dma_start3A_581 : memref<1x200x64xf32, #tpu.memory_space<vmem>> -> memref<200x64xf32, #tpu.memory_space<vmem>>
    %dma_start3A_583 = arith.constant 0 : i32
    %dma_start3A_584 = arith.constant 0 : i32
    %dma_start3A_585 = tpu.memref_slice %dma_start3A_582[%dma_start3A_583, %dma_start3A_584] : memref<200x64xf32, #tpu.memory_space<vmem>> -> memref<125x64xf32, #tpu.memory_space<vmem>>
    %dma_start3A_586 = arith.constant 0 : i32
    %dma_start3A_587 = tpu.memref_slice %arg12[%add3A_568, %dma_start3A_586] : memref<10000x64xf32, #tpu.memory_space<vmem_shared>> -> memref<125x64xf32, #tpu.memory_space<vmem_shared>>
    tpu.enqueue_dma source(%dma_start3A_587 : memref<125x64xf32, #tpu.memory_space<vmem_shared>>) target(%dma_start3A_585 : memref<125x64xf32, #tpu.memory_space<vmem>>) target_semaphore(%arg16 : memref<!tpu.dma_semaphore, #tpu.memory_space<semaphore_mem>>)
    %add3A_588 = arith.constant 500 : i32
    %add3A_589 = arith.addi %mul3A_0, %add3A_588 : i32
    %dma_start3A_590 = arith.constant 4 : i32
    %dma_start3A_591 = arith.constant 0 : i32
    %dma_start3A_592 = arith.constant 0 : i32
    %dma_start3A_593 = tpu.memref_slice %arg10[%dma_start3A_590, %dma_start3A_591, %dma_start3A_592] : memref<5x200x64xf32, #tpu.memory_space<vmem>> -> memref<1x200x64xf32, #tpu.memory_space<vmem>>
    %dma_start3A_594 = tpu.memref_squeeze %dma_start3A_593 : memref<1x200x64xf32, #tpu.memory_space<vmem>> -> memref<200x64xf32, #tpu.memory_space<vmem>>
    %dma_start3A_595 = arith.constant 0 : i32
    %dma_start3A_596 = arith.constant 0 : i32
    %dma_start3A_597 = tpu.memref_slice %dma_start3A_594[%dma_start3A_595, %dma_start3A_596] : memref<200x64xf32, #tpu.memory_space<vmem>> -> memref<125x64xf32, #tpu.memory_space<vmem>>
    %dma_start3A_598 = arith.constant 0 : i32
    %dma_start3A_599 = tpu.memref_slice %arg12[%add3A_589, %dma_start3A_598] : memref<10000x64xf32, #tpu.memory_space<vmem_shared>> -> memref<125x64xf32, #tpu.memory_space<vmem_shared>>
    %dma_start3A_600 = arith.constant 0 : i32
    %dma_start3A_601 = arith.constant 0 : i32
    %dma_start3A_602 = tpu.memref_slice %arg10[%dma_start3A_590, %dma_start3A_600, %dma_start3A_601] : memref<5x200x64xf32, #tpu.memory_space<vmem>> -> memref<1x200x64xf32, #tpu.memory_space<vmem>>
    %dma_start3A_603 = tpu.memref_squeeze %dma_start3A_602 : memref<1x200x64xf32, #tpu.memory_space<vmem>> -> memref<200x64xf32, #tpu.memory_space<vmem>>
    %dma_start3A_604 = arith.constant 0 : i32
    %dma_start3A_605 = arith.constant 0 : i32
    %dma_start3A_606 = tpu.memref_slice %dma_start3A_603[%dma_start3A_604, %dma_start3A_605] : memref<200x64xf32, #tpu.memory_space<vmem>> -> memref<125x64xf32, #tpu.memory_space<vmem>>
    %dma_start3A_607 = arith.constant 0 : i32
    %dma_start3A_608 = tpu.memref_slice %arg12[%add3A_589, %dma_start3A_607] : memref<10000x64xf32, #tpu.memory_space<vmem_shared>> -> memref<125x64xf32, #tpu.memory_space<vmem_shared>>
    tpu.enqueue_dma source(%dma_start3A_608 : memref<125x64xf32, #tpu.memory_space<vmem_shared>>) target(%dma_start3A_606 : memref<125x64xf32, #tpu.memory_space<vmem>>) target_semaphore(%arg17 : memref<!tpu.dma_semaphore, #tpu.memory_space<semaphore_mem>>)
    %add3A_609 = arith.constant 0 : i32
    %add3A_610 = arith.addi %mul3A_0, %add3A_609 : i32
    %dma_wait3A_611 = arith.constant 0 : i32
    %dma_wait3A_612 = arith.constant 0 : i32
    %dma_wait3A_613 = arith.constant 0 : i32
    %dma_wait3A_614 = tpu.memref_slice %arg10[%dma_wait3A_611, %dma_wait3A_612, %dma_wait3A_613] : memref<5x200x64xf32, #tpu.memory_space<vmem>> -> memref<1x200x64xf32, #tpu.memory_space<vmem>>
    %dma_wait3A_615 = tpu.memref_squeeze %dma_wait3A_614 : memref<1x200x64xf32, #tpu.memory_space<vmem>> -> memref<200x64xf32, #tpu.memory_space<vmem>>
    %dma_wait3A_616 = arith.constant 0 : i32
    %dma_wait3A_617 = arith.constant 0 : i32
    %dma_wait3A_618 = tpu.memref_slice %dma_wait3A_615[%dma_wait3A_616, %dma_wait3A_617] : memref<200x64xf32, #tpu.memory_space<vmem>> -> memref<125x64xf32, #tpu.memory_space<vmem>>
    %dma_wait3A_619 = arith.constant 0 : i32
    %dma_wait3A_620 = tpu.memref_slice %arg12[%add3A_610, %dma_wait3A_619] : memref<10000x64xf32, #tpu.memory_space<vmem_shared>> -> memref<125x64xf32, #tpu.memory_space<vmem_shared>>
    %dma_wait3A_621 = arith.constant 0 : i32
    %dma_wait3A_622 = arith.constant 0 : i32
    %dma_wait3A_623 = tpu.memref_slice %arg10[%dma_wait3A_611, %dma_wait3A_621, %dma_wait3A_622] : memref<5x200x64xf32, #tpu.memory_space<vmem>> -> memref<1x200x64xf32, #tpu.memory_space<vmem>>
    %dma_wait3A_624 = tpu.memref_squeeze %dma_wait3A_623 : memref<1x200x64xf32, #tpu.memory_space<vmem>> -> memref<200x64xf32, #tpu.memory_space<vmem>>
    %dma_wait3A_625 = arith.constant 0 : i32
    %dma_wait3A_626 = arith.constant 0 : i32
    %dma_wait3A_627 = tpu.memref_slice %dma_wait3A_624[%dma_wait3A_625, %dma_wait3A_626] : memref<200x64xf32, #tpu.memory_space<vmem>> -> memref<125x64xf32, #tpu.memory_space<vmem>>
    %dma_wait3A_628 = arith.constant 0 : i32
    %dma_wait3A_629 = tpu.memref_slice %arg12[%add3A_610, %dma_wait3A_628] : memref<10000x64xf32, #tpu.memory_space<vmem_shared>> -> memref<125x64xf32, #tpu.memory_space<vmem_shared>>
    tpu.wait_dma2 semaphore(%arg13 : memref<!tpu.dma_semaphore, #tpu.memory_space<semaphore_mem>>) src(%dma_wait3A_629 : memref<125x64xf32, #tpu.memory_space<vmem_shared>>) dst(%dma_wait3A_627 : memref<125x64xf32, #tpu.memory_space<vmem>>)
    %dma_start3A_630 = arith.constant 0 : i32
    %dma_start3A_631 = arith.constant 0 : i32
    %dma_start3A_632 = arith.constant 0 : i32
    %dma_start3A_633 = arith.constant 0 : i32
    %dma_start3A_634 = tpu.memref_slice %arg10[%dma_start3A_630, %dma_start3A_632, %dma_start3A_633] : memref<5x200x64xf32, #tpu.memory_space<vmem>> -> memref<1x200x64xf32, #tpu.memory_space<vmem>>
    %dma_start3A_635 = tpu.memref_squeeze %dma_start3A_634 : memref<1x200x64xf32, #tpu.memory_space<vmem>> -> memref<200x64xf32, #tpu.memory_space<vmem>>
    %dma_start3A_636 = arith.constant 0 : i32
    %dma_start3A_637 = arith.constant 0 : i32
    %dma_start3A_638 = tpu.memref_slice %dma_start3A_635[%dma_start3A_636, %dma_start3A_637] : memref<200x64xf32, #tpu.memory_space<vmem>> -> memref<125x64xf32, #tpu.memory_space<vmem>>
    %dma_start3A_639 = arith.constant 0 : i32
    %dma_start3A_640 = tpu.memref_slice %arg11[%dma_start3A_631, %dma_start3A_639] : memref<5x125xi32, #tpu.memory_space<vmem>> -> memref<1x125xi32, #tpu.memory_space<vmem>>
    %dma_start3A_641 = tpu.memref_squeeze %dma_start3A_640 : memref<1x125xi32, #tpu.memory_space<vmem>> -> memref<125xi32, #tpu.memory_space<vmem>>
    %dma_start3A_642 = arith.constant 0 : i32
    %dma_start3A_643 = arith.constant 0 : i32
    %dma_start3A_644 = tpu.memref_slice %arg7[%dma_start3A_642, %dma_start3A_643] : memref<20000x64xf32, #tpu.memory_space<hbm>> -> memref<20000x64xf32, #tpu.memory_space<hbm>>
    tpu.enqueue_indirect_dma source(%dma_start3A_638 : memref<125x64xf32, #tpu.memory_space<vmem>>) target(%dma_start3A_644 : memref<20000x64xf32, #tpu.memory_space<hbm>>) offsets(%dma_start3A_641 : memref<125xi32, #tpu.memory_space<vmem>>) semaphore(%arg18 : memref<!tpu.dma_semaphore, #tpu.memory_space<semaphore_mem>>)
    %add3A_645 = arith.constant 125 : i32
    %add3A_646 = arith.addi %mul3A_0, %add3A_645 : i32
    %dma_wait3A_647 = arith.constant 1 : i32
    %dma_wait3A_648 = arith.constant 0 : i32
    %dma_wait3A_649 = arith.constant 0 : i32
    %dma_wait3A_650 = tpu.memref_slice %arg10[%dma_wait3A_647, %dma_wait3A_648, %dma_wait3A_649] : memref<5x200x64xf32, #tpu.memory_space<vmem>> -> memref<1x200x64xf32, #tpu.memory_space<vmem>>
    %dma_wait3A_651 = tpu.memref_squeeze %dma_wait3A_650 : memref<1x200x64xf32, #tpu.memory_space<vmem>> -> memref<200x64xf32, #tpu.memory_space<vmem>>
    %dma_wait3A_652 = arith.constant 0 : i32
    %dma_wait3A_653 = arith.constant 0 : i32
    %dma_wait3A_654 = tpu.memref_slice %dma_wait3A_651[%dma_wait3A_652, %dma_wait3A_653] : memref<200x64xf32, #tpu.memory_space<vmem>> -> memref<125x64xf32, #tpu.memory_space<vmem>>
    %dma_wait3A_655 = arith.constant 0 : i32
    %dma_wait3A_656 = tpu.memref_slice %arg12[%add3A_646, %dma_wait3A_655] : memref<10000x64xf32, #tpu.memory_space<vmem_shared>> -> memref<125x64xf32, #tpu.memory_space<vmem_shared>>
    %dma_wait3A_657 = arith.constant 0 : i32
    %dma_wait3A_658 = arith.constant 0 : i32
    %dma_wait3A_659 = tpu.memref_slice %arg10[%dma_wait3A_647, %dma_wait3A_657, %dma_wait3A_658] : memref<5x200x64xf32, #tpu.memory_space<vmem>> -> memref<1x200x64xf32, #tpu.memory_space<vmem>>
    %dma_wait3A_660 = tpu.memref_squeeze %dma_wait3A_659 : memref<1x200x64xf32, #tpu.memory_space<vmem>> -> memref<200x64xf32, #tpu.memory_space<vmem>>
    %dma_wait3A_661 = arith.constant 0 : i32
    %dma_wait3A_662 = arith.constant 0 : i32
    %dma_wait3A_663 = tpu.memref_slice %dma_wait3A_660[%dma_wait3A_661, %dma_wait3A_662] : memref<200x64xf32, #tpu.memory_space<vmem>> -> memref<125x64xf32, #tpu.memory_space<vmem>>
    %dma_wait3A_664 = arith.constant 0 : i32
    %dma_wait3A_665 = tpu.memref_slice %arg12[%add3A_646, %dma_wait3A_664] : memref<10000x64xf32, #tpu.memory_space<vmem_shared>> -> memref<125x64xf32, #tpu.memory_space<vmem_shared>>
    tpu.wait_dma2 semaphore(%arg14 : memref<!tpu.dma_semaphore, #tpu.memory_space<semaphore_mem>>) src(%dma_wait3A_665 : memref<125x64xf32, #tpu.memory_space<vmem_shared>>) dst(%dma_wait3A_663 : memref<125x64xf32, #tpu.memory_space<vmem>>)
    %dma_start3A_666 = arith.constant 1 : i32
    %dma_start3A_667 = arith.constant 1 : i32
    %dma_start3A_668 = arith.constant 0 : i32
    %dma_start3A_669 = arith.constant 0 : i32
    %dma_start3A_670 = tpu.memref_slice %arg10[%dma_start3A_666, %dma_start3A_668, %dma_start3A_669] : memref<5x200x64xf32, #tpu.memory_space<vmem>> -> memref<1x200x64xf32, #tpu.memory_space<vmem>>
    %dma_start3A_671 = tpu.memref_squeeze %dma_start3A_670 : memref<1x200x64xf32, #tpu.memory_space<vmem>> -> memref<200x64xf32, #tpu.memory_space<vmem>>
    %dma_start3A_672 = arith.constant 0 : i32
    %dma_start3A_673 = arith.constant 0 : i32
    %dma_start3A_674 = tpu.memref_slice %dma_start3A_671[%dma_start3A_672, %dma_start3A_673] : memref<200x64xf32, #tpu.memory_space<vmem>> -> memref<125x64xf32, #tpu.memory_space<vmem>>
    %dma_start3A_675 = arith.constant 0 : i32
    %dma_start3A_676 = tpu.memref_slice %arg11[%dma_start3A_667, %dma_start3A_675] : memref<5x125xi32, #tpu.memory_space<vmem>> -> memref<1x125xi32, #tpu.memory_space<vmem>>
    %dma_start3A_677 = tpu.memref_squeeze %dma_start3A_676 : memref<1x125xi32, #tpu.memory_space<vmem>> -> memref<125xi32, #tpu.memory_space<vmem>>
    %dma_start3A_678 = arith.constant 0 : i32
    %dma_start3A_679 = arith.constant 0 : i32
    %dma_start3A_680 = tpu.memref_slice %arg7[%dma_start3A_678, %dma_start3A_679] : memref<20000x64xf32, #tpu.memory_space<hbm>> -> memref<20000x64xf32, #tpu.memory_space<hbm>>
    tpu.enqueue_indirect_dma source(%dma_start3A_674 : memref<125x64xf32, #tpu.memory_space<vmem>>) target(%dma_start3A_680 : memref<20000x64xf32, #tpu.memory_space<hbm>>) offsets(%dma_start3A_677 : memref<125xi32, #tpu.memory_space<vmem>>) semaphore(%arg19 : memref<!tpu.dma_semaphore, #tpu.memory_space<semaphore_mem>>)
    %add3A_681 = arith.constant 250 : i32
    %add3A_682 = arith.addi %mul3A_0, %add3A_681 : i32
    %dma_wait3A_683 = arith.constant 2 : i32
    %dma_wait3A_684 = arith.constant 0 : i32
    %dma_wait3A_685 = arith.constant 0 : i32
    %dma_wait3A_686 = tpu.memref_slice %arg10[%dma_wait3A_683, %dma_wait3A_684, %dma_wait3A_685] : memref<5x200x64xf32, #tpu.memory_space<vmem>> -> memref<1x200x64xf32, #tpu.memory_space<vmem>>
    %dma_wait3A_687 = tpu.memref_squeeze %dma_wait3A_686 : memref<1x200x64xf32, #tpu.memory_space<vmem>> -> memref<200x64xf32, #tpu.memory_space<vmem>>
    %dma_wait3A_688 = arith.constant 0 : i32
    %dma_wait3A_689 = arith.constant 0 : i32
    %dma_wait3A_690 = tpu.memref_slice %dma_wait3A_687[%dma_wait3A_688, %dma_wait3A_689] : memref<200x64xf32, #tpu.memory_space<vmem>> -> memref<125x64xf32, #tpu.memory_space<vmem>>
    %dma_wait3A_691 = arith.constant 0 : i32
    %dma_wait3A_692 = tpu.memref_slice %arg12[%add3A_682, %dma_wait3A_691] : memref<10000x64xf32, #tpu.memory_space<vmem_shared>> -> memref<125x64xf32, #tpu.memory_space<vmem_shared>>
    %dma_wait3A_693 = arith.constant 0 : i32
    %dma_wait3A_694 = arith.constant 0 : i32
    %dma_wait3A_695 = tpu.memref_slice %arg10[%dma_wait3A_683, %dma_wait3A_693, %dma_wait3A_694] : memref<5x200x64xf32, #tpu.memory_space<vmem>> -> memref<1x200x64xf32, #tpu.memory_space<vmem>>
    %dma_wait3A_696 = tpu.memref_squeeze %dma_wait3A_695 : memref<1x200x64xf32, #tpu.memory_space<vmem>> -> memref<200x64xf32, #tpu.memory_space<vmem>>
    %dma_wait3A_697 = arith.constant 0 : i32
    %dma_wait3A_698 = arith.constant 0 : i32
    %dma_wait3A_699 = tpu.memref_slice %dma_wait3A_696[%dma_wait3A_697, %dma_wait3A_698] : memref<200x64xf32, #tpu.memory_space<vmem>> -> memref<125x64xf32, #tpu.memory_space<vmem>>
    %dma_wait3A_700 = arith.constant 0 : i32
    %dma_wait3A_701 = tpu.memref_slice %arg12[%add3A_682, %dma_wait3A_700] : memref<10000x64xf32, #tpu.memory_space<vmem_shared>> -> memref<125x64xf32, #tpu.memory_space<vmem_shared>>
    tpu.wait_dma2 semaphore(%arg15 : memref<!tpu.dma_semaphore, #tpu.memory_space<semaphore_mem>>) src(%dma_wait3A_701 : memref<125x64xf32, #tpu.memory_space<vmem_shared>>) dst(%dma_wait3A_699 : memref<125x64xf32, #tpu.memory_space<vmem>>)
    %dma_start3A_702 = arith.constant 2 : i32
    %dma_start3A_703 = arith.constant 2 : i32
    %dma_start3A_704 = arith.constant 0 : i32
    %dma_start3A_705 = arith.constant 0 : i32
    %dma_start3A_706 = tpu.memref_slice %arg10[%dma_start3A_702, %dma_start3A_704, %dma_start3A_705] : memref<5x200x64xf32, #tpu.memory_space<vmem>> -> memref<1x200x64xf32, #tpu.memory_space<vmem>>
    %dma_start3A_707 = tpu.memref_squeeze %dma_start3A_706 : memref<1x200x64xf32, #tpu.memory_space<vmem>> -> memref<200x64xf32, #tpu.memory_space<vmem>>
    %dma_start3A_708 = arith.constant 0 : i32
    %dma_start3A_709 = arith.constant 0 : i32
    %dma_start3A_710 = tpu.memref_slice %dma_start3A_707[%dma_start3A_708, %dma_start3A_709] : memref<200x64xf32, #tpu.memory_space<vmem>> -> memref<125x64xf32, #tpu.memory_space<vmem>>
    %dma_start3A_711 = arith.constant 0 : i32
    %dma_start3A_712 = tpu.memref_slice %arg11[%dma_start3A_703, %dma_start3A_711] : memref<5x125xi32, #tpu.memory_space<vmem>> -> memref<1x125xi32, #tpu.memory_space<vmem>>
    %dma_start3A_713 = tpu.memref_squeeze %dma_start3A_712 : memref<1x125xi32, #tpu.memory_space<vmem>> -> memref<125xi32, #tpu.memory_space<vmem>>
    %dma_start3A_714 = arith.constant 0 : i32
    %dma_start3A_715 = arith.constant 0 : i32
    %dma_start3A_716 = tpu.memref_slice %arg7[%dma_start3A_714, %dma_start3A_715] : memref<20000x64xf32, #tpu.memory_space<hbm>> -> memref<20000x64xf32, #tpu.memory_space<hbm>>
    tpu.enqueue_indirect_dma source(%dma_start3A_710 : memref<125x64xf32, #tpu.memory_space<vmem>>) target(%dma_start3A_716 : memref<20000x64xf32, #tpu.memory_space<hbm>>) offsets(%dma_start3A_713 : memref<125xi32, #tpu.memory_space<vmem>>) semaphore(%arg20 : memref<!tpu.dma_semaphore, #tpu.memory_space<semaphore_mem>>)
    %add3A_717 = arith.constant 375 : i32
    %add3A_718 = arith.addi %mul3A_0, %add3A_717 : i32
    %dma_wait3A_719 = arith.constant 3 : i32
    %dma_wait3A_720 = arith.constant 0 : i32
    %dma_wait3A_721 = arith.constant 0 : i32
    %dma_wait3A_722 = tpu.memref_slice %arg10[%dma_wait3A_719, %dma_wait3A_720, %dma_wait3A_721] : memref<5x200x64xf32, #tpu.memory_space<vmem>> -> memref<1x200x64xf32, #tpu.memory_space<vmem>>
    %dma_wait3A_723 = tpu.memref_squeeze %dma_wait3A_722 : memref<1x200x64xf32, #tpu.memory_space<vmem>> -> memref<200x64xf32, #tpu.memory_space<vmem>>
    %dma_wait3A_724 = arith.constant 0 : i32
    %dma_wait3A_725 = arith.constant 0 : i32
    %dma_wait3A_726 = tpu.memref_slice %dma_wait3A_723[%dma_wait3A_724, %dma_wait3A_725] : memref<200x64xf32, #tpu.memory_space<vmem>> -> memref<125x64xf32, #tpu.memory_space<vmem>>
    %dma_wait3A_727 = arith.constant 0 : i32
    %dma_wait3A_728 = tpu.memref_slice %arg12[%add3A_718, %dma_wait3A_727] : memref<10000x64xf32, #tpu.memory_space<vmem_shared>> -> memref<125x64xf32, #tpu.memory_space<vmem_shared>>
    %dma_wait3A_729 = arith.constant 0 : i32
    %dma_wait3A_730 = arith.constant 0 : i32
    %dma_wait3A_731 = tpu.memref_slice %arg10[%dma_wait3A_719, %dma_wait3A_729, %dma_wait3A_730] : memref<5x200x64xf32, #tpu.memory_space<vmem>> -> memref<1x200x64xf32, #tpu.memory_space<vmem>>
    %dma_wait3A_732 = tpu.memref_squeeze %dma_wait3A_731 : memref<1x200x64xf32, #tpu.memory_space<vmem>> -> memref<200x64xf32, #tpu.memory_space<vmem>>
    %dma_wait3A_733 = arith.constant 0 : i32
    %dma_wait3A_734 = arith.constant 0 : i32
    %dma_wait3A_735 = tpu.memref_slice %dma_wait3A_732[%dma_wait3A_733, %dma_wait3A_734] : memref<200x64xf32, #tpu.memory_space<vmem>> -> memref<125x64xf32, #tpu.memory_space<vmem>>
    %dma_wait3A_736 = arith.constant 0 : i32
    %dma_wait3A_737 = tpu.memref_slice %arg12[%add3A_718, %dma_wait3A_736] : memref<10000x64xf32, #tpu.memory_space<vmem_shared>> -> memref<125x64xf32, #tpu.memory_space<vmem_shared>>
    tpu.wait_dma2 semaphore(%arg16 : memref<!tpu.dma_semaphore, #tpu.memory_space<semaphore_mem>>) src(%dma_wait3A_737 : memref<125x64xf32, #tpu.memory_space<vmem_shared>>) dst(%dma_wait3A_735 : memref<125x64xf32, #tpu.memory_space<vmem>>)
    %dma_start3A_738 = arith.constant 3 : i32
    %dma_start3A_739 = arith.constant 3 : i32
    %dma_start3A_740 = arith.constant 0 : i32
    %dma_start3A_741 = arith.constant 0 : i32
    %dma_start3A_742 = tpu.memref_slice %arg10[%dma_start3A_738, %dma_start3A_740, %dma_start3A_741] : memref<5x200x64xf32, #tpu.memory_space<vmem>> -> memref<1x200x64xf32, #tpu.memory_space<vmem>>
    %dma_start3A_743 = tpu.memref_squeeze %dma_start3A_742 : memref<1x200x64xf32, #tpu.memory_space<vmem>> -> memref<200x64xf32, #tpu.memory_space<vmem>>
    %dma_start3A_744 = arith.constant 0 : i32
    %dma_start3A_745 = arith.constant 0 : i32
    %dma_start3A_746 = tpu.memref_slice %dma_start3A_743[%dma_start3A_744, %dma_start3A_745] : memref<200x64xf32, #tpu.memory_space<vmem>> -> memref<125x64xf32, #tpu.memory_space<vmem>>
    %dma_start3A_747 = arith.constant 0 : i32
    %dma_start3A_748 = tpu.memref_slice %arg11[%dma_start3A_739, %dma_start3A_747] : memref<5x125xi32, #tpu.memory_space<vmem>> -> memref<1x125xi32, #tpu.memory_space<vmem>>
    %dma_start3A_749 = tpu.memref_squeeze %dma_start3A_748 : memref<1x125xi32, #tpu.memory_space<vmem>> -> memref<125xi32, #tpu.memory_space<vmem>>
    %dma_start3A_750 = arith.constant 0 : i32
    %dma_start3A_751 = arith.constant 0 : i32
    %dma_start3A_752 = tpu.memref_slice %arg7[%dma_start3A_750, %dma_start3A_751] : memref<20000x64xf32, #tpu.memory_space<hbm>> -> memref<20000x64xf32, #tpu.memory_space<hbm>>
    tpu.enqueue_indirect_dma source(%dma_start3A_746 : memref<125x64xf32, #tpu.memory_space<vmem>>) target(%dma_start3A_752 : memref<20000x64xf32, #tpu.memory_space<hbm>>) offsets(%dma_start3A_749 : memref<125xi32, #tpu.memory_space<vmem>>) semaphore(%arg21 : memref<!tpu.dma_semaphore, #tpu.memory_space<semaphore_mem>>)
    %add3A_753 = arith.constant 500 : i32
    %add3A_754 = arith.addi %mul3A_0, %add3A_753 : i32
    %dma_wait3A_755 = arith.constant 4 : i32
    %dma_wait3A_756 = arith.constant 0 : i32
    %dma_wait3A_757 = arith.constant 0 : i32
    %dma_wait3A_758 = tpu.memref_slice %arg10[%dma_wait3A_755, %dma_wait3A_756, %dma_wait3A_757] : memref<5x200x64xf32, #tpu.memory_space<vmem>> -> memref<1x200x64xf32, #tpu.memory_space<vmem>>
    %dma_wait3A_759 = tpu.memref_squeeze %dma_wait3A_758 : memref<1x200x64xf32, #tpu.memory_space<vmem>> -> memref<200x64xf32, #tpu.memory_space<vmem>>
    %dma_wait3A_760 = arith.constant 0 : i32
    %dma_wait3A_761 = arith.constant 0 : i32
    %dma_wait3A_762 = tpu.memref_slice %dma_wait3A_759[%dma_wait3A_760, %dma_wait3A_761] : memref<200x64xf32, #tpu.memory_space<vmem>> -> memref<125x64xf32, #tpu.memory_space<vmem>>
    %dma_wait3A_763 = arith.constant 0 : i32
    %dma_wait3A_764 = tpu.memref_slice %arg12[%add3A_754, %dma_wait3A_763] : memref<10000x64xf32, #tpu.memory_space<vmem_shared>> -> memref<125x64xf32, #tpu.memory_space<vmem_shared>>
    %dma_wait3A_765 = arith.constant 0 : i32
    %dma_wait3A_766 = arith.constant 0 : i32
    %dma_wait3A_767 = tpu.memref_slice %arg10[%dma_wait3A_755, %dma_wait3A_765, %dma_wait3A_766] : memref<5x200x64xf32, #tpu.memory_space<vmem>> -> memref<1x200x64xf32, #tpu.memory_space<vmem>>
    %dma_wait3A_768 = tpu.memref_squeeze %dma_wait3A_767 : memref<1x200x64xf32, #tpu.memory_space<vmem>> -> memref<200x64xf32, #tpu.memory_space<vmem>>
    %dma_wait3A_769 = arith.constant 0 : i32
    %dma_wait3A_770 = arith.constant 0 : i32
    %dma_wait3A_771 = tpu.memref_slice %dma_wait3A_768[%dma_wait3A_769, %dma_wait3A_770] : memref<200x64xf32, #tpu.memory_space<vmem>> -> memref<125x64xf32, #tpu.memory_space<vmem>>
    %dma_wait3A_772 = arith.constant 0 : i32
    %dma_wait3A_773 = tpu.memref_slice %arg12[%add3A_754, %dma_wait3A_772] : memref<10000x64xf32, #tpu.memory_space<vmem_shared>> -> memref<125x64xf32, #tpu.memory_space<vmem_shared>>
    tpu.wait_dma2 semaphore(%arg17 : memref<!tpu.dma_semaphore, #tpu.memory_space<semaphore_mem>>) src(%dma_wait3A_773 : memref<125x64xf32, #tpu.memory_space<vmem_shared>>) dst(%dma_wait3A_771 : memref<125x64xf32, #tpu.memory_space<vmem>>)
    %dma_start3A_774 = arith.constant 4 : i32
    %dma_start3A_775 = arith.constant 4 : i32
    %dma_start3A_776 = arith.constant 0 : i32
    %dma_start3A_777 = arith.constant 0 : i32
    %dma_start3A_778 = tpu.memref_slice %arg10[%dma_start3A_774, %dma_start3A_776, %dma_start3A_777] : memref<5x200x64xf32, #tpu.memory_space<vmem>> -> memref<1x200x64xf32, #tpu.memory_space<vmem>>
    %dma_start3A_779 = tpu.memref_squeeze %dma_start3A_778 : memref<1x200x64xf32, #tpu.memory_space<vmem>> -> memref<200x64xf32, #tpu.memory_space<vmem>>
    %dma_start3A_780 = arith.constant 0 : i32
    %dma_start3A_781 = arith.constant 0 : i32
    %dma_start3A_782 = tpu.memref_slice %dma_start3A_779[%dma_start3A_780, %dma_start3A_781] : memref<200x64xf32, #tpu.memory_space<vmem>> -> memref<125x64xf32, #tpu.memory_space<vmem>>
    %dma_start3A_783 = arith.constant 0 : i32
    %dma_start3A_784 = tpu.memref_slice %arg11[%dma_start3A_775, %dma_start3A_783] : memref<5x125xi32, #tpu.memory_space<vmem>> -> memref<1x125xi32, #tpu.memory_space<vmem>>
    %dma_start3A_785 = tpu.memref_squeeze %dma_start3A_784 : memref<1x125xi32, #tpu.memory_space<vmem>> -> memref<125xi32, #tpu.memory_space<vmem>>
    %dma_start3A_786 = arith.constant 0 : i32
    %dma_start3A_787 = arith.constant 0 : i32
    %dma_start3A_788 = tpu.memref_slice %arg7[%dma_start3A_786, %dma_start3A_787] : memref<20000x64xf32, #tpu.memory_space<hbm>> -> memref<20000x64xf32, #tpu.memory_space<hbm>>
    tpu.enqueue_indirect_dma source(%dma_start3A_782 : memref<125x64xf32, #tpu.memory_space<vmem>>) target(%dma_start3A_788 : memref<20000x64xf32, #tpu.memory_space<hbm>>) offsets(%dma_start3A_785 : memref<125xi32, #tpu.memory_space<vmem>>) semaphore(%arg22 : memref<!tpu.dma_semaphore, #tpu.memory_space<semaphore_mem>>)
    %dma_wait3A_789 = arith.constant 0 : i32
    %dma_wait3A_790 = arith.constant 0 : i32
    %dma_wait3A_791 = arith.constant 0 : i32
    %dma_wait3A_792 = arith.constant 0 : i32
    %dma_wait3A_793 = tpu.memref_slice %arg10[%dma_wait3A_789, %dma_wait3A_791, %dma_wait3A_792] : memref<5x200x64xf32, #tpu.memory_space<vmem>> -> memref<1x200x64xf32, #tpu.memory_space<vmem>>
    %dma_wait3A_794 = tpu.memref_squeeze %dma_wait3A_793 : memref<1x200x64xf32, #tpu.memory_space<vmem>> -> memref<200x64xf32, #tpu.memory_space<vmem>>
    %dma_wait3A_795 = arith.constant 0 : i32
    %dma_wait3A_796 = arith.constant 0 : i32
    %dma_wait3A_797 = tpu.memref_slice %dma_wait3A_794[%dma_wait3A_795, %dma_wait3A_796] : memref<200x64xf32, #tpu.memory_space<vmem>> -> memref<125x64xf32, #tpu.memory_space<vmem>>
    %dma_wait3A_798 = arith.constant 0 : i32
    %dma_wait3A_799 = tpu.memref_slice %arg11[%dma_wait3A_790, %dma_wait3A_798] : memref<5x125xi32, #tpu.memory_space<vmem>> -> memref<1x125xi32, #tpu.memory_space<vmem>>
    %dma_wait3A_800 = tpu.memref_squeeze %dma_wait3A_799 : memref<1x125xi32, #tpu.memory_space<vmem>> -> memref<125xi32, #tpu.memory_space<vmem>>
    %dma_wait3A_801 = arith.constant 0 : i32
    %dma_wait3A_802 = arith.constant 0 : i32
    %dma_wait3A_803 = tpu.memref_slice %arg7[%dma_wait3A_801, %dma_wait3A_802] : memref<20000x64xf32, #tpu.memory_space<hbm>> -> memref<20000x64xf32, #tpu.memory_space<hbm>>
    tpu.wait_indirect_dma semaphore(%arg18 : memref<!tpu.dma_semaphore, #tpu.memory_space<semaphore_mem>>) src(%dma_wait3A_797 : memref<125x64xf32, #tpu.memory_space<vmem>>) dst(%dma_wait3A_803 : memref<20000x64xf32, #tpu.memory_space<hbm>>)
    %dma_wait3A_804 = arith.constant 1 : i32
    %dma_wait3A_805 = arith.constant 1 : i32
    %dma_wait3A_806 = arith.constant 0 : i32
    %dma_wait3A_807 = arith.constant 0 : i32
    %dma_wait3A_808 = tpu.memref_slice %arg10[%dma_wait3A_804, %dma_wait3A_806, %dma_wait3A_807] : memref<5x200x64xf32, #tpu.memory_space<vmem>> -> memref<1x200x64xf32, #tpu.memory_space<vmem>>
    %dma_wait3A_809 = tpu.memref_squeeze %dma_wait3A_808 : memref<1x200x64xf32, #tpu.memory_space<vmem>> -> memref<200x64xf32, #tpu.memory_space<vmem>>
    %dma_wait3A_810 = arith.constant 0 : i32
    %dma_wait3A_811 = arith.constant 0 : i32
    %dma_wait3A_812 = tpu.memref_slice %dma_wait3A_809[%dma_wait3A_810, %dma_wait3A_811] : memref<200x64xf32, #tpu.memory_space<vmem>> -> memref<125x64xf32, #tpu.memory_space<vmem>>
    %dma_wait3A_813 = arith.constant 0 : i32
    %dma_wait3A_814 = tpu.memref_slice %arg11[%dma_wait3A_805, %dma_wait3A_813] : memref<5x125xi32, #tpu.memory_space<vmem>> -> memref<1x125xi32, #tpu.memory_space<vmem>>
    %dma_wait3A_815 = tpu.memref_squeeze %dma_wait3A_814 : memref<1x125xi32, #tpu.memory_space<vmem>> -> memref<125xi32, #tpu.memory_space<vmem>>
    %dma_wait3A_816 = arith.constant 0 : i32
    %dma_wait3A_817 = arith.constant 0 : i32
    %dma_wait3A_818 = tpu.memref_slice %arg7[%dma_wait3A_816, %dma_wait3A_817] : memref<20000x64xf32, #tpu.memory_space<hbm>> -> memref<20000x64xf32, #tpu.memory_space<hbm>>
    tpu.wait_indirect_dma semaphore(%arg19 : memref<!tpu.dma_semaphore, #tpu.memory_space<semaphore_mem>>) src(%dma_wait3A_812 : memref<125x64xf32, #tpu.memory_space<vmem>>) dst(%dma_wait3A_818 : memref<20000x64xf32, #tpu.memory_space<hbm>>)
    %dma_wait3A_819 = arith.constant 2 : i32
    %dma_wait3A_820 = arith.constant 2 : i32
    %dma_wait3A_821 = arith.constant 0 : i32
    %dma_wait3A_822 = arith.constant 0 : i32
    %dma_wait3A_823 = tpu.memref_slice %arg10[%dma_wait3A_819, %dma_wait3A_821, %dma_wait3A_822] : memref<5x200x64xf32, #tpu.memory_space<vmem>> -> memref<1x200x64xf32, #tpu.memory_space<vmem>>
    %dma_wait3A_824 = tpu.memref_squeeze %dma_wait3A_823 : memref<1x200x64xf32, #tpu.memory_space<vmem>> -> memref<200x64xf32, #tpu.memory_space<vmem>>
    %dma_wait3A_825 = arith.constant 0 : i32
    %dma_wait3A_826 = arith.constant 0 : i32
    %dma_wait3A_827 = tpu.memref_slice %dma_wait3A_824[%dma_wait3A_825, %dma_wait3A_826] : memref<200x64xf32, #tpu.memory_space<vmem>> -> memref<125x64xf32, #tpu.memory_space<vmem>>
    %dma_wait3A_828 = arith.constant 0 : i32
    %dma_wait3A_829 = tpu.memref_slice %arg11[%dma_wait3A_820, %dma_wait3A_828] : memref<5x125xi32, #tpu.memory_space<vmem>> -> memref<1x125xi32, #tpu.memory_space<vmem>>
    %dma_wait3A_830 = tpu.memref_squeeze %dma_wait3A_829 : memref<1x125xi32, #tpu.memory_space<vmem>> -> memref<125xi32, #tpu.memory_space<vmem>>
    %dma_wait3A_831 = arith.constant 0 : i32
    %dma_wait3A_832 = arith.constant 0 : i32
    %dma_wait3A_833 = tpu.memref_slice %arg7[%dma_wait3A_831, %dma_wait3A_832] : memref<20000x64xf32, #tpu.memory_space<hbm>> -> memref<20000x64xf32, #tpu.memory_space<hbm>>
    tpu.wait_indirect_dma semaphore(%arg20 : memref<!tpu.dma_semaphore, #tpu.memory_space<semaphore_mem>>) src(%dma_wait3A_827 : memref<125x64xf32, #tpu.memory_space<vmem>>) dst(%dma_wait3A_833 : memref<20000x64xf32, #tpu.memory_space<hbm>>)
    %dma_wait3A_834 = arith.constant 3 : i32
    %dma_wait3A_835 = arith.constant 3 : i32
    %dma_wait3A_836 = arith.constant 0 : i32
    %dma_wait3A_837 = arith.constant 0 : i32
    %dma_wait3A_838 = tpu.memref_slice %arg10[%dma_wait3A_834, %dma_wait3A_836, %dma_wait3A_837] : memref<5x200x64xf32, #tpu.memory_space<vmem>> -> memref<1x200x64xf32, #tpu.memory_space<vmem>>
    %dma_wait3A_839 = tpu.memref_squeeze %dma_wait3A_838 : memref<1x200x64xf32, #tpu.memory_space<vmem>> -> memref<200x64xf32, #tpu.memory_space<vmem>>
    %dma_wait3A_840 = arith.constant 0 : i32
    %dma_wait3A_841 = arith.constant 0 : i32
    %dma_wait3A_842 = tpu.memref_slice %dma_wait3A_839[%dma_wait3A_840, %dma_wait3A_841] : memref<200x64xf32, #tpu.memory_space<vmem>> -> memref<125x64xf32, #tpu.memory_space<vmem>>
    %dma_wait3A_843 = arith.constant 0 : i32
    %dma_wait3A_844 = tpu.memref_slice %arg11[%dma_wait3A_835, %dma_wait3A_843] : memref<5x125xi32, #tpu.memory_space<vmem>> -> memref<1x125xi32, #tpu.memory_space<vmem>>
    %dma_wait3A_845 = tpu.memref_squeeze %dma_wait3A_844 : memref<1x125xi32, #tpu.memory_space<vmem>> -> memref<125xi32, #tpu.memory_space<vmem>>
    %dma_wait3A_846 = arith.constant 0 : i32
    %dma_wait3A_847 = arith.constant 0 : i32
    %dma_wait3A_848 = tpu.memref_slice %arg7[%dma_wait3A_846, %dma_wait3A_847] : memref<20000x64xf32, #tpu.memory_space<hbm>> -> memref<20000x64xf32, #tpu.memory_space<hbm>>
    tpu.wait_indirect_dma semaphore(%arg21 : memref<!tpu.dma_semaphore, #tpu.memory_space<semaphore_mem>>) src(%dma_wait3A_842 : memref<125x64xf32, #tpu.memory_space<vmem>>) dst(%dma_wait3A_848 : memref<20000x64xf32, #tpu.memory_space<hbm>>)
    %dma_wait3A_849 = arith.constant 4 : i32
    %dma_wait3A_850 = arith.constant 4 : i32
    %dma_wait3A_851 = arith.constant 0 : i32
    %dma_wait3A_852 = arith.constant 0 : i32
    %dma_wait3A_853 = tpu.memref_slice %arg10[%dma_wait3A_849, %dma_wait3A_851, %dma_wait3A_852] : memref<5x200x64xf32, #tpu.memory_space<vmem>> -> memref<1x200x64xf32, #tpu.memory_space<vmem>>
    %dma_wait3A_854 = tpu.memref_squeeze %dma_wait3A_853 : memref<1x200x64xf32, #tpu.memory_space<vmem>> -> memref<200x64xf32, #tpu.memory_space<vmem>>
    %dma_wait3A_855 = arith.constant 0 : i32
    %dma_wait3A_856 = arith.constant 0 : i32
    %dma_wait3A_857 = tpu.memref_slice %dma_wait3A_854[%dma_wait3A_855, %dma_wait3A_856] : memref<200x64xf32, #tpu.memory_space<vmem>> -> memref<125x64xf32, #tpu.memory_space<vmem>>
    %dma_wait3A_858 = arith.constant 0 : i32
    %dma_wait3A_859 = tpu.memref_slice %arg11[%dma_wait3A_850, %dma_wait3A_858] : memref<5x125xi32, #tpu.memory_space<vmem>> -> memref<1x125xi32, #tpu.memory_space<vmem>>
    %dma_wait3A_860 = tpu.memref_squeeze %dma_wait3A_859 : memref<1x125xi32, #tpu.memory_space<vmem>> -> memref<125xi32, #tpu.memory_space<vmem>>
    %dma_wait3A_861 = arith.constant 0 : i32
    %dma_wait3A_862 = arith.constant 0 : i32
    %dma_wait3A_863 = tpu.memref_slice %arg7[%dma_wait3A_861, %dma_wait3A_862] : memref<20000x64xf32, #tpu.memory_space<hbm>> -> memref<20000x64xf32, #tpu.memory_space<hbm>>
    tpu.wait_indirect_dma semaphore(%arg22 : memref<!tpu.dma_semaphore, #tpu.memory_space<semaphore_mem>>) src(%dma_wait3A_857 : memref<125x64xf32, #tpu.memory_space<vmem>>) dst(%dma_wait3A_863 : memref<20000x64xf32, #tpu.memory_space<hbm>>)
    return
  }
}

module attributes {stable_mosaic.version = 14 : i64} {
  func.func @_tc1_body(%arg0: i32, %arg1: memref<2x1000x16xf32, #tpu.memory_space<vmem>>, %arg2: memref<1000x128xf32, #tpu.memory_space<vmem>>, %arg3: memref<128x128xf32, #tpu.memory_space<vmem>>, %arg4: memref<1000x128xf32, #tpu.memory_space<vmem>>) attributes {dimension_semantics = [#tpu.dimension_semantics<arbitrary>], iteration_bounds = array<i64: 10>, scalar_prefetch = 0 : i64, scratch_operands = 0 : i64, tpu.core_type = #tpu.core_type<tc>, window_params = [{transform_indices = @transform_0, window_bounds = array<i64: 2, 1000, 16>}, {transform_indices = @transform_1, window_bounds = array<i64: 1000, 128>}, {pipeline_mode = #tpu.pipeline_mode<synchronous>, transform_indices = @transform_2, window_bounds = array<i64: 128, 128>}, {transform_indices = @transform_3, window_bounds = array<i64: 1000, 128>}]} {
    %get3A = arith.constant 0 : index
    %get3A_0 = arith.constant 0 : index
    %get3A_1 = arith.constant 0 : index
    %get3A_2 = vector.load %arg1[%get3A, %get3A_0, %get3A_1] : memref<2x1000x16xf32, #tpu.memory_space<vmem>>, vector<1x1000x1xf32>
    %get3A_3 = vector.shape_cast %get3A_2 : vector<1x1000x1xf32> to vector<1000x1xf32>
    %add3A = arith.constant 1.000000e+00 : f32
    %add3A_4 = vector.broadcast %add3A : f32 to vector<1000x1xf32>
    %add3A_5 = arith.addf %add3A_4, %get3A_3 : vector<1000x1xf32>
    %get3A_6 = arith.constant 1 : index
    %get3A_7 = arith.constant 0 : index
    %get3A_8 = arith.constant 0 : index
    %get3A_9 = vector.load %arg1[%get3A_6, %get3A_7, %get3A_8] : memref<2x1000x16xf32, #tpu.memory_space<vmem>>, vector<1x1000x1xf32>
    %get3A_10 = vector.shape_cast %get3A_9 : vector<1x1000x1xf32> to vector<1000x1xf32>
    %add3A_11 = arith.addf %add3A_5, %get3A_10 : vector<1000x1xf32>
    %rsqrt3A = math.rsqrt %add3A_11 : vector<1000x1xf32>
    %get3A_12 = arith.constant 0 : index
    %get3A_13 = arith.constant 0 : index
    %get3A_14 = vector.load %arg2[%get3A_12, %get3A_13] : memref<1000x128xf32, #tpu.memory_space<vmem>>, vector<1000x128xf32>
    %get3A_15 = arith.constant 0 : index
    %get3A_16 = arith.constant 0 : index
    %get3A_17 = vector.load %arg3[%get3A_15, %get3A_16] : memref<128x128xf32, #tpu.memory_space<vmem>>, vector<128x128xf32>
    %dot_general3A = arith.constant dense<0.000000e+00> : vector<1000x128xf32>
    %dot_general3A_18 = tpu.matmul %get3A_14, %get3A_17, %dot_general3A {dimension_numbers = #tpu.dot_dimension_numbers<[1], [0], [0], [1], [0, 0, 1, 1], [], []>, precision = #tpu.contract_precision<fp32>, transpose_lhs_hint = false} : vector<1000x128xf32>, vector<128x128xf32>, vector<1000x128xf32> -> vector<1000x128xf32>
    %mul3A = vector.broadcast %rsqrt3A : vector<1000x1xf32> to vector<1000x128xf32>
    %mul3A_19 = arith.mulf %dot_general3A_18, %mul3A : vector<1000x128xf32>
    %swap3A = arith.constant 0 : index
    %swap3A_20 = arith.constant 0 : index
    %swap3A_21 = vector.load %arg4[%swap3A, %swap3A_20] : memref<1000x128xf32, #tpu.memory_space<vmem>>, vector<1000x128xf32>
    tpu.vector_store %arg4[%swap3A, %swap3A_20], %mul3A_19 {strides = array<i32>} : memref<1000x128xf32, #tpu.memory_space<vmem>>, vector<1000x128xf32>,
    return
  }
  func.func @transform_0(%arg0: i32) -> (i32, i32, i32) {
    %c0_i32 = arith.constant 0 : i32
    %c0_i32_0 = arith.constant 0 : i32
    %c0_i32_1 = arith.constant 0 : i32
    return %c0_i32, %arg0, %c0_i32_0 : i32, i32, i32
  }
  func.func @transform_1(%arg0: i32) -> (i32, i32) {
    %c0_i32 = arith.constant 0 : i32
    %c0_i32_0 = arith.constant 0 : i32
    return %arg0, %c0_i32 : i32, i32
  }
  func.func @transform_2(%arg0: i32) -> (i32, i32) {
    %c0_i32 = arith.constant 0 : i32
    %c0_i32_0 = arith.constant 0 : i32
    %c0_i32_1 = arith.constant 0 : i32
    return %c0_i32, %c0_i32_0 : i32, i32
  }
  func.func @transform_3(%arg0: i32) -> (i32, i32) {
    %c0_i32 = arith.constant 0 : i32
    %c0_i32_0 = arith.constant 0 : i32
    return %arg0, %c0_i32 : i32, i32
  }
}

module attributes {stable_mosaic.version = 14 : i64} {
  func.func @_tc2_body(%arg0: i32, %arg1: memref<2x1000x16xf32, #tpu.memory_space<vmem>>, %arg2: memref<1000x128xf32, #tpu.memory_space<vmem>>, %arg3: memref<1000x128xf32, #tpu.memory_space<vmem>>, %arg4: memref<128x128xf32, #tpu.memory_space<vmem>>, %arg5: memref<1x128xf32, #tpu.memory_space<vmem>>, %arg6: memref<1000x128xf32, #tpu.memory_space<vmem>>) attributes {dimension_semantics = [#tpu.dimension_semantics<arbitrary>], iteration_bounds = array<i64: 10>, scalar_prefetch = 0 : i64, scratch_operands = 0 : i64, tpu.core_type = #tpu.core_type<tc>, window_params = [{transform_indices = @transform_0, window_bounds = array<i64: 2, 1000, 16>}, {transform_indices = @transform_1, window_bounds = array<i64: 1000, 128>}, {transform_indices = @transform_2, window_bounds = array<i64: 1000, 128>}, {pipeline_mode = #tpu.pipeline_mode<synchronous>, transform_indices = @transform_3, window_bounds = array<i64: 128, 128>}, {pipeline_mode = #tpu.pipeline_mode<synchronous>, transform_indices = @transform_4, window_bounds = array<i64: 1, 128>}, {transform_indices = @transform_5, window_bounds = array<i64: 1000, 128>}]} {
    %get3A = arith.constant 0 : index
    %get3A_0 = arith.constant 0 : index
    %get3A_1 = arith.constant 0 : index
    %get3A_2 = vector.load %arg1[%get3A, %get3A_0, %get3A_1] : memref<2x1000x16xf32, #tpu.memory_space<vmem>>, vector<1x1000x1xf32>
    %get3A_3 = vector.shape_cast %get3A_2 : vector<1x1000x1xf32> to vector<1000x1xf32>
    %add3A = arith.constant 1.000000e+00 : f32
    %add3A_4 = vector.broadcast %add3A : f32 to vector<1000x1xf32>
    %add3A_5 = arith.addf %add3A_4, %get3A_3 : vector<1000x1xf32>
    %get3A_6 = arith.constant 1 : index
    %get3A_7 = arith.constant 0 : index
    %get3A_8 = arith.constant 0 : index
    %get3A_9 = vector.load %arg1[%get3A_6, %get3A_7, %get3A_8] : memref<2x1000x16xf32, #tpu.memory_space<vmem>>, vector<1x1000x1xf32>
    %get3A_10 = vector.shape_cast %get3A_9 : vector<1x1000x1xf32> to vector<1000x1xf32>
    %add3A_11 = arith.addf %add3A_5, %get3A_10 : vector<1000x1xf32>
    %rsqrt3A = math.rsqrt %add3A_11 : vector<1000x1xf32>
    %get3A_12 = arith.constant 0 : index
    %get3A_13 = arith.constant 0 : index
    %get3A_14 = vector.load %arg2[%get3A_12, %get3A_13] : memref<1000x128xf32, #tpu.memory_space<vmem>>, vector<1000x128xf32>
    %get3A_15 = arith.constant 0 : index
    %get3A_16 = arith.constant 0 : index
    %get3A_17 = vector.load %arg3[%get3A_15, %get3A_16] : memref<1000x128xf32, #tpu.memory_space<vmem>>, vector<1000x128xf32>
    %add3A_18 = arith.addf %get3A_14, %get3A_17 : vector<1000x128xf32>
    %mul3A = vector.broadcast %rsqrt3A : vector<1000x1xf32> to vector<1000x128xf32>
    %mul3A_19 = arith.mulf %mul3A, %add3A_18 : vector<1000x128xf32>
    %get3A_20 = arith.constant 0 : index
    %get3A_21 = arith.constant 0 : index
    %get3A_22 = vector.load %arg5[%get3A_20, %get3A_21] : memref<1x128xf32, #tpu.memory_space<vmem>>, vector<1x128xf32>
    %add3A_23 = vector.broadcast %get3A_22 : vector<1x128xf32> to vector<1000x128xf32>
    %add3A_24 = arith.addf %mul3A_19, %add3A_23 : vector<1000x128xf32>
    %max3A = arith.constant 0.000000e+00 : f32
    %max3A_25 = vector.broadcast %max3A : f32 to vector<1000x128xf32>
    %max3A_26 = arith.maximumf %add3A_24, %max3A_25 : vector<1000x128xf32>
    %get3A_27 = arith.constant 0 : index
    %get3A_28 = arith.constant 0 : index
    %get3A_29 = vector.load %arg4[%get3A_27, %get3A_28] : memref<128x128xf32, #tpu.memory_space<vmem>>, vector<128x128xf32>
    %dot_general3A = arith.constant dense<0.000000e+00> : vector<1000x128xf32>
    %dot_general3A_30 = tpu.matmul %max3A_26, %get3A_29, %dot_general3A {dimension_numbers = #tpu.dot_dimension_numbers<[1], [0], [0], [1], [0, 0, 1, 1], [], []>, precision = #tpu.contract_precision<fp32>, transpose_lhs_hint = false} : vector<1000x128xf32>, vector<128x128xf32>, vector<1000x128xf32> -> vector<1000x128xf32>
    %mul3A_31 = vector.broadcast %rsqrt3A : vector<1000x1xf32> to vector<1000x128xf32>
    %mul3A_32 = arith.mulf %dot_general3A_30, %mul3A_31 : vector<1000x128xf32>
    %swap3A = arith.constant 0 : index
    %swap3A_33 = arith.constant 0 : index
    %swap3A_34 = vector.load %arg6[%swap3A, %swap3A_33] : memref<1000x128xf32, #tpu.memory_space<vmem>>, vector<1000x128xf32>
    tpu.vector_store %arg6[%swap3A, %swap3A_33], %mul3A_32 {strides = array<i32>} : memref<1000x128xf32, #tpu.memory_space<vmem>>, vector<1000x128xf32>,
    return
  }
  func.func @transform_0(%arg0: i32) -> (i32, i32, i32) {
    %c0_i32 = arith.constant 0 : i32
    %c0_i32_0 = arith.constant 0 : i32
    %c0_i32_1 = arith.constant 0 : i32
    return %c0_i32, %arg0, %c0_i32_0 : i32, i32, i32
  }
  func.func @transform_1(%arg0: i32) -> (i32, i32) {
    %c0_i32 = arith.constant 0 : i32
    %c0_i32_0 = arith.constant 0 : i32
    return %arg0, %c0_i32 : i32, i32
  }
  func.func @transform_2(%arg0: i32) -> (i32, i32) {
    %c0_i32 = arith.constant 0 : i32
    %c0_i32_0 = arith.constant 0 : i32
    return %arg0, %c0_i32 : i32, i32
  }
  func.func @transform_3(%arg0: i32) -> (i32, i32) {
    %c0_i32 = arith.constant 0 : i32
    %c0_i32_0 = arith.constant 0 : i32
    %c0_i32_1 = arith.constant 0 : i32
    return %c0_i32, %c0_i32_0 : i32, i32
  }
  func.func @transform_4(%arg0: i32) -> (i32, i32) {
    %c0_i32 = arith.constant 0 : i32
    %c0_i32_0 = arith.constant 0 : i32
    %c0_i32_1 = arith.constant 0 : i32
    return %c0_i32, %c0_i32_0 : i32, i32
  }
  func.func @transform_5(%arg0: i32) -> (i32, i32) {
    %c0_i32 = arith.constant 0 : i32
    %c0_i32_0 = arith.constant 0 : i32
    return %arg0, %c0_i32 : i32, i32
  }
}

module attributes {stable_mosaic.version = 14 : i64} {
  func.func @_tc3_body(%arg0: i32, %arg1: memref<2x1000x16xf32, #tpu.memory_space<vmem>>, %arg2: memref<1000x128xf32, #tpu.memory_space<vmem>>, %arg3: memref<1000x128xf32, #tpu.memory_space<vmem>>, %arg4: memref<1x128xf32, #tpu.memory_space<vmem>>, %arg5: memref<1x1x1000xi32, #tpu.memory_space<vmem>>, %arg6: memref<64x128xf32, #tpu.memory_space<vmem>>, %arg7: memref<64x128xf32, #tpu.memory_space<vmem>>, %arg8: memref<64x1xf32, #tpu.memory_space<vmem>>) attributes {dimension_semantics = [#tpu.dimension_semantics<arbitrary>], iteration_bounds = array<i64: 10>, scalar_prefetch = 0 : i64, scratch_operands = 2 : i64, tpu.core_type = #tpu.core_type<tc>, window_params = [{transform_indices = @transform_0, window_bounds = array<i64: 2, 1000, 16>}, {transform_indices = @transform_1, window_bounds = array<i64: 1000, 128>}, {transform_indices = @transform_2, window_bounds = array<i64: 1000, 128>}, {pipeline_mode = #tpu.pipeline_mode<synchronous>, transform_indices = @transform_3, window_bounds = array<i64: 1, 128>}, {transform_indices = @transform_4, window_bounds = array<i64: 1, 1, 1000>}, {pipeline_mode = #tpu.pipeline_mode<synchronous>, transform_indices = @transform_5, window_bounds = array<i64: 64, 128>}]} {
    %eq3A = arith.constant 0 : i32
    %eq3A_0 = arith.cmpi eq, %arg0, %eq3A : i32
    %convert_element_type3A = arith.extui %eq3A_0 : i1 to i32
    %cond3A = arith.constant 0 : i32
    %cond3A_1 = arith.cmpi ne, %convert_element_type3A, %cond3A : i32
    scf.if %cond3A_1 {
      %broadcast_in_dim3A_57 = arith.constant 0.000000e+00 : f32
      %broadcast_in_dim3A_58 = vector.broadcast %broadcast_in_dim3A_57 : f32 to vector<64x128xf32>
      %swap3A_59 = arith.constant 0 : index
      %swap3A_60 = arith.constant 0 : index
      %swap3A_61 = vector.load %arg7[%swap3A_59, %swap3A_60] : memref<64x128xf32, #tpu.memory_space<vmem>>, vector<64x128xf32>
      tpu.vector_store %arg7[%swap3A_59, %swap3A_60], %broadcast_in_dim3A_58 {strides = array<i32>} : memref<64x128xf32, #tpu.memory_space<vmem>>, vector<64x128xf32>,
      %broadcast_in_dim3A_62 = arith.constant 0.000000e+00 : f32
      %broadcast_in_dim3A_63 = vector.broadcast %broadcast_in_dim3A_62 : f32 to vector<64x1xf32>
      %swap3A_64 = arith.constant 0 : index
      %swap3A_65 = arith.constant 0 : index
      %swap3A_66 = vector.load %arg8[%swap3A_64, %swap3A_65] : memref<64x1xf32, #tpu.memory_space<vmem>>, vector<64x1xf32>
      tpu.vector_store %arg8[%swap3A_64, %swap3A_65], %broadcast_in_dim3A_63 {strides = array<i32>} : memref<64x1xf32, #tpu.memory_space<vmem>>, vector<64x1xf32>,
    } else {
    }
    %get3A = arith.constant 0 : index
    %get3A_2 = arith.constant 0 : index
    %get3A_3 = arith.constant 0 : index
    %get3A_4 = vector.load %arg1[%get3A, %get3A_2, %get3A_3] : memref<2x1000x16xf32, #tpu.memory_space<vmem>>, vector<1x1000x1xf32>
    %get3A_5 = vector.shape_cast %get3A_4 : vector<1x1000x1xf32> to vector<1000x1xf32>
    %add3A = arith.constant 1.000000e+00 : f32
    %add3A_6 = vector.broadcast %add3A : f32 to vector<1000x1xf32>
    %add3A_7 = arith.addf %add3A_6, %get3A_5 : vector<1000x1xf32>
    %get3A_8 = arith.constant 1 : index
    %get3A_9 = arith.constant 0 : index
    %get3A_10 = arith.constant 0 : index
    %get3A_11 = vector.load %arg1[%get3A_8, %get3A_9, %get3A_10] : memref<2x1000x16xf32, #tpu.memory_space<vmem>>, vector<1x1000x1xf32>
    %get3A_12 = vector.shape_cast %get3A_11 : vector<1x1000x1xf32> to vector<1000x1xf32>
    %add3A_13 = arith.addf %add3A_7, %get3A_12 : vector<1000x1xf32>
    %rsqrt3A = math.rsqrt %add3A_13 : vector<1000x1xf32>
    %get3A_14 = arith.constant 0 : index
    %get3A_15 = arith.constant 0 : index
    %get3A_16 = vector.load %arg2[%get3A_14, %get3A_15] : memref<1000x128xf32, #tpu.memory_space<vmem>>, vector<1000x128xf32>
    %get3A_17 = arith.constant 0 : index
    %get3A_18 = arith.constant 0 : index
    %get3A_19 = vector.load %arg3[%get3A_17, %get3A_18] : memref<1000x128xf32, #tpu.memory_space<vmem>>, vector<1000x128xf32>
    %add3A_20 = arith.addf %get3A_16, %get3A_19 : vector<1000x128xf32>
    %mul3A = vector.broadcast %rsqrt3A : vector<1000x1xf32> to vector<1000x128xf32>
    %mul3A_21 = arith.mulf %mul3A, %add3A_20 : vector<1000x128xf32>
    %get3A_22 = arith.constant 0 : index
    %get3A_23 = arith.constant 0 : index
    %get3A_24 = vector.load %arg4[%get3A_22, %get3A_23] : memref<1x128xf32, #tpu.memory_space<vmem>>, vector<1x128xf32>
    %add3A_25 = vector.broadcast %get3A_24 : vector<1x128xf32> to vector<1000x128xf32>
    %add3A_26 = arith.addf %mul3A_21, %add3A_25 : vector<1000x128xf32>
    %get3A_27 = arith.constant 0 : index
    %get3A_28 = arith.constant 0 : index
    %get3A_29 = arith.constant 0 : index
    %get3A_30 = vector.load %arg5[%get3A_27, %get3A_28, %get3A_29] : memref<1x1x1000xi32, #tpu.memory_space<vmem>>, vector<1x1x1000xi32>
    %get3A_31 = vector.shape_cast %get3A_30 : vector<1x1x1000xi32> to vector<1000xi32>
    %iota3A = tpu.iota {dimensions = array<i32: 0>} : vector<64x1000xi32>
    %broadcast_in_dim3A = vector.shape_cast %get3A_31 : vector<1000xi32> to vector<1x1000xi32>
    %eq3A_32 = vector.broadcast %broadcast_in_dim3A : vector<1x1000xi32> to vector<64x1000xi32>
    %eq3A_33 = arith.cmpi eq, %iota3A, %eq3A_32 : vector<64x1000xi32>
    %convert_element_type3A_34 = arith.extui %eq3A_33 : vector<64x1000xi1> to vector<64x1000xi32>
    %convert_element_type3A_35 = arith.sitofp %convert_element_type3A_34 : vector<64x1000xi32> to vector<64x1000xf32>
    %get3A_36 = arith.constant 0 : index
    %get3A_37 = arith.constant 0 : index
    %get3A_38 = vector.load %arg7[%get3A_36, %get3A_37] : memref<64x128xf32, #tpu.memory_space<vmem>>, vector<64x128xf32>
    %dot_general3A = arith.constant dense<0.000000e+00> : vector<64x128xf32>
    %dot_general3A_39 = tpu.matmul %convert_element_type3A_35, %add3A_26, %dot_general3A {dimension_numbers = #tpu.dot_dimension_numbers<[1], [0], [0], [1], [0, 0, 1, 1], [], []>, precision = #tpu.contract_precision<fp32>, transpose_lhs_hint = false} : vector<64x1000xf32>, vector<1000x128xf32>, vector<64x128xf32> -> vector<64x128xf32>
    %add3A_40 = arith.addf %get3A_38, %dot_general3A_39 : vector<64x128xf32>
    %swap3A = arith.constant 0 : index
    %swap3A_41 = arith.constant 0 : index
    %swap3A_42 = vector.load %arg7[%swap3A, %swap3A_41] : memref<64x128xf32, #tpu.memory_space<vmem>>, vector<64x128xf32>
    tpu.vector_store %arg7[%swap3A, %swap3A_41], %add3A_40 {strides = array<i32>} : memref<64x128xf32, #tpu.memory_space<vmem>>, vector<64x128xf32>,
    %get3A_43 = arith.constant 0 : index
    %get3A_44 = arith.constant 0 : index
    %get3A_45 = vector.load %arg8[%get3A_43, %get3A_44] : memref<64x1xf32, #tpu.memory_space<vmem>>, vector<64x1xf32>
    %reduce_sum3A = arith.constant dense<0.000000e+00> : vector<64xf32>
    %reduce_sum3A_46 = vector.multi_reduction <add>, %convert_element_type3A_35, %reduce_sum3A [1] : vector<64x1000xf32> to vector<64xf32>
    %broadcast_in_dim3A_47 = vector.shape_cast %reduce_sum3A_46 : vector<64xf32> to vector<64x1xf32>
    %add3A_48 = arith.addf %get3A_45, %broadcast_in_dim3A_47 : vector<64x1xf32>
    %swap3A_49 = arith.constant 0 : index
    %swap3A_50 = arith.constant 0 : index
    %swap3A_51 = vector.load %arg8[%swap3A_49, %swap3A_50] : memref<64x1xf32, #tpu.memory_space<vmem>>, vector<64x1xf32>
    tpu.vector_store %arg8[%swap3A_49, %swap3A_50], %add3A_48 {strides = array<i32>} : memref<64x1xf32, #tpu.memory_space<vmem>>, vector<64x1xf32>,
    %eq3A_52 = arith.constant 9 : i32
    %eq3A_53 = arith.cmpi eq, %arg0, %eq3A_52 : i32
    %convert_element_type3A_54 = arith.extui %eq3A_53 : i1 to i32
    %cond3A_55 = arith.constant 0 : i32
    %cond3A_56 = arith.cmpi ne, %convert_element_type3A_54, %cond3A_55 : i32
    scf.if %cond3A_56 {
      %get3A_57 = arith.constant 0 : index
      %get3A_58 = arith.constant 0 : index
      %get3A_59 = vector.load %arg7[%get3A_57, %get3A_58] : memref<64x128xf32, #tpu.memory_space<vmem>>, vector<64x128xf32>
      %get3A_60 = arith.constant 0 : index
      %get3A_61 = arith.constant 0 : index
      %get3A_62 = vector.load %arg8[%get3A_60, %get3A_61] : memref<64x1xf32, #tpu.memory_space<vmem>>, vector<64x1xf32>
      %max3A = arith.constant 1.000000e+00 : f32
      %max3A_63 = vector.broadcast %max3A : f32 to vector<64x1xf32>
      %max3A_64 = arith.maximumf %get3A_62, %max3A_63 : vector<64x1xf32>
      %div3A = vector.broadcast %max3A_64 : vector<64x1xf32> to vector<64x128xf32>
      %div3A_65 = arith.divf %get3A_59, %div3A : vector<64x128xf32>
      %swap3A_66 = arith.constant 0 : index
      %swap3A_67 = arith.constant 0 : index
      %swap3A_68 = vector.load %arg6[%swap3A_66, %swap3A_67] : memref<64x128xf32, #tpu.memory_space<vmem>>, vector<64x128xf32>
      tpu.vector_store %arg6[%swap3A_66, %swap3A_67], %div3A_65 {strides = array<i32>} : memref<64x128xf32, #tpu.memory_space<vmem>>, vector<64x128xf32>,
    } else {
    }
    return
  }
  func.func @transform_0(%arg0: i32) -> (i32, i32, i32) {
    %c0_i32 = arith.constant 0 : i32
    %c0_i32_0 = arith.constant 0 : i32
    %c0_i32_1 = arith.constant 0 : i32
    return %c0_i32, %arg0, %c0_i32_0 : i32, i32, i32
  }
  func.func @transform_1(%arg0: i32) -> (i32, i32) {
    %c0_i32 = arith.constant 0 : i32
    %c0_i32_0 = arith.constant 0 : i32
    return %arg0, %c0_i32 : i32, i32
  }
  func.func @transform_2(%arg0: i32) -> (i32, i32) {
    %c0_i32 = arith.constant 0 : i32
    %c0_i32_0 = arith.constant 0 : i32
    return %arg0, %c0_i32 : i32, i32
  }
  func.func @transform_3(%arg0: i32) -> (i32, i32) {
    %c0_i32 = arith.constant 0 : i32
    %c0_i32_0 = arith.constant 0 : i32
    %c0_i32_1 = arith.constant 0 : i32
    return %c0_i32, %c0_i32_0 : i32, i32
  }
  func.func @transform_4(%arg0: i32) -> (i32, i32, i32) {
    %c0_i32 = arith.constant 0 : i32
    %c0_i32_0 = arith.constant 0 : i32
    %c0_i32_1 = arith.constant 0 : i32
    return %arg0, %c0_i32, %c0_i32_0 : i32, i32, i32
  }
  func.func @transform_5(%arg0: i32) -> (i32, i32) {
    %c0_i32 = arith.constant 0 : i32
    %c0_i32_0 = arith.constant 0 : i32
    %c0_i32_1 = arith.constant 0 : i32
    return %c0_i32, %c0_i32_0 : i32, i32
  }
}

</mosaic_0001>

<sc_bundles>
// kernel: kernel.11.cloned.1.call-start
scs
__scs_entry_jumppad:
0x0: {  	(pc) =	sbr.rel $0x88, $3  }
0x1: {  	(tag) =	ssettag $0x0;
	lr =	simm.s32 $0x1  }
0x2: {  	[smem:$0x3F9A] =	sst lr;
	_ =	strace $0xD0000000  }
0x3: {  	_ = 	snop  }
0x4: {  	_ = 	snop  }
0x5: {  	_ = 	snop  }
0x6: {  	_ = 	snop  }
0x7: {  	_ = 	snop  }
__scs_overlays_trampoline_lowered:
0x8: {  	[smem:$0x3FA9] =	sst s0  }
0x9: {  	[smem:$0x3FAA] =	sst s1  }
0xa: {  	[smem:$0x3FAB] =	sst s2  }
0xb: {  	[smem:$0x3FAC] =	sst s3  }
0xc: {  	[smem:$0x3FAD] =	sst s4  }
0xd: {  	[smem:$0x3FAE] =	sst s5  }
0xe: {  	[smem:$0x3FAF] =	sst s6  }
0xf: {  	[smem:$0x3FB0] =	sst s7  }
0x10: {  	[smem:$0x3FB1] =	sst s8  }
0x11: {  	[smem:$0x3FB2] =	sst s9;
	s0 =	simm.s32 @!p0 $0x0  }
0x12: {  	s1 =	sld [smem:$0x3F98];
	s0 =	simm.s32 @p0 $0x1  }
0x13: {  	[smem:$0x3FB3] =	sst s0;
	s0 =	simm.s32 @!p1 $0x0  }
0x14: {  	s2 =	sld [smem:$0x3F97];
	s0 =	simm.s32 @p1 $0x1  }
0x15: {  	[smem:$0x3FB4] =	sst s0;
	s0 =	simm.s32 @!p2 $0x0  }
0x16: {  	s3 =	sld [smem:$0x3FDB];
	s0 =	simm.s32 @p2 $0x1  }
0x17: {  	s4 =	simm.s32 $0x1BF5;
	[smem:$0x3FB6] =	sst s0  }
0x18: {  	s0 =	sld [smem:$0x3F99];
	_ =	swait.ge [sflag:s4], $0x0  }
0x19: {  	s7 =	sld [smem:$0x3F9A]  }
0x1a: {  	s8 =	sadd.s32 $0xFFFFE003, lr  }
0x1b: {  	s9 =	sadd.s32 $0xFFFFFEF7, lr;
	s5 =	simm.s32 $0xFFFFFFFF;
	p2 =	slt.u32 s8, $0xFFFFF086  }
0x1c: {  	p1 =	slt.u32 s9, $0xF7A;
	s5 =	simm.s32 @!p2 $0x0  }
0x1d: {  	s5 =	simm.s32 @p1 $0x1;
	p0 =	seq.s32 s7, s2  }
0x1e: {  	s7 =	smul.u32 @!p0 $0xF7A, s2;
	p2 =	seq.s32 @!p0 s5, $0x0  }
0x1f: {  	s9 =	smul.u32 $0xF7A, s1;
	s8 =	simm.s32 @!p0 $0x1BF5;
	p2 =	por !p2, p0  }
0x20: {  	[sflag:s8] =	ssyncset.s32 @!p0 $0xFFFFF086;
	s6 =	sadd.s32 @!p0 s3, s7;
	s7 =	simm.s32 @!p0 $0x108  }
0x21: {  	s3 =	sadd.s32 s3, s9;
	s6 =	sadd.s32 @!p0 $0x88, s6;
	s7 =	simm.s32 @p2 $0x1082  }
0x22: {  	[simem:s7], [sflag:s8] =	dma.local @!p0 [hbm:s6], $0xF7A  }
0x23: {  	s9 =	sor.u32 $0xD0000000, s2;
	s6 =	simm.s32 $0x108;
	_ =	swait.ge @!p0 [sflag:s8], $0x0  }
0x24: {  	s3 =	sadd.s32 $0x88, s3;
	s6 =	simm.s32 @!p1 $0x1082;
	[sflag:s4] =	ssyncset.s32 $0xFFFFF086  }
0x25: {  	[simem:s6], [sflag:s4] =	dma.local [hbm:s3], $0xF7A  }
0x26: {  	[smem:$0x3F9A] =	sst s1;
	(tag) =	ssettag s2;
	_ =	strace s9  }
0x27: {  	s1 =	sld [smem:$0x3FAA]  }
0x28: {  	s2 =	sld [smem:$0x3FAB]  }
0x29: {  	s4 =	sld [smem:$0x3FAD]  }
0x2a: {  	p0 =	seq.s32 s5, $0x0;
	s5 =	sld [smem:$0x3FAE]  }
0x2b: {  	s6 =	sld [smem:$0x3FAF]  }
0x2c: {  	s7 =	sld [smem:$0x3FB0]  }
0x2d: {  	s3 =	simm.s32 $0x108;
	s8 =	sld [smem:$0x3FB1]  }
0x2e: {  	s3 =	simm.s32 @!p0 $0x1082;
	s9 =	sld [smem:$0x3FB2]  }
0x2f: {  	lr =	sadd.s32 s0, s3;
	s0 =	sld [smem:$0x3FA9]  }
0x30: {  	s3 =	sld [smem:$0x3FAC]  }
0x31: {  	[smem:$0x3FB5] =	sst s10  }
0x32: {  	s10 =	sld [smem:$0x3FB3];
	_ =	sdelay $0x3  }
0x33: {  	p0 =	seq.s32 s10, $0x1;
	s10 =	sld [smem:$0x3FB5];
	_ =	sdelay $0x3  }
0x34: {  	[smem:$0x3FB5] =	sst s10  }
0x35: {  	s10 =	sld [smem:$0x3FB4];
	_ =	sdelay $0x3  }
0x36: {  	p1 =	seq.s32 s10, $0x1;
	s10 =	sld [smem:$0x3FB5];
	_ =	sdelay $0x3  }
0x37: {  	[smem:$0x3FB5] =	sst s10  }
0x38: {  	s10 =	sld [smem:$0x3FB6]  }
0x39: {  	_ = 	snop;
	(pc) =	sbr.ind lr, $3  }
0x3a: {  	_ = 	snop  }
0x3b: {  	_ = 	snop  }
0x3c: {  	p2 =	seq.s32 s10, $0x1;
	s10 =	sld [smem:$0x3FB5]  }
0x3d: {  	_ =	shalt  }
0x3e: {  	_ =	shalt  }
0x3f: {  	_ =	shalt  }
0x40: {  	_ =	shalt  }
0x41: {  	_ =	shalt  }
0x42: {  	_ =	shalt  }
0x43: {  	_ =	shalt  }
0x44: {  	_ =	shalt  }
0x45: {  	_ =	shalt  }
0x46: {  	_ =	shalt  }
0x47: {  	_ =	shalt  }
0x48: {  	_ =	shalt  }
0x49: {  	_ =	shalt  }
0x4a: {  	_ =	shalt  }
0x4b: {  	_ =	shalt  }
0x4c: {  	_ =	shalt  }
0x4d: {  	_ =	shalt  }
0x4e: {  	_ =	shalt  }
0x4f: {  	_ =	shalt  }
0x50: {  	_ =	shalt  }
0x51: {  	_ =	shalt  }
0x52: {  	_ =	shalt  }
0x53: {  	_ =	shalt  }
0x54: {  	_ =	shalt  }
0x55: {  	_ =	shalt  }
0x56: {  	_ =	shalt  }
0x57: {  	_ =	shalt  }
0x58: {  	_ =	shalt  }
0x59: {  	_ =	shalt  }
0x5a: {  	_ =	shalt  }
0x5b: {  	_ =	shalt  }
0x5c: {  	_ =	shalt  }
0x5d: {  	_ =	shalt  }
0x5e: {  	_ =	shalt  }
0x5f: {  	_ =	shalt  }
0x60: {  	_ =	shalt  }
0x61: {  	_ =	shalt  }
0x62: {  	_ =	shalt  }
0x63: {  	_ =	shalt  }
0x64: {  	_ =	shalt  }
0x65: {  	_ =	shalt  }
0x66: {  	_ =	shalt  }
0x67: {  	_ =	shalt  }
0x68: {  	_ =	shalt  }
0x69: {  	_ =	shalt  }
0x6a: {  	_ =	shalt  }
0x6b: {  	_ =	shalt  }
0x6c: {  	_ =	shalt  }
0x6d: {  	_ =	shalt  }
0x6e: {  	_ =	shalt  }
0x6f: {  	_ =	shalt  }
0x70: {  	_ =	shalt  }
0x71: {  	_ =	shalt  }
0x72: {  	_ =	shalt  }
0x73: {  	_ =	shalt  }
0x74: {  	_ =	shalt  }
0x75: {  	_ =	shalt  }
0x76: {  	_ =	shalt  }
0x77: {  	_ =	shalt  }
0x78: {  	_ =	shalt  }
0x79: {  	_ =	shalt  }
0x7a: {  	_ =	shalt  }
0x7b: {  	_ =	shalt  }
0x7c: {  	_ =	shalt  }
0x7d: {  	_ =	shalt  }
0x7e: {  	_ =	shalt  }
0x7f: {  	_ =	shalt  }
0x80: {  	_ =	shalt  }
0x81: {  	_ =	shalt  }
0x82: {  	_ =	shalt  }
0x83: {  	_ =	shalt  }
0x84: {  	_ =	shalt  }
0x85: {  	_ =	shalt  }
0x86: {  	_ =	shalt  }
0x87: {  	_ =	shalt  }
.Lfunc_end0:
.L_simem_size_0:
called_computation.1_lowered:
.L_overlay_start_0:
0x88: {  	s2 =	sld [smem:$0x3FD9]  }
0x89: {  	s3 =	sld [smem:$0x3FFE];
	_ =	sdelay $0x1  }
0x8a: {  	s1 =	srdreg.scid  }
0x8b: {  	s0 =	sand.u32 $0x1, s1  }
0x8c: {  	s16 =	sshll.u32 s0, $0xA;
	s2 =	sadd.s32 s3, s2  }
0x8d: {  	s2 =	sadd.s32 s2, s16  }
0x8e: {  	[smem:$0x3FC1] =	sst s2  }
0x8f: {  	_ = 	snop  }
0x90: {  	(tm) =	ssettm $0x1  }
0x91: {  	s17 =	sld [smem:$0x3FFB];
	_ =	sdelay $0x3  }
0x92: {  	_ =	strace s17  }
0x93: {  	s2 =	sld [smem:$0x3FFC];
	_ =	sdelay $0x3  }
0x94: {  	_ =	strace s2  }
0x95: {  	s2 =	sld [smem:$0x3FFD];
	_ =	sdelay $0x3  }
0x96: {  	_ =	strace s2  }
0x97: {  	_ =	strace $0x8FFFFFFF  }
0x98: {  	s18 =	sld [smem:$0x3FDB];
	_ =	sdelay $0x1  }
0x99: {  	s19 =	simm.s32 $_scs_section_size  }
0x9a: {  	s4 =	simm.s32 $_size__tile_overlayer_lowered;
	s5 =	simm.s32 $_tile_overlayer_lowered  }
0x9b: {  	s22 =	simm.s32 $0x1BFF;
	s21 =	sshll.u32 s5, $0x1;
	s2 =	sadd.s32 s19, s18  }
0x9c: {  	s6 =	simm.s32 $0x0;
	s20 =	sshll.u32 s4, $0x1;
	s4 =	sadd.s32 s21, s2  }
0x9d: {  	[timem:s6], [sflag:s22] =	dma.local [hbm:s4], s20  }
0x9e: {  	_ =	swait.ge [sflag:s22], s20  }
0x9f: {  	s3 =	ssub.s32 $0x0, s20;
	[sflag:s22] =	ssyncset.done $0x0  }
0xa0: {  	[sflag:s22] =	ssyncadd.s32 s3;
	_ =	sdelay $0x1  }
0xa1: {  	s23 =	simm.s32 $0x1B8B  }
0xa2: {  	_ =	swait.ge [sflag:s23], $0x1  }
0xa3: {  	[sflag:s23] =	ssyncset.done $0x0  }
0xa4: {  	s25 =	simm.s32 $0x1B8E;
	s24 =	sld [smem:$0x3FFE];
	[sflag:s23] =	ssyncadd.s32 $0xFFFFFFFF  }
0xa5: {  	s26 =	simm.s32 $execute0_lowered;
	[smem:$0x3FD2] =	sst s25  }
0xa6: {  	s4 =	sshll.u32 s26, $0x1;
	_ =	strace $0x80000049;
	[dreg:$0x1] =	wrdreg $0xFFFFFFFF  }
0xa7: {  	s28 =	simm.s32 $_size_execute0_lowered;
	s2 =	sadd.s32 s2, s4;
	[dreg:$0x0] =	wrdreg $0x0  }
0xa8: {  	s4 =	sshll.u32 s28, $0x1;
	[dreg:$0x2] =	wrdreg s2  }
0xa9: {  	[dreg:$0x3] =	wrdreg s4  }
0xaa: {  	[dreg:$0x4] =	wrdreg $0xC0  }
0xab: {  	_ =	task [dreg:s6], $0x5FFFF  }
0xac: {  	[dreg:$0x1] =	wrdreg $0xFFFFFFFF  }
0xad: {  	[dreg:$0x0] =	wrdreg $0x60  }
0xae: {  	[dreg:$0x2] =	wrdreg s24  }
0xaf: {  	[dreg:$0x3] =	wrdreg $0x14AA00  }
0xb0: {  	[dreg:$0x4] =	wrdreg $0x9  }
0xb1: {  	_ =	task.clear_ibuf [dreg:s6], $0x5FFFF;
	_ =	strace $0x90000049  }
0xb2: {  	s29 =	simm.s32 $0x9;
	_ =	strace $0x8000004B  }
0xb3: {  	_ =	swait.ge [sflag:s29], $0x1  }
0xb4: {  	[sflag:s29] =	ssyncadd.s32 $0xFFFFFFFF  }
0xb5: {  	_ =	strace $0x9000004B  }
0xb6: {  	_ =	sfence  }
0xb7: {  	s30 =	sld [smem:$0x0];
	_ =	sdelay $0x2  }
0xb8: {  	s31 =	sshll.u32 s1, $0xD;
	s1 =	sshrl.u32 s1, $0x2  }
0xb9: {  	s3 =	sand.u32 $0x4000, s31;
	s1 =	sadd.s32 s1, s30  }
0xba: {  	s0 =	sor.u32 s3, s0;
	s1 =	sshll.u32 s1, $0x11  }
0xbb: {  	s0 =	sor.u32 s1, s0  }
0xbc: {  	s0 =	sadd.s32 $0x8F2B, s0  }
0xbd: {  	[sflag:s0] =	ssyncadd.remote.s32 $0x1  }
0xbe: {  	_ =	sfence.sel $0xFFFF  }
0xbf: {  	[dreg:$0x0] =	wrdreg $0xFFFFFFFF;
	(pc) =	sbr.abs _section_cstart, $3  }
0xc0: {  	[dreg:$0x1] =	wrdreg $0xFFFFFFFF  }
0xc1: {  	_ =	task.clear_ibuf [dreg:s6], $0x2FFFF;
	_ =	strace $0x9FFFFFFF  }
0xc2: {  	(tm) =	ssettm $0x7FFFFFFF  }
0xc3: {  	_ =	shalt  }
tec
execute0_lowered:
.L_overlay_start_1:
0x0: {  	(tag) =	ssettag $0x1  }
0x1: {  	s0 =	rddreg [dreg:$0x0]  }
0x2: {  	s1 =	srdreg.scid;
	s14 =	stileid.u32  }
0x3: {  	s2 =	rddreg [dreg:$0x1];
	s3 =	simm.s32 $0x0;
	s5 =	smul.u32 $0x280, s14  }
0x4: {  	s28 =	simm.s32 $0xB220;
	s30 =	simm.s32 $0xE420;
	s6 =	smul.u32 $0x9C40, s14  }
0x5: {  	s1 =	sand.u32 $0x1, s1;
	[smem:$0x7FF] =	sst s3;
	s13 =	smul.u32 $0x4E20, s14  }
0x6: {  	s7 =	sadd.s32 $0x1CA00, s0;
	s8 =	sadd.s32 $0x3E00, s0;
	s19 =	smul.u32 $0x27100, s14  }
0x7: {  	s4 =	smul.u32 $0x2800, s1;
	_ =	strace $0x8000004A;
	s10 =	ssub.s32 $0x2, s1  }
0x8: {  	s1 =	smul.u32 $0x4E200, s1;
	s29 =	sshrl.u32 s6, $0x3;
	s12 =	sshrl.u32 s10, $0x1  }
0x9: {  	s17 =	sshrl.u32 s13, $0x3;
	s18 =	sadd.s32 $0x2710, s13;
	s22 =	sshrl.u32 s19, $0x2  }
0xa: {  	s5 =	sadd.s32 s5, s4;
	s4 =	sadd.s32 $0x7F000, s0;
	s11 =	sadd.s32 s29, s0  }
0xb: {  	s20 =	sadd.s32 s8, s17;
	s21 =	sshrl.u32 s18, $0x3;
	s24 =	sadd.s32 s22, s2  }
0xc: {  	s22 =	simm.s32 $0x4B00;
	s17 =	simm.s32 $0x4D58;
	s5 =	sshrl.u32 s5, $0x3  }
0xd: {  	s31 =	sadd.s32 $0xA6200, s11;
	s11 =	sadd.s32 s13, s1;
	[dreg:$0x8] =	wrdreg s20  }
0xe: {  	s1 =	sadd.s32 s1, s18;
	s23 =	sadd.s32 s8, s21;
	s25 =	sadd.s32 $0x1F40, s24  }
0xf: {  	s26 =	sadd.s32 $0x3E80, s24;
	s29 =	sadd.s32 $0x5DC0, s24;
	s21 =	simm.s32 $0xB  }
0x10: {  	s8 =	simm.s32 $0x2;
	s13 =	simm.s32 $0x9;
	s20 =	simm.s32 $0xA  }
0x11: {  	s18 =	simm.s32 $0x7D;
	s9 =	sadd.s32 s5, s0;
	[dreg:$0x4] =	wrdreg s31  }
0x12: {  	s5 =	sadd.s32 $0xB9C00, s0;
	s0 =	ssub.s32 s10, s12;
	[dreg:$0xa] =	wrdreg s23  }
0x13: {  	s12 =	sadd.s32 s6, s2;
	s10 =	sshll.u32 s14, $0x6;
	[dreg:$0xb] =	wrdreg s25  }
0x14: {  	s16 =	sshrl.u32 s11, $0x3;
	s1 =	sshrl.u32 s1, $0x3;
	[dreg:$0xc] =	wrdreg s26  }
0x15: {  	[dreg:$0xd] =	wrdreg s29;
	s23 =	simm.s32 $0xC8;
	s25 =	simm.s32 $0x8020  }
0x16: {  	s11 =	simm.s32 $0x5;
	s6 =	sor.u32 $0x1C06, s10;
	[dreg:$0x3] =	wrdreg s12  }
0x17: {  	s26 =	simm.s32 $0x0;
	s15 =	sadd.s32 $0x30400, s9;
	[dreg:$0x5] =	wrdreg s6  }
0x18: {  	s1 =	sadd.s32 s7, s1;
	s0 =	smax.u32 s0, $0x1;
	[dreg:$0x6] =	wrdreg s15  }
0x19: {  	s31 =	sshrl.u32 s12, $0x3;
	s9 =	simm.s32 $0x3;
	[dreg:$0x9] =	wrdreg s1  }
0x1a: {  	s10 =	simm.s32 $0x4;
	s12 =	simm.s32 $0x8;
	[dreg:$0xf] =	wrdreg s0  }
0x1b: {  	s6 =	sadd.s32 s7, s16;
	s1 =	sadd.s32 $0x7D00, s24;
	[dreg:$0x10] =	wrdreg s31  }
0x1c: {  	s24 =	simm.s32 $0x4E20;
	s0 =	simm.s32 $0x11620;
	s7 =	simm.s32 $0x1  }
0x1d: {  	s15 =	simm.s32 $0x4BC8;
	s16 =	simm.s32 $0x4C90;
	[dreg:$0x7] =	wrdreg s6  }
0x1e: {  	[dreg:$0xe] =	wrdreg s1;
	s1 =	simm.s32 $0x6;
	s6 =	simm.s32 $0x7  }
.LBB2_1:
0x1f: {  	s19 =	rddreg [dreg:$0x4]  }
0x20: {  	s29 =	rddreg [dreg:$0x5]  }
0x21: {  	s31 =	rddreg [dreg:$0x10]  }
0x22: {  	[spmem:s31], [sflag:s29] =	dma.local [hbm:s19], $0x1388  }
0x23: {  	s14 =	simm.s32 $0x14820;
	s19 =	rddreg [dreg:$0x6]  }
0x24: {  	[tilespmem:s14], [sflag:$0xB] =	stream.linear.gather [hbm4b:s19+s3], $0x280, $0x38;
	[tilespmem:$0x1E6E0] =	vst v63  }
0x25: {  	_ =	swait.ge [sflag:s21], $0x280  }
0x26: {  	[sflag:s21] =	ssyncset.done $0x0  }
0x27: {  	s31 =	rddreg [dreg:$0x7];
	[sflag:s21] =	ssyncadd.s32 $0xFFFFFD80  }
0x28: {  	[tilespmem:s3], [sflag:$0xB] =	stream.linear.gather [hbm4b:s31+s3], $0x2710, $0x38;
	[tilespmem:$0x1E6E0] =	vst v63  }
0x29: {  	_ =	swait.ge [sflag:s21], $0x2710  }
0x2a: {  	[sflag:s21] =	ssyncset.done $0x0  }
0x2b: {  	s31 =	simm.s32 $0x2710;
	s14 =	rddreg [dreg:$0x8];
	[sflag:s21] =	ssyncadd.s32 $0xFFFFD8F0  }
0x2c: {  	[tilespmem:s31], [sflag:$0xB] =	stream.linear.gather [hbm4b:s14+s3], $0x2710, $0x38;
	[tilespmem:$0x1E6E0] =	vst v63  }
0x2d: {  	_ =	swait.ge [sflag:s21], $0x2710  }
0x2e: {  	[sflag:s21] =	ssyncset.done $0x0  }
0x2f: {  	[sflag:s21] =	ssyncadd.s32 $0xFFFFD8F0  }
0x30: {  	[tilespmem:s24], [sflag:$0x1] =	stream.indirect.gather [hbm4b:s4+s23], $0x40, s3, s23, $0xb8;
	[tilespmem:$0x1E6E0] =	vst v63  }
0x31: {  	_ = 	snop  }
0x32: {  	[tilespmem:s25], [sflag:$0x2] =	stream.indirect.gather [hbm4b:s4+s23], $0x40, s23, s23, $0xb8;
	[tilespmem:$0x1E6E0] =	vst v63  }
0x33: {  	s19 =	simm.s32 $0x190  }
0x34: {  	[tilespmem:s28], [sflag:$0x3] =	stream.indirect.gather [hbm4b:s4+s23], $0x40, s19, s23, $0xb8;
	[tilespmem:$0x1E6E0] =	vst v63  }
0x35: {  	s31 =	simm.s32 $0x258  }
0x36: {  	[tilespmem:s30], [sflag:$0x4] =	stream.indirect.gather [hbm4b:s4+s23], $0x40, s31, s23, $0xb8;
	[tilespmem:$0x1E6E0] =	vst v63  }
0x37: {  	s19 =	simm.s32 $0x320  }
0x38: {  	[tilespmem:s0], [sflag:$0x5] =	stream.indirect.gather [hbm4b:s4+s23], $0x40, s19, s23, $0xb8;
	[tilespmem:$0x1E6E0] =	vst v63  }
0x39: {  	_ =	swait.ge [sflag:s1], $0x1388  }
0x3a: {  	[sflag:s1] =	ssyncset.done $0x0  }
0x3b: {  	[sflag:s1] =	ssyncadd.s32 $0xFFFFEC78  }
0x3c: {  	[bflag:$0x0] =	sbarrier.arrive $0xFFFF  }
0x3d: {  	_ =	swait.ge [sflag:s7], $0x3200  }
0x3e: {  	[sflag:s7] =	ssyncset.done $0x0  }
0x3f: {  	s31 =	simm.s32 $0x2710;
	[sflag:s7] =	ssyncadd.s32 $0xFFFFCE00  }
0x40: {  	[spmem:s2] =	stream.indirect.scatter.add.f32 [tilespmem:s24], [sflag:$0x6], $0x40, s31, s23, $0xb8;
	[tilespmem:$0x1E6E0] =	vst v63  }
0x41: {  	_ =	swait.ge [sflag:s8], $0x3200  }
0x42: {  	[sflag:s8] =	ssyncset.done $0x0  }
0x43: {  	s14 =	simm.s32 $0x27D8;
	[sflag:s8] =	ssyncadd.s32 $0xFFFFCE00  }
0x44: {  	[spmem:s2] =	stream.indirect.scatter.add.f32 [tilespmem:s25], [sflag:$0x7], $0x40, s14, s23, $0xb8;
	[tilespmem:$0x1E6E0] =	vst v63  }
0x45: {  	_ =	swait.ge [sflag:s9], $0x3200  }
0x46: {  	[sflag:s9] =	ssyncset.done $0x0  }
0x47: {  	s31 =	simm.s32 $0x28A0;
	[sflag:s9] =	ssyncadd.s32 $0xFFFFCE00  }
0x48: {  	[spmem:s2] =	stream.indirect.scatter.add.f32 [tilespmem:s28], [sflag:$0x8], $0x40, s31, s23, $0xb8;
	[tilespmem:$0x1E6E0] =	vst v63  }
0x49: {  	_ =	swait.ge [sflag:s10], $0x3200  }
0x4a: {  	[sflag:s10] =	ssyncset.done $0x0  }
0x4b: {  	s14 =	simm.s32 $0x2968;
	[sflag:s10] =	ssyncadd.s32 $0xFFFFCE00  }
0x4c: {  	[spmem:s2] =	stream.indirect.scatter.add.f32 [tilespmem:s30], [sflag:$0x9], $0x40, s14, s23, $0xb8;
	[tilespmem:$0x1E6E0] =	vst v63  }
0x4d: {  	_ =	swait.ge [sflag:s11], $0x3200  }
0x4e: {  	[sflag:s11] =	ssyncset.done $0x0  }
0x4f: {  	s31 =	simm.s32 $0x2A30;
	[sflag:s11] =	ssyncadd.s32 $0xFFFFCE00  }
0x50: {  	[spmem:s2] =	stream.indirect.scatter.add.f32 [tilespmem:s0], [sflag:$0xA], $0x40, s31, s23, $0xb8;
	[tilespmem:$0x1E6E0] =	vst v63  }
0x51: {  	_ =	swait.ge [sflag:s1], $0x3200  }
0x52: {  	[sflag:s1] =	ssyncset.done $0x0  }
0x53: {  	s14 =	simm.s32 $0x3E8;
	[sflag:s1] =	ssyncadd.s32 $0xFFFFCE00  }
0x54: {  	[tilespmem:s24], [sflag:$0x1] =	stream.indirect.gather [hbm4b:s4+s23], $0x40, s14, s23, $0xb8;
	[tilespmem:$0x1E6E0] =	vst v63  }
0x55: {  	_ =	swait.ge [sflag:s6], $0x3200  }
0x56: {  	[sflag:s6] =	ssyncset.done $0x0  }
0x57: {  	s31 =	simm.s32 $0x4B0;
	[sflag:s6] =	ssyncadd.s32 $0xFFFFCE00  }
0x58: {  	[tilespmem:s25], [sflag:$0x2] =	stream.indirect.gather [hbm4b:s4+s23], $0x40, s31, s23, $0xb8;
	[tilespmem:$0x1E6E0] =	vst v63  }
0x59: {  	_ =	swait.ge [sflag:s12], $0x3200  }
0x5a: {  	[sflag:s12] =	ssyncset.done $0x0  }
0x5b: {  	s14 =	simm.s32 $0x578;
	[sflag:s12] =	ssyncadd.s32 $0xFFFFCE00  }
0x5c: {  	[tilespmem:s28], [sflag:$0x3] =	stream.indirect.gather [hbm4b:s4+s23], $0x40, s14, s23, $0xb8;
	[tilespmem:$0x1E6E0] =	vst v63  }
0x5d: {  	_ =	swait.ge [sflag:s13], $0x3200  }
0x5e: {  	[sflag:s13] =	ssyncset.done $0x0  }
0x5f: {  	s31 =	simm.s32 $0x640;
	[sflag:s13] =	ssyncadd.s32 $0xFFFFCE00  }
0x60: {  	[tilespmem:s30], [sflag:$0x4] =	stream.indirect.gather [hbm4b:s4+s23], $0x40, s31, s23, $0xb8;
	[tilespmem:$0x1E6E0] =	vst v63  }
0x61: {  	_ =	swait.ge [sflag:s20], $0x3200  }
0x62: {  	[sflag:s20] =	ssyncset.done $0x0  }
0x63: {  	s29 =	simm.s32 $0x708;
	s19 =	simm.s32 $0xFA0;
	[sflag:s20] =	ssyncadd.s32 $0xFFFFCE00  }
.LBB2_2:
0x64: {  	[tilespmem:s0], [sflag:$0x5] =	stream.indirect.gather [hbm4b:s4+s23], $0x40, s29, s23, $0xb8;
	[tilespmem:$0x1E6E0] =	vst v63  }
0x65: {  	s29 =	smov.u32 s19  }
0x66: {  	p0 =	sne.s32 s19, $0x7D00;
	s19 =	sadd.s32 $0xFA0, s19;
	_ =	swait.ge [sflag:s7], $0x3200  }
0x67: {  	s29 =	sshra.s32 s29, $0x2;
	[sflag:s7] =	ssyncset.done $0x0  }
0x68: {  	s31 =	sadd.s32 $0x2710, s29;
	[sflag:s7] =	ssyncadd.s32 $0xFFFFCE00  }
0x69: {  	[spmem:s2] =	stream.indirect.scatter.add.f32 [tilespmem:s24], [sflag:$0x6], $0x40, s31, s23, $0xb8;
	[tilespmem:$0x1E6E0] =	vst v63  }
0x6a: {  	_ =	swait.ge [sflag:s8], $0x3200  }
0x6b: {  	[sflag:s8] =	ssyncset.done $0x0  }
0x6c: {  	s31 =	sadd.s32 $0x27D8, s29;
	[sflag:s8] =	ssyncadd.s32 $0xFFFFCE00  }
0x6d: {  	[spmem:s2] =	stream.indirect.scatter.add.f32 [tilespmem:s25], [sflag:$0x7], $0x40, s31, s23, $0xb8;
	[tilespmem:$0x1E6E0] =	vst v63  }
0x6e: {  	_ =	swait.ge [sflag:s9], $0x3200  }
0x6f: {  	[sflag:s9] =	ssyncset.done $0x0  }
0x70: {  	s31 =	sadd.s32 $0x28A0, s29;
	[sflag:s9] =	ssyncadd.s32 $0xFFFFCE00  }
0x71: {  	[spmem:s2] =	stream.indirect.scatter.add.f32 [tilespmem:s28], [sflag:$0x8], $0x40, s31, s23, $0xb8;
	[tilespmem:$0x1E6E0] =	vst v63  }
0x72: {  	_ =	swait.ge [sflag:s10], $0x3200  }
0x73: {  	[sflag:s10] =	ssyncset.done $0x0  }
0x74: {  	s31 =	sadd.s32 $0x2968, s29;
	[sflag:s10] =	ssyncadd.s32 $0xFFFFCE00  }
0x75: {  	[spmem:s2] =	stream.indirect.scatter.add.f32 [tilespmem:s30], [sflag:$0x9], $0x40, s31, s23, $0xb8;
	[tilespmem:$0x1E6E0] =	vst v63  }
0x76: {  	_ =	swait.ge [sflag:s11], $0x3200  }
0x77: {  	[sflag:s11] =	ssyncset.done $0x0  }
0x78: {  	s31 =	sadd.s32 $0x2A30, s29;
	[sflag:s11] =	ssyncadd.s32 $0xFFFFCE00  }
0x79: {  	[spmem:s2] =	stream.indirect.scatter.add.f32 [tilespmem:s0], [sflag:$0xA], $0x40, s31, s23, $0xb8;
	[tilespmem:$0x1E6E0] =	vst v63  }
0x7a: {  	_ =	swait.ge [sflag:s1], $0x3200  }
0x7b: {  	[sflag:s1] =	ssyncset.done $0x0  }
0x7c: {  	s31 =	sadd.s32 $0x3E8, s29;
	[sflag:s1] =	ssyncadd.s32 $0xFFFFCE00  }
0x7d: {  	[tilespmem:s24], [sflag:$0x1] =	stream.indirect.gather [hbm4b:s4+s23], $0x40, s31, s23, $0xb8;
	[tilespmem:$0x1E6E0] =	vst v63  }
0x7e: {  	_ =	swait.ge [sflag:s6], $0x3200  }
0x7f: {  	[sflag:s6] =	ssyncset.done $0x0  }
0x80: {  	s31 =	sadd.s32 $0x4B0, s29;
	[sflag:s6] =	ssyncadd.s32 $0xFFFFCE00  }
0x81: {  	[tilespmem:s25], [sflag:$0x2] =	stream.indirect.gather [hbm4b:s4+s23], $0x40, s31, s23, $0xb8;
	[tilespmem:$0x1E6E0] =	vst v63  }
0x82: {  	_ =	swait.ge [sflag:s12], $0x3200  }
0x83: {  	[sflag:s12] =	ssyncset.done $0x0  }
0x84: {  	s31 =	sadd.s32 $0x578, s29;
	[sflag:s12] =	ssyncadd.s32 $0xFFFFCE00  }
0x85: {  	[tilespmem:s28], [sflag:$0x3] =	stream.indirect.gather [hbm4b:s4+s23], $0x40, s31, s23, $0xb8;
	[tilespmem:$0x1E6E0] =	vst v63  }
0x86: {  	_ =	swait.ge [sflag:s13], $0x3200  }
0x87: {  	[sflag:s13] =	ssyncset.done $0x0  }
.Ltmp0:
0x88: {  	s31 =	sadd.s32 $0x640, s29;
	[sflag:s13] =	ssyncadd.s32 $0xFFFFCE00;
	(pc) =	sbr.rel @p0 .LBB2_2-.Ltmp0, $4  }
0x89: {  	[tilespmem:s30], [sflag:$0x4] =	stream.indirect.gather [hbm4b:s4+s23], $0x40, s31, s23, $0xb8;
	[tilespmem:$0x1E6E0] =	vst v63  }
0x8a: {  	_ =	swait.ge [sflag:s20], $0x3200  }
0x8b: {  	[sflag:s20] =	ssyncset.done $0x0  }
0x8c: {  	s29 =	sadd.s32 $0x708, s29;
	[sflag:s20] =	ssyncadd.s32 $0xFFFFCE00  }
0x8d: {  	[tilespmem:s0], [sflag:$0x5] =	stream.indirect.gather [hbm4b:s4+s23], $0x40, s29, s23, $0xb8;
	[tilespmem:$0x1E6E0] =	vst v63  }
0x8e: {  	_ =	swait.ge [sflag:s7], $0x3200  }
0x8f: {  	[sflag:s7] =	ssyncset.done $0x0  }
0x90: {  	s14 =	simm.s32 $0x4A38;
	[sflag:s7] =	ssyncadd.s32 $0xFFFFCE00  }
0x91: {  	[spmem:s2] =	stream.indirect.scatter.add.f32 [tilespmem:s24], [sflag:$0x6], $0x40, s14, s23, $0xb8;
	[tilespmem:$0x1E6E0] =	vst v63  }
0x92: {  	_ =	swait.ge [sflag:s8], $0x3200  }
0x93: {  	[sflag:s8] =	ssyncset.done $0x0  }
0x94: {  	[sflag:s8] =	ssyncadd.s32 $0xFFFFCE00  }
0x95: {  	[spmem:s2] =	stream.indirect.scatter.add.f32 [tilespmem:s25], [sflag:$0x7], $0x40, s22, s23, $0xb8;
	[tilespmem:$0x1E6E0] =	vst v63  }
0x96: {  	_ =	swait.ge [sflag:s9], $0x3200  }
0x97: {  	[sflag:s9] =	ssyncset.done $0x0  }
0x98: {  	[sflag:s9] =	ssyncadd.s32 $0xFFFFCE00  }
0x99: {  	[spmem:s2] =	stream.indirect.scatter.add.f32 [tilespmem:s28], [sflag:$0x8], $0x40, s15, s23, $0xb8;
	[tilespmem:$0x1E6E0] =	vst v63  }
0x9a: {  	_ =	swait.ge [sflag:s10], $0x3200  }
0x9b: {  	[sflag:s10] =	ssyncset.done $0x0  }
0x9c: {  	[sflag:s10] =	ssyncadd.s32 $0xFFFFCE00  }
0x9d: {  	[spmem:s2] =	stream.indirect.scatter.add.f32 [tilespmem:s30], [sflag:$0x9], $0x40, s16, s23, $0xb8;
	[tilespmem:$0x1E6E0] =	vst v63  }
0x9e: {  	_ =	swait.ge [sflag:s11], $0x3200  }
0x9f: {  	[sflag:s11] =	ssyncset.done $0x0  }
0xa0: {  	[sflag:s11] =	ssyncadd.s32 $0xFFFFCE00  }
0xa1: {  	[spmem:s2] =	stream.indirect.scatter.add.f32 [tilespmem:s0], [sflag:$0xA], $0x40, s17, s23, $0xb8;
	[tilespmem:$0x1E6E0] =	vst v63  }
0xa2: {  	_ =	swait.ge [sflag:s1], $0x3200  }
0xa3: {  	[sflag:s1] =	ssyncset.done $0x0  }
0xa4: {  	[sflag:s1] =	ssyncadd.s32 $0xFFFFCE00  }
0xa5: {  	_ =	swait.ge [sflag:s6], $0x3200  }
0xa6: {  	[sflag:s6] =	ssyncset.done $0x0  }
0xa7: {  	[sflag:s6] =	ssyncadd.s32 $0xFFFFCE00  }
0xa8: {  	_ =	swait.ge [sflag:s12], $0x3200  }
0xa9: {  	[sflag:s12] =	ssyncset.done $0x0  }
0xaa: {  	[sflag:s12] =	ssyncadd.s32 $0xFFFFCE00  }
0xab: {  	_ =	swait.ge [sflag:s13], $0x3200  }
0xac: {  	[sflag:s13] =	ssyncset.done $0x0  }
0xad: {  	[sflag:s13] =	ssyncadd.s32 $0xFFFFCE00  }
0xae: {  	_ =	swait.ge [sflag:s20], $0x3200  }
0xaf: {  	[sflag:s20] =	ssyncset.done $0x0  }
0xb0: {  	s19 =	simm.s32 $0x0;
	s29 =	rddreg [dreg:$0x9];
	[sflag:s20] =	ssyncadd.s32 $0xFFFFCE00  }
0xb1: {  	[tilespmem:s19], [sflag:$0xB] =	stream.linear.gather [hbm4b:s29+s19], $0x2710, $0x38;
	[tilespmem:$0x1E6E0] =	vst v63  }
0xb2: {  	_ =	swait.ge [sflag:s21], $0x2710  }
0xb3: {  	[sflag:s21] =	ssyncset.done $0x0  }
0xb4: {  	s31 =	simm.s32 $0x2710;
	s29 =	rddreg [dreg:$0xa];
	[sflag:s21] =	ssyncadd.s32 $0xFFFFD8F0  }
0xb5: {  	[tilespmem:s31], [sflag:$0xB] =	stream.linear.gather [hbm4b:s29+s19], $0x2710, $0x38;
	[tilespmem:$0x1E6E0] =	vst v63  }
0xb6: {  	_ =	swait.ge [sflag:s21], $0x2710  }
0xb7: {  	[sflag:s21] =	ssyncset.done $0x0  }
0xb8: {  	[sflag:s21] =	ssyncadd.s32 $0xFFFFD8F0  }
0xb9: {  	[tilespmem:s24], [sflag:$0x1] =	stream.indirect.gather [hbm4b:s4+s23], $0x40, s19, s23, $0xb8;
	[tilespmem:$0x1E6E0] =	vst v63  }
0xba: {  	_ = 	snop  }
0xbb: {  	[tilespmem:s25], [sflag:$0x2] =	stream.indirect.gather [hbm4b:s4+s23], $0x40, s23, s23, $0xb8;
	[tilespmem:$0x1E6E0] =	vst v63  }
0xbc: {  	s19 =	simm.s32 $0x190  }
0xbd: {  	[tilespmem:s28], [sflag:$0x3] =	stream.indirect.gather [hbm4b:s4+s23], $0x40, s19, s23, $0xb8;
	[tilespmem:$0x1E6E0] =	vst v63  }
0xbe: {  	s31 =	simm.s32 $0x258  }
0xbf: {  	[tilespmem:s30], [sflag:$0x4] =	stream.indirect.gather [hbm4b:s4+s23], $0x40, s31, s23, $0xb8;
	[tilespmem:$0x1E6E0] =	vst v63  }
0xc0: {  	s19 =	simm.s32 $0x320  }
0xc1: {  	[tilespmem:s0], [sflag:$0x5] =	stream.indirect.gather [hbm4b:s4+s23], $0x40, s19, s23, $0xb8;
	[tilespmem:$0x1E6E0] =	vst v63  }
0xc2: {  	_ =	swait.ge [sflag:s7], $0x3200  }
0xc3: {  	[sflag:s7] =	ssyncset.done $0x0  }
0xc4: {  	s31 =	simm.s32 $0x2710;
	[sflag:s7] =	ssyncadd.s32 $0xFFFFCE00  }
0xc5: {  	[spmem:s2] =	stream.indirect.scatter.add.f32 [tilespmem:s24], [sflag:$0x6], $0x40, s31, s23, $0xb8;
	[tilespmem:$0x1E6E0] =	vst v63  }
0xc6: {  	_ =	swait.ge [sflag:s8], $0x3200  }
0xc7: {  	[sflag:s8] =	ssyncset.done $0x0  }
0xc8: {  	s14 =	simm.s32 $0x27D8;
	[sflag:s8] =	ssyncadd.s32 $0xFFFFCE00  }
0xc9: {  	[spmem:s2] =	stream.indirect.scatter.add.f32 [tilespmem:s25], [sflag:$0x7], $0x40, s14, s23, $0xb8;
	[tilespmem:$0x1E6E0] =	vst v63  }
0xca: {  	_ =	swait.ge [sflag:s9], $0x3200  }
0xcb: {  	[sflag:s9] =	ssyncset.done $0x0  }
0xcc: {  	s31 =	simm.s32 $0x28A0;
	[sflag:s9] =	ssyncadd.s32 $0xFFFFCE00  }
0xcd: {  	[spmem:s2] =	stream.indirect.scatter.add.f32 [tilespmem:s28], [sflag:$0x8], $0x40, s31, s23, $0xb8;
	[tilespmem:$0x1E6E0] =	vst v63  }
0xce: {  	_ =	swait.ge [sflag:s10], $0x3200  }
0xcf: {  	[sflag:s10] =	ssyncset.done $0x0  }
0xd0: {  	s14 =	simm.s32 $0x2968;
	[sflag:s10] =	ssyncadd.s32 $0xFFFFCE00  }
0xd1: {  	[spmem:s2] =	stream.indirect.scatter.add.f32 [tilespmem:s30], [sflag:$0x9], $0x40, s14, s23, $0xb8;
	[tilespmem:$0x1E6E0] =	vst v63  }
0xd2: {  	_ =	swait.ge [sflag:s11], $0x3200  }
0xd3: {  	[sflag:s11] =	ssyncset.done $0x0  }
0xd4: {  	s31 =	simm.s32 $0x2A30;
	[sflag:s11] =	ssyncadd.s32 $0xFFFFCE00  }
0xd5: {  	[spmem:s2] =	stream.indirect.scatter.add.f32 [tilespmem:s0], [sflag:$0xA], $0x40, s31, s23, $0xb8;
	[tilespmem:$0x1E6E0] =	vst v63  }
0xd6: {  	_ =	swait.ge [sflag:s1], $0x3200  }
0xd7: {  	[sflag:s1] =	ssyncset.done $0x0  }
0xd8: {  	s14 =	simm.s32 $0x3E8;
	[sflag:s1] =	ssyncadd.s32 $0xFFFFCE00  }
0xd9: {  	[tilespmem:s24], [sflag:$0x1] =	stream.indirect.gather [hbm4b:s4+s23], $0x40, s14, s23, $0xb8;
	[tilespmem:$0x1E6E0] =	vst v63  }
0xda: {  	_ =	swait.ge [sflag:s6], $0x3200  }
0xdb: {  	[sflag:s6] =	ssyncset.done $0x0  }
0xdc: {  	s31 =	simm.s32 $0x4B0;
	[sflag:s6] =	ssyncadd.s32 $0xFFFFCE00  }
0xdd: {  	[tilespmem:s25], [sflag:$0x2] =	stream.indirect.gather [hbm4b:s4+s23], $0x40, s31, s23, $0xb8;
	[tilespmem:$0x1E6E0] =	vst v63  }
0xde: {  	_ =	swait.ge [sflag:s12], $0x3200  }
0xdf: {  	[sflag:s12] =	ssyncset.done $0x0  }
0xe0: {  	s14 =	simm.s32 $0x578;
	[sflag:s12] =	ssyncadd.s32 $0xFFFFCE00  }
0xe1: {  	[tilespmem:s28], [sflag:$0x3] =	stream.indirect.gather [hbm4b:s4+s23], $0x40, s14, s23, $0xb8;
	[tilespmem:$0x1E6E0] =	vst v63  }
0xe2: {  	_ =	swait.ge [sflag:s13], $0x3200  }
0xe3: {  	[sflag:s13] =	ssyncset.done $0x0  }
0xe4: {  	s31 =	simm.s32 $0x640;
	[sflag:s13] =	ssyncadd.s32 $0xFFFFCE00  }
0xe5: {  	[tilespmem:s30], [sflag:$0x4] =	stream.indirect.gather [hbm4b:s4+s23], $0x40, s31, s23, $0xb8;
	[tilespmem:$0x1E6E0] =	vst v63  }
0xe6: {  	_ =	swait.ge [sflag:s20], $0x3200  }
0xe7: {  	[sflag:s20] =	ssyncset.done $0x0  }
0xe8: {  	s29 =	simm.s32 $0x708;
	s19 =	simm.s32 $0xFA0;
	[sflag:s20] =	ssyncadd.s32 $0xFFFFCE00  }
.LBB2_4:
0xe9: {  	[tilespmem:s0], [sflag:$0x5] =	stream.indirect.gather [hbm4b:s4+s23], $0x40, s29, s23, $0xb8;
	[tilespmem:$0x1E6E0] =	vst v63  }
0xea: {  	s29 =	smov.u32 s19  }
0xeb: {  	p0 =	sne.s32 s19, $0x7D00;
	s19 =	sadd.s32 $0xFA0, s19;
	_ =	swait.ge [sflag:s7], $0x3200  }
0xec: {  	s29 =	sshra.s32 s29, $0x2;
	[sflag:s7] =	ssyncset.done $0x0  }
0xed: {  	s31 =	sadd.s32 $0x2710, s29;
	[sflag:s7] =	ssyncadd.s32 $0xFFFFCE00  }
0xee: {  	[spmem:s2] =	stream.indirect.scatter.add.f32 [tilespmem:s24], [sflag:$0x6], $0x40, s31, s23, $0xb8;
	[tilespmem:$0x1E6E0] =	vst v63  }
0xef: {  	_ =	swait.ge [sflag:s8], $0x3200  }
0xf0: {  	[sflag:s8] =	ssyncset.done $0x0  }
0xf1: {  	s31 =	sadd.s32 $0x27D8, s29;
	[sflag:s8] =	ssyncadd.s32 $0xFFFFCE00  }
0xf2: {  	[spmem:s2] =	stream.indirect.scatter.add.f32 [tilespmem:s25], [sflag:$0x7], $0x40, s31, s23, $0xb8;
	[tilespmem:$0x1E6E0] =	vst v63  }
0xf3: {  	_ =	swait.ge [sflag:s9], $0x3200  }
0xf4: {  	[sflag:s9] =	ssyncset.done $0x0  }
0xf5: {  	s31 =	sadd.s32 $0x28A0, s29;
	[sflag:s9] =	ssyncadd.s32 $0xFFFFCE00  }
0xf6: {  	[spmem:s2] =	stream.indirect.scatter.add.f32 [tilespmem:s28], [sflag:$0x8], $0x40, s31, s23, $0xb8;
	[tilespmem:$0x1E6E0] =	vst v63  }
0xf7: {  	_ =	swait.ge [sflag:s10], $0x3200  }
0xf8: {  	[sflag:s10] =	ssyncset.done $0x0  }
0xf9: {  	s31 =	sadd.s32 $0x2968, s29;
	[sflag:s10] =	ssyncadd.s32 $0xFFFFCE00  }
0xfa: {  	[spmem:s2] =	stream.indirect.scatter.add.f32 [tilespmem:s30], [sflag:$0x9], $0x40, s31, s23, $0xb8;
	[tilespmem:$0x1E6E0] =	vst v63  }
0xfb: {  	_ =	swait.ge [sflag:s11], $0x3200  }
0xfc: {  	[sflag:s11] =	ssyncset.done $0x0  }
0xfd: {  	s31 =	sadd.s32 $0x2A30, s29;
	[sflag:s11] =	ssyncadd.s32 $0xFFFFCE00  }
0xfe: {  	[spmem:s2] =	stream.indirect.scatter.add.f32 [tilespmem:s0], [sflag:$0xA], $0x40, s31, s23, $0xb8;
	[tilespmem:$0x1E6E0] =	vst v63  }
0xff: {  	_ =	swait.ge [sflag:s1], $0x3200  }
0x100: {  	[sflag:s1] =	ssyncset.done $0x0  }
0x101: {  	s31 =	sadd.s32 $0x3E8, s29;
	[sflag:s1] =	ssyncadd.s32 $0xFFFFCE00  }
0x102: {  	[tilespmem:s24], [sflag:$0x1] =	stream.indirect.gather [hbm4b:s4+s23], $0x40, s31, s23, $0xb8;
	[tilespmem:$0x1E6E0] =	vst v63  }
0x103: {  	_ =	swait.ge [sflag:s6], $0x3200  }
0x104: {  	[sflag:s6] =	ssyncset.done $0x0  }
0x105: {  	s31 =	sadd.s32 $0x4B0, s29;
	[sflag:s6] =	ssyncadd.s32 $0xFFFFCE00  }
0x106: {  	[tilespmem:s25], [sflag:$0x2] =	stream.indirect.gather [hbm4b:s4+s23], $0x40, s31, s23, $0xb8;
	[tilespmem:$0x1E6E0] =	vst v63  }
0x107: {  	_ =	swait.ge [sflag:s12], $0x3200  }
0x108: {  	[sflag:s12] =	ssyncset.done $0x0  }
0x109: {  	s31 =	sadd.s32 $0x578, s29;
	[sflag:s12] =	ssyncadd.s32 $0xFFFFCE00  }
0x10a: {  	[tilespmem:s28], [sflag:$0x3] =	stream.indirect.gather [hbm4b:s4+s23], $0x40, s31, s23, $0xb8;
	[tilespmem:$0x1E6E0] =	vst v63  }
0x10b: {  	_ =	swait.ge [sflag:s13], $0x3200  }
0x10c: {  	[sflag:s13] =	ssyncset.done $0x0  }
.Ltmp1:
0x10d: {  	s31 =	sadd.s32 $0x640, s29;
	[sflag:s13] =	ssyncadd.s32 $0xFFFFCE00;
	(pc) =	sbr.rel @p0 .LBB2_4-.Ltmp1, $4  }
0x10e: {  	[tilespmem:s30], [sflag:$0x4] =	stream.indirect.gather [hbm4b:s4+s23], $0x40, s31, s23, $0xb8;
	[tilespmem:$0x1E6E0] =	vst v63  }
0x10f: {  	_ =	swait.ge [sflag:s20], $0x3200  }
0x110: {  	[sflag:s20] =	ssyncset.done $0x0  }
0x111: {  	s29 =	sadd.s32 $0x708, s29;
	[sflag:s20] =	ssyncadd.s32 $0xFFFFCE00  }
0x112: {  	[tilespmem:s0], [sflag:$0x5] =	stream.indirect.gather [hbm4b:s4+s23], $0x40, s29, s23, $0xb8;
	[tilespmem:$0x1E6E0] =	vst v63  }
0x113: {  	_ =	swait.ge [sflag:s7], $0x3200  }
0x114: {  	[sflag:s7] =	ssyncset.done $0x0  }
0x115: {  	s14 =	simm.s32 $0x4A38;
	[sflag:s7] =	ssyncadd.s32 $0xFFFFCE00  }
0x116: {  	[spmem:s2] =	stream.indirect.scatter.add.f32 [tilespmem:s24], [sflag:$0x6], $0x40, s14, s23, $0xb8;
	[tilespmem:$0x1E6E0] =	vst v63  }
0x117: {  	_ =	swait.ge [sflag:s8], $0x3200  }
0x118: {  	[sflag:s8] =	ssyncset.done $0x0  }
0x119: {  	[sflag:s8] =	ssyncadd.s32 $0xFFFFCE00  }
0x11a: {  	[spmem:s2] =	stream.indirect.scatter.add.f32 [tilespmem:s25], [sflag:$0x7], $0x40, s22, s23, $0xb8;
	[tilespmem:$0x1E6E0] =	vst v63  }
0x11b: {  	_ =	swait.ge [sflag:s9], $0x3200  }
0x11c: {  	[sflag:s9] =	ssyncset.done $0x0  }
0x11d: {  	[sflag:s9] =	ssyncadd.s32 $0xFFFFCE00  }
0x11e: {  	[spmem:s2] =	stream.indirect.scatter.add.f32 [tilespmem:s28], [sflag:$0x8], $0x40, s15, s23, $0xb8;
	[tilespmem:$0x1E6E0] =	vst v63  }
0x11f: {  	_ =	swait.ge [sflag:s10], $0x3200  }
0x120: {  	[sflag:s10] =	ssyncset.done $0x0  }
0x121: {  	[sflag:s10] =	ssyncadd.s32 $0xFFFFCE00  }
0x122: {  	[spmem:s2] =	stream.indirect.scatter.add.f32 [tilespmem:s30], [sflag:$0x9], $0x40, s16, s23, $0xb8;
	[tilespmem:$0x1E6E0] =	vst v63  }
0x123: {  	_ =	swait.ge [sflag:s11], $0x3200  }
0x124: {  	[sflag:s11] =	ssyncset.done $0x0  }
0x125: {  	[sflag:s11] =	ssyncadd.s32 $0xFFFFCE00  }
0x126: {  	[spmem:s2] =	stream.indirect.scatter.add.f32 [tilespmem:s0], [sflag:$0xA], $0x40, s17, s23, $0xb8;
	[tilespmem:$0x1E6E0] =	vst v63  }
0x127: {  	_ =	swait.ge [sflag:s1], $0x3200  }
0x128: {  	[sflag:s1] =	ssyncset.done $0x0  }
0x129: {  	[sflag:s1] =	ssyncadd.s32 $0xFFFFCE00  }
0x12a: {  	_ =	swait.ge [sflag:s6], $0x3200  }
0x12b: {  	[sflag:s6] =	ssyncset.done $0x0  }
0x12c: {  	[sflag:s6] =	ssyncadd.s32 $0xFFFFCE00  }
0x12d: {  	_ =	swait.ge [sflag:s12], $0x3200  }
0x12e: {  	[sflag:s12] =	ssyncset.done $0x0  }
0x12f: {  	[sflag:s12] =	ssyncadd.s32 $0xFFFFCE00  }
0x130: {  	_ =	swait.ge [sflag:s13], $0x3200  }
0x131: {  	[sflag:s13] =	ssyncset.done $0x0  }
0x132: {  	[sflag:s13] =	ssyncadd.s32 $0xFFFFCE00  }
0x133: {  	_ =	swait.ge [sflag:s20], $0x3200  }
0x134: {  	[sflag:s20] =	ssyncset.done $0x0  }
0x135: {  	[sflag:s20] =	ssyncadd.s32 $0xFFFFCE00  }
0x136: {  	[bflag:$0x0] =	sbarrier.arrive $0xFFFF  }
0x137: {  	s19 =	rddreg [dreg:$0x3]  }
0x138: {  	[tilespmem:s24], [sflag:$0x1] =	stream.linear.gather [spmem:s19], $0x1F40, $0x38;
	[tilespmem:$0x1E6E0] =	vst v63  }
0x139: {  	s14 =	rddreg [dreg:$0xb]  }
0x13a: {  	[tilespmem:s25], [sflag:$0x2] =	stream.linear.gather [spmem:s14], $0x1F40, $0x38;
	[tilespmem:$0x1E6E0] =	vst v63  }
0x13b: {  	s29 =	rddreg [dreg:$0xc]  }
0x13c: {  	[tilespmem:s28], [sflag:$0x3] =	stream.linear.gather [spmem:s29], $0x1F40, $0x38;
	[tilespmem:$0x1E6E0] =	vst v63  }
0x13d: {  	s31 =	rddreg [dreg:$0xd]  }
0x13e: {  	[tilespmem:s30], [sflag:$0x4] =	stream.linear.gather [spmem:s31], $0x1F40, $0x38;
	[tilespmem:$0x1E6E0] =	vst v63  }
0x13f: {  	s14 =	rddreg [dreg:$0xe]  }
0x140: {  	[tilespmem:s0], [sflag:$0x5] =	stream.linear.gather [spmem:s14], $0x1F40, $0x38;
	[tilespmem:$0x1E6E0] =	vst v63  }
0x141: {  	_ =	swait.ge [sflag:s7], $0x1F40  }
0x142: {  	[sflag:s7] =	ssyncset.done $0x0  }
0x143: {  	s19 =	simm.s32 $0x14820;
	[sflag:s7] =	ssyncadd.s32 $0xFFFFE0C0  }
0x144: {  	[hbm4b:s5+s18] =	stream.indirect.scatter [tilespmem:s24], [sflag:$0x6], $0x40, s19, s18, $0xb8;
	[tilespmem:$0x1E6E0] =	vst v63  }
0x145: {  	_ =	swait.ge [sflag:s8], $0x1F40  }
0x146: {  	[sflag:s8] =	ssyncset.done $0x0  }
0x147: {  	s29 =	simm.s32 $0x148A0;
	[sflag:s8] =	ssyncadd.s32 $0xFFFFE0C0  }
0x148: {  	[hbm4b:s5+s18] =	stream.indirect.scatter [tilespmem:s25], [sflag:$0x7], $0x40, s29, s18, $0xb8;
	[tilespmem:$0x1E6E0] =	vst v63  }
0x149: {  	_ =	swait.ge [sflag:s9], $0x1F40  }
0x14a: {  	[sflag:s9] =	ssyncset.done $0x0  }
0x14b: {  	s31 =	simm.s32 $0x14920;
	[sflag:s9] =	ssyncadd.s32 $0xFFFFE0C0  }
0x14c: {  	[hbm4b:s5+s18] =	stream.indirect.scatter [tilespmem:s28], [sflag:$0x8], $0x40, s31, s18, $0xb8;
	[tilespmem:$0x1E6E0] =	vst v63  }
0x14d: {  	_ =	swait.ge [sflag:s10], $0x1F40  }
0x14e: {  	[sflag:s10] =	ssyncset.done $0x0  }
0x14f: {  	s19 =	simm.s32 $0x149A0;
	[sflag:s10] =	ssyncadd.s32 $0xFFFFE0C0  }
0x150: {  	[hbm4b:s5+s18] =	stream.indirect.scatter [tilespmem:s30], [sflag:$0x9], $0x40, s19, s18, $0xb8;
	[tilespmem:$0x1E6E0] =	vst v63  }
0x151: {  	_ =	swait.ge [sflag:s11], $0x1F40  }
0x152: {  	[sflag:s11] =	ssyncset.done $0x0  }
0x153: {  	s29 =	simm.s32 $0x14A20;
	[sflag:s11] =	ssyncadd.s32 $0xFFFFE0C0  }
0x154: {  	[hbm4b:s5+s18] =	stream.indirect.scatter [tilespmem:s0], [sflag:$0xA], $0x40, s29, s18, $0xb8;
	[tilespmem:$0x1E6E0] =	vst v63  }
0x155: {  	_ =	swait.ge [sflag:s1], $0x1F40  }
0x156: {  	[sflag:s1] =	ssyncset.done $0x0  }
0x157: {  	[sflag:s1] =	ssyncadd.s32 $0xFFFFE0C0  }
0x158: {  	_ =	swait.ge [sflag:s6], $0x1F40  }
0x159: {  	[sflag:s6] =	ssyncset.done $0x0  }
0x15a: {  	[sflag:s6] =	ssyncadd.s32 $0xFFFFE0C0  }
0x15b: {  	_ =	swait.ge [sflag:s12], $0x1F40  }
0x15c: {  	[sflag:s12] =	ssyncset.done $0x0  }
0x15d: {  	[sflag:s12] =	ssyncadd.s32 $0xFFFFE0C0  }
0x15e: {  	_ =	swait.ge [sflag:s13], $0x1F40  }
0x15f: {  	[sflag:s13] =	ssyncset.done $0x0  }
0x160: {  	[sflag:s13] =	ssyncadd.s32 $0xFFFFE0C0  }
0x161: {  	_ =	swait.ge [sflag:s20], $0x1F40  }
0x162: {  	s26 =	sadd.s32 $0x1, s26;
	s31 =	rddreg [dreg:$0xf]  }
0x163: {  	p0 =	sne.s32 s26, s31  }
.Ltmp2:
0x164: {  	_ = 	snop;
	(pc) =	sbr.rel @p0 .LBB2_1-.Ltmp2, $3  }
0x165: {  	_ =	sdelay $0x1  }
0x166: {  	[sflag:s20] =	ssyncset.done $0x0  }
0x167: {  	[sflag:s20] =	ssyncadd.s32 $0xFFFFE0C0  }
0x168: {  	_ =	sfence.sel $0x180000  }
0x169: {  	[bflag:$0x0] =	sbarrier.arrive $0xFFFF  }
0x16a: {  	_ =	strace $0x9000004A  }
0x16b: {  	s0 =	stileid.u32;
	[bflag:$0x2] =	sbarrier.arrive $0xFFFF  }
0x16c: {  	p0 =	sne.s32 s0, $0x0;
	s0 =	rddreg [dreg:$0x2]  }
0x16d: {  	s0 =	sadd.s32 @!p0 $0x100000, s0  }
0x16e: {  	[sflag:s0] =	ssyncadd.tile.s32 @!p0 $0x1;
	_ =	shalt  }
.Lfunc_end2:
_tile_overlayer_lowered:
.L_overlay_start_2:
0x16f: {  	(tag) =	ssettag $0x2  }
0x170: {  	s0 =	rddreg [dreg:$0x0];
	s2 =	stileid.u32  }
0x171: {  	s1 =	rddreg [dreg:$0x1];
	p0 =	sne.s32 s2, $0x0  }
0x172: {  	s3 =	rddreg [dreg:$0x2];
	[bflag:$0x3] =	sbarrier.arrive $0xFFFF;
	s2 =	simm.s32 @!p0 $0x1C0B  }
0x173: {  	[timem:s3], [sflag:s2] =	dma.local @!p0 [hbm:s0], s1  }
0x174: {  	s0 =	simm.s32 @!p0 $0xB  }
0x175: {  	_ =	swait.ge @!p0 [sflag:s0], s1  }
0x176: {  	s1 =	ssub.s32 @!p0 $0x0, s1;
	[sflag:s0] =	ssyncset.done @!p0 $0x0  }
0x177: {  	[sflag:s0] =	ssyncadd.s32 @!p0 s1  }
0x178: {  	[bflag:$0x3] =	sbarrier.arrive $0xFFFF  }
0x179: {  	_ =	shalt  }

// kernel: kernel.14.cloned.1.call-start
scs
__scs_entry_jumppad:
0x0: {  	(pc) =	sbr.rel $0x88, $3  }
0x1: {  	(tag) =	ssettag $0x0;
	lr =	simm.s32 $0x1  }
0x2: {  	[smem:$0x3F9A] =	sst lr;
	_ =	strace $0xD0000000  }
0x3: {  	_ = 	snop  }
0x4: {  	_ = 	snop  }
0x5: {  	_ = 	snop  }
0x6: {  	_ = 	snop  }
0x7: {  	_ = 	snop  }
__scs_overlays_trampoline_lowered:
0x8: {  	[smem:$0x3FA9] =	sst s0  }
0x9: {  	[smem:$0x3FAA] =	sst s1  }
0xa: {  	[smem:$0x3FAB] =	sst s2  }
0xb: {  	[smem:$0x3FAC] =	sst s3  }
0xc: {  	[smem:$0x3FAD] =	sst s4  }
0xd: {  	[smem:$0x3FAE] =	sst s5  }
0xe: {  	[smem:$0x3FAF] =	sst s6  }
0xf: {  	[smem:$0x3FB0] =	sst s7  }
0x10: {  	[smem:$0x3FB1] =	sst s8  }
0x11: {  	[smem:$0x3FB2] =	sst s9;
	s0 =	simm.s32 @!p0 $0x0  }
0x12: {  	s1 =	sld [smem:$0x3F98];
	s0 =	simm.s32 @p0 $0x1  }
0x13: {  	[smem:$0x3FB3] =	sst s0;
	s0 =	simm.s32 @!p1 $0x0  }
0x14: {  	s2 =	sld [smem:$0x3F97];
	s0 =	simm.s32 @p1 $0x1  }
0x15: {  	[smem:$0x3FB4] =	sst s0;
	s0 =	simm.s32 @!p2 $0x0  }
0x16: {  	s3 =	sld [smem:$0x3FDB];
	s0 =	simm.s32 @p2 $0x1  }
0x17: {  	s4 =	simm.s32 $0x1BF5;
	[smem:$0x3FB6] =	sst s0  }
0x18: {  	s0 =	sld [smem:$0x3F99];
	_ =	swait.ge [sflag:s4], $0x0  }
0x19: {  	s7 =	sld [smem:$0x3F9A]  }
0x1a: {  	s8 =	sadd.s32 $0xFFFFE003, lr  }
0x1b: {  	s9 =	sadd.s32 $0xFFFFFEF7, lr;
	s5 =	simm.s32 $0xFFFFFFFF;
	p2 =	slt.u32 s8, $0xFFFFF086  }
0x1c: {  	p1 =	slt.u32 s9, $0xF7A;
	s5 =	simm.s32 @!p2 $0x0  }
0x1d: {  	s5 =	simm.s32 @p1 $0x1;
	p0 =	seq.s32 s7, s2  }
0x1e: {  	s7 =	smul.u32 @!p0 $0xF7A, s2;
	p2 =	seq.s32 @!p0 s5, $0x0  }
0x1f: {  	s9 =	smul.u32 $0xF7A, s1;
	s8 =	simm.s32 @!p0 $0x1BF5;
	p2 =	por !p2, p0  }
0x20: {  	[sflag:s8] =	ssyncset.s32 @!p0 $0xFFFFF086;
	s6 =	sadd.s32 @!p0 s3, s7;
	s7 =	simm.s32 @!p0 $0x108  }
0x21: {  	s3 =	sadd.s32 s3, s9;
	s6 =	sadd.s32 @!p0 $0x88, s6;
	s7 =	simm.s32 @p2 $0x1082  }
0x22: {  	[simem:s7], [sflag:s8] =	dma.local @!p0 [hbm:s6], $0xF7A  }
0x23: {  	s9 =	sor.u32 $0xD0000000, s2;
	s6 =	simm.s32 $0x108;
	_ =	swait.ge @!p0 [sflag:s8], $0x0  }
0x24: {  	s3 =	sadd.s32 $0x88, s3;
	s6 =	simm.s32 @!p1 $0x1082;
	[sflag:s4] =	ssyncset.s32 $0xFFFFF086  }
0x25: {  	[simem:s6], [sflag:s4] =	dma.local [hbm:s3], $0xF7A  }
0x26: {  	[smem:$0x3F9A] =	sst s1;
	(tag) =	ssettag s2;
	_ =	strace s9  }
0x27: {  	s1 =	sld [smem:$0x3FAA]  }
0x28: {  	s2 =	sld [smem:$0x3FAB]  }
0x29: {  	s4 =	sld [smem:$0x3FAD]  }
0x2a: {  	p0 =	seq.s32 s5, $0x0;
	s5 =	sld [smem:$0x3FAE]  }
0x2b: {  	s6 =	sld [smem:$0x3FAF]  }
0x2c: {  	s7 =	sld [smem:$0x3FB0]  }
0x2d: {  	s3 =	simm.s32 $0x108;
	s8 =	sld [smem:$0x3FB1]  }
0x2e: {  	s3 =	simm.s32 @!p0 $0x1082;
	s9 =	sld [smem:$0x3FB2]  }
0x2f: {  	lr =	sadd.s32 s0, s3;
	s0 =	sld [smem:$0x3FA9]  }
0x30: {  	s3 =	sld [smem:$0x3FAC]  }
0x31: {  	[smem:$0x3FB5] =	sst s10  }
0x32: {  	s10 =	sld [smem:$0x3FB3];
	_ =	sdelay $0x3  }
0x33: {  	p0 =	seq.s32 s10, $0x1;
	s10 =	sld [smem:$0x3FB5];
	_ =	sdelay $0x3  }
0x34: {  	[smem:$0x3FB5] =	sst s10  }
0x35: {  	s10 =	sld [smem:$0x3FB4];
	_ =	sdelay $0x3  }
0x36: {  	p1 =	seq.s32 s10, $0x1;
	s10 =	sld [smem:$0x3FB5];
	_ =	sdelay $0x3  }
0x37: {  	[smem:$0x3FB5] =	sst s10  }
0x38: {  	s10 =	sld [smem:$0x3FB6]  }
0x39: {  	_ = 	snop;
	(pc) =	sbr.ind lr, $3  }
0x3a: {  	_ = 	snop  }
0x3b: {  	_ = 	snop  }
0x3c: {  	p2 =	seq.s32 s10, $0x1;
	s10 =	sld [smem:$0x3FB5]  }
0x3d: {  	_ =	shalt  }
0x3e: {  	_ =	shalt  }
0x3f: {  	_ =	shalt  }
0x40: {  	_ =	shalt  }
0x41: {  	_ =	shalt  }
0x42: {  	_ =	shalt  }
0x43: {  	_ =	shalt  }
0x44: {  	_ =	shalt  }
0x45: {  	_ =	shalt  }
0x46: {  	_ =	shalt  }
0x47: {  	_ =	shalt  }
0x48: {  	_ =	shalt  }
0x49: {  	_ =	shalt  }
0x4a: {  	_ =	shalt  }
0x4b: {  	_ =	shalt  }
0x4c: {  	_ =	shalt  }
0x4d: {  	_ =	shalt  }
0x4e: {  	_ =	shalt  }
0x4f: {  	_ =	shalt  }
0x50: {  	_ =	shalt  }
0x51: {  	_ =	shalt  }
0x52: {  	_ =	shalt  }
0x53: {  	_ =	shalt  }
0x54: {  	_ =	shalt  }
0x55: {  	_ =	shalt  }
0x56: {  	_ =	shalt  }
0x57: {  	_ =	shalt  }
0x58: {  	_ =	shalt  }
0x59: {  	_ =	shalt  }
0x5a: {  	_ =	shalt  }
0x5b: {  	_ =	shalt  }
0x5c: {  	_ =	shalt  }
0x5d: {  	_ =	shalt  }
0x5e: {  	_ =	shalt  }
0x5f: {  	_ =	shalt  }
0x60: {  	_ =	shalt  }
0x61: {  	_ =	shalt  }
0x62: {  	_ =	shalt  }
0x63: {  	_ =	shalt  }
0x64: {  	_ =	shalt  }
0x65: {  	_ =	shalt  }
0x66: {  	_ =	shalt  }
0x67: {  	_ =	shalt  }
0x68: {  	_ =	shalt  }
0x69: {  	_ =	shalt  }
0x6a: {  	_ =	shalt  }
0x6b: {  	_ =	shalt  }
0x6c: {  	_ =	shalt  }
0x6d: {  	_ =	shalt  }
0x6e: {  	_ =	shalt  }
0x6f: {  	_ =	shalt  }
0x70: {  	_ =	shalt  }
0x71: {  	_ =	shalt  }
0x72: {  	_ =	shalt  }
0x73: {  	_ =	shalt  }
0x74: {  	_ =	shalt  }
0x75: {  	_ =	shalt  }
0x76: {  	_ =	shalt  }
0x77: {  	_ =	shalt  }
0x78: {  	_ =	shalt  }
0x79: {  	_ =	shalt  }
0x7a: {  	_ =	shalt  }
0x7b: {  	_ =	shalt  }
0x7c: {  	_ =	shalt  }
0x7d: {  	_ =	shalt  }
0x7e: {  	_ =	shalt  }
0x7f: {  	_ =	shalt  }
0x80: {  	_ =	shalt  }
0x81: {  	_ =	shalt  }
0x82: {  	_ =	shalt  }
0x83: {  	_ =	shalt  }
0x84: {  	_ =	shalt  }
0x85: {  	_ =	shalt  }
0x86: {  	_ =	shalt  }
0x87: {  	_ =	shalt  }
.Lfunc_end0:
.L_simem_size_0:
called_computation.2_lowered:
.L_overlay_start_0:
0x88: {  	s2 =	sld [smem:$0x3FD9]  }
0x89: {  	s3 =	sld [smem:$0x3FFE];
	_ =	sdelay $0x1  }
0x8a: {  	s1 =	srdreg.scid  }
0x8b: {  	s0 =	sand.u32 $0x1, s1  }
0x8c: {  	s16 =	sshll.u32 s0, $0xA;
	s2 =	sadd.s32 s3, s2  }
0x8d: {  	s2 =	sadd.s32 s2, s16  }
0x8e: {  	[smem:$0x3FC1] =	sst s2  }
0x8f: {  	_ = 	snop  }
0x90: {  	(tm) =	ssettm $0x1  }
0x91: {  	s17 =	sld [smem:$0x3FFB];
	_ =	sdelay $0x3  }
0x92: {  	_ =	strace s17  }
0x93: {  	s2 =	sld [smem:$0x3FFC];
	_ =	sdelay $0x3  }
0x94: {  	_ =	strace s2  }
0x95: {  	s2 =	sld [smem:$0x3FFD];
	_ =	sdelay $0x3  }
0x96: {  	_ =	strace s2  }
0x97: {  	_ =	strace $0x8FFFFFFF  }
0x98: {  	s18 =	sld [smem:$0x3FDB];
	_ =	sdelay $0x1  }
0x99: {  	s19 =	simm.s32 $_scs_section_size  }
0x9a: {  	s4 =	simm.s32 $_size__tile_overlayer_lowered;
	s5 =	simm.s32 $_tile_overlayer_lowered  }
0x9b: {  	s22 =	simm.s32 $0x1BFF;
	s21 =	sshll.u32 s5, $0x1;
	s2 =	sadd.s32 s19, s18  }
0x9c: {  	s6 =	simm.s32 $0x0;
	s20 =	sshll.u32 s4, $0x1;
	s4 =	sadd.s32 s21, s2  }
0x9d: {  	[timem:s6], [sflag:s22] =	dma.local [hbm:s4], s20  }
0x9e: {  	_ =	swait.ge [sflag:s22], s20  }
0x9f: {  	s3 =	ssub.s32 $0x0, s20;
	[sflag:s22] =	ssyncset.done $0x0  }
0xa0: {  	[sflag:s22] =	ssyncadd.s32 s3;
	_ =	sdelay $0x1  }
0xa1: {  	s23 =	simm.s32 $0x1B8B  }
0xa2: {  	_ =	swait.ge [sflag:s23], $0x1  }
0xa3: {  	[sflag:s23] =	ssyncset.done $0x0  }
0xa4: {  	s25 =	simm.s32 $0x1B8E;
	s24 =	sld [smem:$0x3FFE];
	[sflag:s23] =	ssyncadd.s32 $0xFFFFFFFF  }
0xa5: {  	s26 =	simm.s32 $execute0_lowered;
	[smem:$0x3FD2] =	sst s25  }
0xa6: {  	s4 =	sshll.u32 s26, $0x1;
	_ =	strace $0x8000004C;
	[dreg:$0x1] =	wrdreg $0xFFFFFFFF  }
0xa7: {  	s28 =	simm.s32 $_size_execute0_lowered;
	s2 =	sadd.s32 s2, s4;
	[dreg:$0x0] =	wrdreg $0x0  }
0xa8: {  	s4 =	sshll.u32 s28, $0x1;
	[dreg:$0x2] =	wrdreg s2  }
0xa9: {  	[dreg:$0x3] =	wrdreg s4  }
0xaa: {  	[dreg:$0x4] =	wrdreg $0xC0  }
0xab: {  	_ =	task [dreg:s6], $0x5FFFF  }
0xac: {  	[dreg:$0x1] =	wrdreg $0xFFFFFFFF  }
0xad: {  	[dreg:$0x0] =	wrdreg $0x60  }
0xae: {  	[dreg:$0x2] =	wrdreg s24  }
0xaf: {  	[dreg:$0x3] =	wrdreg $0x14AA00  }
0xb0: {  	[dreg:$0x4] =	wrdreg $0x9  }
0xb1: {  	_ =	task.clear_ibuf [dreg:s6], $0x5FFFF;
	_ =	strace $0x9000004C  }
0xb2: {  	s29 =	simm.s32 $0x9;
	_ =	strace $0x8000004E  }
0xb3: {  	_ =	swait.ge [sflag:s29], $0x1  }
0xb4: {  	[sflag:s29] =	ssyncadd.s32 $0xFFFFFFFF  }
0xb5: {  	_ =	strace $0x9000004E  }
0xb6: {  	_ =	sfence  }
0xb7: {  	s30 =	sld [smem:$0x0];
	_ =	sdelay $0x2  }
0xb8: {  	s31 =	sshll.u32 s1, $0xD;
	s1 =	sshrl.u32 s1, $0x2  }
0xb9: {  	s3 =	sand.u32 $0x4000, s31;
	s1 =	sadd.s32 s1, s30  }
0xba: {  	s0 =	sor.u32 s3, s0;
	s1 =	sshll.u32 s1, $0x11  }
0xbb: {  	s0 =	sor.u32 s1, s0  }
0xbc: {  	s0 =	sadd.s32 $0x8F2B, s0  }
0xbd: {  	[sflag:s0] =	ssyncadd.remote.s32 $0x1  }
0xbe: {  	_ =	sfence.sel $0xFFFF  }
0xbf: {  	[dreg:$0x0] =	wrdreg $0xFFFFFFFF;
	(pc) =	sbr.abs _section_cstart, $3  }
0xc0: {  	[dreg:$0x1] =	wrdreg $0xFFFFFFFF  }
0xc1: {  	_ =	task.clear_ibuf [dreg:s6], $0x2FFFF;
	_ =	strace $0x9FFFFFFF  }
0xc2: {  	(tm) =	ssettm $0x7FFFFFFF  }
0xc3: {  	_ =	shalt  }
tec
execute0_lowered:
.L_overlay_start_1:
0x0: {  	(tag) =	ssettag $0x1  }
0x1: {  	s0 =	rddreg [dreg:$0x0]  }
0x2: {  	s1 =	srdreg.scid;
	s14 =	stileid.u32  }
0x3: {  	s2 =	rddreg [dreg:$0x1];
	s3 =	simm.s32 $0x0;
	s5 =	smul.u32 $0x280, s14  }
0x4: {  	s28 =	simm.s32 $0xB220;
	s30 =	simm.s32 $0xE420;
	s6 =	smul.u32 $0x9C40, s14  }
0x5: {  	s1 =	sand.u32 $0x1, s1;
	[smem:$0x7FF] =	sst s3;
	s13 =	smul.u32 $0x4E20, s14  }
0x6: {  	s7 =	sadd.s32 $0x1CA00, s0;
	s8 =	sadd.s32 $0x3E00, s0;
	s19 =	smul.u32 $0x27100, s14  }
0x7: {  	s4 =	smul.u32 $0x2800, s1;
	_ =	strace $0x8000004D;
	s10 =	ssub.s32 $0x2, s1  }
0x8: {  	s1 =	smul.u32 $0x4E200, s1;
	s29 =	sshrl.u32 s6, $0x3;
	s12 =	sshrl.u32 s10, $0x1  }
0x9: {  	s17 =	sshrl.u32 s13, $0x3;
	s18 =	sadd.s32 $0x2710, s13;
	s22 =	sshrl.u32 s19, $0x2  }
0xa: {  	s5 =	sadd.s32 s5, s4;
	s4 =	sadd.s32 $0x7F000, s0;
	s11 =	sadd.s32 s29, s0  }
0xb: {  	s20 =	sadd.s32 s8, s17;
	s21 =	sshrl.u32 s18, $0x3;
	s24 =	sadd.s32 s22, s2  }
0xc: {  	s22 =	simm.s32 $0x4B00;
	s17 =	simm.s32 $0x4D58;
	s5 =	sshrl.u32 s5, $0x3  }
0xd: {  	s31 =	sadd.s32 $0xA6200, s11;
	s11 =	sadd.s32 s13, s1;
	[dreg:$0x8] =	wrdreg s20  }
0xe: {  	s1 =	sadd.s32 s1, s18;
	s23 =	sadd.s32 s8, s21;
	s25 =	sadd.s32 $0x1F40, s24  }
0xf: {  	s26 =	sadd.s32 $0x3E80, s24;
	s29 =	sadd.s32 $0x5DC0, s24;
	s21 =	simm.s32 $0xB  }
0x10: {  	s8 =	simm.s32 $0x2;
	s13 =	simm.s32 $0x9;
	s20 =	simm.s32 $0xA  }
0x11: {  	s18 =	simm.s32 $0x7D;
	s9 =	sadd.s32 s5, s0;
	[dreg:$0x4] =	wrdreg s31  }
0x12: {  	s5 =	sadd.s32 $0xB9C00, s0;
	s0 =	ssub.s32 s10, s12;
	[dreg:$0xa] =	wrdreg s23  }
0x13: {  	s12 =	sadd.s32 s6, s2;
	s10 =	sshll.u32 s14, $0x6;
	[dreg:$0xb] =	wrdreg s25  }
0x14: {  	s16 =	sshrl.u32 s11, $0x3;
	s1 =	sshrl.u32 s1, $0x3;
	[dreg:$0xc] =	wrdreg s26  }
0x15: {  	[dreg:$0xd] =	wrdreg s29;
	s23 =	simm.s32 $0xC8;
	s25 =	simm.s32 $0x8020  }
0x16: {  	s11 =	simm.s32 $0x5;
	s6 =	sor.u32 $0x1C06, s10;
	[dreg:$0x3] =	wrdreg s12  }
0x17: {  	s26 =	simm.s32 $0x0;
	s15 =	sadd.s32 $0x30400, s9;
	[dreg:$0x5] =	wrdreg s6  }
0x18: {  	s1 =	sadd.s32 s7, s1;
	s0 =	smax.u32 s0, $0x1;
	[dreg:$0x6] =	wrdreg s15  }
0x19: {  	s31 =	sshrl.u32 s12, $0x3;
	s9 =	simm.s32 $0x3;
	[dreg:$0x9] =	wrdreg s1  }
0x1a: {  	s10 =	simm.s32 $0x4;
	s12 =	simm.s32 $0x8;
	[dreg:$0xf] =	wrdreg s0  }
0x1b: {  	s6 =	sadd.s32 s7, s16;
	s1 =	sadd.s32 $0x7D00, s24;
	[dreg:$0x10] =	wrdreg s31  }
0x1c: {  	s24 =	simm.s32 $0x4E20;
	s0 =	simm.s32 $0x11620;
	s7 =	simm.s32 $0x1  }
0x1d: {  	s15 =	simm.s32 $0x4BC8;
	s16 =	simm.s32 $0x4C90;
	[dreg:$0x7] =	wrdreg s6  }
0x1e: {  	[dreg:$0xe] =	wrdreg s1;
	s1 =	simm.s32 $0x6;
	s6 =	simm.s32 $0x7  }
.LBB2_1:
0x1f: {  	s19 =	rddreg [dreg:$0x4]  }
0x20: {  	s29 =	rddreg [dreg:$0x5]  }
0x21: {  	s31 =	rddreg [dreg:$0x10]  }
0x22: {  	[spmem:s31], [sflag:s29] =	dma.local [hbm:s19], $0x1388  }
0x23: {  	s14 =	simm.s32 $0x14820;
	s19 =	rddreg [dreg:$0x6]  }
0x24: {  	[tilespmem:s14], [sflag:$0xB] =	stream.linear.gather [hbm4b:s19+s3], $0x280, $0x38;
	[tilespmem:$0x1E6E0] =	vst v63  }
0x25: {  	_ =	swait.ge [sflag:s21], $0x280  }
0x26: {  	[sflag:s21] =	ssyncset.done $0x0  }
0x27: {  	s31 =	rddreg [dreg:$0x7];
	[sflag:s21] =	ssyncadd.s32 $0xFFFFFD80  }
0x28: {  	[tilespmem:s3], [sflag:$0xB] =	stream.linear.gather [hbm4b:s31+s3], $0x2710, $0x38;
	[tilespmem:$0x1E6E0] =	vst v63  }
0x29: {  	_ =	swait.ge [sflag:s21], $0x2710  }
0x2a: {  	[sflag:s21] =	ssyncset.done $0x0  }
0x2b: {  	s31 =	simm.s32 $0x2710;
	s14 =	rddreg [dreg:$0x8];
	[sflag:s21] =	ssyncadd.s32 $0xFFFFD8F0  }
0x2c: {  	[tilespmem:s31], [sflag:$0xB] =	stream.linear.gather [hbm4b:s14+s3], $0x2710, $0x38;
	[tilespmem:$0x1E6E0] =	vst v63  }
0x2d: {  	_ =	swait.ge [sflag:s21], $0x2710  }
0x2e: {  	[sflag:s21] =	ssyncset.done $0x0  }
0x2f: {  	[sflag:s21] =	ssyncadd.s32 $0xFFFFD8F0  }
0x30: {  	[tilespmem:s24], [sflag:$0x1] =	stream.indirect.gather [hbm4b:s4+s23], $0x40, s3, s23, $0xb8;
	[tilespmem:$0x1E6E0] =	vst v63  }
0x31: {  	_ = 	snop  }
0x32: {  	[tilespmem:s25], [sflag:$0x2] =	stream.indirect.gather [hbm4b:s4+s23], $0x40, s23, s23, $0xb8;
	[tilespmem:$0x1E6E0] =	vst v63  }
0x33: {  	s19 =	simm.s32 $0x190  }
0x34: {  	[tilespmem:s28], [sflag:$0x3] =	stream.indirect.gather [hbm4b:s4+s23], $0x40, s19, s23, $0xb8;
	[tilespmem:$0x1E6E0] =	vst v63  }
0x35: {  	s31 =	simm.s32 $0x258  }
0x36: {  	[tilespmem:s30], [sflag:$0x4] =	stream.indirect.gather [hbm4b:s4+s23], $0x40, s31, s23, $0xb8;
	[tilespmem:$0x1E6E0] =	vst v63  }
0x37: {  	s19 =	simm.s32 $0x320  }
0x38: {  	[tilespmem:s0], [sflag:$0x5] =	stream.indirect.gather [hbm4b:s4+s23], $0x40, s19, s23, $0xb8;
	[tilespmem:$0x1E6E0] =	vst v63  }
0x39: {  	_ =	swait.ge [sflag:s1], $0x1388  }
0x3a: {  	[sflag:s1] =	ssyncset.done $0x0  }
0x3b: {  	[sflag:s1] =	ssyncadd.s32 $0xFFFFEC78  }
0x3c: {  	[bflag:$0x0] =	sbarrier.arrive $0xFFFF  }
0x3d: {  	_ =	swait.ge [sflag:s7], $0x3200  }
0x3e: {  	[sflag:s7] =	ssyncset.done $0x0  }
0x3f: {  	s31 =	simm.s32 $0x2710;
	[sflag:s7] =	ssyncadd.s32 $0xFFFFCE00  }
0x40: {  	[spmem:s2] =	stream.indirect.scatter.add.f32 [tilespmem:s24], [sflag:$0x6], $0x40, s31, s23, $0xb8;
	[tilespmem:$0x1E6E0] =	vst v63  }
0x41: {  	_ =	swait.ge [sflag:s8], $0x3200  }
0x42: {  	[sflag:s8] =	ssyncset.done $0x0  }
0x43: {  	s14 =	simm.s32 $0x27D8;
	[sflag:s8] =	ssyncadd.s32 $0xFFFFCE00  }
0x44: {  	[spmem:s2] =	stream.indirect.scatter.add.f32 [tilespmem:s25], [sflag:$0x7], $0x40, s14, s23, $0xb8;
	[tilespmem:$0x1E6E0] =	vst v63  }
0x45: {  	_ =	swait.ge [sflag:s9], $0x3200  }
0x46: {  	[sflag:s9] =	ssyncset.done $0x0  }
0x47: {  	s31 =	simm.s32 $0x28A0;
	[sflag:s9] =	ssyncadd.s32 $0xFFFFCE00  }
0x48: {  	[spmem:s2] =	stream.indirect.scatter.add.f32 [tilespmem:s28], [sflag:$0x8], $0x40, s31, s23, $0xb8;
	[tilespmem:$0x1E6E0] =	vst v63  }
0x49: {  	_ =	swait.ge [sflag:s10], $0x3200  }
0x4a: {  	[sflag:s10] =	ssyncset.done $0x0  }
0x4b: {  	s14 =	simm.s32 $0x2968;
	[sflag:s10] =	ssyncadd.s32 $0xFFFFCE00  }
0x4c: {  	[spmem:s2] =	stream.indirect.scatter.add.f32 [tilespmem:s30], [sflag:$0x9], $0x40, s14, s23, $0xb8;
	[tilespmem:$0x1E6E0] =	vst v63  }
0x4d: {  	_ =	swait.ge [sflag:s11], $0x3200  }
0x4e: {  	[sflag:s11] =	ssyncset.done $0x0  }
0x4f: {  	s31 =	simm.s32 $0x2A30;
	[sflag:s11] =	ssyncadd.s32 $0xFFFFCE00  }
0x50: {  	[spmem:s2] =	stream.indirect.scatter.add.f32 [tilespmem:s0], [sflag:$0xA], $0x40, s31, s23, $0xb8;
	[tilespmem:$0x1E6E0] =	vst v63  }
0x51: {  	_ =	swait.ge [sflag:s1], $0x3200  }
0x52: {  	[sflag:s1] =	ssyncset.done $0x0  }
0x53: {  	s14 =	simm.s32 $0x3E8;
	[sflag:s1] =	ssyncadd.s32 $0xFFFFCE00  }
0x54: {  	[tilespmem:s24], [sflag:$0x1] =	stream.indirect.gather [hbm4b:s4+s23], $0x40, s14, s23, $0xb8;
	[tilespmem:$0x1E6E0] =	vst v63  }
0x55: {  	_ =	swait.ge [sflag:s6], $0x3200  }
0x56: {  	[sflag:s6] =	ssyncset.done $0x0  }
0x57: {  	s31 =	simm.s32 $0x4B0;
	[sflag:s6] =	ssyncadd.s32 $0xFFFFCE00  }
0x58: {  	[tilespmem:s25], [sflag:$0x2] =	stream.indirect.gather [hbm4b:s4+s23], $0x40, s31, s23, $0xb8;
	[tilespmem:$0x1E6E0] =	vst v63  }
0x59: {  	_ =	swait.ge [sflag:s12], $0x3200  }
0x5a: {  	[sflag:s12] =	ssyncset.done $0x0  }
0x5b: {  	s14 =	simm.s32 $0x578;
	[sflag:s12] =	ssyncadd.s32 $0xFFFFCE00  }
0x5c: {  	[tilespmem:s28], [sflag:$0x3] =	stream.indirect.gather [hbm4b:s4+s23], $0x40, s14, s23, $0xb8;
	[tilespmem:$0x1E6E0] =	vst v63  }
0x5d: {  	_ =	swait.ge [sflag:s13], $0x3200  }
0x5e: {  	[sflag:s13] =	ssyncset.done $0x0  }
0x5f: {  	s31 =	simm.s32 $0x640;
	[sflag:s13] =	ssyncadd.s32 $0xFFFFCE00  }
0x60: {  	[tilespmem:s30], [sflag:$0x4] =	stream.indirect.gather [hbm4b:s4+s23], $0x40, s31, s23, $0xb8;
	[tilespmem:$0x1E6E0] =	vst v63  }
0x61: {  	_ =	swait.ge [sflag:s20], $0x3200  }
0x62: {  	[sflag:s20] =	ssyncset.done $0x0  }
0x63: {  	s29 =	simm.s32 $0x708;
	s19 =	simm.s32 $0xFA0;
	[sflag:s20] =	ssyncadd.s32 $0xFFFFCE00  }
.LBB2_2:
0x64: {  	[tilespmem:s0], [sflag:$0x5] =	stream.indirect.gather [hbm4b:s4+s23], $0x40, s29, s23, $0xb8;
	[tilespmem:$0x1E6E0] =	vst v63  }
0x65: {  	s29 =	smov.u32 s19  }
0x66: {  	p0 =	sne.s32 s19, $0x7D00;
	s19 =	sadd.s32 $0xFA0, s19;
	_ =	swait.ge [sflag:s7], $0x3200  }
0x67: {  	s29 =	sshra.s32 s29, $0x2;
	[sflag:s7] =	ssyncset.done $0x0  }
0x68: {  	s31 =	sadd.s32 $0x2710, s29;
	[sflag:s7] =	ssyncadd.s32 $0xFFFFCE00  }
0x69: {  	[spmem:s2] =	stream.indirect.scatter.add.f32 [tilespmem:s24], [sflag:$0x6], $0x40, s31, s23, $0xb8;
	[tilespmem:$0x1E6E0] =	vst v63  }
0x6a: {  	_ =	swait.ge [sflag:s8], $0x3200  }
0x6b: {  	[sflag:s8] =	ssyncset.done $0x0  }
0x6c: {  	s31 =	sadd.s32 $0x27D8, s29;
	[sflag:s8] =	ssyncadd.s32 $0xFFFFCE00  }
0x6d: {  	[spmem:s2] =	stream.indirect.scatter.add.f32 [tilespmem:s25], [sflag:$0x7], $0x40, s31, s23, $0xb8;
	[tilespmem:$0x1E6E0] =	vst v63  }
0x6e: {  	_ =	swait.ge [sflag:s9], $0x3200  }
0x6f: {  	[sflag:s9] =	ssyncset.done $0x0  }
0x70: {  	s31 =	sadd.s32 $0x28A0, s29;
	[sflag:s9] =	ssyncadd.s32 $0xFFFFCE00  }
0x71: {  	[spmem:s2] =	stream.indirect.scatter.add.f32 [tilespmem:s28], [sflag:$0x8], $0x40, s31, s23, $0xb8;
	[tilespmem:$0x1E6E0] =	vst v63  }
0x72: {  	_ =	swait.ge [sflag:s10], $0x3200  }
0x73: {  	[sflag:s10] =	ssyncset.done $0x0  }
0x74: {  	s31 =	sadd.s32 $0x2968, s29;
	[sflag:s10] =	ssyncadd.s32 $0xFFFFCE00  }
0x75: {  	[spmem:s2] =	stream.indirect.scatter.add.f32 [tilespmem:s30], [sflag:$0x9], $0x40, s31, s23, $0xb8;
	[tilespmem:$0x1E6E0] =	vst v63  }
0x76: {  	_ =	swait.ge [sflag:s11], $0x3200  }
0x77: {  	[sflag:s11] =	ssyncset.done $0x0  }
0x78: {  	s31 =	sadd.s32 $0x2A30, s29;
	[sflag:s11] =	ssyncadd.s32 $0xFFFFCE00  }
0x79: {  	[spmem:s2] =	stream.indirect.scatter.add.f32 [tilespmem:s0], [sflag:$0xA], $0x40, s31, s23, $0xb8;
	[tilespmem:$0x1E6E0] =	vst v63  }
0x7a: {  	_ =	swait.ge [sflag:s1], $0x3200  }
0x7b: {  	[sflag:s1] =	ssyncset.done $0x0  }
0x7c: {  	s31 =	sadd.s32 $0x3E8, s29;
	[sflag:s1] =	ssyncadd.s32 $0xFFFFCE00  }
0x7d: {  	[tilespmem:s24], [sflag:$0x1] =	stream.indirect.gather [hbm4b:s4+s23], $0x40, s31, s23, $0xb8;
	[tilespmem:$0x1E6E0] =	vst v63  }
0x7e: {  	_ =	swait.ge [sflag:s6], $0x3200  }
0x7f: {  	[sflag:s6] =	ssyncset.done $0x0  }
0x80: {  	s31 =	sadd.s32 $0x4B0, s29;
	[sflag:s6] =	ssyncadd.s32 $0xFFFFCE00  }
0x81: {  	[tilespmem:s25], [sflag:$0x2] =	stream.indirect.gather [hbm4b:s4+s23], $0x40, s31, s23, $0xb8;
	[tilespmem:$0x1E6E0] =	vst v63  }
0x82: {  	_ =	swait.ge [sflag:s12], $0x3200  }
0x83: {  	[sflag:s12] =	ssyncset.done $0x0  }
0x84: {  	s31 =	sadd.s32 $0x578, s29;
	[sflag:s12] =	ssyncadd.s32 $0xFFFFCE00  }
0x85: {  	[tilespmem:s28], [sflag:$0x3] =	stream.indirect.gather [hbm4b:s4+s23], $0x40, s31, s23, $0xb8;
	[tilespmem:$0x1E6E0] =	vst v63  }
0x86: {  	_ =	swait.ge [sflag:s13], $0x3200  }
0x87: {  	[sflag:s13] =	ssyncset.done $0x0  }
.Ltmp0:
0x88: {  	s31 =	sadd.s32 $0x640, s29;
	[sflag:s13] =	ssyncadd.s32 $0xFFFFCE00;
	(pc) =	sbr.rel @p0 .LBB2_2-.Ltmp0, $4  }
0x89: {  	[tilespmem:s30], [sflag:$0x4] =	stream.indirect.gather [hbm4b:s4+s23], $0x40, s31, s23, $0xb8;
	[tilespmem:$0x1E6E0] =	vst v63  }
0x8a: {  	_ =	swait.ge [sflag:s20], $0x3200  }
0x8b: {  	[sflag:s20] =	ssyncset.done $0x0  }
0x8c: {  	s29 =	sadd.s32 $0x708, s29;
	[sflag:s20] =	ssyncadd.s32 $0xFFFFCE00  }
0x8d: {  	[tilespmem:s0], [sflag:$0x5] =	stream.indirect.gather [hbm4b:s4+s23], $0x40, s29, s23, $0xb8;
	[tilespmem:$0x1E6E0] =	vst v63  }
0x8e: {  	_ =	swait.ge [sflag:s7], $0x3200  }
0x8f: {  	[sflag:s7] =	ssyncset.done $0x0  }
0x90: {  	s14 =	simm.s32 $0x4A38;
	[sflag:s7] =	ssyncadd.s32 $0xFFFFCE00  }
0x91: {  	[spmem:s2] =	stream.indirect.scatter.add.f32 [tilespmem:s24], [sflag:$0x6], $0x40, s14, s23, $0xb8;
	[tilespmem:$0x1E6E0] =	vst v63  }
0x92: {  	_ =	swait.ge [sflag:s8], $0x3200  }
0x93: {  	[sflag:s8] =	ssyncset.done $0x0  }
0x94: {  	[sflag:s8] =	ssyncadd.s32 $0xFFFFCE00  }
0x95: {  	[spmem:s2] =	stream.indirect.scatter.add.f32 [tilespmem:s25], [sflag:$0x7], $0x40, s22, s23, $0xb8;
	[tilespmem:$0x1E6E0] =	vst v63  }
0x96: {  	_ =	swait.ge [sflag:s9], $0x3200  }
0x97: {  	[sflag:s9] =	ssyncset.done $0x0  }
0x98: {  	[sflag:s9] =	ssyncadd.s32 $0xFFFFCE00  }
0x99: {  	[spmem:s2] =	stream.indirect.scatter.add.f32 [tilespmem:s28], [sflag:$0x8], $0x40, s15, s23, $0xb8;
	[tilespmem:$0x1E6E0] =	vst v63  }
0x9a: {  	_ =	swait.ge [sflag:s10], $0x3200  }
0x9b: {  	[sflag:s10] =	ssyncset.done $0x0  }
0x9c: {  	[sflag:s10] =	ssyncadd.s32 $0xFFFFCE00  }
0x9d: {  	[spmem:s2] =	stream.indirect.scatter.add.f32 [tilespmem:s30], [sflag:$0x9], $0x40, s16, s23, $0xb8;
	[tilespmem:$0x1E6E0] =	vst v63  }
0x9e: {  	_ =	swait.ge [sflag:s11], $0x3200  }
0x9f: {  	[sflag:s11] =	ssyncset.done $0x0  }
0xa0: {  	[sflag:s11] =	ssyncadd.s32 $0xFFFFCE00  }
0xa1: {  	[spmem:s2] =	stream.indirect.scatter.add.f32 [tilespmem:s0], [sflag:$0xA], $0x40, s17, s23, $0xb8;
	[tilespmem:$0x1E6E0] =	vst v63  }
0xa2: {  	_ =	swait.ge [sflag:s1], $0x3200  }
0xa3: {  	[sflag:s1] =	ssyncset.done $0x0  }
0xa4: {  	[sflag:s1] =	ssyncadd.s32 $0xFFFFCE00  }
0xa5: {  	_ =	swait.ge [sflag:s6], $0x3200  }
0xa6: {  	[sflag:s6] =	ssyncset.done $0x0  }
0xa7: {  	[sflag:s6] =	ssyncadd.s32 $0xFFFFCE00  }
0xa8: {  	_ =	swait.ge [sflag:s12], $0x3200  }
0xa9: {  	[sflag:s12] =	ssyncset.done $0x0  }
0xaa: {  	[sflag:s12] =	ssyncadd.s32 $0xFFFFCE00  }
0xab: {  	_ =	swait.ge [sflag:s13], $0x3200  }
0xac: {  	[sflag:s13] =	ssyncset.done $0x0  }
0xad: {  	[sflag:s13] =	ssyncadd.s32 $0xFFFFCE00  }
0xae: {  	_ =	swait.ge [sflag:s20], $0x3200  }
0xaf: {  	[sflag:s20] =	ssyncset.done $0x0  }
0xb0: {  	s19 =	simm.s32 $0x0;
	s29 =	rddreg [dreg:$0x9];
	[sflag:s20] =	ssyncadd.s32 $0xFFFFCE00  }
0xb1: {  	[tilespmem:s19], [sflag:$0xB] =	stream.linear.gather [hbm4b:s29+s19], $0x2710, $0x38;
	[tilespmem:$0x1E6E0] =	vst v63  }
0xb2: {  	_ =	swait.ge [sflag:s21], $0x2710  }
0xb3: {  	[sflag:s21] =	ssyncset.done $0x0  }
0xb4: {  	s31 =	simm.s32 $0x2710;
	s29 =	rddreg [dreg:$0xa];
	[sflag:s21] =	ssyncadd.s32 $0xFFFFD8F0  }
0xb5: {  	[tilespmem:s31], [sflag:$0xB] =	stream.linear.gather [hbm4b:s29+s19], $0x2710, $0x38;
	[tilespmem:$0x1E6E0] =	vst v63  }
0xb6: {  	_ =	swait.ge [sflag:s21], $0x2710  }
0xb7: {  	[sflag:s21] =	ssyncset.done $0x0  }
0xb8: {  	[sflag:s21] =	ssyncadd.s32 $0xFFFFD8F0  }
0xb9: {  	[tilespmem:s24], [sflag:$0x1] =	stream.indirect.gather [hbm4b:s4+s23], $0x40, s19, s23, $0xb8;
	[tilespmem:$0x1E6E0] =	vst v63  }
0xba: {  	_ = 	snop  }
0xbb: {  	[tilespmem:s25], [sflag:$0x2] =	stream.indirect.gather [hbm4b:s4+s23], $0x40, s23, s23, $0xb8;
	[tilespmem:$0x1E6E0] =	vst v63  }
0xbc: {  	s19 =	simm.s32 $0x190  }
0xbd: {  	[tilespmem:s28], [sflag:$0x3] =	stream.indirect.gather [hbm4b:s4+s23], $0x40, s19, s23, $0xb8;
	[tilespmem:$0x1E6E0] =	vst v63  }
0xbe: {  	s31 =	simm.s32 $0x258  }
0xbf: {  	[tilespmem:s30], [sflag:$0x4] =	stream.indirect.gather [hbm4b:s4+s23], $0x40, s31, s23, $0xb8;
	[tilespmem:$0x1E6E0] =	vst v63  }
0xc0: {  	s19 =	simm.s32 $0x320  }
0xc1: {  	[tilespmem:s0], [sflag:$0x5] =	stream.indirect.gather [hbm4b:s4+s23], $0x40, s19, s23, $0xb8;
	[tilespmem:$0x1E6E0] =	vst v63  }
0xc2: {  	_ =	swait.ge [sflag:s7], $0x3200  }
0xc3: {  	[sflag:s7] =	ssyncset.done $0x0  }
0xc4: {  	s31 =	simm.s32 $0x2710;
	[sflag:s7] =	ssyncadd.s32 $0xFFFFCE00  }
0xc5: {  	[spmem:s2] =	stream.indirect.scatter.add.f32 [tilespmem:s24], [sflag:$0x6], $0x40, s31, s23, $0xb8;
	[tilespmem:$0x1E6E0] =	vst v63  }
0xc6: {  	_ =	swait.ge [sflag:s8], $0x3200  }
0xc7: {  	[sflag:s8] =	ssyncset.done $0x0  }
0xc8: {  	s14 =	simm.s32 $0x27D8;
	[sflag:s8] =	ssyncadd.s32 $0xFFFFCE00  }
0xc9: {  	[spmem:s2] =	stream.indirect.scatter.add.f32 [tilespmem:s25], [sflag:$0x7], $0x40, s14, s23, $0xb8;
	[tilespmem:$0x1E6E0] =	vst v63  }
0xca: {  	_ =	swait.ge [sflag:s9], $0x3200  }
0xcb: {  	[sflag:s9] =	ssyncset.done $0x0  }
0xcc: {  	s31 =	simm.s32 $0x28A0;
	[sflag:s9] =	ssyncadd.s32 $0xFFFFCE00  }
0xcd: {  	[spmem:s2] =	stream.indirect.scatter.add.f32 [tilespmem:s28], [sflag:$0x8], $0x40, s31, s23, $0xb8;
	[tilespmem:$0x1E6E0] =	vst v63  }
0xce: {  	_ =	swait.ge [sflag:s10], $0x3200  }
0xcf: {  	[sflag:s10] =	ssyncset.done $0x0  }
0xd0: {  	s14 =	simm.s32 $0x2968;
	[sflag:s10] =	ssyncadd.s32 $0xFFFFCE00  }
0xd1: {  	[spmem:s2] =	stream.indirect.scatter.add.f32 [tilespmem:s30], [sflag:$0x9], $0x40, s14, s23, $0xb8;
	[tilespmem:$0x1E6E0] =	vst v63  }
0xd2: {  	_ =	swait.ge [sflag:s11], $0x3200  }
0xd3: {  	[sflag:s11] =	ssyncset.done $0x0  }
0xd4: {  	s31 =	simm.s32 $0x2A30;
	[sflag:s11] =	ssyncadd.s32 $0xFFFFCE00  }
0xd5: {  	[spmem:s2] =	stream.indirect.scatter.add.f32 [tilespmem:s0], [sflag:$0xA], $0x40, s31, s23, $0xb8;
	[tilespmem:$0x1E6E0] =	vst v63  }
0xd6: {  	_ =	swait.ge [sflag:s1], $0x3200  }
0xd7: {  	[sflag:s1] =	ssyncset.done $0x0  }
0xd8: {  	s14 =	simm.s32 $0x3E8;
	[sflag:s1] =	ssyncadd.s32 $0xFFFFCE00  }
0xd9: {  	[tilespmem:s24], [sflag:$0x1] =	stream.indirect.gather [hbm4b:s4+s23], $0x40, s14, s23, $0xb8;
	[tilespmem:$0x1E6E0] =	vst v63  }
0xda: {  	_ =	swait.ge [sflag:s6], $0x3200  }
0xdb: {  	[sflag:s6] =	ssyncset.done $0x0  }
0xdc: {  	s31 =	simm.s32 $0x4B0;
	[sflag:s6] =	ssyncadd.s32 $0xFFFFCE00  }
0xdd: {  	[tilespmem:s25], [sflag:$0x2] =	stream.indirect.gather [hbm4b:s4+s23], $0x40, s31, s23, $0xb8;
	[tilespmem:$0x1E6E0] =	vst v63  }
0xde: {  	_ =	swait.ge [sflag:s12], $0x3200  }
0xdf: {  	[sflag:s12] =	ssyncset.done $0x0  }
0xe0: {  	s14 =	simm.s32 $0x578;
	[sflag:s12] =	ssyncadd.s32 $0xFFFFCE00  }
0xe1: {  	[tilespmem:s28], [sflag:$0x3] =	stream.indirect.gather [hbm4b:s4+s23], $0x40, s14, s23, $0xb8;
	[tilespmem:$0x1E6E0] =	vst v63  }
0xe2: {  	_ =	swait.ge [sflag:s13], $0x3200  }
0xe3: {  	[sflag:s13] =	ssyncset.done $0x0  }
0xe4: {  	s31 =	simm.s32 $0x640;
	[sflag:s13] =	ssyncadd.s32 $0xFFFFCE00  }
0xe5: {  	[tilespmem:s30], [sflag:$0x4] =	stream.indirect.gather [hbm4b:s4+s23], $0x40, s31, s23, $0xb8;
	[tilespmem:$0x1E6E0] =	vst v63  }
0xe6: {  	_ =	swait.ge [sflag:s20], $0x3200  }
0xe7: {  	[sflag:s20] =	ssyncset.done $0x0  }
0xe8: {  	s29 =	simm.s32 $0x708;
	s19 =	simm.s32 $0xFA0;
	[sflag:s20] =	ssyncadd.s32 $0xFFFFCE00  }
.LBB2_4:
0xe9: {  	[tilespmem:s0], [sflag:$0x5] =	stream.indirect.gather [hbm4b:s4+s23], $0x40, s29, s23, $0xb8;
	[tilespmem:$0x1E6E0] =	vst v63  }
0xea: {  	s29 =	smov.u32 s19  }
0xeb: {  	p0 =	sne.s32 s19, $0x7D00;
	s19 =	sadd.s32 $0xFA0, s19;
	_ =	swait.ge [sflag:s7], $0x3200  }
0xec: {  	s29 =	sshra.s32 s29, $0x2;
	[sflag:s7] =	ssyncset.done $0x0  }
0xed: {  	s31 =	sadd.s32 $0x2710, s29;
	[sflag:s7] =	ssyncadd.s32 $0xFFFFCE00  }
0xee: {  	[spmem:s2] =	stream.indirect.scatter.add.f32 [tilespmem:s24], [sflag:$0x6], $0x40, s31, s23, $0xb8;
	[tilespmem:$0x1E6E0] =	vst v63  }
0xef: {  	_ =	swait.ge [sflag:s8], $0x3200  }
0xf0: {  	[sflag:s8] =	ssyncset.done $0x0  }
0xf1: {  	s31 =	sadd.s32 $0x27D8, s29;
	[sflag:s8] =	ssyncadd.s32 $0xFFFFCE00  }
0xf2: {  	[spmem:s2] =	stream.indirect.scatter.add.f32 [tilespmem:s25], [sflag:$0x7], $0x40, s31, s23, $0xb8;
	[tilespmem:$0x1E6E0] =	vst v63  }
0xf3: {  	_ =	swait.ge [sflag:s9], $0x3200  }
0xf4: {  	[sflag:s9] =	ssyncset.done $0x0  }
0xf5: {  	s31 =	sadd.s32 $0x28A0, s29;
	[sflag:s9] =	ssyncadd.s32 $0xFFFFCE00  }
0xf6: {  	[spmem:s2] =	stream.indirect.scatter.add.f32 [tilespmem:s28], [sflag:$0x8], $0x40, s31, s23, $0xb8;
	[tilespmem:$0x1E6E0] =	vst v63  }
0xf7: {  	_ =	swait.ge [sflag:s10], $0x3200  }
0xf8: {  	[sflag:s10] =	ssyncset.done $0x0  }
0xf9: {  	s31 =	sadd.s32 $0x2968, s29;
	[sflag:s10] =	ssyncadd.s32 $0xFFFFCE00  }
0xfa: {  	[spmem:s2] =	stream.indirect.scatter.add.f32 [tilespmem:s30], [sflag:$0x9], $0x40, s31, s23, $0xb8;
	[tilespmem:$0x1E6E0] =	vst v63  }
0xfb: {  	_ =	swait.ge [sflag:s11], $0x3200  }
0xfc: {  	[sflag:s11] =	ssyncset.done $0x0  }
0xfd: {  	s31 =	sadd.s32 $0x2A30, s29;
	[sflag:s11] =	ssyncadd.s32 $0xFFFFCE00  }
0xfe: {  	[spmem:s2] =	stream.indirect.scatter.add.f32 [tilespmem:s0], [sflag:$0xA], $0x40, s31, s23, $0xb8;
	[tilespmem:$0x1E6E0] =	vst v63  }
0xff: {  	_ =	swait.ge [sflag:s1], $0x3200  }
0x100: {  	[sflag:s1] =	ssyncset.done $0x0  }
0x101: {  	s31 =	sadd.s32 $0x3E8, s29;
	[sflag:s1] =	ssyncadd.s32 $0xFFFFCE00  }
0x102: {  	[tilespmem:s24], [sflag:$0x1] =	stream.indirect.gather [hbm4b:s4+s23], $0x40, s31, s23, $0xb8;
	[tilespmem:$0x1E6E0] =	vst v63  }
0x103: {  	_ =	swait.ge [sflag:s6], $0x3200  }
0x104: {  	[sflag:s6] =	ssyncset.done $0x0  }
0x105: {  	s31 =	sadd.s32 $0x4B0, s29;
	[sflag:s6] =	ssyncadd.s32 $0xFFFFCE00  }
0x106: {  	[tilespmem:s25], [sflag:$0x2] =	stream.indirect.gather [hbm4b:s4+s23], $0x40, s31, s23, $0xb8;
	[tilespmem:$0x1E6E0] =	vst v63  }
0x107: {  	_ =	swait.ge [sflag:s12], $0x3200  }
0x108: {  	[sflag:s12] =	ssyncset.done $0x0  }
0x109: {  	s31 =	sadd.s32 $0x578, s29;
	[sflag:s12] =	ssyncadd.s32 $0xFFFFCE00  }
0x10a: {  	[tilespmem:s28], [sflag:$0x3] =	stream.indirect.gather [hbm4b:s4+s23], $0x40, s31, s23, $0xb8;
	[tilespmem:$0x1E6E0] =	vst v63  }
0x10b: {  	_ =	swait.ge [sflag:s13], $0x3200  }
0x10c: {  	[sflag:s13] =	ssyncset.done $0x0  }
.Ltmp1:
0x10d: {  	s31 =	sadd.s32 $0x640, s29;
	[sflag:s13] =	ssyncadd.s32 $0xFFFFCE00;
	(pc) =	sbr.rel @p0 .LBB2_4-.Ltmp1, $4  }
0x10e: {  	[tilespmem:s30], [sflag:$0x4] =	stream.indirect.gather [hbm4b:s4+s23], $0x40, s31, s23, $0xb8;
	[tilespmem:$0x1E6E0] =	vst v63  }
0x10f: {  	_ =	swait.ge [sflag:s20], $0x3200  }
0x110: {  	[sflag:s20] =	ssyncset.done $0x0  }
0x111: {  	s29 =	sadd.s32 $0x708, s29;
	[sflag:s20] =	ssyncadd.s32 $0xFFFFCE00  }
0x112: {  	[tilespmem:s0], [sflag:$0x5] =	stream.indirect.gather [hbm4b:s4+s23], $0x40, s29, s23, $0xb8;
	[tilespmem:$0x1E6E0] =	vst v63  }
0x113: {  	_ =	swait.ge [sflag:s7], $0x3200  }
0x114: {  	[sflag:s7] =	ssyncset.done $0x0  }
0x115: {  	s14 =	simm.s32 $0x4A38;
	[sflag:s7] =	ssyncadd.s32 $0xFFFFCE00  }
0x116: {  	[spmem:s2] =	stream.indirect.scatter.add.f32 [tilespmem:s24], [sflag:$0x6], $0x40, s14, s23, $0xb8;
	[tilespmem:$0x1E6E0] =	vst v63  }
0x117: {  	_ =	swait.ge [sflag:s8], $0x3200  }
0x118: {  	[sflag:s8] =	ssyncset.done $0x0  }
0x119: {  	[sflag:s8] =	ssyncadd.s32 $0xFFFFCE00  }
0x11a: {  	[spmem:s2] =	stream.indirect.scatter.add.f32 [tilespmem:s25], [sflag:$0x7], $0x40, s22, s23, $0xb8;
	[tilespmem:$0x1E6E0] =	vst v63  }
0x11b: {  	_ =	swait.ge [sflag:s9], $0x3200  }
0x11c: {  	[sflag:s9] =	ssyncset.done $0x0  }
0x11d: {  	[sflag:s9] =	ssyncadd.s32 $0xFFFFCE00  }
0x11e: {  	[spmem:s2] =	stream.indirect.scatter.add.f32 [tilespmem:s28], [sflag:$0x8], $0x40, s15, s23, $0xb8;
	[tilespmem:$0x1E6E0] =	vst v63  }
0x11f: {  	_ =	swait.ge [sflag:s10], $0x3200  }
0x120: {  	[sflag:s10] =	ssyncset.done $0x0  }
0x121: {  	[sflag:s10] =	ssyncadd.s32 $0xFFFFCE00  }
0x122: {  	[spmem:s2] =	stream.indirect.scatter.add.f32 [tilespmem:s30], [sflag:$0x9], $0x40, s16, s23, $0xb8;
	[tilespmem:$0x1E6E0] =	vst v63  }
0x123: {  	_ =	swait.ge [sflag:s11], $0x3200  }
0x124: {  	[sflag:s11] =	ssyncset.done $0x0  }
0x125: {  	[sflag:s11] =	ssyncadd.s32 $0xFFFFCE00  }
0x126: {  	[spmem:s2] =	stream.indirect.scatter.add.f32 [tilespmem:s0], [sflag:$0xA], $0x40, s17, s23, $0xb8;
	[tilespmem:$0x1E6E0] =	vst v63  }
0x127: {  	_ =	swait.ge [sflag:s1], $0x3200  }
0x128: {  	[sflag:s1] =	ssyncset.done $0x0  }
0x129: {  	[sflag:s1] =	ssyncadd.s32 $0xFFFFCE00  }
0x12a: {  	_ =	swait.ge [sflag:s6], $0x3200  }
0x12b: {  	[sflag:s6] =	ssyncset.done $0x0  }
0x12c: {  	[sflag:s6] =	ssyncadd.s32 $0xFFFFCE00  }
0x12d: {  	_ =	swait.ge [sflag:s12], $0x3200  }
0x12e: {  	[sflag:s12] =	ssyncset.done $0x0  }
0x12f: {  	[sflag:s12] =	ssyncadd.s32 $0xFFFFCE00  }
0x130: {  	_ =	swait.ge [sflag:s13], $0x3200  }
0x131: {  	[sflag:s13] =	ssyncset.done $0x0  }
0x132: {  	[sflag:s13] =	ssyncadd.s32 $0xFFFFCE00  }
0x133: {  	_ =	swait.ge [sflag:s20], $0x3200  }
0x134: {  	[sflag:s20] =	ssyncset.done $0x0  }
0x135: {  	[sflag:s20] =	ssyncadd.s32 $0xFFFFCE00  }
0x136: {  	[bflag:$0x0] =	sbarrier.arrive $0xFFFF  }
0x137: {  	s19 =	rddreg [dreg:$0x3]  }
0x138: {  	[tilespmem:s24], [sflag:$0x1] =	stream.linear.gather [spmem:s19], $0x1F40, $0x38;
	[tilespmem:$0x1E6E0] =	vst v63  }
0x139: {  	s14 =	rddreg [dreg:$0xb]  }
0x13a: {  	[tilespmem:s25], [sflag:$0x2] =	stream.linear.gather [spmem:s14], $0x1F40, $0x38;
	[tilespmem:$0x1E6E0] =	vst v63  }
0x13b: {  	s29 =	rddreg [dreg:$0xc]  }
0x13c: {  	[tilespmem:s28], [sflag:$0x3] =	stream.linear.gather [spmem:s29], $0x1F40, $0x38;
	[tilespmem:$0x1E6E0] =	vst v63  }
0x13d: {  	s31 =	rddreg [dreg:$0xd]  }
0x13e: {  	[tilespmem:s30], [sflag:$0x4] =	stream.linear.gather [spmem:s31], $0x1F40, $0x38;
	[tilespmem:$0x1E6E0] =	vst v63  }
0x13f: {  	s14 =	rddreg [dreg:$0xe]  }
0x140: {  	[tilespmem:s0], [sflag:$0x5] =	stream.linear.gather [spmem:s14], $0x1F40, $0x38;
	[tilespmem:$0x1E6E0] =	vst v63  }
0x141: {  	_ =	swait.ge [sflag:s7], $0x1F40  }
0x142: {  	[sflag:s7] =	ssyncset.done $0x0  }
0x143: {  	s19 =	simm.s32 $0x14820;
	[sflag:s7] =	ssyncadd.s32 $0xFFFFE0C0  }
0x144: {  	[hbm4b:s5+s18] =	stream.indirect.scatter [tilespmem:s24], [sflag:$0x6], $0x40, s19, s18, $0xb8;
	[tilespmem:$0x1E6E0] =	vst v63  }
0x145: {  	_ =	swait.ge [sflag:s8], $0x1F40  }
0x146: {  	[sflag:s8] =	ssyncset.done $0x0  }
0x147: {  	s29 =	simm.s32 $0x148A0;
	[sflag:s8] =	ssyncadd.s32 $0xFFFFE0C0  }
0x148: {  	[hbm4b:s5+s18] =	stream.indirect.scatter [tilespmem:s25], [sflag:$0x7], $0x40, s29, s18, $0xb8;
	[tilespmem:$0x1E6E0] =	vst v63  }
0x149: {  	_ =	swait.ge [sflag:s9], $0x1F40  }
0x14a: {  	[sflag:s9] =	ssyncset.done $0x0  }
0x14b: {  	s31 =	simm.s32 $0x14920;
	[sflag:s9] =	ssyncadd.s32 $0xFFFFE0C0  }
0x14c: {  	[hbm4b:s5+s18] =	stream.indirect.scatter [tilespmem:s28], [sflag:$0x8], $0x40, s31, s18, $0xb8;
	[tilespmem:$0x1E6E0] =	vst v63  }
0x14d: {  	_ =	swait.ge [sflag:s10], $0x1F40  }
0x14e: {  	[sflag:s10] =	ssyncset.done $0x0  }
0x14f: {  	s19 =	simm.s32 $0x149A0;
	[sflag:s10] =	ssyncadd.s32 $0xFFFFE0C0  }
0x150: {  	[hbm4b:s5+s18] =	stream.indirect.scatter [tilespmem:s30], [sflag:$0x9], $0x40, s19, s18, $0xb8;
	[tilespmem:$0x1E6E0] =	vst v63  }
0x151: {  	_ =	swait.ge [sflag:s11], $0x1F40  }
0x152: {  	[sflag:s11] =	ssyncset.done $0x0  }
0x153: {  	s29 =	simm.s32 $0x14A20;
	[sflag:s11] =	ssyncadd.s32 $0xFFFFE0C0  }
0x154: {  	[hbm4b:s5+s18] =	stream.indirect.scatter [tilespmem:s0], [sflag:$0xA], $0x40, s29, s18, $0xb8;
	[tilespmem:$0x1E6E0] =	vst v63  }
0x155: {  	_ =	swait.ge [sflag:s1], $0x1F40  }
0x156: {  	[sflag:s1] =	ssyncset.done $0x0  }
0x157: {  	[sflag:s1] =	ssyncadd.s32 $0xFFFFE0C0  }
0x158: {  	_ =	swait.ge [sflag:s6], $0x1F40  }
0x159: {  	[sflag:s6] =	ssyncset.done $0x0  }
0x15a: {  	[sflag:s6] =	ssyncadd.s32 $0xFFFFE0C0  }
0x15b: {  	_ =	swait.ge [sflag:s12], $0x1F40  }
0x15c: {  	[sflag:s12] =	ssyncset.done $0x0  }
0x15d: {  	[sflag:s12] =	ssyncadd.s32 $0xFFFFE0C0  }
0x15e: {  	_ =	swait.ge [sflag:s13], $0x1F40  }
0x15f: {  	[sflag:s13] =	ssyncset.done $0x0  }
0x160: {  	[sflag:s13] =	ssyncadd.s32 $0xFFFFE0C0  }
0x161: {  	_ =	swait.ge [sflag:s20], $0x1F40  }
0x162: {  	s26 =	sadd.s32 $0x1, s26;
	s31 =	rddreg [dreg:$0xf]  }
0x163: {  	p0 =	sne.s32 s26, s31  }
.Ltmp2:
0x164: {  	_ = 	snop;
	(pc) =	sbr.rel @p0 .LBB2_1-.Ltmp2, $3  }
0x165: {  	_ =	sdelay $0x1  }
0x166: {  	[sflag:s20] =	ssyncset.done $0x0  }
0x167: {  	[sflag:s20] =	ssyncadd.s32 $0xFFFFE0C0  }
0x168: {  	_ =	sfence.sel $0x180000  }
0x169: {  	[bflag:$0x0] =	sbarrier.arrive $0xFFFF  }
0x16a: {  	_ =	strace $0x9000004D  }
0x16b: {  	s0 =	stileid.u32;
	[bflag:$0x2] =	sbarrier.arrive $0xFFFF  }
0x16c: {  	p0 =	sne.s32 s0, $0x0;
	s0 =	rddreg [dreg:$0x2]  }
0x16d: {  	s0 =	sadd.s32 @!p0 $0x100000, s0  }
0x16e: {  	[sflag:s0] =	ssyncadd.tile.s32 @!p0 $0x1;
	_ =	shalt  }
.Lfunc_end2:
_tile_overlayer_lowered:
.L_overlay_start_2:
0x16f: {  	(tag) =	ssettag $0x2  }
0x170: {  	s0 =	rddreg [dreg:$0x0];
	s2 =	stileid.u32  }
0x171: {  	s1 =	rddreg [dreg:$0x1];
	p0 =	sne.s32 s2, $0x0  }
0x172: {  	s3 =	rddreg [dreg:$0x2];
	[bflag:$0x3] =	sbarrier.arrive $0xFFFF;
	s2 =	simm.s32 @!p0 $0x1C0B  }
0x173: {  	[timem:s3], [sflag:s2] =	dma.local @!p0 [hbm:s0], s1  }
0x174: {  	s0 =	simm.s32 @!p0 $0xB  }
0x175: {  	_ =	swait.ge @!p0 [sflag:s0], s1  }
0x176: {  	s1 =	ssub.s32 @!p0 $0x0, s1;
	[sflag:s0] =	ssyncset.done @!p0 $0x0  }
0x177: {  	[sflag:s0] =	ssyncadd.s32 @!p0 s1  }
0x178: {  	[bflag:$0x3] =	sbarrier.arrive $0xFFFF  }
0x179: {  	_ =	shalt  }

// kernel: kernel.8.cloned.1.call-start
scs
__scs_entry_jumppad:
0x0: {  	(pc) =	sbr.rel $0x88, $3  }
0x1: {  	(tag) =	ssettag $0x0;
	lr =	simm.s32 $0x1  }
0x2: {  	[smem:$0x3F9A] =	sst lr;
	_ =	strace $0xD0000000  }
0x3: {  	_ = 	snop  }
0x4: {  	_ = 	snop  }
0x5: {  	_ = 	snop  }
0x6: {  	_ = 	snop  }
0x7: {  	_ = 	snop  }
__scs_overlays_trampoline_lowered:
0x8: {  	[smem:$0x3FA9] =	sst s0  }
0x9: {  	[smem:$0x3FAA] =	sst s1  }
0xa: {  	[smem:$0x3FAB] =	sst s2  }
0xb: {  	[smem:$0x3FAC] =	sst s3  }
0xc: {  	[smem:$0x3FAD] =	sst s4  }
0xd: {  	[smem:$0x3FAE] =	sst s5  }
0xe: {  	[smem:$0x3FAF] =	sst s6  }
0xf: {  	[smem:$0x3FB0] =	sst s7  }
0x10: {  	[smem:$0x3FB1] =	sst s8  }
0x11: {  	[smem:$0x3FB2] =	sst s9;
	s0 =	simm.s32 @!p0 $0x0  }
0x12: {  	s1 =	sld [smem:$0x3F98];
	s0 =	simm.s32 @p0 $0x1  }
0x13: {  	[smem:$0x3FB3] =	sst s0;
	s0 =	simm.s32 @!p1 $0x0  }
0x14: {  	s2 =	sld [smem:$0x3F97];
	s0 =	simm.s32 @p1 $0x1  }
0x15: {  	[smem:$0x3FB4] =	sst s0;
	s0 =	simm.s32 @!p2 $0x0  }
0x16: {  	s3 =	sld [smem:$0x3FDB];
	s0 =	simm.s32 @p2 $0x1  }
0x17: {  	s4 =	simm.s32 $0x1BF5;
	[smem:$0x3FB6] =	sst s0  }
0x18: {  	s0 =	sld [smem:$0x3F99];
	_ =	swait.ge [sflag:s4], $0x0  }
0x19: {  	s7 =	sld [smem:$0x3F9A]  }
0x1a: {  	s8 =	sadd.s32 $0xFFFFE003, lr  }
0x1b: {  	s9 =	sadd.s32 $0xFFFFFEF7, lr;
	s5 =	simm.s32 $0xFFFFFFFF;
	p2 =	slt.u32 s8, $0xFFFFF086  }
0x1c: {  	p1 =	slt.u32 s9, $0xF7A;
	s5 =	simm.s32 @!p2 $0x0  }
0x1d: {  	s5 =	simm.s32 @p1 $0x1;
	p0 =	seq.s32 s7, s2  }
0x1e: {  	s7 =	smul.u32 @!p0 $0xF7A, s2;
	p2 =	seq.s32 @!p0 s5, $0x0  }
0x1f: {  	s9 =	smul.u32 $0xF7A, s1;
	s8 =	simm.s32 @!p0 $0x1BF5;
	p2 =	por !p2, p0  }
0x20: {  	[sflag:s8] =	ssyncset.s32 @!p0 $0xFFFFF086;
	s6 =	sadd.s32 @!p0 s3, s7;
	s7 =	simm.s32 @!p0 $0x108  }
0x21: {  	s3 =	sadd.s32 s3, s9;
	s6 =	sadd.s32 @!p0 $0x88, s6;
	s7 =	simm.s32 @p2 $0x1082  }
0x22: {  	[simem:s7], [sflag:s8] =	dma.local @!p0 [hbm:s6], $0xF7A  }
0x23: {  	s9 =	sor.u32 $0xD0000000, s2;
	s6 =	simm.s32 $0x108;
	_ =	swait.ge @!p0 [sflag:s8], $0x0  }
0x24: {  	s3 =	sadd.s32 $0x88, s3;
	s6 =	simm.s32 @!p1 $0x1082;
	[sflag:s4] =	ssyncset.s32 $0xFFFFF086  }
0x25: {  	[simem:s6], [sflag:s4] =	dma.local [hbm:s3], $0xF7A  }
0x26: {  	[smem:$0x3F9A] =	sst s1;
	(tag) =	ssettag s2;
	_ =	strace s9  }
0x27: {  	s1 =	sld [smem:$0x3FAA]  }
0x28: {  	s2 =	sld [smem:$0x3FAB]  }
0x29: {  	s4 =	sld [smem:$0x3FAD]  }
0x2a: {  	p0 =	seq.s32 s5, $0x0;
	s5 =	sld [smem:$0x3FAE]  }
0x2b: {  	s6 =	sld [smem:$0x3FAF]  }
0x2c: {  	s7 =	sld [smem:$0x3FB0]  }
0x2d: {  	s3 =	simm.s32 $0x108;
	s8 =	sld [smem:$0x3FB1]  }
0x2e: {  	s3 =	simm.s32 @!p0 $0x1082;
	s9 =	sld [smem:$0x3FB2]  }
0x2f: {  	lr =	sadd.s32 s0, s3;
	s0 =	sld [smem:$0x3FA9]  }
0x30: {  	s3 =	sld [smem:$0x3FAC]  }
0x31: {  	[smem:$0x3FB5] =	sst s10  }
0x32: {  	s10 =	sld [smem:$0x3FB3];
	_ =	sdelay $0x3  }
0x33: {  	p0 =	seq.s32 s10, $0x1;
	s10 =	sld [smem:$0x3FB5];
	_ =	sdelay $0x3  }
0x34: {  	[smem:$0x3FB5] =	sst s10  }
0x35: {  	s10 =	sld [smem:$0x3FB4];
	_ =	sdelay $0x3  }
0x36: {  	p1 =	seq.s32 s10, $0x1;
	s10 =	sld [smem:$0x3FB5];
	_ =	sdelay $0x3  }
0x37: {  	[smem:$0x3FB5] =	sst s10  }
0x38: {  	s10 =	sld [smem:$0x3FB6]  }
0x39: {  	_ = 	snop;
	(pc) =	sbr.ind lr, $3  }
0x3a: {  	_ = 	snop  }
0x3b: {  	_ = 	snop  }
0x3c: {  	p2 =	seq.s32 s10, $0x1;
	s10 =	sld [smem:$0x3FB5]  }
0x3d: {  	_ =	shalt  }
0x3e: {  	_ =	shalt  }
0x3f: {  	_ =	shalt  }
0x40: {  	_ =	shalt  }
0x41: {  	_ =	shalt  }
0x42: {  	_ =	shalt  }
0x43: {  	_ =	shalt  }
0x44: {  	_ =	shalt  }
0x45: {  	_ =	shalt  }
0x46: {  	_ =	shalt  }
0x47: {  	_ =	shalt  }
0x48: {  	_ =	shalt  }
0x49: {  	_ =	shalt  }
0x4a: {  	_ =	shalt  }
0x4b: {  	_ =	shalt  }
0x4c: {  	_ =	shalt  }
0x4d: {  	_ =	shalt  }
0x4e: {  	_ =	shalt  }
0x4f: {  	_ =	shalt  }
0x50: {  	_ =	shalt  }
0x51: {  	_ =	shalt  }
0x52: {  	_ =	shalt  }
0x53: {  	_ =	shalt  }
0x54: {  	_ =	shalt  }
0x55: {  	_ =	shalt  }
0x56: {  	_ =	shalt  }
0x57: {  	_ =	shalt  }
0x58: {  	_ =	shalt  }
0x59: {  	_ =	shalt  }
0x5a: {  	_ =	shalt  }
0x5b: {  	_ =	shalt  }
0x5c: {  	_ =	shalt  }
0x5d: {  	_ =	shalt  }
0x5e: {  	_ =	shalt  }
0x5f: {  	_ =	shalt  }
0x60: {  	_ =	shalt  }
0x61: {  	_ =	shalt  }
0x62: {  	_ =	shalt  }
0x63: {  	_ =	shalt  }
0x64: {  	_ =	shalt  }
0x65: {  	_ =	shalt  }
0x66: {  	_ =	shalt  }
0x67: {  	_ =	shalt  }
0x68: {  	_ =	shalt  }
0x69: {  	_ =	shalt  }
0x6a: {  	_ =	shalt  }
0x6b: {  	_ =	shalt  }
0x6c: {  	_ =	shalt  }
0x6d: {  	_ =	shalt  }
0x6e: {  	_ =	shalt  }
0x6f: {  	_ =	shalt  }
0x70: {  	_ =	shalt  }
0x71: {  	_ =	shalt  }
0x72: {  	_ =	shalt  }
0x73: {  	_ =	shalt  }
0x74: {  	_ =	shalt  }
0x75: {  	_ =	shalt  }
0x76: {  	_ =	shalt  }
0x77: {  	_ =	shalt  }
0x78: {  	_ =	shalt  }
0x79: {  	_ =	shalt  }
0x7a: {  	_ =	shalt  }
0x7b: {  	_ =	shalt  }
0x7c: {  	_ =	shalt  }
0x7d: {  	_ =	shalt  }
0x7e: {  	_ =	shalt  }
0x7f: {  	_ =	shalt  }
0x80: {  	_ =	shalt  }
0x81: {  	_ =	shalt  }
0x82: {  	_ =	shalt  }
0x83: {  	_ =	shalt  }
0x84: {  	_ =	shalt  }
0x85: {  	_ =	shalt  }
0x86: {  	_ =	shalt  }
0x87: {  	_ =	shalt  }
.Lfunc_end0:
.L_simem_size_0:
called_computation_lowered:
.L_overlay_start_0:
0x88: {  	s2 =	sld [smem:$0x3FD9]  }
0x89: {  	s3 =	sld [smem:$0x3FFE];
	_ =	sdelay $0x1  }
0x8a: {  	s1 =	srdreg.scid  }
0x8b: {  	s0 =	sand.u32 $0x1, s1  }
0x8c: {  	s17 =	sshll.u32 s0, $0xA;
	s2 =	sadd.s32 s3, s2  }
0x8d: {  	s2 =	sadd.s32 s2, s17  }
0x8e: {  	[smem:$0x3FC1] =	sst s2  }
0x8f: {  	_ = 	snop  }
0x90: {  	s2 =	sld [smem:$0x3FD0];
	(tm) =	ssettm $0x1  }
0x91: {  	s18 =	sld [smem:$0x3FFB];
	_ =	sdelay $0x3  }
0x92: {  	_ =	strace s18  }
0x93: {  	s3 =	sld [smem:$0x3FFC];
	_ =	sdelay $0x3  }
0x94: {  	_ =	strace s3  }
0x95: {  	s3 =	sld [smem:$0x3FFD];
	_ =	sdelay $0x3  }
0x96: {  	_ =	strace s3  }
0x97: {  	_ =	strace $0x8FFFFFFF  }
0x98: {  	s19 =	sld [smem:$0x3FDB];
	_ =	sdelay $0x1  }
0x99: {  	s4 =	simm.s32 $_scs_section_size  }
0x9a: {  	s5 =	simm.s32 $_size__tile_overlayer_lowered;
	s6 =	simm.s32 $_tile_overlayer_lowered  }
0x9b: {  	s22 =	simm.s32 $0x1BFF;
	s21 =	sshll.u32 s6, $0x1;
	s3 =	sadd.s32 s4, s19  }
0x9c: {  	s7 =	simm.s32 $0x0;
	s20 =	sshll.u32 s5, $0x1;
	s5 =	sadd.s32 s21, s3  }
0x9d: {  	[timem:s7], [sflag:s22] =	dma.local [hbm:s5], s20  }
0x9e: {  	_ =	swait.ge [sflag:s22], s20  }
0x9f: {  	s4 =	ssub.s32 $0x0, s20;
	[sflag:s22] =	ssyncset.done $0x0  }
0xa0: {  	[sflag:s22] =	ssyncadd.s32 s4;
	_ =	sdelay $0x1  }
0xa1: {  	s23 =	simm.s32 $0x1B8B  }
0xa2: {  	_ =	swait.ge [sflag:s23], $0x1  }
0xa3: {  	[sflag:s23] =	ssyncset.done $0x0  }
0xa4: {  	s25 =	simm.s32 $0x1B8E;
	s24 =	sld [smem:$0x3FFE];
	[sflag:s23] =	ssyncadd.s32 $0xFFFFFFFF  }
0xa5: {  	s26 =	simm.s32 $execute0_lowered;
	[smem:$0x3FD2] =	sst s25  }
0xa6: {  	s5 =	sshll.u32 s26, $0x1;
	_ =	strace $0x80000046;
	[dreg:$0x1] =	wrdreg $0xFFFFFFFF  }
0xa7: {  	s28 =	simm.s32 $_size_execute0_lowered;
	s3 =	sadd.s32 s3, s5;
	[dreg:$0x0] =	wrdreg $0x0  }
0xa8: {  	s5 =	sshll.u32 s28, $0x1;
	[dreg:$0x2] =	wrdreg s3  }
0xa9: {  	[dreg:$0x3] =	wrdreg s5  }
0xaa: {  	[dreg:$0x4] =	wrdreg $0xC0  }
0xab: {  	_ =	task [dreg:s7], $0x5FFFF  }
0xac: {  	[dreg:$0x1] =	wrdreg $0xFFFFFFFF  }
0xad: {  	[dreg:$0x0] =	wrdreg $0x60  }
0xae: {  	[dreg:$0x2] =	wrdreg s24  }
0xaf: {  	[dreg:$0x3] =	wrdreg s2  }
0xb0: {  	[dreg:$0x4] =	wrdreg $0x33900  }
0xb1: {  	[dreg:$0x5] =	wrdreg $0x9  }
0xb2: {  	_ =	task.clear_ibuf [dreg:s7], $0x6FFFF;
	_ =	strace $0x90000046  }
0xb3: {  	s29 =	simm.s32 $0x9;
	_ =	strace $0x80000048  }
0xb4: {  	_ =	swait.ge [sflag:s29], $0x1  }
0xb5: {  	[sflag:s29] =	ssyncadd.s32 $0xFFFFFFFF  }
0xb6: {  	_ =	strace $0x90000048  }
0xb7: {  	_ =	sfence  }
0xb8: {  	s30 =	sld [smem:$0x0];
	_ =	sdelay $0x2  }
0xb9: {  	s31 =	sshll.u32 s1, $0xD;
	s1 =	sshrl.u32 s1, $0x2  }
0xba: {  	s3 =	sand.u32 $0x4000, s31;
	s1 =	sadd.s32 s1, s30  }
0xbb: {  	s0 =	sor.u32 s3, s0;
	s1 =	sshll.u32 s1, $0x11  }
0xbc: {  	s0 =	sor.u32 s1, s0  }
0xbd: {  	s0 =	sadd.s32 $0x8F2B, s0  }
0xbe: {  	[sflag:s0] =	ssyncadd.remote.s32 $0x1  }
0xbf: {  	_ =	sfence.sel $0xFFFF  }
0xc0: {  	[dreg:$0x0] =	wrdreg $0xFFFFFFFF;
	(pc) =	sbr.abs _section_cstart, $3  }
0xc1: {  	[dreg:$0x1] =	wrdreg $0xFFFFFFFF  }
0xc2: {  	_ =	task.clear_ibuf [dreg:s7], $0x2FFFF;
	_ =	strace $0x9FFFFFFF  }
0xc3: {  	(tm) =	ssettm $0x7FFFFFFF  }
tec
execute0_lowered:
.L_overlay_start_1:
0x0: {  	(tag) =	ssettag $0x1  }
0x1: {  	s6 =	rddreg [dreg:$0x0]  }
0x2: {  	s1 =	srdreg.scid;
	s2 =	rddreg [dreg:$0x1]  }
0x3: {  	s0 =	stileid.u32;
	s3 =	rddreg [dreg:$0x2]  }
0x4: {  	s4 =	simm.s32 $0x0;
	s13 =	simm.s32 $0xC8;
	s14 =	simm.s32 $0x1  }
0x5: {  	s15 =	simm.s32 $0x2;
	s16 =	simm.s32 $0x3;
	s17 =	simm.s32 $0x4  }
0x6: {  	s18 =	simm.s32 $0x5;
	s19 =	simm.s32 $0x0;
	s5 =	sand.u32 $0x1, s1  }
0x7: {  	s29 =	sshll.u32 s0, $0x1;
	s8 =	smul.u32 $0x2710, s0;
	[smem:$0x7FF] =	sst s4  }
0x8: {  	s31 =	sshll.u32 s0, $0x6;
	s1 =	sor.u32 s5, s29;
	s9 =	smul.u32 $0x27100, s5  }
0x9: {  	s5 =	ssub.s32 $0x2, s5;
	s7 =	smul.u32 $0x4E2, s1;
	s1 =	rddreg [dreg:$0x3]  }
0xa: {  	_ =	strace $0x80000047;
	s10 =	sshrl.u32 s8, $0x3;
	s30 =	sshrl.u32 s5, $0x1  }
0xb: {  	s12 =	sadd.s32 s8, s3;
	s9 =	sadd.s32 s8, s9;
	s10 =	sadd.s32 s10, s6  }
0xc: {  	s11 =	ssub.s32 s5, s30;
	s7 =	sadd.s32 s7, s6;
	s9 =	sshrl.u32 s9, $0x3  }
0xd: {  	s5 =	sadd.s32 $0xDC00, s10;
	s10 =	sshrl.u32 s12, $0x3;
	s12 =	simm.s32 $0x2710  }
0xe: {  	s9 =	sadd.s32 s9, s6;
	s6 =	sor.u32 $0x1C06, s31;
	s7 =	sadd.s32 $0x3E00, s7  }
0xf: {  	s8 =	sadd.s32 $0x12C00, s9;
	s9 =	smax.u32 s11, $0x1;
	s11 =	simm.s32 $0x6  }
.LBB2_1:
0x10: {  	[spmem:s10], [sflag:s6] =	dma.local [hbm:s5], $0x4E2  }
0x11: {  	_ =	swait.ge [sflag:s11], $0x4E2  }
0x12: {  	[sflag:s11] =	ssyncset.done $0x0  }
0x13: {  	[sflag:s11] =	ssyncadd.s32 $0xFFFFFB1E  }
0x14: {  	[tilespmem:s12], [sflag:$0x6] =	stream.linear.gather [hbm4b:s2+s4], $0xC80, $0x38;
	[tilespmem:$0x5AA0] =	vst v63  }
0x15: {  	_ =	swait.ge [sflag:s11], $0xC80  }
0x16: {  	[sflag:s11] =	ssyncset.done $0x0  }
0x17: {  	[sflag:s11] =	ssyncadd.s32 $0xFFFFF380  }
0x18: {  	[tilespmem:s4], [sflag:$0x6] =	stream.linear.gather [hbm4b:s7+s4], $0x2710, $0x38;
	[tilespmem:$0x5AA0] =	vst v63  }
0x19: {  	_ =	swait.ge [sflag:s11], $0x2710  }
0x1a: {  	[sflag:s11] =	ssyncset.done $0x0  }
0x1b: {  	[sflag:s11] =	ssyncadd.s32 $0xFFFFD8F0  }
0x1c: {  	s20 =	simm.s32 $0x0;
	[bflag:$0x0] =	sbarrier.arrive $0xFFFF  }
0x1d: {  	[spmem:s3] =	stream.indirect.scatter.add.f32 [tilespmem:s12], [sflag:$0x1], $0x10, s20, s13, $0xb8;
	[tilespmem:$0x5AA0] =	vst v63  }
0x1e: {  	s28 =	simm.s32 $0xC8  }
0x1f: {  	[spmem:s3] =	stream.indirect.scatter.add.f32 [tilespmem:s12], [sflag:$0x2], $0x10, s28, s13, $0xb8;
	[tilespmem:$0x5AA0] =	vst v63  }
0x20: {  	s29 =	simm.s32 $0x190  }
0x21: {  	[spmem:s3] =	stream.indirect.scatter.add.f32 [tilespmem:s12], [sflag:$0x3], $0x10, s29, s13, $0xb8;
	[tilespmem:$0x5AA0] =	vst v63  }
0x22: {  	s30 =	simm.s32 $0x258  }
0x23: {  	[spmem:s3] =	stream.indirect.scatter.add.f32 [tilespmem:s12], [sflag:$0x4], $0x10, s30, s13, $0xb8;
	[tilespmem:$0x5AA0] =	vst v63  }
0x24: {  	s31 =	simm.s32 $0x320  }
0x25: {  	[spmem:s3] =	stream.indirect.scatter.add.f32 [tilespmem:s12], [sflag:$0x5], $0x10, s31, s13, $0xb8;
	[tilespmem:$0x5AA0] =	vst v63  }
0x26: {  	_ =	swait.ge [sflag:s14], $0xC80  }
0x27: {  	[sflag:s14] =	ssyncset.done $0x0  }
0x28: {  	[sflag:s14] =	ssyncadd.s32 $0xFFFFF380  }
0x29: {  	_ =	swait.ge [sflag:s15], $0xC80  }
0x2a: {  	[sflag:s15] =	ssyncset.done $0x0  }
0x2b: {  	[sflag:s15] =	ssyncadd.s32 $0xFFFFF380  }
0x2c: {  	_ =	swait.ge [sflag:s16], $0xC80  }
0x2d: {  	[sflag:s16] =	ssyncset.done $0x0  }
0x2e: {  	[sflag:s16] =	ssyncadd.s32 $0xFFFFF380  }
0x2f: {  	_ =	swait.ge [sflag:s17], $0xC80  }
0x30: {  	[sflag:s17] =	ssyncset.done $0x0  }
0x31: {  	[sflag:s17] =	ssyncadd.s32 $0xFFFFF380  }
0x32: {  	_ =	swait.ge [sflag:s18], $0xC80  }
0x33: {  	s21 =	simm.s32 $0x1F40;
	s20 =	simm.s32 $0xFA0;
	[sflag:s18] =	ssyncset.done $0x0  }
.LBB2_2:
0x34: {  	s22 =	sshra.s32 s20, $0x2  }
0x35: {  	[sflag:s18] =	ssyncadd.s32 $0xFFFFF380;
	s20 =	smov.u32 s21;
	s23 =	sadd.s32 $0xFA0, s21  }
0x36: {  	[spmem:s3] =	stream.indirect.scatter.add.f32 [tilespmem:s12], [sflag:$0x1], $0x10, s22, s13, $0xb8;
	[tilespmem:$0x5AA0] =	vst v63  }
0x37: {  	p0 =	sne.s32 s21, $0x8CA0;
	s21 =	sadd.s32 $0xC8, s22  }
0x38: {  	[spmem:s3] =	stream.indirect.scatter.add.f32 [tilespmem:s12], [sflag:$0x2], $0x10, s21, s13, $0xb8;
	[tilespmem:$0x5AA0] =	vst v63  }
0x39: {  	s21 =	sadd.s32 $0x190, s22  }
0x3a: {  	[spmem:s3] =	stream.indirect.scatter.add.f32 [tilespmem:s12], [sflag:$0x3], $0x10, s21, s13, $0xb8;
	[tilespmem:$0x5AA0] =	vst v63  }
0x3b: {  	s21 =	sadd.s32 $0x258, s22  }
0x3c: {  	[spmem:s3] =	stream.indirect.scatter.add.f32 [tilespmem:s12], [sflag:$0x4], $0x10, s21, s13, $0xb8;
	[tilespmem:$0x5AA0] =	vst v63  }
0x3d: {  	s21 =	sadd.s32 $0x320, s22  }
0x3e: {  	[spmem:s3] =	stream.indirect.scatter.add.f32 [tilespmem:s12], [sflag:$0x5], $0x10, s21, s13, $0xb8;
	[tilespmem:$0x5AA0] =	vst v63  }
0x3f: {  	_ =	swait.ge [sflag:s14], $0xC80  }
0x40: {  	[sflag:s14] =	ssyncset.done $0x0  }
0x41: {  	[sflag:s14] =	ssyncadd.s32 $0xFFFFF380  }
0x42: {  	_ =	swait.ge [sflag:s15], $0xC80  }
0x43: {  	[sflag:s15] =	ssyncset.done $0x0  }
0x44: {  	[sflag:s15] =	ssyncadd.s32 $0xFFFFF380  }
0x45: {  	_ =	swait.ge [sflag:s16], $0xC80  }
0x46: {  	[sflag:s16] =	ssyncset.done $0x0  }
0x47: {  	[sflag:s16] =	ssyncadd.s32 $0xFFFFF380  }
.Ltmp0:
0x48: {  	_ =	swait.ge [sflag:s17], $0xC80;
	(pc) =	sbr.rel @p0 .LBB2_2-.Ltmp0, $4  }
0x49: {  	[sflag:s17] =	ssyncset.done $0x0  }
0x4a: {  	[sflag:s17] =	ssyncadd.s32 $0xFFFFF380  }
0x4b: {  	_ =	swait.ge [sflag:s18], $0xC80  }
0x4c: {  	s21 =	smov.u32 s23;
	[sflag:s18] =	ssyncset.done $0x0  }
0x4d: {  	s20 =	sshra.s32 s20, $0x2;
	[sflag:s18] =	ssyncadd.s32 $0xFFFFF380  }
0x4e: {  	[spmem:s3] =	stream.indirect.scatter.add.f32 [tilespmem:s12], [sflag:$0x1], $0x10, s20, s13, $0xb8;
	[tilespmem:$0x5AA0] =	vst v63  }
0x4f: {  	s21 =	sadd.s32 $0xC8, s20  }
0x50: {  	[spmem:s3] =	stream.indirect.scatter.add.f32 [tilespmem:s12], [sflag:$0x2], $0x10, s21, s13, $0xb8;
	[tilespmem:$0x5AA0] =	vst v63  }
0x51: {  	s30 =	sadd.s32 $0x190, s20  }
0x52: {  	[spmem:s3] =	stream.indirect.scatter.add.f32 [tilespmem:s12], [sflag:$0x3], $0x10, s30, s13, $0xb8;
	[tilespmem:$0x5AA0] =	vst v63  }
0x53: {  	s31 =	sadd.s32 $0x258, s20  }
0x54: {  	[spmem:s3] =	stream.indirect.scatter.add.f32 [tilespmem:s12], [sflag:$0x4], $0x10, s31, s13, $0xb8;
	[tilespmem:$0x5AA0] =	vst v63  }
0x55: {  	s20 =	sadd.s32 $0x320, s20  }
0x56: {  	[spmem:s3] =	stream.indirect.scatter.add.f32 [tilespmem:s12], [sflag:$0x5], $0x10, s20, s13, $0xb8;
	[tilespmem:$0x5AA0] =	vst v63  }
0x57: {  	_ =	swait.ge [sflag:s14], $0xC80  }
0x58: {  	[sflag:s14] =	ssyncset.done $0x0  }
0x59: {  	[sflag:s14] =	ssyncadd.s32 $0xFFFFF380  }
0x5a: {  	_ =	swait.ge [sflag:s15], $0xC80  }
0x5b: {  	[sflag:s15] =	ssyncset.done $0x0  }
0x5c: {  	[sflag:s15] =	ssyncadd.s32 $0xFFFFF380  }
0x5d: {  	_ =	swait.ge [sflag:s16], $0xC80  }
0x5e: {  	[sflag:s16] =	ssyncset.done $0x0  }
0x5f: {  	[sflag:s16] =	ssyncadd.s32 $0xFFFFF380  }
0x60: {  	_ =	swait.ge [sflag:s17], $0xC80  }
0x61: {  	[sflag:s17] =	ssyncset.done $0x0  }
0x62: {  	[sflag:s17] =	ssyncadd.s32 $0xFFFFF380  }
0x63: {  	_ =	swait.ge [sflag:s18], $0xC80  }
0x64: {  	s19 =	sadd.s32 $0x1, s19;
	[sflag:s18] =	ssyncset.done $0x0  }
0x65: {  	p0 =	sne.s32 s19, s9;
	[sflag:s18] =	ssyncadd.s32 $0xFFFFF380  }
.Ltmp1:
0x66: {  	[bflag:$0x0] =	sbarrier.arrive $0xFFFF;
	(pc) =	sbr.rel @p0 .LBB2_1-.Ltmp1, $4  }
0x67: {  	[hbm:s8], [sflag:s6] =	dma.local [spmem:s10], $0x4E2  }
0x68: {  	_ =	swait.ge [sflag:s11], $0x4E2  }
0x69: {  	[sflag:s11] =	ssyncset.done $0x0  }
0x6a: {  	[sflag:s11] =	ssyncadd.s32 $0xFFFFFB1E  }
0x6b: {  	_ =	sfence.sel $0x180000  }
0x6c: {  	[bflag:$0x0] =	sbarrier.arrive $0xFFFF  }
0x6d: {  	p0 =	sne.s32 s0, $0x0;
	_ =	strace $0x90000047  }
0x6e: {  	s0 =	sadd.s32 @!p0 $0x100000, s1;
	[bflag:$0x2] =	sbarrier.arrive $0xFFFF  }
0x6f: {  	[sflag:s0] =	ssyncadd.tile.s32 @!p0 $0x1;
	_ =	shalt  }
.Lfunc_end2:
_tile_overlayer_lowered:
.L_overlay_start_2:
0x70: {  	(tag) =	ssettag $0x2  }
0x71: {  	s0 =	rddreg [dreg:$0x0];
	s2 =	stileid.u32  }
0x72: {  	s1 =	rddreg [dreg:$0x1];
	p0 =	sne.s32 s2, $0x0  }
0x73: {  	s3 =	rddreg [dreg:$0x2];
	[bflag:$0x3] =	sbarrier.arrive $0xFFFF;
	s2 =	simm.s32 @!p0 $0x1C06  }
0x74: {  	[timem:s3], [sflag:s2] =	dma.local @!p0 [hbm:s0], s1  }
0x75: {  	s0 =	simm.s32 @!p0 $0x6  }
0x76: {  	_ =	swait.ge @!p0 [sflag:s0], s1  }
0x77: {  	s1 =	ssub.s32 @!p0 $0x0, s1;
	[sflag:s0] =	ssyncset.done @!p0 $0x0  }
0x78: {  	[sflag:s0] =	ssyncadd.s32 @!p0 s1  }
0x79: {  	[bflag:$0x3] =	sbarrier.arrive $0xFFFF  }
0x7a: {  	_ =	shalt  }

</sc_bundles>
